<compile_context>
chip_gen: v7x
topology: tpu7x:2x2x1
jax: 0.10.2.dev20260603
libtpu: 0.0.44.dev20260713+nightly
codegen_flags: <defaults>
</compile_context>

<pallas_src>
import jax
import jax.numpy as jnp
from jax import lax
from jax.experimental import pallas as pl
from jax.experimental.pallas import tpu as pltpu
from jax.experimental.pallas import tpu_sc as plsc

B = 4096
DENSE = 13
NSPARSE = 26
HIST = 50
VOCAB = 100000
ED = 32
OUT_D = DENSE + NSPARSE * ED + ED

VC = 3840
NCH = 25
TAIL0 = NCH * VC
TAILW = 3968
LAST0 = TAIL0 + TAILW
TAILP = 4096
VPLANE = 102400
NUNIT = NSPARSE * (ED // 8)


def _varlen_body(vidx_hbm, dense_hbm, vt_hbm, out_hbm,
                 plane_v, vch_v, col_v, sem):
  wid = lax.axis_index("c") * 16 + lax.axis_index("s")

  @pl.when(wid < DENSE)
  def _():
    pltpu.sync_copy(dense_hbm.at[pl.ds(wid * B, B)], col_v)
    pltpu.sync_copy(col_v, out_hbm.at[pl.ds(wid * B, B)])

  pltpu.sync_copy(vt_hbm.at[pl.ds(wid * VPLANE, VPLANE)], plane_v)

  lanes = lax.iota(jnp.int32, 16)

  def vchunk_body(c, carry):
    pltpu.sync_copy(vidx_hbm.at[:, pl.ds(c * 256, 256)], vch_v)

    def vgrp_body(g, carry2):
      pos = g * 16 + lanes

      def hbody(h, acc):
        idx = plsc.load_gather(vch_v, [jnp.full((16,), h, jnp.int32), pos])
        return acc + plsc.load_gather(plane_v, [idx])
      acc = lax.fori_loop(0, HIST, hbody, jnp.zeros((16,), jnp.float32),
                          unroll=5)
      col_v[pl.ds(c * 256 + g * 16, 16)] = acc * (1.0 / HIST)
      return carry2

    lax.fori_loop(0, 16, vgrp_body, 0)
    return carry

  lax.fori_loop(0, B // 256, vchunk_body, 0)
  pltpu.sync_copy(col_v,
                  out_hbm.at[pl.ds((DENSE + NSPARSE * ED + wid) * B, B)])


def _sparse_body(stT_hbm, tail_hbm, offs_hbm, vs_hbm, out_hbm,
                 slab_a, slab_b, vs_v, offs_v, sem_a, sem_b, *cols):
  wid = lax.axis_index("c") * 16 + lax.axis_index("s")
  if True:
    def slab_cp(f, j, c, buf, s):
      return pltpu.make_async_copy(
          stT_hbm.at[f, pl.ds(j * 8, 8), pl.ds(c * VC, VC)],
          buf.at[:, pl.ds(0, VC)], s)

    def tail_cp(f, j, buf, s):
      return pltpu.make_async_copy(
          stT_hbm.at[f, pl.ds(j * 8, 8), pl.ds(TAIL0, TAILW)],
          buf.at[:, pl.ds(0, TAILW)], s)

    def last_cp(f, j, buf, s):
      return pltpu.make_async_copy(
          tail_hbm.at[f, pl.ds(j * 8, 8)], buf.at[:, pl.ds(0, 128)], s)

    def do_unit(u):
      f = lax.rem(u, NSPARSE)
      j = lax.div(u, NSPARSE)
      pltpu.sync_copy(vs_hbm.at[pl.ds(f * B, B)], vs_v.at[pl.ds(0, B)])
      pltpu.sync_copy(offs_hbm.at[pl.ds(f * 48, 48)],
                      offs_v.at[pl.ds(0, 48)])

      def process(buf, c, base):
        se = offs_v[pl.ds(c, 16)]
        start, end = se[0], se[1]

        def grp(g, carry2):
          pos = start + g * 16
          p16 = vs_v[pl.ds(pos, 16)]
          v16 = lax.shift_right_logical(p16, 12)
          b16 = lax.bitwise_and(p16, 4095)
          mask = (pos + lax.iota(jnp.int32, 16)) < end
          vrel = v16 - base
          for e in range(8):
            vals = plsc.load_gather(
                buf, [jnp.full((16,), e, jnp.int32), vrel], mask=mask)
            plsc.store_scatter(cols[e], [b16], vals, mask=mask)
          return carry2

        lax.fori_loop(0, lax.div(end - start + 15, 16), grp, 0)

      slab_cp(f, j, 0, slab_a, sem_a).start()

      def pair(p, carry):
        c0 = 2 * p
        slab_cp(f, j, c0 + 1, slab_b, sem_b).start()
        slab_cp(f, j, c0, slab_a, sem_a).wait()
        process(slab_a, c0, c0 * VC)
        slab_cp(f, j, c0 + 2, slab_a, sem_a).start()
        slab_cp(f, j, c0 + 1, slab_b, sem_b).wait()
        process(slab_b, c0 + 1, (c0 + 1) * VC)
        return carry

      lax.fori_loop(0, (NCH - 1) // 2, pair, 0)
      tail_cp(f, j, slab_b, sem_b).start()
      slab_cp(f, j, NCH - 1, slab_a, sem_a).wait()
      process(slab_a, NCH - 1, (NCH - 1) * VC)
      last_cp(f, j, slab_a, sem_a).start()
      tail_cp(f, j, slab_b, sem_b).wait()
      process(slab_b, NCH, TAIL0)
      last_cp(f, j, slab_a, sem_a).wait()
      process(slab_a, NCH + 1, LAST0)

      for e in range(8):
        pltpu.sync_copy(
            cols[e],
            out_hbm.at[pl.ds((DENSE + f * ED + j * 8 + e) * B, B)])

    def unit_loop(k, carry):
      do_unit(wid + k * 32)
      return carry

    lax.fori_loop(0, 3, unit_loop, 0)

    @pl.when(lax.rem(wid, 4) == 0)
    def _():
      do_unit(96 + lax.div(wid, 4))


@jax.jit
def kernel(x, sparse_tables, varlen_table):
  xT = x.T
  sidxT = xT[DENSE:DENSE + NSPARSE].astype(jnp.int32)
  vidxT = xT[DENSE + NSPARSE:].astype(jnp.int32)
  dense_flat = xT[:DENSE].reshape(-1)
  stT = sparse_tables.transpose(0, 2, 1)
  vt_pad = jnp.pad(varlen_table.T,
                   ((0, 0), (0, VPLANE - VOCAB))).reshape(-1)
  tail_aux = jnp.pad(stT[:, :, LAST0:],
                     ((0, 0), (0, 0), (0, 128 - (VOCAB - LAST0))))

  binit = jnp.broadcast_to(jnp.arange(B, dtype=jnp.int32)[None, :],
                           (NSPARSE, B))
  keys = jnp.sort(sidxT * B + binit, axis=1)
  bid = jnp.where(sidxT < TAIL0, sidxT // VC,
                  jnp.where(sidxT < LAST0, NCH, NCH + 1))
  counts = jnp.sum(
      (bid[:, :, None] == jnp.arange(NCH + 2, dtype=jnp.int32)[None, None, :]
       ).astype(jnp.int32), axis=1)
  offs = jnp.concatenate(
      [jnp.zeros((NSPARSE, 1), jnp.int32),
       jnp.cumsum(counts, axis=1).astype(jnp.int32),
       jnp.zeros((NSPARSE, 48 - (NCH + 3)), jnp.int32)], axis=1)

  cparams = pltpu.CompilerParams(
      use_tc_tiling_on_sc=True, needs_layout_passes=False)
  mesh = plsc.VectorSubcoreMesh(core_axis_name="c", subcore_axis_name="s")
  run_varlen = pl.kernel(
      _varlen_body,
      out_type=(),
      mesh=mesh,
      compiler_params=cparams,
      scratch_types=[
          pltpu.VMEM((VPLANE,), jnp.float32),
          pltpu.VMEM((HIST, 256), jnp.int32),
          pltpu.VMEM((B,), jnp.float32),
          pltpu.SemaphoreType.DMA,
      ],
  )
  run_sparse = pl.kernel(
      _sparse_body,
      out_type=(),
      mesh=mesh,
      compiler_params=cparams,
      scratch_types=[
          pltpu.VMEM((8, TAILP), jnp.float32),
          pltpu.VMEM((8, TAILP), jnp.float32),
          pltpu.VMEM((B + 32,), jnp.int32),
          pltpu.VMEM((64,), jnp.int32),
          pltpu.SemaphoreType.DMA,
          pltpu.SemaphoreType.DMA,
          *[pltpu.VMEM((B,), jnp.float32) for _ in range(8)],
      ],
  )
  out_ref = jax.new_ref(jnp.zeros((OUT_D * B,), jnp.float32))
  run_varlen(vidxT, dense_flat, vt_pad, out_ref)
  run_sparse(stT, tail_aux, offs.reshape(-1), keys.reshape(-1), out_ref)
  return out_ref[...].reshape(OUT_D, B).T

# --- scband reference (transcript-rebuilt; emitter-appended) ---
"""Pipeline reference for scband-base-model-5385888989710 (READ-ONLY COPY).

The authoritative reference and input builder live on the scoring server;
editing this copy changes nothing except your own understanding.
"""

import jax, jax.numpy as jnp
import numpy as np

B = 4096
DENSE = 13
NSPARSE = 26
HIST = 50
VOCAB = 100000
ED = 32


def setup_inputs(seed: int = 0) -> dict:
    key = jax.random.key(seed)
    k0, k1, k2, k3, k4 = jax.random.split(key, 5)
    dense = jax.random.normal(k0, (B, DENSE), dtype=jnp.float32)
    sparse_idx = jax.random.randint(k1, (B, NSPARSE), 0, VOCAB).astype(jnp.float32)
    varlen_idx = jax.random.randint(k2, (B, HIST), 0, VOCAB).astype(jnp.float32)
    x = jnp.concatenate([dense, sparse_idx, varlen_idx], axis=1)
    sparse_tables = jax.random.normal(k3, (NSPARSE, VOCAB, ED), dtype=jnp.float32) * 0.01
    varlen_table = jax.random.normal(k4, (VOCAB, ED), dtype=jnp.float32) * 0.01
    return {"x": x, "sparse_tables": sparse_tables, "varlen_table": varlen_table}


def reference(x, sparse_tables, varlen_table):
    # dense_feature_to_input: slice the dense columns via feature_index
    dense_inputs = x[:, :DENSE]  # [B, 13]
    # sparse_feature_to_input: per-field embedding lookup (embed_dict[name](x[:, idx].long()))
    sparse_idx = x[:, DENSE:DENSE + NSPARSE].astype(jnp.int32)  # [B, 26]
    sparse_emb = jax.vmap(lambda tbl, idx: jnp.take(tbl, idx, axis=0), in_axes=(0, 1), out_axes=1)(
        sparse_tables, sparse_idx
    )  # [B, 26, ED]
    # varlen_feature_to_inputs: embedding lookup over the history slots + mean pooling
    varlen_idx = x[:, DENSE + NSPARSE:].astype(jnp.int32)  # [B, 50]
    varlen_emb = jnp.take(varlen_table, varlen_idx, axis=0)  # [B, 50, ED]
    varlen_pooled = jnp.mean(varlen_emb, axis=1)  # [B, ED]
    out = jnp.concatenate(
        [dense_inputs, sparse_emb.reshape(x.shape[0], NSPARSE * ED), varlen_pooled], axis=1
    )  # [B, 13 + 26*32 + 32] = [B, 877]
    return out

if __name__ == "__main__":
    import jax
    _d = setup_inputs()
    print(jax.jit(kernel)(*tuple(_d.values())))

</pallas_src>

<mosaic_0001>
#map = affine_map<(d0, d1) -> (0, 0)>
#map1 = affine_map<(d0, d1) -> (0)>
module attributes {stable_mosaic.version = 14 : i64} {
  func.func @new_body(%arg0: i32, %arg1: i32, %arg2: memref<50x4096xi32, #tpu.memory_space<hbm>>, %arg3: memref<53248xf32, #tpu.memory_space<hbm>>, %arg4: memref<3276800xf32, #tpu.memory_space<hbm>>, %arg5: memref<3592192xf32, #tpu.memory_space<hbm>>, %arg6: memref<3592192xf32, #tpu.memory_space<hbm>>, %arg7: memref<102400xf32, #tpu.memory_space<vmem>>, %arg8: memref<50x256xi32, #tpu.memory_space<vmem>>, %arg9: memref<4096xf32, #tpu.memory_space<vmem>>, %arg10: memref<!tpu.dma_semaphore, #tpu.memory_space<semaphore_mem>>) attributes {dimension_semantics = [#tpu.dimension_semantics<core_parallel>, #tpu.dimension_semantics<subcore_parallel>], iteration_bounds = array<i64: 2, 16>, scalar_prefetch = 0 : i64, scratch_operands = 4 : i64, tpu.core_type = #tpu.core_type<sc_vector_subcore>, window_params = [{transform_indices = #map}, {transform_indices = #map1}, {transform_indices = #map1}, {transform_indices = #map1}, {transform_indices = #map1}]} {
    %mul3A = arith.constant 16 : i32
    %mul3A_0 = arith.muli %arg0, %mul3A : i32
    %add3A = arith.addi %mul3A_0, %arg1 : i32
    %lt3A = arith.constant 13 : i32
    %lt3A_1 = arith.cmpi slt, %add3A, %lt3A : i32
    %convert_element_type3A = arith.extui %lt3A_1 : i1 to i32
    %cond3A = arith.constant 0 : i32
    %cond3A_2 = arith.cmpi ne, %convert_element_type3A, %cond3A : i32
    scf.if %cond3A_2 {
      %mul3A_14 = arith.constant 4096 : i32
      %mul3A_15 = arith.muli %add3A, %mul3A_14 : i32
      "tpu.region"() ({
        %run_scoped3A = tpu.sem_alloc : memref<!tpu.dma_semaphore, #tpu.memory_space<semaphore_mem>>
        %dma_start3A = tpu.memref_slice %arg3[%mul3A_15] : memref<53248xf32, #tpu.memory_space<hbm>> -> memref<4096xf32, #tpu.memory_space<hbm>>
        %dma_start3A_18 = tpu.memref_slice %arg3[%mul3A_15] : memref<53248xf32, #tpu.memory_space<hbm>> -> memref<4096xf32, #tpu.memory_space<hbm>>
        tpu.enqueue_dma source(%dma_start3A_18 : memref<4096xf32, #tpu.memory_space<hbm>>) target(%arg9 : memref<4096xf32, #tpu.memory_space<vmem>>) target_semaphore(%run_scoped3A : memref<!tpu.dma_semaphore, #tpu.memory_space<semaphore_mem>>)
        %dma_wait3A = tpu.memref_slice %arg3[%mul3A_15] : memref<53248xf32, #tpu.memory_space<hbm>> -> memref<4096xf32, #tpu.memory_space<hbm>>
        %dma_wait3A_19 = tpu.memref_slice %arg3[%mul3A_15] : memref<53248xf32, #tpu.memory_space<hbm>> -> memref<4096xf32, #tpu.memory_space<hbm>>
        tpu.wait_dma2 semaphore(%run_scoped3A : memref<!tpu.dma_semaphore, #tpu.memory_space<semaphore_mem>>) src(%dma_wait3A_19 : memref<4096xf32, #tpu.memory_space<hbm>>) dst(%arg9 : memref<4096xf32, #tpu.memory_space<vmem>>)
        tpu.yield
      }) : () -> ()
      %mul3A_16 = arith.constant 4096 : i32
      %mul3A_17 = arith.muli %add3A, %mul3A_16 : i32
      "tpu.region"() ({
        %run_scoped3A = tpu.sem_alloc : memref<!tpu.dma_semaphore, #tpu.memory_space<semaphore_mem>>
        %dma_start3A = tpu.memref_slice %arg5[%mul3A_17] : memref<3592192xf32, #tpu.memory_space<hbm>> -> memref<4096xf32, #tpu.memory_space<hbm>>
        %dma_start3A_18 = tpu.memref_slice %arg5[%mul3A_17] : memref<3592192xf32, #tpu.memory_space<hbm>> -> memref<4096xf32, #tpu.memory_space<hbm>>
        tpu.enqueue_dma source(%arg9 : memref<4096xf32, #tpu.memory_space<vmem>>) target(%dma_start3A_18 : memref<4096xf32, #tpu.memory_space<hbm>>) target_semaphore(%run_scoped3A : memref<!tpu.dma_semaphore, #tpu.memory_space<semaphore_mem>>)
        %dma_wait3A = tpu.memref_slice %arg5[%mul3A_17] : memref<3592192xf32, #tpu.memory_space<hbm>> -> memref<4096xf32, #tpu.memory_space<hbm>>
        %dma_wait3A_19 = tpu.memref_slice %arg5[%mul3A_17] : memref<3592192xf32, #tpu.memory_space<hbm>> -> memref<4096xf32, #tpu.memory_space<hbm>>
        tpu.wait_dma2 semaphore(%run_scoped3A : memref<!tpu.dma_semaphore, #tpu.memory_space<semaphore_mem>>) src(%arg9 : memref<4096xf32, #tpu.memory_space<vmem>>) dst(%dma_wait3A_19 : memref<4096xf32, #tpu.memory_space<hbm>>)
        tpu.yield
      }) : () -> ()
    } else {
    }
    %mul3A_3 = arith.constant 102400 : i32
    %mul3A_4 = arith.muli %add3A, %mul3A_3 : i32
    "tpu.region"() ({
      %run_scoped3A = tpu.sem_alloc : memref<!tpu.dma_semaphore, #tpu.memory_space<semaphore_mem>>
      %dma_start3A = tpu.memref_slice %arg4[%mul3A_4] : memref<3276800xf32, #tpu.memory_space<hbm>> -> memref<102400xf32, #tpu.memory_space<hbm>>
      %dma_start3A_14 = tpu.memref_slice %arg4[%mul3A_4] : memref<3276800xf32, #tpu.memory_space<hbm>> -> memref<102400xf32, #tpu.memory_space<hbm>>
      tpu.enqueue_dma source(%dma_start3A_14 : memref<102400xf32, #tpu.memory_space<hbm>>) target(%arg7 : memref<102400xf32, #tpu.memory_space<vmem>>) target_semaphore(%run_scoped3A : memref<!tpu.dma_semaphore, #tpu.memory_space<semaphore_mem>>)
      %dma_wait3A = tpu.memref_slice %arg4[%mul3A_4] : memref<3276800xf32, #tpu.memory_space<hbm>> -> memref<102400xf32, #tpu.memory_space<hbm>>
      %dma_wait3A_15 = tpu.memref_slice %arg4[%mul3A_4] : memref<3276800xf32, #tpu.memory_space<hbm>> -> memref<102400xf32, #tpu.memory_space<hbm>>
      tpu.wait_dma2 semaphore(%run_scoped3A : memref<!tpu.dma_semaphore, #tpu.memory_space<semaphore_mem>>) src(%dma_wait3A_15 : memref<102400xf32, #tpu.memory_space<hbm>>) dst(%arg7 : memref<102400xf32, #tpu.memory_space<vmem>>)
      tpu.yield
    }) : () -> ()
    %iota3A = tpu.iota {dimensions = array<i32: 0>} : vector<16xi32>
    %scan3A = arith.constant 0 : i32
    %scan3A_5 = arith.constant 0 : i32
    %scan3A_6 = arith.constant 16 : i32
    %scan3A_7 = arith.addi %scan3A_5, %scan3A_6 : i32
    %scan3A_8 = arith.constant 1 : i32
    scf.for %scan3A_14 = %scan3A_5 to %scan3A_7 step %scan3A_8  : i32 {
      %mul3A_15 = arith.constant 256 : i32
      %mul3A_16 = arith.muli %scan3A_14, %mul3A_15 : i32
      "tpu.region"() ({
        %run_scoped3A = tpu.sem_alloc : memref<!tpu.dma_semaphore, #tpu.memory_space<semaphore_mem>>
        %dma_start3A = arith.constant 0 : i32
        %dma_start3A_23 = tpu.memref_slice %arg2[%dma_start3A, %mul3A_16] : memref<50x4096xi32, #tpu.memory_space<hbm>> -> memref<50x256xi32, #tpu.memory_space<hbm>>
        %dma_start3A_24 = arith.constant 0 : i32
        %dma_start3A_25 = tpu.memref_slice %arg2[%dma_start3A_24, %mul3A_16] : memref<50x4096xi32, #tpu.memory_space<hbm>> -> memref<50x256xi32, #tpu.memory_space<hbm>>
        tpu.enqueue_dma source(%dma_start3A_25 : memref<50x256xi32, #tpu.memory_space<hbm>>) target(%arg8 : memref<50x256xi32, #tpu.memory_space<vmem>>) target_semaphore(%run_scoped3A : memref<!tpu.dma_semaphore, #tpu.memory_space<semaphore_mem>>)
        %dma_wait3A = arith.constant 0 : i32
        %dma_wait3A_26 = tpu.memref_slice %arg2[%dma_wait3A, %mul3A_16] : memref<50x4096xi32, #tpu.memory_space<hbm>> -> memref<50x256xi32, #tpu.memory_space<hbm>>
        %dma_wait3A_27 = arith.constant 0 : i32
        %dma_wait3A_28 = tpu.memref_slice %arg2[%dma_wait3A_27, %mul3A_16] : memref<50x4096xi32, #tpu.memory_space<hbm>> -> memref<50x256xi32, #tpu.memory_space<hbm>>
        tpu.wait_dma2 semaphore(%run_scoped3A : memref<!tpu.dma_semaphore, #tpu.memory_space<semaphore_mem>>) src(%dma_wait3A_28 : memref<50x256xi32, #tpu.memory_space<hbm>>) dst(%arg8 : memref<50x256xi32, #tpu.memory_space<vmem>>)
        tpu.yield
      }) : () -> ()
      %scan3A_17 = arith.constant 0 : i32
      %scan3A_18 = arith.constant 0 : i32
      %scan3A_19 = arith.constant 16 : i32
      %scan3A_20 = arith.addi %scan3A_18, %scan3A_19 : i32
      %scan3A_21 = arith.constant 1 : i32
      scf.for %scan3A_23 = %scan3A_18 to %scan3A_20 step %scan3A_21  : i32 {
        %mul3A_24 = arith.constant 16 : i32
        %mul3A_25 = arith.muli %scan3A_23, %mul3A_24 : i32
        %add3A_26 = vector.broadcast %mul3A_25 : i32 to vector<16xi32>
        %add3A_27 = arith.addi %add3A_26, %iota3A : vector<16xi32>
        %broadcast_in_dim3A = arith.constant 0.000000e+00 : f32
        %broadcast_in_dim3A_28 = vector.broadcast %broadcast_in_dim3A : f32 to vector<16xf32>
        %scan3A_29 = arith.constant 0 : i32
        %scan3A_30 = arith.constant 50 : i32
        %scan3A_31 = arith.addi %scan3A_29, %scan3A_30 : i32
        %scan3A_32 = arith.constant 5 : i32
        %scan3A_33 = scf.for %scan3A_44 = %scan3A_29 to %scan3A_31 step %scan3A_32 iter_args(%scan3A_45 = %broadcast_in_dim3A_28) -> (vector<16xf32>)  : i32 {
          %broadcast_in_dim3A_46 = vector.broadcast %scan3A_44 : i32 to vector<16xi32>
          %gather3A = tpu.vector_load_idx %arg8[%broadcast_in_dim3A_46, %add3A_27] : memref<50x256xi32, #tpu.memory_space<vmem>>[vector<16xi32>, vector<16xi32>], vector<16xi32>,
          %gather3A_47 = tpu.vector_load_idx %arg7[%gather3A] : memref<102400xf32, #tpu.memory_space<vmem>>[vector<16xi32>], vector<16xf32>,
          %add3A_48 = arith.addf %scan3A_45, %gather3A_47 : vector<16xf32>
          %scan3A_49 = arith.constant 1 : i32
          %scan3A_50 = arith.addi %scan3A_44, %scan3A_49 : i32
          %broadcast_in_dim3A_51 = vector.broadcast %scan3A_50 : i32 to vector<16xi32>
          %gather3A_52 = tpu.vector_load_idx %arg8[%broadcast_in_dim3A_51, %add3A_27] : memref<50x256xi32, #tpu.memory_space<vmem>>[vector<16xi32>, vector<16xi32>], vector<16xi32>,
          %gather3A_53 = tpu.vector_load_idx %arg7[%gather3A_52] : memref<102400xf32, #tpu.memory_space<vmem>>[vector<16xi32>], vector<16xf32>,
          %add3A_54 = arith.addf %add3A_48, %gather3A_53 : vector<16xf32>
          %scan3A_55 = arith.constant 2 : i32
          %scan3A_56 = arith.addi %scan3A_44, %scan3A_55 : i32
          %broadcast_in_dim3A_57 = vector.broadcast %scan3A_56 : i32 to vector<16xi32>
          %gather3A_58 = tpu.vector_load_idx %arg8[%broadcast_in_dim3A_57, %add3A_27] : memref<50x256xi32, #tpu.memory_space<vmem>>[vector<16xi32>, vector<16xi32>], vector<16xi32>,
          %gather3A_59 = tpu.vector_load_idx %arg7[%gather3A_58] : memref<102400xf32, #tpu.memory_space<vmem>>[vector<16xi32>], vector<16xf32>,
          %add3A_60 = arith.addf %add3A_54, %gather3A_59 : vector<16xf32>
          %scan3A_61 = arith.constant 3 : i32
          %scan3A_62 = arith.addi %scan3A_44, %scan3A_61 : i32
          %broadcast_in_dim3A_63 = vector.broadcast %scan3A_62 : i32 to vector<16xi32>
          %gather3A_64 = tpu.vector_load_idx %arg8[%broadcast_in_dim3A_63, %add3A_27] : memref<50x256xi32, #tpu.memory_space<vmem>>[vector<16xi32>, vector<16xi32>], vector<16xi32>,
          %gather3A_65 = tpu.vector_load_idx %arg7[%gather3A_64] : memref<102400xf32, #tpu.memory_space<vmem>>[vector<16xi32>], vector<16xf32>,
          %add3A_66 = arith.addf %add3A_60, %gather3A_65 : vector<16xf32>
          %scan3A_67 = arith.constant 4 : i32
          %scan3A_68 = arith.addi %scan3A_44, %scan3A_67 : i32
          %broadcast_in_dim3A_69 = vector.broadcast %scan3A_68 : i32 to vector<16xi32>
          %gather3A_70 = tpu.vector_load_idx %arg8[%broadcast_in_dim3A_69, %add3A_27] : memref<50x256xi32, #tpu.memory_space<vmem>>[vector<16xi32>, vector<16xi32>], vector<16xi32>,
          %gather3A_71 = tpu.vector_load_idx %arg7[%gather3A_70] : memref<102400xf32, #tpu.memory_space<vmem>>[vector<16xi32>], vector<16xf32>,
          %add3A_72 = arith.addf %add3A_66, %gather3A_71 : vector<16xf32>
          scf.yield %add3A_72 : vector<16xf32>
        }
        %scan3A_34 = arith.constant 50 : i32
        %mul3A_35 = arith.constant 2.000000e-02 : f32
        %mul3A_36 = vector.broadcast %mul3A_35 : f32 to vector<16xf32>
        %mul3A_37 = arith.mulf %scan3A_33, %mul3A_36 : vector<16xf32>
        %mul3A_38 = arith.constant 256 : i32
        %mul3A_39 = arith.muli %scan3A_14, %mul3A_38 : i32
        %mul3A_40 = arith.constant 16 : i32
        %mul3A_41 = arith.muli %scan3A_23, %mul3A_40 : i32
        %add3A_42 = arith.addi %mul3A_39, %mul3A_41 : i32
        %swap3A = arith.index_cast %add3A_42 : i32 to index
        %swap3A_43 = tpu.vector_load %arg9[%swap3A] {strides = array<i32>} : memref<4096xf32, #tpu.memory_space<vmem>>, vector<16xf32>,
        tpu.vector_store %arg9[%swap3A], %mul3A_37 {strides = array<i32>} : memref<4096xf32, #tpu.memory_space<vmem>>, vector<16xf32>,
      }
      %scan3A_22 = arith.constant 16 : i32
    }
    %scan3A_9 = arith.constant 16 : i32
    %add3A_10 = arith.constant 845 : i32
    %add3A_11 = arith.addi %add3A_10, %add3A : i32
    %mul3A_12 = arith.constant 4096 : i32
    %mul3A_13 = arith.muli %add3A_11, %mul3A_12 : i32
    "tpu.region"() ({
      %run_scoped3A = tpu.sem_alloc : memref<!tpu.dma_semaphore, #tpu.memory_space<semaphore_mem>>
      %dma_start3A = tpu.memref_slice %arg5[%mul3A_13] : memref<3592192xf32, #tpu.memory_space<hbm>> -> memref<4096xf32, #tpu.memory_space<hbm>>
      %dma_start3A_14 = tpu.memref_slice %arg5[%mul3A_13] : memref<3592192xf32, #tpu.memory_space<hbm>> -> memref<4096xf32, #tpu.memory_space<hbm>>
      tpu.enqueue_dma source(%arg9 : memref<4096xf32, #tpu.memory_space<vmem>>) target(%dma_start3A_14 : memref<4096xf32, #tpu.memory_space<hbm>>) target_semaphore(%run_scoped3A : memref<!tpu.dma_semaphore, #tpu.memory_space<semaphore_mem>>)
      %dma_wait3A = tpu.memref_slice %arg5[%mul3A_13] : memref<3592192xf32, #tpu.memory_space<hbm>> -> memref<4096xf32, #tpu.memory_space<hbm>>
      %dma_wait3A_15 = tpu.memref_slice %arg5[%mul3A_13] : memref<3592192xf32, #tpu.memory_space<hbm>> -> memref<4096xf32, #tpu.memory_space<hbm>>
      tpu.wait_dma2 semaphore(%run_scoped3A : memref<!tpu.dma_semaphore, #tpu.memory_space<semaphore_mem>>) src(%arg9 : memref<4096xf32, #tpu.memory_space<vmem>>) dst(%dma_wait3A_15 : memref<4096xf32, #tpu.memory_space<hbm>>)
      tpu.yield
    }) : () -> ()
    return
  }
}

#map = affine_map<(d0, d1) -> (0, 0, 0)>
#map1 = affine_map<(d0, d1) -> (0)>
module attributes {stable_mosaic.version = 14 : i64} {
  func.func @new_body(%arg0: i32, %arg1: i32, %arg2: memref<26x32x100000xf32, #tpu.memory_space<hbm>>, %arg3: memref<26x32x128xf32, #tpu.memory_space<hbm>>, %arg4: memref<1248xi32, #tpu.memory_space<hbm>>, %arg5: memref<106496xi32, #tpu.memory_space<hbm>>, %arg6: memref<3592192xf32, #tpu.memory_space<hbm>>, %arg7: memref<3592192xf32, #tpu.memory_space<hbm>>, %arg8: memref<8x4096xf32, #tpu.memory_space<vmem>>, %arg9: memref<8x4096xf32, #tpu.memory_space<vmem>>, %arg10: memref<4128xi32, #tpu.memory_space<vmem>>, %arg11: memref<64xi32, #tpu.memory_space<vmem>>, %arg12: memref<!tpu.dma_semaphore, #tpu.memory_space<semaphore_mem>>, %arg13: memref<!tpu.dma_semaphore, #tpu.memory_space<semaphore_mem>>, %arg14: memref<4096xf32, #tpu.memory_space<vmem>>, %arg15: memref<4096xf32, #tpu.memory_space<vmem>>, %arg16: memref<4096xf32, #tpu.memory_space<vmem>>, %arg17: memref<4096xf32, #tpu.memory_space<vmem>>, %arg18: memref<4096xf32, #tpu.memory_space<vmem>>, %arg19: memref<4096xf32, #tpu.memory_space<vmem>>, %arg20: memref<4096xf32, #tpu.memory_space<vmem>>, %arg21: memref<4096xf32, #tpu.memory_space<vmem>>) attributes {dimension_semantics = [#tpu.dimension_semantics<core_parallel>, #tpu.dimension_semantics<subcore_parallel>], iteration_bounds = array<i64: 2, 16>, scalar_prefetch = 0 : i64, scratch_operands = 14 : i64, tpu.core_type = #tpu.core_type<sc_vector_subcore>, window_params = [{transform_indices = #map}, {transform_indices = #map}, {transform_indices = #map1}, {transform_indices = #map1}, {transform_indices = #map1}, {transform_indices = #map1}]} {
    %mul3A = arith.constant 16 : i32
    %mul3A_0 = arith.muli %arg0, %mul3A : i32
    %add3A = arith.addi %mul3A_0, %arg1 : i32
    %scan3A = arith.constant 0 : i32
    %scan3A_1 = arith.constant 0 : i32
    %scan3A_2 = arith.constant 3 : i32
    %scan3A_3 = arith.addi %scan3A_1, %scan3A_2 : i32
    %scan3A_4 = arith.constant 1 : i32
    scf.for %scan3A_9 = %scan3A_1 to %scan3A_3 step %scan3A_4  : i32 {
      %mul3A_10 = arith.constant 32 : i32
      %mul3A_11 = arith.muli %scan3A_9, %mul3A_10 : i32
      %add3A_12 = arith.addi %add3A, %mul3A_11 : i32
      %rem3A_13 = arith.constant 26 : i32
      %rem3A_14 = arith.remsi %add3A_12, %rem3A_13 : i32
      %div3A = arith.constant 26 : i32
      %div3A_15 = arith.divsi %add3A_12, %div3A : i32
      %mul3A_16 = arith.constant 4096 : i32
      %mul3A_17 = arith.muli %rem3A_14, %mul3A_16 : i32
      "tpu.region"() ({
        %run_scoped3A = tpu.sem_alloc : memref<!tpu.dma_semaphore, #tpu.memory_space<semaphore_mem>>
        %dma_start3A_254 = arith.constant 0 : i32
        %dma_start3A_255 = tpu.memref_slice %arg10[%dma_start3A_254] : memref<4128xi32, #tpu.memory_space<vmem>> -> memref<4096xi32, #tpu.memory_space<vmem>>
        %dma_start3A_256 = tpu.memref_slice %arg5[%mul3A_17] : memref<106496xi32, #tpu.memory_space<hbm>> -> memref<4096xi32, #tpu.memory_space<hbm>>
        %dma_start3A_257 = arith.constant 0 : i32
        %dma_start3A_258 = tpu.memref_slice %arg10[%dma_start3A_257] : memref<4128xi32, #tpu.memory_space<vmem>> -> memref<4096xi32, #tpu.memory_space<vmem>>
        %dma_start3A_259 = tpu.memref_slice %arg5[%mul3A_17] : memref<106496xi32, #tpu.memory_space<hbm>> -> memref<4096xi32, #tpu.memory_space<hbm>>
        tpu.enqueue_dma source(%dma_start3A_259 : memref<4096xi32, #tpu.memory_space<hbm>>) target(%dma_start3A_258 : memref<4096xi32, #tpu.memory_space<vmem>>) target_semaphore(%run_scoped3A : memref<!tpu.dma_semaphore, #tpu.memory_space<semaphore_mem>>)
        %dma_wait3A_260 = arith.constant 0 : i32
        %dma_wait3A_261 = tpu.memref_slice %arg10[%dma_wait3A_260] : memref<4128xi32, #tpu.memory_space<vmem>> -> memref<4096xi32, #tpu.memory_space<vmem>>
        %dma_wait3A_262 = tpu.memref_slice %arg5[%mul3A_17] : memref<106496xi32, #tpu.memory_space<hbm>> -> memref<4096xi32, #tpu.memory_space<hbm>>
        %dma_wait3A_263 = arith.constant 0 : i32
        %dma_wait3A_264 = tpu.memref_slice %arg10[%dma_wait3A_263] : memref<4128xi32, #tpu.memory_space<vmem>> -> memref<4096xi32, #tpu.memory_space<vmem>>
        %dma_wait3A_265 = tpu.memref_slice %arg5[%mul3A_17] : memref<106496xi32, #tpu.memory_space<hbm>> -> memref<4096xi32, #tpu.memory_space<hbm>>
        tpu.wait_dma2 semaphore(%run_scoped3A : memref<!tpu.dma_semaphore, #tpu.memory_space<semaphore_mem>>) src(%dma_wait3A_265 : memref<4096xi32, #tpu.memory_space<hbm>>) dst(%dma_wait3A_264 : memref<4096xi32, #tpu.memory_space<vmem>>)
        tpu.yield
      }) : () -> ()
      %mul3A_18 = arith.constant 48 : i32
      %mul3A_19 = arith.muli %rem3A_14, %mul3A_18 : i32
      "tpu.region"() ({
        %run_scoped3A = tpu.sem_alloc : memref<!tpu.dma_semaphore, #tpu.memory_space<semaphore_mem>>
        %dma_start3A_254 = arith.constant 0 : i32
        %dma_start3A_255 = tpu.memref_slice %arg11[%dma_start3A_254] : memref<64xi32, #tpu.memory_space<vmem>> -> memref<48xi32, #tpu.memory_space<vmem>>
        %dma_start3A_256 = tpu.memref_slice %arg4[%mul3A_19] : memref<1248xi32, #tpu.memory_space<hbm>> -> memref<48xi32, #tpu.memory_space<hbm>>
        %dma_start3A_257 = arith.constant 0 : i32
        %dma_start3A_258 = tpu.memref_slice %arg11[%dma_start3A_257] : memref<64xi32, #tpu.memory_space<vmem>> -> memref<48xi32, #tpu.memory_space<vmem>>
        %dma_start3A_259 = tpu.memref_slice %arg4[%mul3A_19] : memref<1248xi32, #tpu.memory_space<hbm>> -> memref<48xi32, #tpu.memory_space<hbm>>
        tpu.enqueue_dma source(%dma_start3A_259 : memref<48xi32, #tpu.memory_space<hbm>>) target(%dma_start3A_258 : memref<48xi32, #tpu.memory_space<vmem>>) target_semaphore(%run_scoped3A : memref<!tpu.dma_semaphore, #tpu.memory_space<semaphore_mem>>)
        %dma_wait3A_260 = arith.constant 0 : i32
        %dma_wait3A_261 = tpu.memref_slice %arg11[%dma_wait3A_260] : memref<64xi32, #tpu.memory_space<vmem>> -> memref<48xi32, #tpu.memory_space<vmem>>
        %dma_wait3A_262 = tpu.memref_slice %arg4[%mul3A_19] : memref<1248xi32, #tpu.memory_space<hbm>> -> memref<48xi32, #tpu.memory_space<hbm>>
        %dma_wait3A_263 = arith.constant 0 : i32
        %dma_wait3A_264 = tpu.memref_slice %arg11[%dma_wait3A_263] : memref<64xi32, #tpu.memory_space<vmem>> -> memref<48xi32, #tpu.memory_space<vmem>>
        %dma_wait3A_265 = tpu.memref_slice %arg4[%mul3A_19] : memref<1248xi32, #tpu.memory_space<hbm>> -> memref<48xi32, #tpu.memory_space<hbm>>
        tpu.wait_dma2 semaphore(%run_scoped3A : memref<!tpu.dma_semaphore, #tpu.memory_space<semaphore_mem>>) src(%dma_wait3A_265 : memref<48xi32, #tpu.memory_space<hbm>>) dst(%dma_wait3A_264 : memref<48xi32, #tpu.memory_space<vmem>>)
        tpu.yield
      }) : () -> ()
      %mul3A_20 = arith.constant 8 : i32
      %mul3A_21 = arith.muli %div3A_15, %mul3A_20 : i32
      %dma_start3A = arith.constant 0 : i32
      %dma_start3A_22 = arith.constant 0 : i32
      %dma_start3A_23 = tpu.memref_slice %arg8[%dma_start3A, %dma_start3A_22] : memref<8x4096xf32, #tpu.memory_space<vmem>> -> memref<8x3840xf32, #tpu.memory_space<vmem>>
      %dma_start3A_24 = arith.constant 0 : i32
      %dma_start3A_25 = tpu.memref_slice %arg2[%rem3A_14, %mul3A_21, %dma_start3A_24] : memref<26x32x100000xf32, #tpu.memory_space<hbm>> -> memref<1x8x3840xf32, #tpu.memory_space<hbm>>
      %dma_start3A_26 = tpu.memref_squeeze %dma_start3A_25 : memref<1x8x3840xf32, #tpu.memory_space<hbm>> -> memref<8x3840xf32, #tpu.memory_space<hbm>>
      %dma_start3A_27 = arith.constant 0 : i32
      %dma_start3A_28 = arith.constant 0 : i32
      %dma_start3A_29 = tpu.memref_slice %arg8[%dma_start3A_27, %dma_start3A_28] : memref<8x4096xf32, #tpu.memory_space<vmem>> -> memref<8x3840xf32, #tpu.memory_space<vmem>>
      %dma_start3A_30 = arith.constant 0 : i32
      %dma_start3A_31 = tpu.memref_slice %arg2[%rem3A_14, %mul3A_21, %dma_start3A_30] : memref<26x32x100000xf32, #tpu.memory_space<hbm>> -> memref<1x8x3840xf32, #tpu.memory_space<hbm>>
      %dma_start3A_32 = tpu.memref_squeeze %dma_start3A_31 : memref<1x8x3840xf32, #tpu.memory_space<hbm>> -> memref<8x3840xf32, #tpu.memory_space<hbm>>
      tpu.enqueue_dma source(%dma_start3A_32 : memref<8x3840xf32, #tpu.memory_space<hbm>>) target(%dma_start3A_29 : memref<8x3840xf32, #tpu.memory_space<vmem>>) target_semaphore(%arg12 : memref<!tpu.dma_semaphore, #tpu.memory_space<semaphore_mem>>)
      %scan3A_33 = arith.constant 0 : i32
      %scan3A_34 = arith.constant 0 : i32
      %scan3A_35 = arith.constant 12 : i32
      %scan3A_36 = arith.addi %scan3A_34, %scan3A_35 : i32
      %scan3A_37 = arith.constant 1 : i32
      scf.for %scan3A_254 = %scan3A_34 to %scan3A_36 step %scan3A_37  : i32 {
        %mul3A_255 = arith.constant 2 : i32
        %mul3A_256 = arith.muli %mul3A_255, %scan3A_254 : i32
        %add3A_257 = arith.constant 1 : i32
        %add3A_258 = arith.addi %mul3A_256, %add3A_257 : i32
        %mul3A_259 = arith.constant 8 : i32
        %mul3A_260 = arith.muli %div3A_15, %mul3A_259 : i32
        %mul3A_261 = arith.constant 3840 : i32
        %mul3A_262 = arith.muli %add3A_258, %mul3A_261 : i32
        %dma_start3A_263 = arith.constant 0 : i32
        %dma_start3A_264 = arith.constant 0 : i32
        %dma_start3A_265 = tpu.memref_slice %arg9[%dma_start3A_263, %dma_start3A_264] : memref<8x4096xf32, #tpu.memory_space<vmem>> -> memref<8x3840xf32, #tpu.memory_space<vmem>>
        %dma_start3A_266 = tpu.memref_slice %arg2[%rem3A_14, %mul3A_260, %mul3A_262] : memref<26x32x100000xf32, #tpu.memory_space<hbm>> -> memref<1x8x3840xf32, #tpu.memory_space<hbm>>
        %dma_start3A_267 = tpu.memref_squeeze %dma_start3A_266 : memref<1x8x3840xf32, #tpu.memory_space<hbm>> -> memref<8x3840xf32, #tpu.memory_space<hbm>>
        %dma_start3A_268 = arith.constant 0 : i32
        %dma_start3A_269 = arith.constant 0 : i32
        %dma_start3A_270 = tpu.memref_slice %arg9[%dma_start3A_268, %dma_start3A_269] : memref<8x4096xf32, #tpu.memory_space<vmem>> -> memref<8x3840xf32, #tpu.memory_space<vmem>>
        %dma_start3A_271 = tpu.memref_slice %arg2[%rem3A_14, %mul3A_260, %mul3A_262] : memref<26x32x100000xf32, #tpu.memory_space<hbm>> -> memref<1x8x3840xf32, #tpu.memory_space<hbm>>
        %dma_start3A_272 = tpu.memref_squeeze %dma_start3A_271 : memref<1x8x3840xf32, #tpu.memory_space<hbm>> -> memref<8x3840xf32, #tpu.memory_space<hbm>>
        tpu.enqueue_dma source(%dma_start3A_272 : memref<8x3840xf32, #tpu.memory_space<hbm>>) target(%dma_start3A_270 : memref<8x3840xf32, #tpu.memory_space<vmem>>) target_semaphore(%arg13 : memref<!tpu.dma_semaphore, #tpu.memory_space<semaphore_mem>>)
        %mul3A_273 = arith.constant 8 : i32
        %mul3A_274 = arith.muli %div3A_15, %mul3A_273 : i32
        %mul3A_275 = arith.constant 3840 : i32
        %mul3A_276 = arith.muli %mul3A_256, %mul3A_275 : i32
        %dma_wait3A_277 = arith.constant 0 : i32
        %dma_wait3A_278 = arith.constant 0 : i32
        %dma_wait3A_279 = tpu.memref_slice %arg8[%dma_wait3A_277, %dma_wait3A_278] : memref<8x4096xf32, #tpu.memory_space<vmem>> -> memref<8x3840xf32, #tpu.memory_space<vmem>>
        %dma_wait3A_280 = tpu.memref_slice %arg2[%rem3A_14, %mul3A_274, %mul3A_276] : memref<26x32x100000xf32, #tpu.memory_space<hbm>> -> memref<1x8x3840xf32, #tpu.memory_space<hbm>>
        %dma_wait3A_281 = tpu.memref_squeeze %dma_wait3A_280 : memref<1x8x3840xf32, #tpu.memory_space<hbm>> -> memref<8x3840xf32, #tpu.memory_space<hbm>>
        %dma_wait3A_282 = arith.constant 0 : i32
        %dma_wait3A_283 = arith.constant 0 : i32
        %dma_wait3A_284 = tpu.memref_slice %arg8[%dma_wait3A_282, %dma_wait3A_283] : memref<8x4096xf32, #tpu.memory_space<vmem>> -> memref<8x3840xf32, #tpu.memory_space<vmem>>
        %dma_wait3A_285 = tpu.memref_slice %arg2[%rem3A_14, %mul3A_274, %mul3A_276] : memref<26x32x100000xf32, #tpu.memory_space<hbm>> -> memref<1x8x3840xf32, #tpu.memory_space<hbm>>
        %dma_wait3A_286 = tpu.memref_squeeze %dma_wait3A_285 : memref<1x8x3840xf32, #tpu.memory_space<hbm>> -> memref<8x3840xf32, #tpu.memory_space<hbm>>
        tpu.wait_dma2 semaphore(%arg12 : memref<!tpu.dma_semaphore, #tpu.memory_space<semaphore_mem>>) src(%dma_wait3A_286 : memref<8x3840xf32, #tpu.memory_space<hbm>>) dst(%dma_wait3A_284 : memref<8x3840xf32, #tpu.memory_space<vmem>>)
        %mul3A_287 = arith.constant 3840 : i32
        %mul3A_288 = arith.muli %mul3A_256, %mul3A_287 : i32
        %get3A_289 = arith.index_cast %mul3A_256 : i32 to index
        %get3A_290 = tpu.vector_load %arg11[%get3A_289] {strides = array<i32>} : memref<64xi32, #tpu.memory_space<vmem>>, vector<16xi32>,
        %slice3A_291 = vector.extract_strided_slice %get3A_290 {offsets = [0], sizes = [1], strides = [1]} : vector<16xi32> to vector<1xi32>
        %squeeze3A_292 = vector.extract %slice3A_291[0] : i32 from vector<1xi32>
        %slice3A_293 = vector.extract_strided_slice %get3A_290 {offsets = [1], sizes = [1], strides = [1]} : vector<16xi32> to vector<1xi32>
        %squeeze3A_294 = vector.extract %slice3A_293[0] : i32 from vector<1xi32>
        %sub3A_295 = arith.subi %squeeze3A_294, %squeeze3A_292 : i32
        %add3A_296 = arith.constant 15 : i32
        %add3A_297 = arith.addi %sub3A_295, %add3A_296 : i32
        %div3A_298 = arith.constant 16 : i32
        %div3A_299 = arith.divsi %add3A_297, %div3A_298 : i32
        %while3A_300 = arith.constant 0 : i32
        %while3A_301 = arith.constant 0 : i32
        %while3A_302 = arith.subi %div3A_299, %while3A_301 : i32
        %while3A_303 = arith.addi %while3A_301, %while3A_302 : i32
        %while3A_304 = arith.constant 1 : i32
        %while3A_305 = arith.divsi %while3A_302, %while3A_304 : i32
        %while3A_306 = arith.muli %while3A_305, %while3A_304 : i32
        %while3A_307 = arith.addi %while3A_301, %while3A_306 : i32
        %while3A_308 = arith.constant 1 : i32
        scf.for %while3A_369 = %while3A_301 to %while3A_307 step %while3A_308  : i32 {
          %mul3A_370 = arith.constant 16 : i32
          %mul3A_371 = arith.muli %while3A_369, %mul3A_370 : i32
          %add3A_372 = arith.addi %squeeze3A_292, %mul3A_371 : i32
          %get3A_373 = arith.index_cast %add3A_372 : i32 to index
          %get3A_374 = tpu.vector_load %arg10[%get3A_373] {strides = array<i32>} : memref<4128xi32, #tpu.memory_space<vmem>>, vector<16xi32>,
          %shift_right_logical3A = arith.constant 12 : i32
          %shift_right_logical3A_375 = vector.broadcast %shift_right_logical3A : i32 to vector<16xi32>
          %shift_right_logical3A_376 = arith.shrui %get3A_374, %shift_right_logical3A_375 : vector<16xi32>
          %and3A = arith.constant 4095 : i32
          %and3A_377 = vector.broadcast %and3A : i32 to vector<16xi32>
          %and3A_378 = arith.andi %get3A_374, %and3A_377 : vector<16xi32>
          %iota3A = tpu.iota {dimensions = array<i32: 0>} : vector<16xi32>
          %add3A_379 = vector.broadcast %add3A_372 : i32 to vector<16xi32>
          %add3A_380 = arith.addi %add3A_379, %iota3A : vector<16xi32>
          %lt3A = vector.broadcast %squeeze3A_294 : i32 to vector<16xi32>
          %lt3A_381 = arith.cmpi slt, %add3A_380, %lt3A : vector<16xi32>
          %sub3A_382 = vector.broadcast %mul3A_288 : i32 to vector<16xi32>
          %sub3A_383 = arith.subi %shift_right_logical3A_376, %sub3A_382 : vector<16xi32>
          %broadcast_in_dim3A = arith.constant 0 : i32
          %broadcast_in_dim3A_384 = vector.broadcast %broadcast_in_dim3A : i32 to vector<16xi32>
          %gather3A = tpu.vector_load_idx %arg8[%broadcast_in_dim3A_384, %sub3A_383] masked %lt3A_381 : memref<8x4096xf32, #tpu.memory_space<vmem>>[vector<16xi32>, vector<16xi32>], vector<16xf32>, vector<16xi1>
          tpu.vector_store_idx %arg14[%and3A_378], %gather3A masked %lt3A_381 : memref<4096xf32, #tpu.memory_space<vmem>>[vector<16xi32>], vector<16xf32>, vector<16xi1>
          %broadcast_in_dim3A_385 = arith.constant 1 : i32
          %broadcast_in_dim3A_386 = vector.broadcast %broadcast_in_dim3A_385 : i32 to vector<16xi32>
          %gather3A_387 = tpu.vector_load_idx %arg8[%broadcast_in_dim3A_386, %sub3A_383] masked %lt3A_381 : memref<8x4096xf32, #tpu.memory_space<vmem>>[vector<16xi32>, vector<16xi32>], vector<16xf32>, vector<16xi1>
          tpu.vector_store_idx %arg15[%and3A_378], %gather3A_387 masked %lt3A_381 : memref<4096xf32, #tpu.memory_space<vmem>>[vector<16xi32>], vector<16xf32>, vector<16xi1>
          %broadcast_in_dim3A_388 = arith.constant 2 : i32
          %broadcast_in_dim3A_389 = vector.broadcast %broadcast_in_dim3A_388 : i32 to vector<16xi32>
          %gather3A_390 = tpu.vector_load_idx %arg8[%broadcast_in_dim3A_389, %sub3A_383] masked %lt3A_381 : memref<8x4096xf32, #tpu.memory_space<vmem>>[vector<16xi32>, vector<16xi32>], vector<16xf32>, vector<16xi1>
          tpu.vector_store_idx %arg16[%and3A_378], %gather3A_390 masked %lt3A_381 : memref<4096xf32, #tpu.memory_space<vmem>>[vector<16xi32>], vector<16xf32>, vector<16xi1>
          %broadcast_in_dim3A_391 = arith.constant 3 : i32
          %broadcast_in_dim3A_392 = vector.broadcast %broadcast_in_dim3A_391 : i32 to vector<16xi32>
          %gather3A_393 = tpu.vector_load_idx %arg8[%broadcast_in_dim3A_392, %sub3A_383] masked %lt3A_381 : memref<8x4096xf32, #tpu.memory_space<vmem>>[vector<16xi32>, vector<16xi32>], vector<16xf32>, vector<16xi1>
          tpu.vector_store_idx %arg17[%and3A_378], %gather3A_393 masked %lt3A_381 : memref<4096xf32, #tpu.memory_space<vmem>>[vector<16xi32>], vector<16xf32>, vector<16xi1>
          %broadcast_in_dim3A_394 = arith.constant 4 : i32
          %broadcast_in_dim3A_395 = vector.broadcast %broadcast_in_dim3A_394 : i32 to vector<16xi32>
          %gather3A_396 = tpu.vector_load_idx %arg8[%broadcast_in_dim3A_395, %sub3A_383] masked %lt3A_381 : memref<8x4096xf32, #tpu.memory_space<vmem>>[vector<16xi32>, vector<16xi32>], vector<16xf32>, vector<16xi1>
          tpu.vector_store_idx %arg18[%and3A_378], %gather3A_396 masked %lt3A_381 : memref<4096xf32, #tpu.memory_space<vmem>>[vector<16xi32>], vector<16xf32>, vector<16xi1>
          %broadcast_in_dim3A_397 = arith.constant 5 : i32
          %broadcast_in_dim3A_398 = vector.broadcast %broadcast_in_dim3A_397 : i32 to vector<16xi32>
          %gather3A_399 = tpu.vector_load_idx %arg8[%broadcast_in_dim3A_398, %sub3A_383] masked %lt3A_381 : memref<8x4096xf32, #tpu.memory_space<vmem>>[vector<16xi32>, vector<16xi32>], vector<16xf32>, vector<16xi1>
          tpu.vector_store_idx %arg19[%and3A_378], %gather3A_399 masked %lt3A_381 : memref<4096xf32, #tpu.memory_space<vmem>>[vector<16xi32>], vector<16xf32>, vector<16xi1>
          %broadcast_in_dim3A_400 = arith.constant 6 : i32
          %broadcast_in_dim3A_401 = vector.broadcast %broadcast_in_dim3A_400 : i32 to vector<16xi32>
          %gather3A_402 = tpu.vector_load_idx %arg8[%broadcast_in_dim3A_401, %sub3A_383] masked %lt3A_381 : memref<8x4096xf32, #tpu.memory_space<vmem>>[vector<16xi32>, vector<16xi32>], vector<16xf32>, vector<16xi1>
          tpu.vector_store_idx %arg20[%and3A_378], %gather3A_402 masked %lt3A_381 : memref<4096xf32, #tpu.memory_space<vmem>>[vector<16xi32>], vector<16xf32>, vector<16xi1>
          %broadcast_in_dim3A_403 = arith.constant 7 : i32
          %broadcast_in_dim3A_404 = vector.broadcast %broadcast_in_dim3A_403 : i32 to vector<16xi32>
          %gather3A_405 = tpu.vector_load_idx %arg8[%broadcast_in_dim3A_404, %sub3A_383] masked %lt3A_381 : memref<8x4096xf32, #tpu.memory_space<vmem>>[vector<16xi32>, vector<16xi32>], vector<16xf32>, vector<16xi1>
          tpu.vector_store_idx %arg21[%and3A_378], %gather3A_405 masked %lt3A_381 : memref<4096xf32, #tpu.memory_space<vmem>>[vector<16xi32>], vector<16xf32>, vector<16xi1>
        }
        %while3A_309 = arith.constant 1 : i32
        scf.for %while3A_369 = %while3A_307 to %while3A_303 step %while3A_309  : i32 {
          %mul3A_370 = arith.constant 16 : i32
          %mul3A_371 = arith.muli %while3A_369, %mul3A_370 : i32
          %add3A_372 = arith.addi %squeeze3A_292, %mul3A_371 : i32
          %get3A_373 = arith.index_cast %add3A_372 : i32 to index
          %get3A_374 = tpu.vector_load %arg10[%get3A_373] {strides = array<i32>} : memref<4128xi32, #tpu.memory_space<vmem>>, vector<16xi32>,
          %shift_right_logical3A = arith.constant 12 : i32
          %shift_right_logical3A_375 = vector.broadcast %shift_right_logical3A : i32 to vector<16xi32>
          %shift_right_logical3A_376 = arith.shrui %get3A_374, %shift_right_logical3A_375 : vector<16xi32>
          %and3A = arith.constant 4095 : i32
          %and3A_377 = vector.broadcast %and3A : i32 to vector<16xi32>
          %and3A_378 = arith.andi %get3A_374, %and3A_377 : vector<16xi32>
          %iota3A = tpu.iota {dimensions = array<i32: 0>} : vector<16xi32>
          %add3A_379 = vector.broadcast %add3A_372 : i32 to vector<16xi32>
          %add3A_380 = arith.addi %add3A_379, %iota3A : vector<16xi32>
          %lt3A = vector.broadcast %squeeze3A_294 : i32 to vector<16xi32>
          %lt3A_381 = arith.cmpi slt, %add3A_380, %lt3A : vector<16xi32>
          %sub3A_382 = vector.broadcast %mul3A_288 : i32 to vector<16xi32>
          %sub3A_383 = arith.subi %shift_right_logical3A_376, %sub3A_382 : vector<16xi32>
          %broadcast_in_dim3A = arith.constant 0 : i32
          %broadcast_in_dim3A_384 = vector.broadcast %broadcast_in_dim3A : i32 to vector<16xi32>
          %gather3A = tpu.vector_load_idx %arg8[%broadcast_in_dim3A_384, %sub3A_383] masked %lt3A_381 : memref<8x4096xf32, #tpu.memory_space<vmem>>[vector<16xi32>, vector<16xi32>], vector<16xf32>, vector<16xi1>
          tpu.vector_store_idx %arg14[%and3A_378], %gather3A masked %lt3A_381 : memref<4096xf32, #tpu.memory_space<vmem>>[vector<16xi32>], vector<16xf32>, vector<16xi1>
          %broadcast_in_dim3A_385 = arith.constant 1 : i32
          %broadcast_in_dim3A_386 = vector.broadcast %broadcast_in_dim3A_385 : i32 to vector<16xi32>
          %gather3A_387 = tpu.vector_load_idx %arg8[%broadcast_in_dim3A_386, %sub3A_383] masked %lt3A_381 : memref<8x4096xf32, #tpu.memory_space<vmem>>[vector<16xi32>, vector<16xi32>], vector<16xf32>, vector<16xi1>
          tpu.vector_store_idx %arg15[%and3A_378], %gather3A_387 masked %lt3A_381 : memref<4096xf32, #tpu.memory_space<vmem>>[vector<16xi32>], vector<16xf32>, vector<16xi1>
          %broadcast_in_dim3A_388 = arith.constant 2 : i32
          %broadcast_in_dim3A_389 = vector.broadcast %broadcast_in_dim3A_388 : i32 to vector<16xi32>
          %gather3A_390 = tpu.vector_load_idx %arg8[%broadcast_in_dim3A_389, %sub3A_383] masked %lt3A_381 : memref<8x4096xf32, #tpu.memory_space<vmem>>[vector<16xi32>, vector<16xi32>], vector<16xf32>, vector<16xi1>
          tpu.vector_store_idx %arg16[%and3A_378], %gather3A_390 masked %lt3A_381 : memref<4096xf32, #tpu.memory_space<vmem>>[vector<16xi32>], vector<16xf32>, vector<16xi1>
          %broadcast_in_dim3A_391 = arith.constant 3 : i32
          %broadcast_in_dim3A_392 = vector.broadcast %broadcast_in_dim3A_391 : i32 to vector<16xi32>
          %gather3A_393 = tpu.vector_load_idx %arg8[%broadcast_in_dim3A_392, %sub3A_383] masked %lt3A_381 : memref<8x4096xf32, #tpu.memory_space<vmem>>[vector<16xi32>, vector<16xi32>], vector<16xf32>, vector<16xi1>
          tpu.vector_store_idx %arg17[%and3A_378], %gather3A_393 masked %lt3A_381 : memref<4096xf32, #tpu.memory_space<vmem>>[vector<16xi32>], vector<16xf32>, vector<16xi1>
          %broadcast_in_dim3A_394 = arith.constant 4 : i32
          %broadcast_in_dim3A_395 = vector.broadcast %broadcast_in_dim3A_394 : i32 to vector<16xi32>
          %gather3A_396 = tpu.vector_load_idx %arg8[%broadcast_in_dim3A_395, %sub3A_383] masked %lt3A_381 : memref<8x4096xf32, #tpu.memory_space<vmem>>[vector<16xi32>, vector<16xi32>], vector<16xf32>, vector<16xi1>
          tpu.vector_store_idx %arg18[%and3A_378], %gather3A_396 masked %lt3A_381 : memref<4096xf32, #tpu.memory_space<vmem>>[vector<16xi32>], vector<16xf32>, vector<16xi1>
          %broadcast_in_dim3A_397 = arith.constant 5 : i32
          %broadcast_in_dim3A_398 = vector.broadcast %broadcast_in_dim3A_397 : i32 to vector<16xi32>
          %gather3A_399 = tpu.vector_load_idx %arg8[%broadcast_in_dim3A_398, %sub3A_383] masked %lt3A_381 : memref<8x4096xf32, #tpu.memory_space<vmem>>[vector<16xi32>, vector<16xi32>], vector<16xf32>, vector<16xi1>
          tpu.vector_store_idx %arg19[%and3A_378], %gather3A_399 masked %lt3A_381 : memref<4096xf32, #tpu.memory_space<vmem>>[vector<16xi32>], vector<16xf32>, vector<16xi1>
          %broadcast_in_dim3A_400 = arith.constant 6 : i32
          %broadcast_in_dim3A_401 = vector.broadcast %broadcast_in_dim3A_400 : i32 to vector<16xi32>
          %gather3A_402 = tpu.vector_load_idx %arg8[%broadcast_in_dim3A_401, %sub3A_383] masked %lt3A_381 : memref<8x4096xf32, #tpu.memory_space<vmem>>[vector<16xi32>, vector<16xi32>], vector<16xf32>, vector<16xi1>
          tpu.vector_store_idx %arg20[%and3A_378], %gather3A_402 masked %lt3A_381 : memref<4096xf32, #tpu.memory_space<vmem>>[vector<16xi32>], vector<16xf32>, vector<16xi1>
          %broadcast_in_dim3A_403 = arith.constant 7 : i32
          %broadcast_in_dim3A_404 = vector.broadcast %broadcast_in_dim3A_403 : i32 to vector<16xi32>
          %gather3A_405 = tpu.vector_load_idx %arg8[%broadcast_in_dim3A_404, %sub3A_383] masked %lt3A_381 : memref<8x4096xf32, #tpu.memory_space<vmem>>[vector<16xi32>, vector<16xi32>], vector<16xf32>, vector<16xi1>
          tpu.vector_store_idx %arg21[%and3A_378], %gather3A_405 masked %lt3A_381 : memref<4096xf32, #tpu.memory_space<vmem>>[vector<16xi32>], vector<16xf32>, vector<16xi1>
        }
        %add3A_310 = arith.constant 2 : i32
        %add3A_311 = arith.addi %mul3A_256, %add3A_310 : i32
        %mul3A_312 = arith.constant 8 : i32
        %mul3A_313 = arith.muli %div3A_15, %mul3A_312 : i32
        %mul3A_314 = arith.constant 3840 : i32
        %mul3A_315 = arith.muli %add3A_311, %mul3A_314 : i32
        %dma_start3A_316 = arith.constant 0 : i32
        %dma_start3A_317 = arith.constant 0 : i32
        %dma_start3A_318 = tpu.memref_slice %arg8[%dma_start3A_316, %dma_start3A_317] : memref<8x4096xf32, #tpu.memory_space<vmem>> -> memref<8x3840xf32, #tpu.memory_space<vmem>>
        %dma_start3A_319 = tpu.memref_slice %arg2[%rem3A_14, %mul3A_313, %mul3A_315] : memref<26x32x100000xf32, #tpu.memory_space<hbm>> -> memref<1x8x3840xf32, #tpu.memory_space<hbm>>
        %dma_start3A_320 = tpu.memref_squeeze %dma_start3A_319 : memref<1x8x3840xf32, #tpu.memory_space<hbm>> -> memref<8x3840xf32, #tpu.memory_space<hbm>>
        %dma_start3A_321 = arith.constant 0 : i32
        %dma_start3A_322 = arith.constant 0 : i32
        %dma_start3A_323 = tpu.memref_slice %arg8[%dma_start3A_321, %dma_start3A_322] : memref<8x4096xf32, #tpu.memory_space<vmem>> -> memref<8x3840xf32, #tpu.memory_space<vmem>>
        %dma_start3A_324 = tpu.memref_slice %arg2[%rem3A_14, %mul3A_313, %mul3A_315] : memref<26x32x100000xf32, #tpu.memory_space<hbm>> -> memref<1x8x3840xf32, #tpu.memory_space<hbm>>
        %dma_start3A_325 = tpu.memref_squeeze %dma_start3A_324 : memref<1x8x3840xf32, #tpu.memory_space<hbm>> -> memref<8x3840xf32, #tpu.memory_space<hbm>>
        tpu.enqueue_dma source(%dma_start3A_325 : memref<8x3840xf32, #tpu.memory_space<hbm>>) target(%dma_start3A_323 : memref<8x3840xf32, #tpu.memory_space<vmem>>) target_semaphore(%arg12 : memref<!tpu.dma_semaphore, #tpu.memory_space<semaphore_mem>>)
        %add3A_326 = arith.constant 1 : i32
        %add3A_327 = arith.addi %mul3A_256, %add3A_326 : i32
        %mul3A_328 = arith.constant 8 : i32
        %mul3A_329 = arith.muli %div3A_15, %mul3A_328 : i32
        %mul3A_330 = arith.constant 3840 : i32
        %mul3A_331 = arith.muli %add3A_327, %mul3A_330 : i32
        %dma_wait3A_332 = arith.constant 0 : i32
        %dma_wait3A_333 = arith.constant 0 : i32
        %dma_wait3A_334 = tpu.memref_slice %arg9[%dma_wait3A_332, %dma_wait3A_333] : memref<8x4096xf32, #tpu.memory_space<vmem>> -> memref<8x3840xf32, #tpu.memory_space<vmem>>
        %dma_wait3A_335 = tpu.memref_slice %arg2[%rem3A_14, %mul3A_329, %mul3A_331] : memref<26x32x100000xf32, #tpu.memory_space<hbm>> -> memref<1x8x3840xf32, #tpu.memory_space<hbm>>
        %dma_wait3A_336 = tpu.memref_squeeze %dma_wait3A_335 : memref<1x8x3840xf32, #tpu.memory_space<hbm>> -> memref<8x3840xf32, #tpu.memory_space<hbm>>
        %dma_wait3A_337 = arith.constant 0 : i32
        %dma_wait3A_338 = arith.constant 0 : i32
        %dma_wait3A_339 = tpu.memref_slice %arg9[%dma_wait3A_337, %dma_wait3A_338] : memref<8x4096xf32, #tpu.memory_space<vmem>> -> memref<8x3840xf32, #tpu.memory_space<vmem>>
        %dma_wait3A_340 = tpu.memref_slice %arg2[%rem3A_14, %mul3A_329, %mul3A_331] : memref<26x32x100000xf32, #tpu.memory_space<hbm>> -> memref<1x8x3840xf32, #tpu.memory_space<hbm>>
        %dma_wait3A_341 = tpu.memref_squeeze %dma_wait3A_340 : memref<1x8x3840xf32, #tpu.memory_space<hbm>> -> memref<8x3840xf32, #tpu.memory_space<hbm>>
        tpu.wait_dma2 semaphore(%arg13 : memref<!tpu.dma_semaphore, #tpu.memory_space<semaphore_mem>>) src(%dma_wait3A_341 : memref<8x3840xf32, #tpu.memory_space<hbm>>) dst(%dma_wait3A_339 : memref<8x3840xf32, #tpu.memory_space<vmem>>)
        %add3A_342 = arith.constant 1 : i32
        %add3A_343 = arith.addi %mul3A_256, %add3A_342 : i32
        %add3A_344 = arith.constant 1 : i32
        %add3A_345 = arith.addi %mul3A_256, %add3A_344 : i32
        %mul3A_346 = arith.constant 3840 : i32
        %mul3A_347 = arith.muli %add3A_345, %mul3A_346 : i32
        %get3A_348 = arith.index_cast %add3A_343 : i32 to index
        %get3A_349 = tpu.vector_load %arg11[%get3A_348] {strides = array<i32>} : memref<64xi32, #tpu.memory_space<vmem>>, vector<16xi32>,
        %slice3A_350 = vector.extract_strided_slice %get3A_349 {offsets = [0], sizes = [1], strides = [1]} : vector<16xi32> to vector<1xi32>
        %squeeze3A_351 = vector.extract %slice3A_350[0] : i32 from vector<1xi32>
        %slice3A_352 = vector.extract_strided_slice %get3A_349 {offsets = [1], sizes = [1], strides = [1]} : vector<16xi32> to vector<1xi32>
        %squeeze3A_353 = vector.extract %slice3A_352[0] : i32 from vector<1xi32>
        %sub3A_354 = arith.subi %squeeze3A_353, %squeeze3A_351 : i32
        %add3A_355 = arith.constant 15 : i32
        %add3A_356 = arith.addi %sub3A_354, %add3A_355 : i32
        %div3A_357 = arith.constant 16 : i32
        %div3A_358 = arith.divsi %add3A_356, %div3A_357 : i32
        %while3A_359 = arith.constant 0 : i32
        %while3A_360 = arith.constant 0 : i32
        %while3A_361 = arith.subi %div3A_358, %while3A_360 : i32
        %while3A_362 = arith.addi %while3A_360, %while3A_361 : i32
        %while3A_363 = arith.constant 1 : i32
        %while3A_364 = arith.divsi %while3A_361, %while3A_363 : i32
        %while3A_365 = arith.muli %while3A_364, %while3A_363 : i32
        %while3A_366 = arith.addi %while3A_360, %while3A_365 : i32
        %while3A_367 = arith.constant 1 : i32
        scf.for %while3A_369 = %while3A_360 to %while3A_366 step %while3A_367  : i32 {
          %mul3A_370 = arith.constant 16 : i32
          %mul3A_371 = arith.muli %while3A_369, %mul3A_370 : i32
          %add3A_372 = arith.addi %squeeze3A_351, %mul3A_371 : i32
          %get3A_373 = arith.index_cast %add3A_372 : i32 to index
          %get3A_374 = tpu.vector_load %arg10[%get3A_373] {strides = array<i32>} : memref<4128xi32, #tpu.memory_space<vmem>>, vector<16xi32>,
          %shift_right_logical3A = arith.constant 12 : i32
          %shift_right_logical3A_375 = vector.broadcast %shift_right_logical3A : i32 to vector<16xi32>
          %shift_right_logical3A_376 = arith.shrui %get3A_374, %shift_right_logical3A_375 : vector<16xi32>
          %and3A = arith.constant 4095 : i32
          %and3A_377 = vector.broadcast %and3A : i32 to vector<16xi32>
          %and3A_378 = arith.andi %get3A_374, %and3A_377 : vector<16xi32>
          %iota3A = tpu.iota {dimensions = array<i32: 0>} : vector<16xi32>
          %add3A_379 = vector.broadcast %add3A_372 : i32 to vector<16xi32>
          %add3A_380 = arith.addi %add3A_379, %iota3A : vector<16xi32>
          %lt3A = vector.broadcast %squeeze3A_353 : i32 to vector<16xi32>
          %lt3A_381 = arith.cmpi slt, %add3A_380, %lt3A : vector<16xi32>
          %sub3A_382 = vector.broadcast %mul3A_347 : i32 to vector<16xi32>
          %sub3A_383 = arith.subi %shift_right_logical3A_376, %sub3A_382 : vector<16xi32>
          %broadcast_in_dim3A = arith.constant 0 : i32
          %broadcast_in_dim3A_384 = vector.broadcast %broadcast_in_dim3A : i32 to vector<16xi32>
          %gather3A = tpu.vector_load_idx %arg9[%broadcast_in_dim3A_384, %sub3A_383] masked %lt3A_381 : memref<8x4096xf32, #tpu.memory_space<vmem>>[vector<16xi32>, vector<16xi32>], vector<16xf32>, vector<16xi1>
          tpu.vector_store_idx %arg14[%and3A_378], %gather3A masked %lt3A_381 : memref<4096xf32, #tpu.memory_space<vmem>>[vector<16xi32>], vector<16xf32>, vector<16xi1>
          %broadcast_in_dim3A_385 = arith.constant 1 : i32
          %broadcast_in_dim3A_386 = vector.broadcast %broadcast_in_dim3A_385 : i32 to vector<16xi32>
          %gather3A_387 = tpu.vector_load_idx %arg9[%broadcast_in_dim3A_386, %sub3A_383] masked %lt3A_381 : memref<8x4096xf32, #tpu.memory_space<vmem>>[vector<16xi32>, vector<16xi32>], vector<16xf32>, vector<16xi1>
          tpu.vector_store_idx %arg15[%and3A_378], %gather3A_387 masked %lt3A_381 : memref<4096xf32, #tpu.memory_space<vmem>>[vector<16xi32>], vector<16xf32>, vector<16xi1>
          %broadcast_in_dim3A_388 = arith.constant 2 : i32
          %broadcast_in_dim3A_389 = vector.broadcast %broadcast_in_dim3A_388 : i32 to vector<16xi32>
          %gather3A_390 = tpu.vector_load_idx %arg9[%broadcast_in_dim3A_389, %sub3A_383] masked %lt3A_381 : memref<8x4096xf32, #tpu.memory_space<vmem>>[vector<16xi32>, vector<16xi32>], vector<16xf32>, vector<16xi1>
          tpu.vector_store_idx %arg16[%and3A_378], %gather3A_390 masked %lt3A_381 : memref<4096xf32, #tpu.memory_space<vmem>>[vector<16xi32>], vector<16xf32>, vector<16xi1>
          %broadcast_in_dim3A_391 = arith.constant 3 : i32
          %broadcast_in_dim3A_392 = vector.broadcast %broadcast_in_dim3A_391 : i32 to vector<16xi32>
          %gather3A_393 = tpu.vector_load_idx %arg9[%broadcast_in_dim3A_392, %sub3A_383] masked %lt3A_381 : memref<8x4096xf32, #tpu.memory_space<vmem>>[vector<16xi32>, vector<16xi32>], vector<16xf32>, vector<16xi1>
          tpu.vector_store_idx %arg17[%and3A_378], %gather3A_393 masked %lt3A_381 : memref<4096xf32, #tpu.memory_space<vmem>>[vector<16xi32>], vector<16xf32>, vector<16xi1>
          %broadcast_in_dim3A_394 = arith.constant 4 : i32
          %broadcast_in_dim3A_395 = vector.broadcast %broadcast_in_dim3A_394 : i32 to vector<16xi32>
          %gather3A_396 = tpu.vector_load_idx %arg9[%broadcast_in_dim3A_395, %sub3A_383] masked %lt3A_381 : memref<8x4096xf32, #tpu.memory_space<vmem>>[vector<16xi32>, vector<16xi32>], vector<16xf32>, vector<16xi1>
          tpu.vector_store_idx %arg18[%and3A_378], %gather3A_396 masked %lt3A_381 : memref<4096xf32, #tpu.memory_space<vmem>>[vector<16xi32>], vector<16xf32>, vector<16xi1>
          %broadcast_in_dim3A_397 = arith.constant 5 : i32
          %broadcast_in_dim3A_398 = vector.broadcast %broadcast_in_dim3A_397 : i32 to vector<16xi32>
          %gather3A_399 = tpu.vector_load_idx %arg9[%broadcast_in_dim3A_398, %sub3A_383] masked %lt3A_381 : memref<8x4096xf32, #tpu.memory_space<vmem>>[vector<16xi32>, vector<16xi32>], vector<16xf32>, vector<16xi1>
          tpu.vector_store_idx %arg19[%and3A_378], %gather3A_399 masked %lt3A_381 : memref<4096xf32, #tpu.memory_space<vmem>>[vector<16xi32>], vector<16xf32>, vector<16xi1>
          %broadcast_in_dim3A_400 = arith.constant 6 : i32
          %broadcast_in_dim3A_401 = vector.broadcast %broadcast_in_dim3A_400 : i32 to vector<16xi32>
          %gather3A_402 = tpu.vector_load_idx %arg9[%broadcast_in_dim3A_401, %sub3A_383] masked %lt3A_381 : memref<8x4096xf32, #tpu.memory_space<vmem>>[vector<16xi32>, vector<16xi32>], vector<16xf32>, vector<16xi1>
          tpu.vector_store_idx %arg20[%and3A_378], %gather3A_402 masked %lt3A_381 : memref<4096xf32, #tpu.memory_space<vmem>>[vector<16xi32>], vector<16xf32>, vector<16xi1>
          %broadcast_in_dim3A_403 = arith.constant 7 : i32
          %broadcast_in_dim3A_404 = vector.broadcast %broadcast_in_dim3A_403 : i32 to vector<16xi32>
          %gather3A_405 = tpu.vector_load_idx %arg9[%broadcast_in_dim3A_404, %sub3A_383] masked %lt3A_381 : memref<8x4096xf32, #tpu.memory_space<vmem>>[vector<16xi32>, vector<16xi32>], vector<16xf32>, vector<16xi1>
          tpu.vector_store_idx %arg21[%and3A_378], %gather3A_405 masked %lt3A_381 : memref<4096xf32, #tpu.memory_space<vmem>>[vector<16xi32>], vector<16xf32>, vector<16xi1>
        }
        %while3A_368 = arith.constant 1 : i32
        scf.for %while3A_369 = %while3A_366 to %while3A_362 step %while3A_368  : i32 {
          %mul3A_370 = arith.constant 16 : i32
          %mul3A_371 = arith.muli %while3A_369, %mul3A_370 : i32
          %add3A_372 = arith.addi %squeeze3A_351, %mul3A_371 : i32
          %get3A_373 = arith.index_cast %add3A_372 : i32 to index
          %get3A_374 = tpu.vector_load %arg10[%get3A_373] {strides = array<i32>} : memref<4128xi32, #tpu.memory_space<vmem>>, vector<16xi32>,
          %shift_right_logical3A = arith.constant 12 : i32
          %shift_right_logical3A_375 = vector.broadcast %shift_right_logical3A : i32 to vector<16xi32>
          %shift_right_logical3A_376 = arith.shrui %get3A_374, %shift_right_logical3A_375 : vector<16xi32>
          %and3A = arith.constant 4095 : i32
          %and3A_377 = vector.broadcast %and3A : i32 to vector<16xi32>
          %and3A_378 = arith.andi %get3A_374, %and3A_377 : vector<16xi32>
          %iota3A = tpu.iota {dimensions = array<i32: 0>} : vector<16xi32>
          %add3A_379 = vector.broadcast %add3A_372 : i32 to vector<16xi32>
          %add3A_380 = arith.addi %add3A_379, %iota3A : vector<16xi32>
          %lt3A = vector.broadcast %squeeze3A_353 : i32 to vector<16xi32>
          %lt3A_381 = arith.cmpi slt, %add3A_380, %lt3A : vector<16xi32>
          %sub3A_382 = vector.broadcast %mul3A_347 : i32 to vector<16xi32>
          %sub3A_383 = arith.subi %shift_right_logical3A_376, %sub3A_382 : vector<16xi32>
          %broadcast_in_dim3A = arith.constant 0 : i32
          %broadcast_in_dim3A_384 = vector.broadcast %broadcast_in_dim3A : i32 to vector<16xi32>
          %gather3A = tpu.vector_load_idx %arg9[%broadcast_in_dim3A_384, %sub3A_383] masked %lt3A_381 : memref<8x4096xf32, #tpu.memory_space<vmem>>[vector<16xi32>, vector<16xi32>], vector<16xf32>, vector<16xi1>
          tpu.vector_store_idx %arg14[%and3A_378], %gather3A masked %lt3A_381 : memref<4096xf32, #tpu.memory_space<vmem>>[vector<16xi32>], vector<16xf32>, vector<16xi1>
          %broadcast_in_dim3A_385 = arith.constant 1 : i32
          %broadcast_in_dim3A_386 = vector.broadcast %broadcast_in_dim3A_385 : i32 to vector<16xi32>
          %gather3A_387 = tpu.vector_load_idx %arg9[%broadcast_in_dim3A_386, %sub3A_383] masked %lt3A_381 : memref<8x4096xf32, #tpu.memory_space<vmem>>[vector<16xi32>, vector<16xi32>], vector<16xf32>, vector<16xi1>
          tpu.vector_store_idx %arg15[%and3A_378], %gather3A_387 masked %lt3A_381 : memref<4096xf32, #tpu.memory_space<vmem>>[vector<16xi32>], vector<16xf32>, vector<16xi1>
          %broadcast_in_dim3A_388 = arith.constant 2 : i32
          %broadcast_in_dim3A_389 = vector.broadcast %broadcast_in_dim3A_388 : i32 to vector<16xi32>
          %gather3A_390 = tpu.vector_load_idx %arg9[%broadcast_in_dim3A_389, %sub3A_383] masked %lt3A_381 : memref<8x4096xf32, #tpu.memory_space<vmem>>[vector<16xi32>, vector<16xi32>], vector<16xf32>, vector<16xi1>
          tpu.vector_store_idx %arg16[%and3A_378], %gather3A_390 masked %lt3A_381 : memref<4096xf32, #tpu.memory_space<vmem>>[vector<16xi32>], vector<16xf32>, vector<16xi1>
          %broadcast_in_dim3A_391 = arith.constant 3 : i32
          %broadcast_in_dim3A_392 = vector.broadcast %broadcast_in_dim3A_391 : i32 to vector<16xi32>
          %gather3A_393 = tpu.vector_load_idx %arg9[%broadcast_in_dim3A_392, %sub3A_383] masked %lt3A_381 : memref<8x4096xf32, #tpu.memory_space<vmem>>[vector<16xi32>, vector<16xi32>], vector<16xf32>, vector<16xi1>
          tpu.vector_store_idx %arg17[%and3A_378], %gather3A_393 masked %lt3A_381 : memref<4096xf32, #tpu.memory_space<vmem>>[vector<16xi32>], vector<16xf32>, vector<16xi1>
          %broadcast_in_dim3A_394 = arith.constant 4 : i32
          %broadcast_in_dim3A_395 = vector.broadcast %broadcast_in_dim3A_394 : i32 to vector<16xi32>
          %gather3A_396 = tpu.vector_load_idx %arg9[%broadcast_in_dim3A_395, %sub3A_383] masked %lt3A_381 : memref<8x4096xf32, #tpu.memory_space<vmem>>[vector<16xi32>, vector<16xi32>], vector<16xf32>, vector<16xi1>
          tpu.vector_store_idx %arg18[%and3A_378], %gather3A_396 masked %lt3A_381 : memref<4096xf32, #tpu.memory_space<vmem>>[vector<16xi32>], vector<16xf32>, vector<16xi1>
          %broadcast_in_dim3A_397 = arith.constant 5 : i32
          %broadcast_in_dim3A_398 = vector.broadcast %broadcast_in_dim3A_397 : i32 to vector<16xi32>
          %gather3A_399 = tpu.vector_load_idx %arg9[%broadcast_in_dim3A_398, %sub3A_383] masked %lt3A_381 : memref<8x4096xf32, #tpu.memory_space<vmem>>[vector<16xi32>, vector<16xi32>], vector<16xf32>, vector<16xi1>
          tpu.vector_store_idx %arg19[%and3A_378], %gather3A_399 masked %lt3A_381 : memref<4096xf32, #tpu.memory_space<vmem>>[vector<16xi32>], vector<16xf32>, vector<16xi1>
          %broadcast_in_dim3A_400 = arith.constant 6 : i32
          %broadcast_in_dim3A_401 = vector.broadcast %broadcast_in_dim3A_400 : i32 to vector<16xi32>
          %gather3A_402 = tpu.vector_load_idx %arg9[%broadcast_in_dim3A_401, %sub3A_383] masked %lt3A_381 : memref<8x4096xf32, #tpu.memory_space<vmem>>[vector<16xi32>, vector<16xi32>], vector<16xf32>, vector<16xi1>
          tpu.vector_store_idx %arg20[%and3A_378], %gather3A_402 masked %lt3A_381 : memref<4096xf32, #tpu.memory_space<vmem>>[vector<16xi32>], vector<16xf32>, vector<16xi1>
          %broadcast_in_dim3A_403 = arith.constant 7 : i32
          %broadcast_in_dim3A_404 = vector.broadcast %broadcast_in_dim3A_403 : i32 to vector<16xi32>
          %gather3A_405 = tpu.vector_load_idx %arg9[%broadcast_in_dim3A_404, %sub3A_383] masked %lt3A_381 : memref<8x4096xf32, #tpu.memory_space<vmem>>[vector<16xi32>, vector<16xi32>], vector<16xf32>, vector<16xi1>
          tpu.vector_store_idx %arg21[%and3A_378], %gather3A_405 masked %lt3A_381 : memref<4096xf32, #tpu.memory_space<vmem>>[vector<16xi32>], vector<16xf32>, vector<16xi1>
        }
      }
      %scan3A_38 = arith.constant 12 : i32
      %mul3A_39 = arith.constant 8 : i32
      %mul3A_40 = arith.muli %div3A_15, %mul3A_39 : i32
      %dma_start3A_41 = arith.constant 0 : i32
      %dma_start3A_42 = arith.constant 0 : i32
      %dma_start3A_43 = tpu.memref_slice %arg9[%dma_start3A_41, %dma_start3A_42] : memref<8x4096xf32, #tpu.memory_space<vmem>> -> memref<8x3968xf32, #tpu.memory_space<vmem>>
      %dma_start3A_44 = arith.constant 96000 : i32
      %dma_start3A_45 = tpu.memref_slice %arg2[%rem3A_14, %mul3A_40, %dma_start3A_44] : memref<26x32x100000xf32, #tpu.memory_space<hbm>> -> memref<1x8x3968xf32, #tpu.memory_space<hbm>>
      %dma_start3A_46 = tpu.memref_squeeze %dma_start3A_45 : memref<1x8x3968xf32, #tpu.memory_space<hbm>> -> memref<8x3968xf32, #tpu.memory_space<hbm>>
      %dma_start3A_47 = arith.constant 0 : i32
      %dma_start3A_48 = arith.constant 0 : i32
      %dma_start3A_49 = tpu.memref_slice %arg9[%dma_start3A_47, %dma_start3A_48] : memref<8x4096xf32, #tpu.memory_space<vmem>> -> memref<8x3968xf32, #tpu.memory_space<vmem>>
      %dma_start3A_50 = arith.constant 96000 : i32
      %dma_start3A_51 = tpu.memref_slice %arg2[%rem3A_14, %mul3A_40, %dma_start3A_50] : memref<26x32x100000xf32, #tpu.memory_space<hbm>> -> memref<1x8x3968xf32, #tpu.memory_space<hbm>>
      %dma_start3A_52 = tpu.memref_squeeze %dma_start3A_51 : memref<1x8x3968xf32, #tpu.memory_space<hbm>> -> memref<8x3968xf32, #tpu.memory_space<hbm>>
      tpu.enqueue_dma source(%dma_start3A_52 : memref<8x3968xf32, #tpu.memory_space<hbm>>) target(%dma_start3A_49 : memref<8x3968xf32, #tpu.memory_space<vmem>>) target_semaphore(%arg13 : memref<!tpu.dma_semaphore, #tpu.memory_space<semaphore_mem>>)
      %mul3A_53 = arith.constant 8 : i32
      %mul3A_54 = arith.muli %div3A_15, %mul3A_53 : i32
      %dma_wait3A = arith.constant 0 : i32
      %dma_wait3A_55 = arith.constant 0 : i32
      %dma_wait3A_56 = tpu.memref_slice %arg8[%dma_wait3A, %dma_wait3A_55] : memref<8x4096xf32, #tpu.memory_space<vmem>> -> memref<8x3840xf32, #tpu.memory_space<vmem>>
      %dma_wait3A_57 = arith.constant 92160 : i32
      %dma_wait3A_58 = tpu.memref_slice %arg2[%rem3A_14, %mul3A_54, %dma_wait3A_57] : memref<26x32x100000xf32, #tpu.memory_space<hbm>> -> memref<1x8x3840xf32, #tpu.memory_space<hbm>>
      %dma_wait3A_59 = tpu.memref_squeeze %dma_wait3A_58 : memref<1x8x3840xf32, #tpu.memory_space<hbm>> -> memref<8x3840xf32, #tpu.memory_space<hbm>>
      %dma_wait3A_60 = arith.constant 0 : i32
      %dma_wait3A_61 = arith.constant 0 : i32
      %dma_wait3A_62 = tpu.memref_slice %arg8[%dma_wait3A_60, %dma_wait3A_61] : memref<8x4096xf32, #tpu.memory_space<vmem>> -> memref<8x3840xf32, #tpu.memory_space<vmem>>
      %dma_wait3A_63 = arith.constant 92160 : i32
      %dma_wait3A_64 = tpu.memref_slice %arg2[%rem3A_14, %mul3A_54, %dma_wait3A_63] : memref<26x32x100000xf32, #tpu.memory_space<hbm>> -> memref<1x8x3840xf32, #tpu.memory_space<hbm>>
      %dma_wait3A_65 = tpu.memref_squeeze %dma_wait3A_64 : memref<1x8x3840xf32, #tpu.memory_space<hbm>> -> memref<8x3840xf32, #tpu.memory_space<hbm>>
      tpu.wait_dma2 semaphore(%arg12 : memref<!tpu.dma_semaphore, #tpu.memory_space<semaphore_mem>>) src(%dma_wait3A_65 : memref<8x3840xf32, #tpu.memory_space<hbm>>) dst(%dma_wait3A_62 : memref<8x3840xf32, #tpu.memory_space<vmem>>)
      %get3A = arith.constant 24 : index
      %get3A_66 = tpu.vector_load %arg11[%get3A] {strides = array<i32>} : memref<64xi32, #tpu.memory_space<vmem>>, vector<16xi32>,
      %slice3A = vector.extract_strided_slice %get3A_66 {offsets = [0], sizes = [1], strides = [1]} : vector<16xi32> to vector<1xi32>
      %squeeze3A = vector.extract %slice3A[0] : i32 from vector<1xi32>
      %slice3A_67 = vector.extract_strided_slice %get3A_66 {offsets = [1], sizes = [1], strides = [1]} : vector<16xi32> to vector<1xi32>
      %squeeze3A_68 = vector.extract %slice3A_67[0] : i32 from vector<1xi32>
      %sub3A = arith.subi %squeeze3A_68, %squeeze3A : i32
      %add3A_69 = arith.constant 15 : i32
      %add3A_70 = arith.addi %sub3A, %add3A_69 : i32
      %div3A_71 = arith.constant 16 : i32
      %div3A_72 = arith.divsi %add3A_70, %div3A_71 : i32
      %while3A = arith.constant 0 : i32
      %while3A_73 = arith.constant 0 : i32
      %while3A_74 = arith.subi %div3A_72, %while3A_73 : i32
      %while3A_75 = arith.addi %while3A_73, %while3A_74 : i32
      %while3A_76 = arith.constant 1 : i32
      %while3A_77 = arith.divsi %while3A_74, %while3A_76 : i32
      %while3A_78 = arith.muli %while3A_77, %while3A_76 : i32
      %while3A_79 = arith.addi %while3A_73, %while3A_78 : i32
      %while3A_80 = arith.constant 1 : i32
      scf.for %while3A_254 = %while3A_73 to %while3A_79 step %while3A_80  : i32 {
        %mul3A_255 = arith.constant 16 : i32
        %mul3A_256 = arith.muli %while3A_254, %mul3A_255 : i32
        %add3A_257 = arith.addi %squeeze3A, %mul3A_256 : i32
        %get3A_258 = arith.index_cast %add3A_257 : i32 to index
        %get3A_259 = tpu.vector_load %arg10[%get3A_258] {strides = array<i32>} : memref<4128xi32, #tpu.memory_space<vmem>>, vector<16xi32>,
        %shift_right_logical3A = arith.constant 12 : i32
        %shift_right_logical3A_260 = vector.broadcast %shift_right_logical3A : i32 to vector<16xi32>
        %shift_right_logical3A_261 = arith.shrui %get3A_259, %shift_right_logical3A_260 : vector<16xi32>
        %and3A = arith.constant 4095 : i32
        %and3A_262 = vector.broadcast %and3A : i32 to vector<16xi32>
        %and3A_263 = arith.andi %get3A_259, %and3A_262 : vector<16xi32>
        %iota3A = tpu.iota {dimensions = array<i32: 0>} : vector<16xi32>
        %add3A_264 = vector.broadcast %add3A_257 : i32 to vector<16xi32>
        %add3A_265 = arith.addi %add3A_264, %iota3A : vector<16xi32>
        %lt3A = vector.broadcast %squeeze3A_68 : i32 to vector<16xi32>
        %lt3A_266 = arith.cmpi slt, %add3A_265, %lt3A : vector<16xi32>
        %sub3A_267 = arith.constant 92160 : i32
        %sub3A_268 = vector.broadcast %sub3A_267 : i32 to vector<16xi32>
        %sub3A_269 = arith.subi %shift_right_logical3A_261, %sub3A_268 : vector<16xi32>
        %broadcast_in_dim3A = arith.constant 0 : i32
        %broadcast_in_dim3A_270 = vector.broadcast %broadcast_in_dim3A : i32 to vector<16xi32>
        %gather3A = tpu.vector_load_idx %arg8[%broadcast_in_dim3A_270, %sub3A_269] masked %lt3A_266 : memref<8x4096xf32, #tpu.memory_space<vmem>>[vector<16xi32>, vector<16xi32>], vector<16xf32>, vector<16xi1>
        tpu.vector_store_idx %arg14[%and3A_263], %gather3A masked %lt3A_266 : memref<4096xf32, #tpu.memory_space<vmem>>[vector<16xi32>], vector<16xf32>, vector<16xi1>
        %broadcast_in_dim3A_271 = arith.constant 1 : i32
        %broadcast_in_dim3A_272 = vector.broadcast %broadcast_in_dim3A_271 : i32 to vector<16xi32>
        %gather3A_273 = tpu.vector_load_idx %arg8[%broadcast_in_dim3A_272, %sub3A_269] masked %lt3A_266 : memref<8x4096xf32, #tpu.memory_space<vmem>>[vector<16xi32>, vector<16xi32>], vector<16xf32>, vector<16xi1>
        tpu.vector_store_idx %arg15[%and3A_263], %gather3A_273 masked %lt3A_266 : memref<4096xf32, #tpu.memory_space<vmem>>[vector<16xi32>], vector<16xf32>, vector<16xi1>
        %broadcast_in_dim3A_274 = arith.constant 2 : i32
        %broadcast_in_dim3A_275 = vector.broadcast %broadcast_in_dim3A_274 : i32 to vector<16xi32>
        %gather3A_276 = tpu.vector_load_idx %arg8[%broadcast_in_dim3A_275, %sub3A_269] masked %lt3A_266 : memref<8x4096xf32, #tpu.memory_space<vmem>>[vector<16xi32>, vector<16xi32>], vector<16xf32>, vector<16xi1>
        tpu.vector_store_idx %arg16[%and3A_263], %gather3A_276 masked %lt3A_266 : memref<4096xf32, #tpu.memory_space<vmem>>[vector<16xi32>], vector<16xf32>, vector<16xi1>
        %broadcast_in_dim3A_277 = arith.constant 3 : i32
        %broadcast_in_dim3A_278 = vector.broadcast %broadcast_in_dim3A_277 : i32 to vector<16xi32>
        %gather3A_279 = tpu.vector_load_idx %arg8[%broadcast_in_dim3A_278, %sub3A_269] masked %lt3A_266 : memref<8x4096xf32, #tpu.memory_space<vmem>>[vector<16xi32>, vector<16xi32>], vector<16xf32>, vector<16xi1>
        tpu.vector_store_idx %arg17[%and3A_263], %gather3A_279 masked %lt3A_266 : memref<4096xf32, #tpu.memory_space<vmem>>[vector<16xi32>], vector<16xf32>, vector<16xi1>
        %broadcast_in_dim3A_280 = arith.constant 4 : i32
        %broadcast_in_dim3A_281 = vector.broadcast %broadcast_in_dim3A_280 : i32 to vector<16xi32>
        %gather3A_282 = tpu.vector_load_idx %arg8[%broadcast_in_dim3A_281, %sub3A_269] masked %lt3A_266 : memref<8x4096xf32, #tpu.memory_space<vmem>>[vector<16xi32>, vector<16xi32>], vector<16xf32>, vector<16xi1>
        tpu.vector_store_idx %arg18[%and3A_263], %gather3A_282 masked %lt3A_266 : memref<4096xf32, #tpu.memory_space<vmem>>[vector<16xi32>], vector<16xf32>, vector<16xi1>
        %broadcast_in_dim3A_283 = arith.constant 5 : i32
        %broadcast_in_dim3A_284 = vector.broadcast %broadcast_in_dim3A_283 : i32 to vector<16xi32>
        %gather3A_285 = tpu.vector_load_idx %arg8[%broadcast_in_dim3A_284, %sub3A_269] masked %lt3A_266 : memref<8x4096xf32, #tpu.memory_space<vmem>>[vector<16xi32>, vector<16xi32>], vector<16xf32>, vector<16xi1>
        tpu.vector_store_idx %arg19[%and3A_263], %gather3A_285 masked %lt3A_266 : memref<4096xf32, #tpu.memory_space<vmem>>[vector<16xi32>], vector<16xf32>, vector<16xi1>
        %broadcast_in_dim3A_286 = arith.constant 6 : i32
        %broadcast_in_dim3A_287 = vector.broadcast %broadcast_in_dim3A_286 : i32 to vector<16xi32>
        %gather3A_288 = tpu.vector_load_idx %arg8[%broadcast_in_dim3A_287, %sub3A_269] masked %lt3A_266 : memref<8x4096xf32, #tpu.memory_space<vmem>>[vector<16xi32>, vector<16xi32>], vector<16xf32>, vector<16xi1>
        tpu.vector_store_idx %arg20[%and3A_263], %gather3A_288 masked %lt3A_266 : memref<4096xf32, #tpu.memory_space<vmem>>[vector<16xi32>], vector<16xf32>, vector<16xi1>
        %broadcast_in_dim3A_289 = arith.constant 7 : i32
        %broadcast_in_dim3A_290 = vector.broadcast %broadcast_in_dim3A_289 : i32 to vector<16xi32>
        %gather3A_291 = tpu.vector_load_idx %arg8[%broadcast_in_dim3A_290, %sub3A_269] masked %lt3A_266 : memref<8x4096xf32, #tpu.memory_space<vmem>>[vector<16xi32>, vector<16xi32>], vector<16xf32>, vector<16xi1>
        tpu.vector_store_idx %arg21[%and3A_263], %gather3A_291 masked %lt3A_266 : memref<4096xf32, #tpu.memory_space<vmem>>[vector<16xi32>], vector<16xf32>, vector<16xi1>
      }
      %while3A_81 = arith.constant 1 : i32
      scf.for %while3A_254 = %while3A_79 to %while3A_75 step %while3A_81  : i32 {
        %mul3A_255 = arith.constant 16 : i32
        %mul3A_256 = arith.muli %while3A_254, %mul3A_255 : i32
        %add3A_257 = arith.addi %squeeze3A, %mul3A_256 : i32
        %get3A_258 = arith.index_cast %add3A_257 : i32 to index
        %get3A_259 = tpu.vector_load %arg10[%get3A_258] {strides = array<i32>} : memref<4128xi32, #tpu.memory_space<vmem>>, vector<16xi32>,
        %shift_right_logical3A = arith.constant 12 : i32
        %shift_right_logical3A_260 = vector.broadcast %shift_right_logical3A : i32 to vector<16xi32>
        %shift_right_logical3A_261 = arith.shrui %get3A_259, %shift_right_logical3A_260 : vector<16xi32>
        %and3A = arith.constant 4095 : i32
        %and3A_262 = vector.broadcast %and3A : i32 to vector<16xi32>
        %and3A_263 = arith.andi %get3A_259, %and3A_262 : vector<16xi32>
        %iota3A = tpu.iota {dimensions = array<i32: 0>} : vector<16xi32>
        %add3A_264 = vector.broadcast %add3A_257 : i32 to vector<16xi32>
        %add3A_265 = arith.addi %add3A_264, %iota3A : vector<16xi32>
        %lt3A = vector.broadcast %squeeze3A_68 : i32 to vector<16xi32>
        %lt3A_266 = arith.cmpi slt, %add3A_265, %lt3A : vector<16xi32>
        %sub3A_267 = arith.constant 92160 : i32
        %sub3A_268 = vector.broadcast %sub3A_267 : i32 to vector<16xi32>
        %sub3A_269 = arith.subi %shift_right_logical3A_261, %sub3A_268 : vector<16xi32>
        %broadcast_in_dim3A = arith.constant 0 : i32
        %broadcast_in_dim3A_270 = vector.broadcast %broadcast_in_dim3A : i32 to vector<16xi32>
        %gather3A = tpu.vector_load_idx %arg8[%broadcast_in_dim3A_270, %sub3A_269] masked %lt3A_266 : memref<8x4096xf32, #tpu.memory_space<vmem>>[vector<16xi32>, vector<16xi32>], vector<16xf32>, vector<16xi1>
        tpu.vector_store_idx %arg14[%and3A_263], %gather3A masked %lt3A_266 : memref<4096xf32, #tpu.memory_space<vmem>>[vector<16xi32>], vector<16xf32>, vector<16xi1>
        %broadcast_in_dim3A_271 = arith.constant 1 : i32
        %broadcast_in_dim3A_272 = vector.broadcast %broadcast_in_dim3A_271 : i32 to vector<16xi32>
        %gather3A_273 = tpu.vector_load_idx %arg8[%broadcast_in_dim3A_272, %sub3A_269] masked %lt3A_266 : memref<8x4096xf32, #tpu.memory_space<vmem>>[vector<16xi32>, vector<16xi32>], vector<16xf32>, vector<16xi1>
        tpu.vector_store_idx %arg15[%and3A_263], %gather3A_273 masked %lt3A_266 : memref<4096xf32, #tpu.memory_space<vmem>>[vector<16xi32>], vector<16xf32>, vector<16xi1>
        %broadcast_in_dim3A_274 = arith.constant 2 : i32
        %broadcast_in_dim3A_275 = vector.broadcast %broadcast_in_dim3A_274 : i32 to vector<16xi32>
        %gather3A_276 = tpu.vector_load_idx %arg8[%broadcast_in_dim3A_275, %sub3A_269] masked %lt3A_266 : memref<8x4096xf32, #tpu.memory_space<vmem>>[vector<16xi32>, vector<16xi32>], vector<16xf32>, vector<16xi1>
        tpu.vector_store_idx %arg16[%and3A_263], %gather3A_276 masked %lt3A_266 : memref<4096xf32, #tpu.memory_space<vmem>>[vector<16xi32>], vector<16xf32>, vector<16xi1>
        %broadcast_in_dim3A_277 = arith.constant 3 : i32
        %broadcast_in_dim3A_278 = vector.broadcast %broadcast_in_dim3A_277 : i32 to vector<16xi32>
        %gather3A_279 = tpu.vector_load_idx %arg8[%broadcast_in_dim3A_278, %sub3A_269] masked %lt3A_266 : memref<8x4096xf32, #tpu.memory_space<vmem>>[vector<16xi32>, vector<16xi32>], vector<16xf32>, vector<16xi1>
        tpu.vector_store_idx %arg17[%and3A_263], %gather3A_279 masked %lt3A_266 : memref<4096xf32, #tpu.memory_space<vmem>>[vector<16xi32>], vector<16xf32>, vector<16xi1>
        %broadcast_in_dim3A_280 = arith.constant 4 : i32
        %broadcast_in_dim3A_281 = vector.broadcast %broadcast_in_dim3A_280 : i32 to vector<16xi32>
        %gather3A_282 = tpu.vector_load_idx %arg8[%broadcast_in_dim3A_281, %sub3A_269] masked %lt3A_266 : memref<8x4096xf32, #tpu.memory_space<vmem>>[vector<16xi32>, vector<16xi32>], vector<16xf32>, vector<16xi1>
        tpu.vector_store_idx %arg18[%and3A_263], %gather3A_282 masked %lt3A_266 : memref<4096xf32, #tpu.memory_space<vmem>>[vector<16xi32>], vector<16xf32>, vector<16xi1>
        %broadcast_in_dim3A_283 = arith.constant 5 : i32
        %broadcast_in_dim3A_284 = vector.broadcast %broadcast_in_dim3A_283 : i32 to vector<16xi32>
        %gather3A_285 = tpu.vector_load_idx %arg8[%broadcast_in_dim3A_284, %sub3A_269] masked %lt3A_266 : memref<8x4096xf32, #tpu.memory_space<vmem>>[vector<16xi32>, vector<16xi32>], vector<16xf32>, vector<16xi1>
        tpu.vector_store_idx %arg19[%and3A_263], %gather3A_285 masked %lt3A_266 : memref<4096xf32, #tpu.memory_space<vmem>>[vector<16xi32>], vector<16xf32>, vector<16xi1>
        %broadcast_in_dim3A_286 = arith.constant 6 : i32
        %broadcast_in_dim3A_287 = vector.broadcast %broadcast_in_dim3A_286 : i32 to vector<16xi32>
        %gather3A_288 = tpu.vector_load_idx %arg8[%broadcast_in_dim3A_287, %sub3A_269] masked %lt3A_266 : memref<8x4096xf32, #tpu.memory_space<vmem>>[vector<16xi32>, vector<16xi32>], vector<16xf32>, vector<16xi1>
        tpu.vector_store_idx %arg20[%and3A_263], %gather3A_288 masked %lt3A_266 : memref<4096xf32, #tpu.memory_space<vmem>>[vector<16xi32>], vector<16xf32>, vector<16xi1>
        %broadcast_in_dim3A_289 = arith.constant 7 : i32
        %broadcast_in_dim3A_290 = vector.broadcast %broadcast_in_dim3A_289 : i32 to vector<16xi32>
        %gather3A_291 = tpu.vector_load_idx %arg8[%broadcast_in_dim3A_290, %sub3A_269] masked %lt3A_266 : memref<8x4096xf32, #tpu.memory_space<vmem>>[vector<16xi32>, vector<16xi32>], vector<16xf32>, vector<16xi1>
        tpu.vector_store_idx %arg21[%and3A_263], %gather3A_291 masked %lt3A_266 : memref<4096xf32, #tpu.memory_space<vmem>>[vector<16xi32>], vector<16xf32>, vector<16xi1>
      }
      %mul3A_82 = arith.constant 8 : i32
      %mul3A_83 = arith.muli %div3A_15, %mul3A_82 : i32
      %dma_start3A_84 = arith.constant 0 : i32
      %dma_start3A_85 = arith.constant 0 : i32
      %dma_start3A_86 = tpu.memref_slice %arg8[%dma_start3A_84, %dma_start3A_85] : memref<8x4096xf32, #tpu.memory_space<vmem>> -> memref<8x128xf32, #tpu.memory_space<vmem>>
      %dma_start3A_87 = arith.constant 0 : i32
      %dma_start3A_88 = tpu.memref_slice %arg3[%rem3A_14, %mul3A_83, %dma_start3A_87] : memref<26x32x128xf32, #tpu.memory_space<hbm>> -> memref<1x8x128xf32, #tpu.memory_space<hbm>>
      %dma_start3A_89 = tpu.memref_squeeze %dma_start3A_88 : memref<1x8x128xf32, #tpu.memory_space<hbm>> -> memref<8x128xf32, #tpu.memory_space<hbm>>
      %dma_start3A_90 = arith.constant 0 : i32
      %dma_start3A_91 = arith.constant 0 : i32
      %dma_start3A_92 = tpu.memref_slice %arg8[%dma_start3A_90, %dma_start3A_91] : memref<8x4096xf32, #tpu.memory_space<vmem>> -> memref<8x128xf32, #tpu.memory_space<vmem>>
      %dma_start3A_93 = arith.constant 0 : i32
      %dma_start3A_94 = tpu.memref_slice %arg3[%rem3A_14, %mul3A_83, %dma_start3A_93] : memref<26x32x128xf32, #tpu.memory_space<hbm>> -> memref<1x8x128xf32, #tpu.memory_space<hbm>>
      %dma_start3A_95 = tpu.memref_squeeze %dma_start3A_94 : memref<1x8x128xf32, #tpu.memory_space<hbm>> -> memref<8x128xf32, #tpu.memory_space<hbm>>
      tpu.enqueue_dma source(%dma_start3A_95 : memref<8x128xf32, #tpu.memory_space<hbm>>) target(%dma_start3A_92 : memref<8x128xf32, #tpu.memory_space<vmem>>) target_semaphore(%arg12 : memref<!tpu.dma_semaphore, #tpu.memory_space<semaphore_mem>>)
      %mul3A_96 = arith.constant 8 : i32
      %mul3A_97 = arith.muli %div3A_15, %mul3A_96 : i32
      %dma_wait3A_98 = arith.constant 0 : i32
      %dma_wait3A_99 = arith.constant 0 : i32
      %dma_wait3A_100 = tpu.memref_slice %arg9[%dma_wait3A_98, %dma_wait3A_99] : memref<8x4096xf32, #tpu.memory_space<vmem>> -> memref<8x3968xf32, #tpu.memory_space<vmem>>
      %dma_wait3A_101 = arith.constant 96000 : i32
      %dma_wait3A_102 = tpu.memref_slice %arg2[%rem3A_14, %mul3A_97, %dma_wait3A_101] : memref<26x32x100000xf32, #tpu.memory_space<hbm>> -> memref<1x8x3968xf32, #tpu.memory_space<hbm>>
      %dma_wait3A_103 = tpu.memref_squeeze %dma_wait3A_102 : memref<1x8x3968xf32, #tpu.memory_space<hbm>> -> memref<8x3968xf32, #tpu.memory_space<hbm>>
      %dma_wait3A_104 = arith.constant 0 : i32
      %dma_wait3A_105 = arith.constant 0 : i32
      %dma_wait3A_106 = tpu.memref_slice %arg9[%dma_wait3A_104, %dma_wait3A_105] : memref<8x4096xf32, #tpu.memory_space<vmem>> -> memref<8x3968xf32, #tpu.memory_space<vmem>>
      %dma_wait3A_107 = arith.constant 96000 : i32
      %dma_wait3A_108 = tpu.memref_slice %arg2[%rem3A_14, %mul3A_97, %dma_wait3A_107] : memref<26x32x100000xf32, #tpu.memory_space<hbm>> -> memref<1x8x3968xf32, #tpu.memory_space<hbm>>
      %dma_wait3A_109 = tpu.memref_squeeze %dma_wait3A_108 : memref<1x8x3968xf32, #tpu.memory_space<hbm>> -> memref<8x3968xf32, #tpu.memory_space<hbm>>
      tpu.wait_dma2 semaphore(%arg13 : memref<!tpu.dma_semaphore, #tpu.memory_space<semaphore_mem>>) src(%dma_wait3A_109 : memref<8x3968xf32, #tpu.memory_space<hbm>>) dst(%dma_wait3A_106 : memref<8x3968xf32, #tpu.memory_space<vmem>>)
      %get3A_110 = arith.constant 25 : index
      %get3A_111 = tpu.vector_load %arg11[%get3A_110] {strides = array<i32>} : memref<64xi32, #tpu.memory_space<vmem>>, vector<16xi32>,
      %slice3A_112 = vector.extract_strided_slice %get3A_111 {offsets = [0], sizes = [1], strides = [1]} : vector<16xi32> to vector<1xi32>
      %squeeze3A_113 = vector.extract %slice3A_112[0] : i32 from vector<1xi32>
      %slice3A_114 = vector.extract_strided_slice %get3A_111 {offsets = [1], sizes = [1], strides = [1]} : vector<16xi32> to vector<1xi32>
      %squeeze3A_115 = vector.extract %slice3A_114[0] : i32 from vector<1xi32>
      %sub3A_116 = arith.subi %squeeze3A_115, %squeeze3A_113 : i32
      %add3A_117 = arith.constant 15 : i32
      %add3A_118 = arith.addi %sub3A_116, %add3A_117 : i32
      %div3A_119 = arith.constant 16 : i32
      %div3A_120 = arith.divsi %add3A_118, %div3A_119 : i32
      %while3A_121 = arith.constant 0 : i32
      %while3A_122 = arith.constant 0 : i32
      %while3A_123 = arith.subi %div3A_120, %while3A_122 : i32
      %while3A_124 = arith.addi %while3A_122, %while3A_123 : i32
      %while3A_125 = arith.constant 1 : i32
      %while3A_126 = arith.divsi %while3A_123, %while3A_125 : i32
      %while3A_127 = arith.muli %while3A_126, %while3A_125 : i32
      %while3A_128 = arith.addi %while3A_122, %while3A_127 : i32
      %while3A_129 = arith.constant 1 : i32
      scf.for %while3A_254 = %while3A_122 to %while3A_128 step %while3A_129  : i32 {
        %mul3A_255 = arith.constant 16 : i32
        %mul3A_256 = arith.muli %while3A_254, %mul3A_255 : i32
        %add3A_257 = arith.addi %squeeze3A_113, %mul3A_256 : i32
        %get3A_258 = arith.index_cast %add3A_257 : i32 to index
        %get3A_259 = tpu.vector_load %arg10[%get3A_258] {strides = array<i32>} : memref<4128xi32, #tpu.memory_space<vmem>>, vector<16xi32>,
        %shift_right_logical3A = arith.constant 12 : i32
        %shift_right_logical3A_260 = vector.broadcast %shift_right_logical3A : i32 to vector<16xi32>
        %shift_right_logical3A_261 = arith.shrui %get3A_259, %shift_right_logical3A_260 : vector<16xi32>
        %and3A = arith.constant 4095 : i32
        %and3A_262 = vector.broadcast %and3A : i32 to vector<16xi32>
        %and3A_263 = arith.andi %get3A_259, %and3A_262 : vector<16xi32>
        %iota3A = tpu.iota {dimensions = array<i32: 0>} : vector<16xi32>
        %add3A_264 = vector.broadcast %add3A_257 : i32 to vector<16xi32>
        %add3A_265 = arith.addi %add3A_264, %iota3A : vector<16xi32>
        %lt3A = vector.broadcast %squeeze3A_115 : i32 to vector<16xi32>
        %lt3A_266 = arith.cmpi slt, %add3A_265, %lt3A : vector<16xi32>
        %sub3A_267 = arith.constant 96000 : i32
        %sub3A_268 = vector.broadcast %sub3A_267 : i32 to vector<16xi32>
        %sub3A_269 = arith.subi %shift_right_logical3A_261, %sub3A_268 : vector<16xi32>
        %broadcast_in_dim3A = arith.constant 0 : i32
        %broadcast_in_dim3A_270 = vector.broadcast %broadcast_in_dim3A : i32 to vector<16xi32>
        %gather3A = tpu.vector_load_idx %arg9[%broadcast_in_dim3A_270, %sub3A_269] masked %lt3A_266 : memref<8x4096xf32, #tpu.memory_space<vmem>>[vector<16xi32>, vector<16xi32>], vector<16xf32>, vector<16xi1>
        tpu.vector_store_idx %arg14[%and3A_263], %gather3A masked %lt3A_266 : memref<4096xf32, #tpu.memory_space<vmem>>[vector<16xi32>], vector<16xf32>, vector<16xi1>
        %broadcast_in_dim3A_271 = arith.constant 1 : i32
        %broadcast_in_dim3A_272 = vector.broadcast %broadcast_in_dim3A_271 : i32 to vector<16xi32>
        %gather3A_273 = tpu.vector_load_idx %arg9[%broadcast_in_dim3A_272, %sub3A_269] masked %lt3A_266 : memref<8x4096xf32, #tpu.memory_space<vmem>>[vector<16xi32>, vector<16xi32>], vector<16xf32>, vector<16xi1>
        tpu.vector_store_idx %arg15[%and3A_263], %gather3A_273 masked %lt3A_266 : memref<4096xf32, #tpu.memory_space<vmem>>[vector<16xi32>], vector<16xf32>, vector<16xi1>
        %broadcast_in_dim3A_274 = arith.constant 2 : i32
        %broadcast_in_dim3A_275 = vector.broadcast %broadcast_in_dim3A_274 : i32 to vector<16xi32>
        %gather3A_276 = tpu.vector_load_idx %arg9[%broadcast_in_dim3A_275, %sub3A_269] masked %lt3A_266 : memref<8x4096xf32, #tpu.memory_space<vmem>>[vector<16xi32>, vector<16xi32>], vector<16xf32>, vector<16xi1>
        tpu.vector_store_idx %arg16[%and3A_263], %gather3A_276 masked %lt3A_266 : memref<4096xf32, #tpu.memory_space<vmem>>[vector<16xi32>], vector<16xf32>, vector<16xi1>
        %broadcast_in_dim3A_277 = arith.constant 3 : i32
        %broadcast_in_dim3A_278 = vector.broadcast %broadcast_in_dim3A_277 : i32 to vector<16xi32>
        %gather3A_279 = tpu.vector_load_idx %arg9[%broadcast_in_dim3A_278, %sub3A_269] masked %lt3A_266 : memref<8x4096xf32, #tpu.memory_space<vmem>>[vector<16xi32>, vector<16xi32>], vector<16xf32>, vector<16xi1>
        tpu.vector_store_idx %arg17[%and3A_263], %gather3A_279 masked %lt3A_266 : memref<4096xf32, #tpu.memory_space<vmem>>[vector<16xi32>], vector<16xf32>, vector<16xi1>
        %broadcast_in_dim3A_280 = arith.constant 4 : i32
        %broadcast_in_dim3A_281 = vector.broadcast %broadcast_in_dim3A_280 : i32 to vector<16xi32>
        %gather3A_282 = tpu.vector_load_idx %arg9[%broadcast_in_dim3A_281, %sub3A_269] masked %lt3A_266 : memref<8x4096xf32, #tpu.memory_space<vmem>>[vector<16xi32>, vector<16xi32>], vector<16xf32>, vector<16xi1>
        tpu.vector_store_idx %arg18[%and3A_263], %gather3A_282 masked %lt3A_266 : memref<4096xf32, #tpu.memory_space<vmem>>[vector<16xi32>], vector<16xf32>, vector<16xi1>
        %broadcast_in_dim3A_283 = arith.constant 5 : i32
        %broadcast_in_dim3A_284 = vector.broadcast %broadcast_in_dim3A_283 : i32 to vector<16xi32>
        %gather3A_285 = tpu.vector_load_idx %arg9[%broadcast_in_dim3A_284, %sub3A_269] masked %lt3A_266 : memref<8x4096xf32, #tpu.memory_space<vmem>>[vector<16xi32>, vector<16xi32>], vector<16xf32>, vector<16xi1>
        tpu.vector_store_idx %arg19[%and3A_263], %gather3A_285 masked %lt3A_266 : memref<4096xf32, #tpu.memory_space<vmem>>[vector<16xi32>], vector<16xf32>, vector<16xi1>
        %broadcast_in_dim3A_286 = arith.constant 6 : i32
        %broadcast_in_dim3A_287 = vector.broadcast %broadcast_in_dim3A_286 : i32 to vector<16xi32>
        %gather3A_288 = tpu.vector_load_idx %arg9[%broadcast_in_dim3A_287, %sub3A_269] masked %lt3A_266 : memref<8x4096xf32, #tpu.memory_space<vmem>>[vector<16xi32>, vector<16xi32>], vector<16xf32>, vector<16xi1>
        tpu.vector_store_idx %arg20[%and3A_263], %gather3A_288 masked %lt3A_266 : memref<4096xf32, #tpu.memory_space<vmem>>[vector<16xi32>], vector<16xf32>, vector<16xi1>
        %broadcast_in_dim3A_289 = arith.constant 7 : i32
        %broadcast_in_dim3A_290 = vector.broadcast %broadcast_in_dim3A_289 : i32 to vector<16xi32>
        %gather3A_291 = tpu.vector_load_idx %arg9[%broadcast_in_dim3A_290, %sub3A_269] masked %lt3A_266 : memref<8x4096xf32, #tpu.memory_space<vmem>>[vector<16xi32>, vector<16xi32>], vector<16xf32>, vector<16xi1>
        tpu.vector_store_idx %arg21[%and3A_263], %gather3A_291 masked %lt3A_266 : memref<4096xf32, #tpu.memory_space<vmem>>[vector<16xi32>], vector<16xf32>, vector<16xi1>
      }
      %while3A_130 = arith.constant 1 : i32
      scf.for %while3A_254 = %while3A_128 to %while3A_124 step %while3A_130  : i32 {
        %mul3A_255 = arith.constant 16 : i32
        %mul3A_256 = arith.muli %while3A_254, %mul3A_255 : i32
        %add3A_257 = arith.addi %squeeze3A_113, %mul3A_256 : i32
        %get3A_258 = arith.index_cast %add3A_257 : i32 to index
        %get3A_259 = tpu.vector_load %arg10[%get3A_258] {strides = array<i32>} : memref<4128xi32, #tpu.memory_space<vmem>>, vector<16xi32>,
        %shift_right_logical3A = arith.constant 12 : i32
        %shift_right_logical3A_260 = vector.broadcast %shift_right_logical3A : i32 to vector<16xi32>
        %shift_right_logical3A_261 = arith.shrui %get3A_259, %shift_right_logical3A_260 : vector<16xi32>
        %and3A = arith.constant 4095 : i32
        %and3A_262 = vector.broadcast %and3A : i32 to vector<16xi32>
        %and3A_263 = arith.andi %get3A_259, %and3A_262 : vector<16xi32>
        %iota3A = tpu.iota {dimensions = array<i32: 0>} : vector<16xi32>
        %add3A_264 = vector.broadcast %add3A_257 : i32 to vector<16xi32>
        %add3A_265 = arith.addi %add3A_264, %iota3A : vector<16xi32>
        %lt3A = vector.broadcast %squeeze3A_115 : i32 to vector<16xi32>
        %lt3A_266 = arith.cmpi slt, %add3A_265, %lt3A : vector<16xi32>
        %sub3A_267 = arith.constant 96000 : i32
        %sub3A_268 = vector.broadcast %sub3A_267 : i32 to vector<16xi32>
        %sub3A_269 = arith.subi %shift_right_logical3A_261, %sub3A_268 : vector<16xi32>
        %broadcast_in_dim3A = arith.constant 0 : i32
        %broadcast_in_dim3A_270 = vector.broadcast %broadcast_in_dim3A : i32 to vector<16xi32>
        %gather3A = tpu.vector_load_idx %arg9[%broadcast_in_dim3A_270, %sub3A_269] masked %lt3A_266 : memref<8x4096xf32, #tpu.memory_space<vmem>>[vector<16xi32>, vector<16xi32>], vector<16xf32>, vector<16xi1>
        tpu.vector_store_idx %arg14[%and3A_263], %gather3A masked %lt3A_266 : memref<4096xf32, #tpu.memory_space<vmem>>[vector<16xi32>], vector<16xf32>, vector<16xi1>
        %broadcast_in_dim3A_271 = arith.constant 1 : i32
        %broadcast_in_dim3A_272 = vector.broadcast %broadcast_in_dim3A_271 : i32 to vector<16xi32>
        %gather3A_273 = tpu.vector_load_idx %arg9[%broadcast_in_dim3A_272, %sub3A_269] masked %lt3A_266 : memref<8x4096xf32, #tpu.memory_space<vmem>>[vector<16xi32>, vector<16xi32>], vector<16xf32>, vector<16xi1>
        tpu.vector_store_idx %arg15[%and3A_263], %gather3A_273 masked %lt3A_266 : memref<4096xf32, #tpu.memory_space<vmem>>[vector<16xi32>], vector<16xf32>, vector<16xi1>
        %broadcast_in_dim3A_274 = arith.constant 2 : i32
        %broadcast_in_dim3A_275 = vector.broadcast %broadcast_in_dim3A_274 : i32 to vector<16xi32>
        %gather3A_276 = tpu.vector_load_idx %arg9[%broadcast_in_dim3A_275, %sub3A_269] masked %lt3A_266 : memref<8x4096xf32, #tpu.memory_space<vmem>>[vector<16xi32>, vector<16xi32>], vector<16xf32>, vector<16xi1>
        tpu.vector_store_idx %arg16[%and3A_263], %gather3A_276 masked %lt3A_266 : memref<4096xf32, #tpu.memory_space<vmem>>[vector<16xi32>], vector<16xf32>, vector<16xi1>
        %broadcast_in_dim3A_277 = arith.constant 3 : i32
        %broadcast_in_dim3A_278 = vector.broadcast %broadcast_in_dim3A_277 : i32 to vector<16xi32>
        %gather3A_279 = tpu.vector_load_idx %arg9[%broadcast_in_dim3A_278, %sub3A_269] masked %lt3A_266 : memref<8x4096xf32, #tpu.memory_space<vmem>>[vector<16xi32>, vector<16xi32>], vector<16xf32>, vector<16xi1>
        tpu.vector_store_idx %arg17[%and3A_263], %gather3A_279 masked %lt3A_266 : memref<4096xf32, #tpu.memory_space<vmem>>[vector<16xi32>], vector<16xf32>, vector<16xi1>
        %broadcast_in_dim3A_280 = arith.constant 4 : i32
        %broadcast_in_dim3A_281 = vector.broadcast %broadcast_in_dim3A_280 : i32 to vector<16xi32>
        %gather3A_282 = tpu.vector_load_idx %arg9[%broadcast_in_dim3A_281, %sub3A_269] masked %lt3A_266 : memref<8x4096xf32, #tpu.memory_space<vmem>>[vector<16xi32>, vector<16xi32>], vector<16xf32>, vector<16xi1>
        tpu.vector_store_idx %arg18[%and3A_263], %gather3A_282 masked %lt3A_266 : memref<4096xf32, #tpu.memory_space<vmem>>[vector<16xi32>], vector<16xf32>, vector<16xi1>
        %broadcast_in_dim3A_283 = arith.constant 5 : i32
        %broadcast_in_dim3A_284 = vector.broadcast %broadcast_in_dim3A_283 : i32 to vector<16xi32>
        %gather3A_285 = tpu.vector_load_idx %arg9[%broadcast_in_dim3A_284, %sub3A_269] masked %lt3A_266 : memref<8x4096xf32, #tpu.memory_space<vmem>>[vector<16xi32>, vector<16xi32>], vector<16xf32>, vector<16xi1>
        tpu.vector_store_idx %arg19[%and3A_263], %gather3A_285 masked %lt3A_266 : memref<4096xf32, #tpu.memory_space<vmem>>[vector<16xi32>], vector<16xf32>, vector<16xi1>
        %broadcast_in_dim3A_286 = arith.constant 6 : i32
        %broadcast_in_dim3A_287 = vector.broadcast %broadcast_in_dim3A_286 : i32 to vector<16xi32>
        %gather3A_288 = tpu.vector_load_idx %arg9[%broadcast_in_dim3A_287, %sub3A_269] masked %lt3A_266 : memref<8x4096xf32, #tpu.memory_space<vmem>>[vector<16xi32>, vector<16xi32>], vector<16xf32>, vector<16xi1>
        tpu.vector_store_idx %arg20[%and3A_263], %gather3A_288 masked %lt3A_266 : memref<4096xf32, #tpu.memory_space<vmem>>[vector<16xi32>], vector<16xf32>, vector<16xi1>
        %broadcast_in_dim3A_289 = arith.constant 7 : i32
        %broadcast_in_dim3A_290 = vector.broadcast %broadcast_in_dim3A_289 : i32 to vector<16xi32>
        %gather3A_291 = tpu.vector_load_idx %arg9[%broadcast_in_dim3A_290, %sub3A_269] masked %lt3A_266 : memref<8x4096xf32, #tpu.memory_space<vmem>>[vector<16xi32>, vector<16xi32>], vector<16xf32>, vector<16xi1>
        tpu.vector_store_idx %arg21[%and3A_263], %gather3A_291 masked %lt3A_266 : memref<4096xf32, #tpu.memory_space<vmem>>[vector<16xi32>], vector<16xf32>, vector<16xi1>
      }
      %mul3A_131 = arith.constant 8 : i32
      %mul3A_132 = arith.muli %div3A_15, %mul3A_131 : i32
      %dma_wait3A_133 = arith.constant 0 : i32
      %dma_wait3A_134 = arith.constant 0 : i32
      %dma_wait3A_135 = tpu.memref_slice %arg8[%dma_wait3A_133, %dma_wait3A_134] : memref<8x4096xf32, #tpu.memory_space<vmem>> -> memref<8x128xf32, #tpu.memory_space<vmem>>
      %dma_wait3A_136 = arith.constant 0 : i32
      %dma_wait3A_137 = tpu.memref_slice %arg3[%rem3A_14, %mul3A_132, %dma_wait3A_136] : memref<26x32x128xf32, #tpu.memory_space<hbm>> -> memref<1x8x128xf32, #tpu.memory_space<hbm>>
      %dma_wait3A_138 = tpu.memref_squeeze %dma_wait3A_137 : memref<1x8x128xf32, #tpu.memory_space<hbm>> -> memref<8x128xf32, #tpu.memory_space<hbm>>
      %dma_wait3A_139 = arith.constant 0 : i32
      %dma_wait3A_140 = arith.constant 0 : i32
      %dma_wait3A_141 = tpu.memref_slice %arg8[%dma_wait3A_139, %dma_wait3A_140] : memref<8x4096xf32, #tpu.memory_space<vmem>> -> memref<8x128xf32, #tpu.memory_space<vmem>>
      %dma_wait3A_142 = arith.constant 0 : i32
      %dma_wait3A_143 = tpu.memref_slice %arg3[%rem3A_14, %mul3A_132, %dma_wait3A_142] : memref<26x32x128xf32, #tpu.memory_space<hbm>> -> memref<1x8x128xf32, #tpu.memory_space<hbm>>
      %dma_wait3A_144 = tpu.memref_squeeze %dma_wait3A_143 : memref<1x8x128xf32, #tpu.memory_space<hbm>> -> memref<8x128xf32, #tpu.memory_space<hbm>>
      tpu.wait_dma2 semaphore(%arg12 : memref<!tpu.dma_semaphore, #tpu.memory_space<semaphore_mem>>) src(%dma_wait3A_144 : memref<8x128xf32, #tpu.memory_space<hbm>>) dst(%dma_wait3A_141 : memref<8x128xf32, #tpu.memory_space<vmem>>)
      %get3A_145 = arith.constant 26 : index
      %get3A_146 = tpu.vector_load %arg11[%get3A_145] {strides = array<i32>} : memref<64xi32, #tpu.memory_space<vmem>>, vector<16xi32>,
      %slice3A_147 = vector.extract_strided_slice %get3A_146 {offsets = [0], sizes = [1], strides = [1]} : vector<16xi32> to vector<1xi32>
      %squeeze3A_148 = vector.extract %slice3A_147[0] : i32 from vector<1xi32>
      %slice3A_149 = vector.extract_strided_slice %get3A_146 {offsets = [1], sizes = [1], strides = [1]} : vector<16xi32> to vector<1xi32>
      %squeeze3A_150 = vector.extract %slice3A_149[0] : i32 from vector<1xi32>
      %sub3A_151 = arith.subi %squeeze3A_150, %squeeze3A_148 : i32
      %add3A_152 = arith.constant 15 : i32
      %add3A_153 = arith.addi %sub3A_151, %add3A_152 : i32
      %div3A_154 = arith.constant 16 : i32
      %div3A_155 = arith.divsi %add3A_153, %div3A_154 : i32
      %while3A_156 = arith.constant 0 : i32
      %while3A_157 = arith.constant 0 : i32
      %while3A_158 = arith.subi %div3A_155, %while3A_157 : i32
      %while3A_159 = arith.addi %while3A_157, %while3A_158 : i32
      %while3A_160 = arith.constant 1 : i32
      %while3A_161 = arith.divsi %while3A_158, %while3A_160 : i32
      %while3A_162 = arith.muli %while3A_161, %while3A_160 : i32
      %while3A_163 = arith.addi %while3A_157, %while3A_162 : i32
      %while3A_164 = arith.constant 1 : i32
      scf.for %while3A_254 = %while3A_157 to %while3A_163 step %while3A_164  : i32 {
        %mul3A_255 = arith.constant 16 : i32
        %mul3A_256 = arith.muli %while3A_254, %mul3A_255 : i32
        %add3A_257 = arith.addi %squeeze3A_148, %mul3A_256 : i32
        %get3A_258 = arith.index_cast %add3A_257 : i32 to index
        %get3A_259 = tpu.vector_load %arg10[%get3A_258] {strides = array<i32>} : memref<4128xi32, #tpu.memory_space<vmem>>, vector<16xi32>,
        %shift_right_logical3A = arith.constant 12 : i32
        %shift_right_logical3A_260 = vector.broadcast %shift_right_logical3A : i32 to vector<16xi32>
        %shift_right_logical3A_261 = arith.shrui %get3A_259, %shift_right_logical3A_260 : vector<16xi32>
        %and3A = arith.constant 4095 : i32
        %and3A_262 = vector.broadcast %and3A : i32 to vector<16xi32>
        %and3A_263 = arith.andi %get3A_259, %and3A_262 : vector<16xi32>
        %iota3A = tpu.iota {dimensions = array<i32: 0>} : vector<16xi32>
        %add3A_264 = vector.broadcast %add3A_257 : i32 to vector<16xi32>
        %add3A_265 = arith.addi %add3A_264, %iota3A : vector<16xi32>
        %lt3A = vector.broadcast %squeeze3A_150 : i32 to vector<16xi32>
        %lt3A_266 = arith.cmpi slt, %add3A_265, %lt3A : vector<16xi32>
        %sub3A_267 = arith.constant 99968 : i32
        %sub3A_268 = vector.broadcast %sub3A_267 : i32 to vector<16xi32>
        %sub3A_269 = arith.subi %shift_right_logical3A_261, %sub3A_268 : vector<16xi32>
        %broadcast_in_dim3A = arith.constant 0 : i32
        %broadcast_in_dim3A_270 = vector.broadcast %broadcast_in_dim3A : i32 to vector<16xi32>
        %gather3A = tpu.vector_load_idx %arg8[%broadcast_in_dim3A_270, %sub3A_269] masked %lt3A_266 : memref<8x4096xf32, #tpu.memory_space<vmem>>[vector<16xi32>, vector<16xi32>], vector<16xf32>, vector<16xi1>
        tpu.vector_store_idx %arg14[%and3A_263], %gather3A masked %lt3A_266 : memref<4096xf32, #tpu.memory_space<vmem>>[vector<16xi32>], vector<16xf32>, vector<16xi1>
        %broadcast_in_dim3A_271 = arith.constant 1 : i32
        %broadcast_in_dim3A_272 = vector.broadcast %broadcast_in_dim3A_271 : i32 to vector<16xi32>
        %gather3A_273 = tpu.vector_load_idx %arg8[%broadcast_in_dim3A_272, %sub3A_269] masked %lt3A_266 : memref<8x4096xf32, #tpu.memory_space<vmem>>[vector<16xi32>, vector<16xi32>], vector<16xf32>, vector<16xi1>
        tpu.vector_store_idx %arg15[%and3A_263], %gather3A_273 masked %lt3A_266 : memref<4096xf32, #tpu.memory_space<vmem>>[vector<16xi32>], vector<16xf32>, vector<16xi1>
        %broadcast_in_dim3A_274 = arith.constant 2 : i32
        %broadcast_in_dim3A_275 = vector.broadcast %broadcast_in_dim3A_274 : i32 to vector<16xi32>
        %gather3A_276 = tpu.vector_load_idx %arg8[%broadcast_in_dim3A_275, %sub3A_269] masked %lt3A_266 : memref<8x4096xf32, #tpu.memory_space<vmem>>[vector<16xi32>, vector<16xi32>], vector<16xf32>, vector<16xi1>
        tpu.vector_store_idx %arg16[%and3A_263], %gather3A_276 masked %lt3A_266 : memref<4096xf32, #tpu.memory_space<vmem>>[vector<16xi32>], vector<16xf32>, vector<16xi1>
        %broadcast_in_dim3A_277 = arith.constant 3 : i32
        %broadcast_in_dim3A_278 = vector.broadcast %broadcast_in_dim3A_277 : i32 to vector<16xi32>
        %gather3A_279 = tpu.vector_load_idx %arg8[%broadcast_in_dim3A_278, %sub3A_269] masked %lt3A_266 : memref<8x4096xf32, #tpu.memory_space<vmem>>[vector<16xi32>, vector<16xi32>], vector<16xf32>, vector<16xi1>
        tpu.vector_store_idx %arg17[%and3A_263], %gather3A_279 masked %lt3A_266 : memref<4096xf32, #tpu.memory_space<vmem>>[vector<16xi32>], vector<16xf32>, vector<16xi1>
        %broadcast_in_dim3A_280 = arith.constant 4 : i32
        %broadcast_in_dim3A_281 = vector.broadcast %broadcast_in_dim3A_280 : i32 to vector<16xi32>
        %gather3A_282 = tpu.vector_load_idx %arg8[%broadcast_in_dim3A_281, %sub3A_269] masked %lt3A_266 : memref<8x4096xf32, #tpu.memory_space<vmem>>[vector<16xi32>, vector<16xi32>], vector<16xf32>, vector<16xi1>
        tpu.vector_store_idx %arg18[%and3A_263], %gather3A_282 masked %lt3A_266 : memref<4096xf32, #tpu.memory_space<vmem>>[vector<16xi32>], vector<16xf32>, vector<16xi1>
        %broadcast_in_dim3A_283 = arith.constant 5 : i32
        %broadcast_in_dim3A_284 = vector.broadcast %broadcast_in_dim3A_283 : i32 to vector<16xi32>
        %gather3A_285 = tpu.vector_load_idx %arg8[%broadcast_in_dim3A_284, %sub3A_269] masked %lt3A_266 : memref<8x4096xf32, #tpu.memory_space<vmem>>[vector<16xi32>, vector<16xi32>], vector<16xf32>, vector<16xi1>
        tpu.vector_store_idx %arg19[%and3A_263], %gather3A_285 masked %lt3A_266 : memref<4096xf32, #tpu.memory_space<vmem>>[vector<16xi32>], vector<16xf32>, vector<16xi1>
        %broadcast_in_dim3A_286 = arith.constant 6 : i32
        %broadcast_in_dim3A_287 = vector.broadcast %broadcast_in_dim3A_286 : i32 to vector<16xi32>
        %gather3A_288 = tpu.vector_load_idx %arg8[%broadcast_in_dim3A_287, %sub3A_269] masked %lt3A_266 : memref<8x4096xf32, #tpu.memory_space<vmem>>[vector<16xi32>, vector<16xi32>], vector<16xf32>, vector<16xi1>
        tpu.vector_store_idx %arg20[%and3A_263], %gather3A_288 masked %lt3A_266 : memref<4096xf32, #tpu.memory_space<vmem>>[vector<16xi32>], vector<16xf32>, vector<16xi1>
        %broadcast_in_dim3A_289 = arith.constant 7 : i32
        %broadcast_in_dim3A_290 = vector.broadcast %broadcast_in_dim3A_289 : i32 to vector<16xi32>
        %gather3A_291 = tpu.vector_load_idx %arg8[%broadcast_in_dim3A_290, %sub3A_269] masked %lt3A_266 : memref<8x4096xf32, #tpu.memory_space<vmem>>[vector<16xi32>, vector<16xi32>], vector<16xf32>, vector<16xi1>
        tpu.vector_store_idx %arg21[%and3A_263], %gather3A_291 masked %lt3A_266 : memref<4096xf32, #tpu.memory_space<vmem>>[vector<16xi32>], vector<16xf32>, vector<16xi1>
      }
      %while3A_165 = arith.constant 1 : i32
      scf.for %while3A_254 = %while3A_163 to %while3A_159 step %while3A_165  : i32 {
        %mul3A_255 = arith.constant 16 : i32
        %mul3A_256 = arith.muli %while3A_254, %mul3A_255 : i32
        %add3A_257 = arith.addi %squeeze3A_148, %mul3A_256 : i32
        %get3A_258 = arith.index_cast %add3A_257 : i32 to index
        %get3A_259 = tpu.vector_load %arg10[%get3A_258] {strides = array<i32>} : memref<4128xi32, #tpu.memory_space<vmem>>, vector<16xi32>,
        %shift_right_logical3A = arith.constant 12 : i32
        %shift_right_logical3A_260 = vector.broadcast %shift_right_logical3A : i32 to vector<16xi32>
        %shift_right_logical3A_261 = arith.shrui %get3A_259, %shift_right_logical3A_260 : vector<16xi32>
        %and3A = arith.constant 4095 : i32
        %and3A_262 = vector.broadcast %and3A : i32 to vector<16xi32>
        %and3A_263 = arith.andi %get3A_259, %and3A_262 : vector<16xi32>
        %iota3A = tpu.iota {dimensions = array<i32: 0>} : vector<16xi32>
        %add3A_264 = vector.broadcast %add3A_257 : i32 to vector<16xi32>
        %add3A_265 = arith.addi %add3A_264, %iota3A : vector<16xi32>
        %lt3A = vector.broadcast %squeeze3A_150 : i32 to vector<16xi32>
        %lt3A_266 = arith.cmpi slt, %add3A_265, %lt3A : vector<16xi32>
        %sub3A_267 = arith.constant 99968 : i32
        %sub3A_268 = vector.broadcast %sub3A_267 : i32 to vector<16xi32>
        %sub3A_269 = arith.subi %shift_right_logical3A_261, %sub3A_268 : vector<16xi32>
        %broadcast_in_dim3A = arith.constant 0 : i32
        %broadcast_in_dim3A_270 = vector.broadcast %broadcast_in_dim3A : i32 to vector<16xi32>
        %gather3A = tpu.vector_load_idx %arg8[%broadcast_in_dim3A_270, %sub3A_269] masked %lt3A_266 : memref<8x4096xf32, #tpu.memory_space<vmem>>[vector<16xi32>, vector<16xi32>], vector<16xf32>, vector<16xi1>
        tpu.vector_store_idx %arg14[%and3A_263], %gather3A masked %lt3A_266 : memref<4096xf32, #tpu.memory_space<vmem>>[vector<16xi32>], vector<16xf32>, vector<16xi1>
        %broadcast_in_dim3A_271 = arith.constant 1 : i32
        %broadcast_in_dim3A_272 = vector.broadcast %broadcast_in_dim3A_271 : i32 to vector<16xi32>
        %gather3A_273 = tpu.vector_load_idx %arg8[%broadcast_in_dim3A_272, %sub3A_269] masked %lt3A_266 : memref<8x4096xf32, #tpu.memory_space<vmem>>[vector<16xi32>, vector<16xi32>], vector<16xf32>, vector<16xi1>
        tpu.vector_store_idx %arg15[%and3A_263], %gather3A_273 masked %lt3A_266 : memref<4096xf32, #tpu.memory_space<vmem>>[vector<16xi32>], vector<16xf32>, vector<16xi1>
        %broadcast_in_dim3A_274 = arith.constant 2 : i32
        %broadcast_in_dim3A_275 = vector.broadcast %broadcast_in_dim3A_274 : i32 to vector<16xi32>
        %gather3A_276 = tpu.vector_load_idx %arg8[%broadcast_in_dim3A_275, %sub3A_269] masked %lt3A_266 : memref<8x4096xf32, #tpu.memory_space<vmem>>[vector<16xi32>, vector<16xi32>], vector<16xf32>, vector<16xi1>
        tpu.vector_store_idx %arg16[%and3A_263], %gather3A_276 masked %lt3A_266 : memref<4096xf32, #tpu.memory_space<vmem>>[vector<16xi32>], vector<16xf32>, vector<16xi1>
        %broadcast_in_dim3A_277 = arith.constant 3 : i32
        %broadcast_in_dim3A_278 = vector.broadcast %broadcast_in_dim3A_277 : i32 to vector<16xi32>
        %gather3A_279 = tpu.vector_load_idx %arg8[%broadcast_in_dim3A_278, %sub3A_269] masked %lt3A_266 : memref<8x4096xf32, #tpu.memory_space<vmem>>[vector<16xi32>, vector<16xi32>], vector<16xf32>, vector<16xi1>
        tpu.vector_store_idx %arg17[%and3A_263], %gather3A_279 masked %lt3A_266 : memref<4096xf32, #tpu.memory_space<vmem>>[vector<16xi32>], vector<16xf32>, vector<16xi1>
        %broadcast_in_dim3A_280 = arith.constant 4 : i32
        %broadcast_in_dim3A_281 = vector.broadcast %broadcast_in_dim3A_280 : i32 to vector<16xi32>
        %gather3A_282 = tpu.vector_load_idx %arg8[%broadcast_in_dim3A_281, %sub3A_269] masked %lt3A_266 : memref<8x4096xf32, #tpu.memory_space<vmem>>[vector<16xi32>, vector<16xi32>], vector<16xf32>, vector<16xi1>
        tpu.vector_store_idx %arg18[%and3A_263], %gather3A_282 masked %lt3A_266 : memref<4096xf32, #tpu.memory_space<vmem>>[vector<16xi32>], vector<16xf32>, vector<16xi1>
        %broadcast_in_dim3A_283 = arith.constant 5 : i32
        %broadcast_in_dim3A_284 = vector.broadcast %broadcast_in_dim3A_283 : i32 to vector<16xi32>
        %gather3A_285 = tpu.vector_load_idx %arg8[%broadcast_in_dim3A_284, %sub3A_269] masked %lt3A_266 : memref<8x4096xf32, #tpu.memory_space<vmem>>[vector<16xi32>, vector<16xi32>], vector<16xf32>, vector<16xi1>
        tpu.vector_store_idx %arg19[%and3A_263], %gather3A_285 masked %lt3A_266 : memref<4096xf32, #tpu.memory_space<vmem>>[vector<16xi32>], vector<16xf32>, vector<16xi1>
        %broadcast_in_dim3A_286 = arith.constant 6 : i32
        %broadcast_in_dim3A_287 = vector.broadcast %broadcast_in_dim3A_286 : i32 to vector<16xi32>
        %gather3A_288 = tpu.vector_load_idx %arg8[%broadcast_in_dim3A_287, %sub3A_269] masked %lt3A_266 : memref<8x4096xf32, #tpu.memory_space<vmem>>[vector<16xi32>, vector<16xi32>], vector<16xf32>, vector<16xi1>
        tpu.vector_store_idx %arg20[%and3A_263], %gather3A_288 masked %lt3A_266 : memref<4096xf32, #tpu.memory_space<vmem>>[vector<16xi32>], vector<16xf32>, vector<16xi1>
        %broadcast_in_dim3A_289 = arith.constant 7 : i32
        %broadcast_in_dim3A_290 = vector.broadcast %broadcast_in_dim3A_289 : i32 to vector<16xi32>
        %gather3A_291 = tpu.vector_load_idx %arg8[%broadcast_in_dim3A_290, %sub3A_269] masked %lt3A_266 : memref<8x4096xf32, #tpu.memory_space<vmem>>[vector<16xi32>, vector<16xi32>], vector<16xf32>, vector<16xi1>
        tpu.vector_store_idx %arg21[%and3A_263], %gather3A_291 masked %lt3A_266 : memref<4096xf32, #tpu.memory_space<vmem>>[vector<16xi32>], vector<16xf32>, vector<16xi1>
      }
      %mul3A_166 = arith.constant 32 : i32
      %mul3A_167 = arith.muli %rem3A_14, %mul3A_166 : i32
      %add3A_168 = arith.constant 13 : i32
      %add3A_169 = arith.addi %add3A_168, %mul3A_167 : i32
      %mul3A_170 = arith.constant 8 : i32
      %mul3A_171 = arith.muli %div3A_15, %mul3A_170 : i32
      %add3A_172 = arith.addi %add3A_169, %mul3A_171 : i32
      %add3A_173 = arith.constant 0 : i32
      %add3A_174 = arith.addi %add3A_172, %add3A_173 : i32
      %mul3A_175 = arith.constant 4096 : i32
      %mul3A_176 = arith.muli %add3A_174, %mul3A_175 : i32
      "tpu.region"() ({
        %run_scoped3A = tpu.sem_alloc : memref<!tpu.dma_semaphore, #tpu.memory_space<semaphore_mem>>
        %dma_start3A_254 = tpu.memref_slice %arg6[%mul3A_176] : memref<3592192xf32, #tpu.memory_space<hbm>> -> memref<4096xf32, #tpu.memory_space<hbm>>
        %dma_start3A_255 = tpu.memref_slice %arg6[%mul3A_176] : memref<3592192xf32, #tpu.memory_space<hbm>> -> memref<4096xf32, #tpu.memory_space<hbm>>
        tpu.enqueue_dma source(%arg14 : memref<4096xf32, #tpu.memory_space<vmem>>) target(%dma_start3A_255 : memref<4096xf32, #tpu.memory_space<hbm>>) target_semaphore(%run_scoped3A : memref<!tpu.dma_semaphore, #tpu.memory_space<semaphore_mem>>)
        %dma_wait3A_256 = tpu.memref_slice %arg6[%mul3A_176] : memref<3592192xf32, #tpu.memory_space<hbm>> -> memref<4096xf32, #tpu.memory_space<hbm>>
        %dma_wait3A_257 = tpu.memref_slice %arg6[%mul3A_176] : memref<3592192xf32, #tpu.memory_space<hbm>> -> memref<4096xf32, #tpu.memory_space<hbm>>
        tpu.wait_dma2 semaphore(%run_scoped3A : memref<!tpu.dma_semaphore, #tpu.memory_space<semaphore_mem>>) src(%arg14 : memref<4096xf32, #tpu.memory_space<vmem>>) dst(%dma_wait3A_257 : memref<4096xf32, #tpu.memory_space<hbm>>)
        tpu.yield
      }) : () -> ()
      %mul3A_177 = arith.constant 32 : i32
      %mul3A_178 = arith.muli %rem3A_14, %mul3A_177 : i32
      %add3A_179 = arith.constant 13 : i32
      %add3A_180 = arith.addi %add3A_179, %mul3A_178 : i32
      %mul3A_181 = arith.constant 8 : i32
      %mul3A_182 = arith.muli %div3A_15, %mul3A_181 : i32
      %add3A_183 = arith.addi %add3A_180, %mul3A_182 : i32
      %add3A_184 = arith.constant 1 : i32
      %add3A_185 = arith.addi %add3A_183, %add3A_184 : i32
      %mul3A_186 = arith.constant 4096 : i32
      %mul3A_187 = arith.muli %add3A_185, %mul3A_186 : i32
      "tpu.region"() ({
        %run_scoped3A = tpu.sem_alloc : memref<!tpu.dma_semaphore, #tpu.memory_space<semaphore_mem>>
        %dma_start3A_254 = tpu.memref_slice %arg6[%mul3A_187] : memref<3592192xf32, #tpu.memory_space<hbm>> -> memref<4096xf32, #tpu.memory_space<hbm>>
        %dma_start3A_255 = tpu.memref_slice %arg6[%mul3A_187] : memref<3592192xf32, #tpu.memory_space<hbm>> -> memref<4096xf32, #tpu.memory_space<hbm>>
        tpu.enqueue_dma source(%arg15 : memref<4096xf32, #tpu.memory_space<vmem>>) target(%dma_start3A_255 : memref<4096xf32, #tpu.memory_space<hbm>>) target_semaphore(%run_scoped3A : memref<!tpu.dma_semaphore, #tpu.memory_space<semaphore_mem>>)
        %dma_wait3A_256 = tpu.memref_slice %arg6[%mul3A_187] : memref<3592192xf32, #tpu.memory_space<hbm>> -> memref<4096xf32, #tpu.memory_space<hbm>>
        %dma_wait3A_257 = tpu.memref_slice %arg6[%mul3A_187] : memref<3592192xf32, #tpu.memory_space<hbm>> -> memref<4096xf32, #tpu.memory_space<hbm>>
        tpu.wait_dma2 semaphore(%run_scoped3A : memref<!tpu.dma_semaphore, #tpu.memory_space<semaphore_mem>>) src(%arg15 : memref<4096xf32, #tpu.memory_space<vmem>>) dst(%dma_wait3A_257 : memref<4096xf32, #tpu.memory_space<hbm>>)
        tpu.yield
      }) : () -> ()
      %mul3A_188 = arith.constant 32 : i32
      %mul3A_189 = arith.muli %rem3A_14, %mul3A_188 : i32
      %add3A_190 = arith.constant 13 : i32
      %add3A_191 = arith.addi %add3A_190, %mul3A_189 : i32
      %mul3A_192 = arith.constant 8 : i32
      %mul3A_193 = arith.muli %div3A_15, %mul3A_192 : i32
      %add3A_194 = arith.addi %add3A_191, %mul3A_193 : i32
      %add3A_195 = arith.constant 2 : i32
      %add3A_196 = arith.addi %add3A_194, %add3A_195 : i32
      %mul3A_197 = arith.constant 4096 : i32
      %mul3A_198 = arith.muli %add3A_196, %mul3A_197 : i32
      "tpu.region"() ({
        %run_scoped3A = tpu.sem_alloc : memref<!tpu.dma_semaphore, #tpu.memory_space<semaphore_mem>>
        %dma_start3A_254 = tpu.memref_slice %arg6[%mul3A_198] : memref<3592192xf32, #tpu.memory_space<hbm>> -> memref<4096xf32, #tpu.memory_space<hbm>>
        %dma_start3A_255 = tpu.memref_slice %arg6[%mul3A_198] : memref<3592192xf32, #tpu.memory_space<hbm>> -> memref<4096xf32, #tpu.memory_space<hbm>>
        tpu.enqueue_dma source(%arg16 : memref<4096xf32, #tpu.memory_space<vmem>>) target(%dma_start3A_255 : memref<4096xf32, #tpu.memory_space<hbm>>) target_semaphore(%run_scoped3A : memref<!tpu.dma_semaphore, #tpu.memory_space<semaphore_mem>>)
        %dma_wait3A_256 = tpu.memref_slice %arg6[%mul3A_198] : memref<3592192xf32, #tpu.memory_space<hbm>> -> memref<4096xf32, #tpu.memory_space<hbm>>
        %dma_wait3A_257 = tpu.memref_slice %arg6[%mul3A_198] : memref<3592192xf32, #tpu.memory_space<hbm>> -> memref<4096xf32, #tpu.memory_space<hbm>>
        tpu.wait_dma2 semaphore(%run_scoped3A : memref<!tpu.dma_semaphore, #tpu.memory_space<semaphore_mem>>) src(%arg16 : memref<4096xf32, #tpu.memory_space<vmem>>) dst(%dma_wait3A_257 : memref<4096xf32, #tpu.memory_space<hbm>>)
        tpu.yield
      }) : () -> ()
      %mul3A_199 = arith.constant 32 : i32
      %mul3A_200 = arith.muli %rem3A_14, %mul3A_199 : i32
      %add3A_201 = arith.constant 13 : i32
      %add3A_202 = arith.addi %add3A_201, %mul3A_200 : i32
      %mul3A_203 = arith.constant 8 : i32
      %mul3A_204 = arith.muli %div3A_15, %mul3A_203 : i32
      %add3A_205 = arith.addi %add3A_202, %mul3A_204 : i32
      %add3A_206 = arith.constant 3 : i32
      %add3A_207 = arith.addi %add3A_205, %add3A_206 : i32
      %mul3A_208 = arith.constant 4096 : i32
      %mul3A_209 = arith.muli %add3A_207, %mul3A_208 : i32
      "tpu.region"() ({
        %run_scoped3A = tpu.sem_alloc : memref<!tpu.dma_semaphore, #tpu.memory_space<semaphore_mem>>
        %dma_start3A_254 = tpu.memref_slice %arg6[%mul3A_209] : memref<3592192xf32, #tpu.memory_space<hbm>> -> memref<4096xf32, #tpu.memory_space<hbm>>
        %dma_start3A_255 = tpu.memref_slice %arg6[%mul3A_209] : memref<3592192xf32, #tpu.memory_space<hbm>> -> memref<4096xf32, #tpu.memory_space<hbm>>
        tpu.enqueue_dma source(%arg17 : memref<4096xf32, #tpu.memory_space<vmem>>) target(%dma_start3A_255 : memref<4096xf32, #tpu.memory_space<hbm>>) target_semaphore(%run_scoped3A : memref<!tpu.dma_semaphore, #tpu.memory_space<semaphore_mem>>)
        %dma_wait3A_256 = tpu.memref_slice %arg6[%mul3A_209] : memref<3592192xf32, #tpu.memory_space<hbm>> -> memref<4096xf32, #tpu.memory_space<hbm>>
        %dma_wait3A_257 = tpu.memref_slice %arg6[%mul3A_209] : memref<3592192xf32, #tpu.memory_space<hbm>> -> memref<4096xf32, #tpu.memory_space<hbm>>
        tpu.wait_dma2 semaphore(%run_scoped3A : memref<!tpu.dma_semaphore, #tpu.memory_space<semaphore_mem>>) src(%arg17 : memref<4096xf32, #tpu.memory_space<vmem>>) dst(%dma_wait3A_257 : memref<4096xf32, #tpu.memory_space<hbm>>)
        tpu.yield
      }) : () -> ()
      %mul3A_210 = arith.constant 32 : i32
      %mul3A_211 = arith.muli %rem3A_14, %mul3A_210 : i32
      %add3A_212 = arith.constant 13 : i32
      %add3A_213 = arith.addi %add3A_212, %mul3A_211 : i32
      %mul3A_214 = arith.constant 8 : i32
      %mul3A_215 = arith.muli %div3A_15, %mul3A_214 : i32
      %add3A_216 = arith.addi %add3A_213, %mul3A_215 : i32
      %add3A_217 = arith.constant 4 : i32
      %add3A_218 = arith.addi %add3A_216, %add3A_217 : i32
      %mul3A_219 = arith.constant 4096 : i32
      %mul3A_220 = arith.muli %add3A_218, %mul3A_219 : i32
      "tpu.region"() ({
        %run_scoped3A = tpu.sem_alloc : memref<!tpu.dma_semaphore, #tpu.memory_space<semaphore_mem>>
        %dma_start3A_254 = tpu.memref_slice %arg6[%mul3A_220] : memref<3592192xf32, #tpu.memory_space<hbm>> -> memref<4096xf32, #tpu.memory_space<hbm>>
        %dma_start3A_255 = tpu.memref_slice %arg6[%mul3A_220] : memref<3592192xf32, #tpu.memory_space<hbm>> -> memref<4096xf32, #tpu.memory_space<hbm>>
        tpu.enqueue_dma source(%arg18 : memref<4096xf32, #tpu.memory_space<vmem>>) target(%dma_start3A_255 : memref<4096xf32, #tpu.memory_space<hbm>>) target_semaphore(%run_scoped3A : memref<!tpu.dma_semaphore, #tpu.memory_space<semaphore_mem>>)
        %dma_wait3A_256 = tpu.memref_slice %arg6[%mul3A_220] : memref<3592192xf32, #tpu.memory_space<hbm>> -> memref<4096xf32, #tpu.memory_space<hbm>>
        %dma_wait3A_257 = tpu.memref_slice %arg6[%mul3A_220] : memref<3592192xf32, #tpu.memory_space<hbm>> -> memref<4096xf32, #tpu.memory_space<hbm>>
        tpu.wait_dma2 semaphore(%run_scoped3A : memref<!tpu.dma_semaphore, #tpu.memory_space<semaphore_mem>>) src(%arg18 : memref<4096xf32, #tpu.memory_space<vmem>>) dst(%dma_wait3A_257 : memref<4096xf32, #tpu.memory_space<hbm>>)
        tpu.yield
      }) : () -> ()
      %mul3A_221 = arith.constant 32 : i32
      %mul3A_222 = arith.muli %rem3A_14, %mul3A_221 : i32
      %add3A_223 = arith.constant 13 : i32
      %add3A_224 = arith.addi %add3A_223, %mul3A_222 : i32
      %mul3A_225 = arith.constant 8 : i32
      %mul3A_226 = arith.muli %div3A_15, %mul3A_225 : i32
      %add3A_227 = arith.addi %add3A_224, %mul3A_226 : i32
      %add3A_228 = arith.constant 5 : i32
      %add3A_229 = arith.addi %add3A_227, %add3A_228 : i32
      %mul3A_230 = arith.constant 4096 : i32
      %mul3A_231 = arith.muli %add3A_229, %mul3A_230 : i32
      "tpu.region"() ({
        %run_scoped3A = tpu.sem_alloc : memref<!tpu.dma_semaphore, #tpu.memory_space<semaphore_mem>>
        %dma_start3A_254 = tpu.memref_slice %arg6[%mul3A_231] : memref<3592192xf32, #tpu.memory_space<hbm>> -> memref<4096xf32, #tpu.memory_space<hbm>>
        %dma_start3A_255 = tpu.memref_slice %arg6[%mul3A_231] : memref<3592192xf32, #tpu.memory_space<hbm>> -> memref<4096xf32, #tpu.memory_space<hbm>>
        tpu.enqueue_dma source(%arg19 : memref<4096xf32, #tpu.memory_space<vmem>>) target(%dma_start3A_255 : memref<4096xf32, #tpu.memory_space<hbm>>) target_semaphore(%run_scoped3A : memref<!tpu.dma_semaphore, #tpu.memory_space<semaphore_mem>>)
        %dma_wait3A_256 = tpu.memref_slice %arg6[%mul3A_231] : memref<3592192xf32, #tpu.memory_space<hbm>> -> memref<4096xf32, #tpu.memory_space<hbm>>
        %dma_wait3A_257 = tpu.memref_slice %arg6[%mul3A_231] : memref<3592192xf32, #tpu.memory_space<hbm>> -> memref<4096xf32, #tpu.memory_space<hbm>>
        tpu.wait_dma2 semaphore(%run_scoped3A : memref<!tpu.dma_semaphore, #tpu.memory_space<semaphore_mem>>) src(%arg19 : memref<4096xf32, #tpu.memory_space<vmem>>) dst(%dma_wait3A_257 : memref<4096xf32, #tpu.memory_space<hbm>>)
        tpu.yield
      }) : () -> ()
      %mul3A_232 = arith.constant 32 : i32
      %mul3A_233 = arith.muli %rem3A_14, %mul3A_232 : i32
      %add3A_234 = arith.constant 13 : i32
      %add3A_235 = arith.addi %add3A_234, %mul3A_233 : i32
      %mul3A_236 = arith.constant 8 : i32
      %mul3A_237 = arith.muli %div3A_15, %mul3A_236 : i32
      %add3A_238 = arith.addi %add3A_235, %mul3A_237 : i32
      %add3A_239 = arith.constant 6 : i32
      %add3A_240 = arith.addi %add3A_238, %add3A_239 : i32
      %mul3A_241 = arith.constant 4096 : i32
      %mul3A_242 = arith.muli %add3A_240, %mul3A_241 : i32
      "tpu.region"() ({
        %run_scoped3A = tpu.sem_alloc : memref<!tpu.dma_semaphore, #tpu.memory_space<semaphore_mem>>
        %dma_start3A_254 = tpu.memref_slice %arg6[%mul3A_242] : memref<3592192xf32, #tpu.memory_space<hbm>> -> memref<4096xf32, #tpu.memory_space<hbm>>
        %dma_start3A_255 = tpu.memref_slice %arg6[%mul3A_242] : memref<3592192xf32, #tpu.memory_space<hbm>> -> memref<4096xf32, #tpu.memory_space<hbm>>
        tpu.enqueue_dma source(%arg20 : memref<4096xf32, #tpu.memory_space<vmem>>) target(%dma_start3A_255 : memref<4096xf32, #tpu.memory_space<hbm>>) target_semaphore(%run_scoped3A : memref<!tpu.dma_semaphore, #tpu.memory_space<semaphore_mem>>)
        %dma_wait3A_256 = tpu.memref_slice %arg6[%mul3A_242] : memref<3592192xf32, #tpu.memory_space<hbm>> -> memref<4096xf32, #tpu.memory_space<hbm>>
        %dma_wait3A_257 = tpu.memref_slice %arg6[%mul3A_242] : memref<3592192xf32, #tpu.memory_space<hbm>> -> memref<4096xf32, #tpu.memory_space<hbm>>
        tpu.wait_dma2 semaphore(%run_scoped3A : memref<!tpu.dma_semaphore, #tpu.memory_space<semaphore_mem>>) src(%arg20 : memref<4096xf32, #tpu.memory_space<vmem>>) dst(%dma_wait3A_257 : memref<4096xf32, #tpu.memory_space<hbm>>)
        tpu.yield
      }) : () -> ()
      %mul3A_243 = arith.constant 32 : i32
      %mul3A_244 = arith.muli %rem3A_14, %mul3A_243 : i32
      %add3A_245 = arith.constant 13 : i32
      %add3A_246 = arith.addi %add3A_245, %mul3A_244 : i32
      %mul3A_247 = arith.constant 8 : i32
      %mul3A_248 = arith.muli %div3A_15, %mul3A_247 : i32
      %add3A_249 = arith.addi %add3A_246, %mul3A_248 : i32
      %add3A_250 = arith.constant 7 : i32
      %add3A_251 = arith.addi %add3A_249, %add3A_250 : i32
      %mul3A_252 = arith.constant 4096 : i32
      %mul3A_253 = arith.muli %add3A_251, %mul3A_252 : i32
      "tpu.region"() ({
        %run_scoped3A = tpu.sem_alloc : memref<!tpu.dma_semaphore, #tpu.memory_space<semaphore_mem>>
        %dma_start3A_254 = tpu.memref_slice %arg6[%mul3A_253] : memref<3592192xf32, #tpu.memory_space<hbm>> -> memref<4096xf32, #tpu.memory_space<hbm>>
        %dma_start3A_255 = tpu.memref_slice %arg6[%mul3A_253] : memref<3592192xf32, #tpu.memory_space<hbm>> -> memref<4096xf32, #tpu.memory_space<hbm>>
        tpu.enqueue_dma source(%arg21 : memref<4096xf32, #tpu.memory_space<vmem>>) target(%dma_start3A_255 : memref<4096xf32, #tpu.memory_space<hbm>>) target_semaphore(%run_scoped3A : memref<!tpu.dma_semaphore, #tpu.memory_space<semaphore_mem>>)
        %dma_wait3A_256 = tpu.memref_slice %arg6[%mul3A_253] : memref<3592192xf32, #tpu.memory_space<hbm>> -> memref<4096xf32, #tpu.memory_space<hbm>>
        %dma_wait3A_257 = tpu.memref_slice %arg6[%mul3A_253] : memref<3592192xf32, #tpu.memory_space<hbm>> -> memref<4096xf32, #tpu.memory_space<hbm>>
        tpu.wait_dma2 semaphore(%run_scoped3A : memref<!tpu.dma_semaphore, #tpu.memory_space<semaphore_mem>>) src(%arg21 : memref<4096xf32, #tpu.memory_space<vmem>>) dst(%dma_wait3A_257 : memref<4096xf32, #tpu.memory_space<hbm>>)
        tpu.yield
      }) : () -> ()
    }
    %scan3A_5 = arith.constant 3 : i32
    %rem3A = arith.constant 4 : i32
    %rem3A_6 = arith.remsi %add3A, %rem3A : i32
    %eq3A = arith.constant 0 : i32
    %eq3A_7 = arith.cmpi eq, %rem3A_6, %eq3A : i32
    %convert_element_type3A = arith.extui %eq3A_7 : i1 to i32
    %cond3A = arith.constant 0 : i32
    %cond3A_8 = arith.cmpi ne, %convert_element_type3A, %cond3A : i32
    scf.if %cond3A_8 {
      %div3A = arith.constant 4 : i32
      %div3A_9 = arith.divsi %add3A, %div3A : i32
      %add3A_10 = arith.constant 96 : i32
      %add3A_11 = arith.addi %add3A_10, %div3A_9 : i32
      %rem3A_12 = arith.constant 26 : i32
      %rem3A_13 = arith.remsi %add3A_11, %rem3A_12 : i32
      %div3A_14 = arith.constant 26 : i32
      %div3A_15 = arith.divsi %add3A_11, %div3A_14 : i32
      %mul3A_16 = arith.constant 4096 : i32
      %mul3A_17 = arith.muli %rem3A_13, %mul3A_16 : i32
      "tpu.region"() ({
        %run_scoped3A = tpu.sem_alloc : memref<!tpu.dma_semaphore, #tpu.memory_space<semaphore_mem>>
        %dma_start3A_254 = arith.constant 0 : i32
        %dma_start3A_255 = tpu.memref_slice %arg10[%dma_start3A_254] : memref<4128xi32, #tpu.memory_space<vmem>> -> memref<4096xi32, #tpu.memory_space<vmem>>
        %dma_start3A_256 = tpu.memref_slice %arg5[%mul3A_17] : memref<106496xi32, #tpu.memory_space<hbm>> -> memref<4096xi32, #tpu.memory_space<hbm>>
        %dma_start3A_257 = arith.constant 0 : i32
        %dma_start3A_258 = tpu.memref_slice %arg10[%dma_start3A_257] : memref<4128xi32, #tpu.memory_space<vmem>> -> memref<4096xi32, #tpu.memory_space<vmem>>
        %dma_start3A_259 = tpu.memref_slice %arg5[%mul3A_17] : memref<106496xi32, #tpu.memory_space<hbm>> -> memref<4096xi32, #tpu.memory_space<hbm>>
        tpu.enqueue_dma source(%dma_start3A_259 : memref<4096xi32, #tpu.memory_space<hbm>>) target(%dma_start3A_258 : memref<4096xi32, #tpu.memory_space<vmem>>) target_semaphore(%run_scoped3A : memref<!tpu.dma_semaphore, #tpu.memory_space<semaphore_mem>>)
        %dma_wait3A_260 = arith.constant 0 : i32
        %dma_wait3A_261 = tpu.memref_slice %arg10[%dma_wait3A_260] : memref<4128xi32, #tpu.memory_space<vmem>> -> memref<4096xi32, #tpu.memory_space<vmem>>
        %dma_wait3A_262 = tpu.memref_slice %arg5[%mul3A_17] : memref<106496xi32, #tpu.memory_space<hbm>> -> memref<4096xi32, #tpu.memory_space<hbm>>
        %dma_wait3A_263 = arith.constant 0 : i32
        %dma_wait3A_264 = tpu.memref_slice %arg10[%dma_wait3A_263] : memref<4128xi32, #tpu.memory_space<vmem>> -> memref<4096xi32, #tpu.memory_space<vmem>>
        %dma_wait3A_265 = tpu.memref_slice %arg5[%mul3A_17] : memref<106496xi32, #tpu.memory_space<hbm>> -> memref<4096xi32, #tpu.memory_space<hbm>>
        tpu.wait_dma2 semaphore(%run_scoped3A : memref<!tpu.dma_semaphore, #tpu.memory_space<semaphore_mem>>) src(%dma_wait3A_265 : memref<4096xi32, #tpu.memory_space<hbm>>) dst(%dma_wait3A_264 : memref<4096xi32, #tpu.memory_space<vmem>>)
        tpu.yield
      }) : () -> ()
      %mul3A_18 = arith.constant 48 : i32
      %mul3A_19 = arith.muli %rem3A_13, %mul3A_18 : i32
      "tpu.region"() ({
        %run_scoped3A = tpu.sem_alloc : memref<!tpu.dma_semaphore, #tpu.memory_space<semaphore_mem>>
        %dma_start3A_254 = arith.constant 0 : i32
        %dma_start3A_255 = tpu.memref_slice %arg11[%dma_start3A_254] : memref<64xi32, #tpu.memory_space<vmem>> -> memref<48xi32, #tpu.memory_space<vmem>>
        %dma_start3A_256 = tpu.memref_slice %arg4[%mul3A_19] : memref<1248xi32, #tpu.memory_space<hbm>> -> memref<48xi32, #tpu.memory_space<hbm>>
        %dma_start3A_257 = arith.constant 0 : i32
        %dma_start3A_258 = tpu.memref_slice %arg11[%dma_start3A_257] : memref<64xi32, #tpu.memory_space<vmem>> -> memref<48xi32, #tpu.memory_space<vmem>>
        %dma_start3A_259 = tpu.memref_slice %arg4[%mul3A_19] : memref<1248xi32, #tpu.memory_space<hbm>> -> memref<48xi32, #tpu.memory_space<hbm>>
        tpu.enqueue_dma source(%dma_start3A_259 : memref<48xi32, #tpu.memory_space<hbm>>) target(%dma_start3A_258 : memref<48xi32, #tpu.memory_space<vmem>>) target_semaphore(%run_scoped3A : memref<!tpu.dma_semaphore, #tpu.memory_space<semaphore_mem>>)
        %dma_wait3A_260 = arith.constant 0 : i32
        %dma_wait3A_261 = tpu.memref_slice %arg11[%dma_wait3A_260] : memref<64xi32, #tpu.memory_space<vmem>> -> memref<48xi32, #tpu.memory_space<vmem>>
        %dma_wait3A_262 = tpu.memref_slice %arg4[%mul3A_19] : memref<1248xi32, #tpu.memory_space<hbm>> -> memref<48xi32, #tpu.memory_space<hbm>>
        %dma_wait3A_263 = arith.constant 0 : i32
        %dma_wait3A_264 = tpu.memref_slice %arg11[%dma_wait3A_263] : memref<64xi32, #tpu.memory_space<vmem>> -> memref<48xi32, #tpu.memory_space<vmem>>
        %dma_wait3A_265 = tpu.memref_slice %arg4[%mul3A_19] : memref<1248xi32, #tpu.memory_space<hbm>> -> memref<48xi32, #tpu.memory_space<hbm>>
        tpu.wait_dma2 semaphore(%run_scoped3A : memref<!tpu.dma_semaphore, #tpu.memory_space<semaphore_mem>>) src(%dma_wait3A_265 : memref<48xi32, #tpu.memory_space<hbm>>) dst(%dma_wait3A_264 : memref<48xi32, #tpu.memory_space<vmem>>)
        tpu.yield
      }) : () -> ()
      %mul3A_20 = arith.constant 8 : i32
      %mul3A_21 = arith.muli %div3A_15, %mul3A_20 : i32
      %dma_start3A = arith.constant 0 : i32
      %dma_start3A_22 = arith.constant 0 : i32
      %dma_start3A_23 = tpu.memref_slice %arg8[%dma_start3A, %dma_start3A_22] : memref<8x4096xf32, #tpu.memory_space<vmem>> -> memref<8x3840xf32, #tpu.memory_space<vmem>>
      %dma_start3A_24 = arith.constant 0 : i32
      %dma_start3A_25 = tpu.memref_slice %arg2[%rem3A_13, %mul3A_21, %dma_start3A_24] : memref<26x32x100000xf32, #tpu.memory_space<hbm>> -> memref<1x8x3840xf32, #tpu.memory_space<hbm>>
      %dma_start3A_26 = tpu.memref_squeeze %dma_start3A_25 : memref<1x8x3840xf32, #tpu.memory_space<hbm>> -> memref<8x3840xf32, #tpu.memory_space<hbm>>
      %dma_start3A_27 = arith.constant 0 : i32
      %dma_start3A_28 = arith.constant 0 : i32
      %dma_start3A_29 = tpu.memref_slice %arg8[%dma_start3A_27, %dma_start3A_28] : memref<8x4096xf32, #tpu.memory_space<vmem>> -> memref<8x3840xf32, #tpu.memory_space<vmem>>
      %dma_start3A_30 = arith.constant 0 : i32
      %dma_start3A_31 = tpu.memref_slice %arg2[%rem3A_13, %mul3A_21, %dma_start3A_30] : memref<26x32x100000xf32, #tpu.memory_space<hbm>> -> memref<1x8x3840xf32, #tpu.memory_space<hbm>>
      %dma_start3A_32 = tpu.memref_squeeze %dma_start3A_31 : memref<1x8x3840xf32, #tpu.memory_space<hbm>> -> memref<8x3840xf32, #tpu.memory_space<hbm>>
      tpu.enqueue_dma source(%dma_start3A_32 : memref<8x3840xf32, #tpu.memory_space<hbm>>) target(%dma_start3A_29 : memref<8x3840xf32, #tpu.memory_space<vmem>>) target_semaphore(%arg12 : memref<!tpu.dma_semaphore, #tpu.memory_space<semaphore_mem>>)
      %scan3A_33 = arith.constant 0 : i32
      %scan3A_34 = arith.constant 0 : i32
      %scan3A_35 = arith.constant 12 : i32
      %scan3A_36 = arith.addi %scan3A_34, %scan3A_35 : i32
      %scan3A_37 = arith.constant 1 : i32
      scf.for %scan3A_254 = %scan3A_34 to %scan3A_36 step %scan3A_37  : i32 {
        %mul3A_255 = arith.constant 2 : i32
        %mul3A_256 = arith.muli %mul3A_255, %scan3A_254 : i32
        %add3A_257 = arith.constant 1 : i32
        %add3A_258 = arith.addi %mul3A_256, %add3A_257 : i32
        %mul3A_259 = arith.constant 8 : i32
        %mul3A_260 = arith.muli %div3A_15, %mul3A_259 : i32
        %mul3A_261 = arith.constant 3840 : i32
        %mul3A_262 = arith.muli %add3A_258, %mul3A_261 : i32
        %dma_start3A_263 = arith.constant 0 : i32
        %dma_start3A_264 = arith.constant 0 : i32
        %dma_start3A_265 = tpu.memref_slice %arg9[%dma_start3A_263, %dma_start3A_264] : memref<8x4096xf32, #tpu.memory_space<vmem>> -> memref<8x3840xf32, #tpu.memory_space<vmem>>
        %dma_start3A_266 = tpu.memref_slice %arg2[%rem3A_13, %mul3A_260, %mul3A_262] : memref<26x32x100000xf32, #tpu.memory_space<hbm>> -> memref<1x8x3840xf32, #tpu.memory_space<hbm>>
        %dma_start3A_267 = tpu.memref_squeeze %dma_start3A_266 : memref<1x8x3840xf32, #tpu.memory_space<hbm>> -> memref<8x3840xf32, #tpu.memory_space<hbm>>
        %dma_start3A_268 = arith.constant 0 : i32
        %dma_start3A_269 = arith.constant 0 : i32
        %dma_start3A_270 = tpu.memref_slice %arg9[%dma_start3A_268, %dma_start3A_269] : memref<8x4096xf32, #tpu.memory_space<vmem>> -> memref<8x3840xf32, #tpu.memory_space<vmem>>
        %dma_start3A_271 = tpu.memref_slice %arg2[%rem3A_13, %mul3A_260, %mul3A_262] : memref<26x32x100000xf32, #tpu.memory_space<hbm>> -> memref<1x8x3840xf32, #tpu.memory_space<hbm>>
        %dma_start3A_272 = tpu.memref_squeeze %dma_start3A_271 : memref<1x8x3840xf32, #tpu.memory_space<hbm>> -> memref<8x3840xf32, #tpu.memory_space<hbm>>
        tpu.enqueue_dma source(%dma_start3A_272 : memref<8x3840xf32, #tpu.memory_space<hbm>>) target(%dma_start3A_270 : memref<8x3840xf32, #tpu.memory_space<vmem>>) target_semaphore(%arg13 : memref<!tpu.dma_semaphore, #tpu.memory_space<semaphore_mem>>)
        %mul3A_273 = arith.constant 8 : i32
        %mul3A_274 = arith.muli %div3A_15, %mul3A_273 : i32
        %mul3A_275 = arith.constant 3840 : i32
        %mul3A_276 = arith.muli %mul3A_256, %mul3A_275 : i32
        %dma_wait3A_277 = arith.constant 0 : i32
        %dma_wait3A_278 = arith.constant 0 : i32
        %dma_wait3A_279 = tpu.memref_slice %arg8[%dma_wait3A_277, %dma_wait3A_278] : memref<8x4096xf32, #tpu.memory_space<vmem>> -> memref<8x3840xf32, #tpu.memory_space<vmem>>
        %dma_wait3A_280 = tpu.memref_slice %arg2[%rem3A_13, %mul3A_274, %mul3A_276] : memref<26x32x100000xf32, #tpu.memory_space<hbm>> -> memref<1x8x3840xf32, #tpu.memory_space<hbm>>
        %dma_wait3A_281 = tpu.memref_squeeze %dma_wait3A_280 : memref<1x8x3840xf32, #tpu.memory_space<hbm>> -> memref<8x3840xf32, #tpu.memory_space<hbm>>
        %dma_wait3A_282 = arith.constant 0 : i32
        %dma_wait3A_283 = arith.constant 0 : i32
        %dma_wait3A_284 = tpu.memref_slice %arg8[%dma_wait3A_282, %dma_wait3A_283] : memref<8x4096xf32, #tpu.memory_space<vmem>> -> memref<8x3840xf32, #tpu.memory_space<vmem>>
        %dma_wait3A_285 = tpu.memref_slice %arg2[%rem3A_13, %mul3A_274, %mul3A_276] : memref<26x32x100000xf32, #tpu.memory_space<hbm>> -> memref<1x8x3840xf32, #tpu.memory_space<hbm>>
        %dma_wait3A_286 = tpu.memref_squeeze %dma_wait3A_285 : memref<1x8x3840xf32, #tpu.memory_space<hbm>> -> memref<8x3840xf32, #tpu.memory_space<hbm>>
        tpu.wait_dma2 semaphore(%arg12 : memref<!tpu.dma_semaphore, #tpu.memory_space<semaphore_mem>>) src(%dma_wait3A_286 : memref<8x3840xf32, #tpu.memory_space<hbm>>) dst(%dma_wait3A_284 : memref<8x3840xf32, #tpu.memory_space<vmem>>)
        %mul3A_287 = arith.constant 3840 : i32
        %mul3A_288 = arith.muli %mul3A_256, %mul3A_287 : i32
        %get3A_289 = arith.index_cast %mul3A_256 : i32 to index
        %get3A_290 = tpu.vector_load %arg11[%get3A_289] {strides = array<i32>} : memref<64xi32, #tpu.memory_space<vmem>>, vector<16xi32>,
        %slice3A_291 = vector.extract_strided_slice %get3A_290 {offsets = [0], sizes = [1], strides = [1]} : vector<16xi32> to vector<1xi32>
        %squeeze3A_292 = vector.extract %slice3A_291[0] : i32 from vector<1xi32>
        %slice3A_293 = vector.extract_strided_slice %get3A_290 {offsets = [1], sizes = [1], strides = [1]} : vector<16xi32> to vector<1xi32>
        %squeeze3A_294 = vector.extract %slice3A_293[0] : i32 from vector<1xi32>
        %sub3A_295 = arith.subi %squeeze3A_294, %squeeze3A_292 : i32
        %add3A_296 = arith.constant 15 : i32
        %add3A_297 = arith.addi %sub3A_295, %add3A_296 : i32
        %div3A_298 = arith.constant 16 : i32
        %div3A_299 = arith.divsi %add3A_297, %div3A_298 : i32
        %while3A_300 = arith.constant 0 : i32
        %while3A_301 = arith.constant 0 : i32
        %while3A_302 = arith.subi %div3A_299, %while3A_301 : i32
        %while3A_303 = arith.addi %while3A_301, %while3A_302 : i32
        %while3A_304 = arith.constant 1 : i32
        %while3A_305 = arith.divsi %while3A_302, %while3A_304 : i32
        %while3A_306 = arith.muli %while3A_305, %while3A_304 : i32
        %while3A_307 = arith.addi %while3A_301, %while3A_306 : i32
        %while3A_308 = arith.constant 1 : i32
        scf.for %while3A_369 = %while3A_301 to %while3A_307 step %while3A_308  : i32 {
          %mul3A_370 = arith.constant 16 : i32
          %mul3A_371 = arith.muli %while3A_369, %mul3A_370 : i32
          %add3A_372 = arith.addi %squeeze3A_292, %mul3A_371 : i32
          %get3A_373 = arith.index_cast %add3A_372 : i32 to index
          %get3A_374 = tpu.vector_load %arg10[%get3A_373] {strides = array<i32>} : memref<4128xi32, #tpu.memory_space<vmem>>, vector<16xi32>,
          %shift_right_logical3A = arith.constant 12 : i32
          %shift_right_logical3A_375 = vector.broadcast %shift_right_logical3A : i32 to vector<16xi32>
          %shift_right_logical3A_376 = arith.shrui %get3A_374, %shift_right_logical3A_375 : vector<16xi32>
          %and3A = arith.constant 4095 : i32
          %and3A_377 = vector.broadcast %and3A : i32 to vector<16xi32>
          %and3A_378 = arith.andi %get3A_374, %and3A_377 : vector<16xi32>
          %iota3A = tpu.iota {dimensions = array<i32: 0>} : vector<16xi32>
          %add3A_379 = vector.broadcast %add3A_372 : i32 to vector<16xi32>
          %add3A_380 = arith.addi %add3A_379, %iota3A : vector<16xi32>
          %lt3A = vector.broadcast %squeeze3A_294 : i32 to vector<16xi32>
          %lt3A_381 = arith.cmpi slt, %add3A_380, %lt3A : vector<16xi32>
          %sub3A_382 = vector.broadcast %mul3A_288 : i32 to vector<16xi32>
          %sub3A_383 = arith.subi %shift_right_logical3A_376, %sub3A_382 : vector<16xi32>
          %broadcast_in_dim3A = arith.constant 0 : i32
          %broadcast_in_dim3A_384 = vector.broadcast %broadcast_in_dim3A : i32 to vector<16xi32>
          %gather3A = tpu.vector_load_idx %arg8[%broadcast_in_dim3A_384, %sub3A_383] masked %lt3A_381 : memref<8x4096xf32, #tpu.memory_space<vmem>>[vector<16xi32>, vector<16xi32>], vector<16xf32>, vector<16xi1>
          tpu.vector_store_idx %arg14[%and3A_378], %gather3A masked %lt3A_381 : memref<4096xf32, #tpu.memory_space<vmem>>[vector<16xi32>], vector<16xf32>, vector<16xi1>
          %broadcast_in_dim3A_385 = arith.constant 1 : i32
          %broadcast_in_dim3A_386 = vector.broadcast %broadcast_in_dim3A_385 : i32 to vector<16xi32>
          %gather3A_387 = tpu.vector_load_idx %arg8[%broadcast_in_dim3A_386, %sub3A_383] masked %lt3A_381 : memref<8x4096xf32, #tpu.memory_space<vmem>>[vector<16xi32>, vector<16xi32>], vector<16xf32>, vector<16xi1>
          tpu.vector_store_idx %arg15[%and3A_378], %gather3A_387 masked %lt3A_381 : memref<4096xf32, #tpu.memory_space<vmem>>[vector<16xi32>], vector<16xf32>, vector<16xi1>
          %broadcast_in_dim3A_388 = arith.constant 2 : i32
          %broadcast_in_dim3A_389 = vector.broadcast %broadcast_in_dim3A_388 : i32 to vector<16xi32>
          %gather3A_390 = tpu.vector_load_idx %arg8[%broadcast_in_dim3A_389, %sub3A_383] masked %lt3A_381 : memref<8x4096xf32, #tpu.memory_space<vmem>>[vector<16xi32>, vector<16xi32>], vector<16xf32>, vector<16xi1>
          tpu.vector_store_idx %arg16[%and3A_378], %gather3A_390 masked %lt3A_381 : memref<4096xf32, #tpu.memory_space<vmem>>[vector<16xi32>], vector<16xf32>, vector<16xi1>
          %broadcast_in_dim3A_391 = arith.constant 3 : i32
          %broadcast_in_dim3A_392 = vector.broadcast %broadcast_in_dim3A_391 : i32 to vector<16xi32>
          %gather3A_393 = tpu.vector_load_idx %arg8[%broadcast_in_dim3A_392, %sub3A_383] masked %lt3A_381 : memref<8x4096xf32, #tpu.memory_space<vmem>>[vector<16xi32>, vector<16xi32>], vector<16xf32>, vector<16xi1>
          tpu.vector_store_idx %arg17[%and3A_378], %gather3A_393 masked %lt3A_381 : memref<4096xf32, #tpu.memory_space<vmem>>[vector<16xi32>], vector<16xf32>, vector<16xi1>
          %broadcast_in_dim3A_394 = arith.constant 4 : i32
          %broadcast_in_dim3A_395 = vector.broadcast %broadcast_in_dim3A_394 : i32 to vector<16xi32>
          %gather3A_396 = tpu.vector_load_idx %arg8[%broadcast_in_dim3A_395, %sub3A_383] masked %lt3A_381 : memref<8x4096xf32, #tpu.memory_space<vmem>>[vector<16xi32>, vector<16xi32>], vector<16xf32>, vector<16xi1>
          tpu.vector_store_idx %arg18[%and3A_378], %gather3A_396 masked %lt3A_381 : memref<4096xf32, #tpu.memory_space<vmem>>[vector<16xi32>], vector<16xf32>, vector<16xi1>
          %broadcast_in_dim3A_397 = arith.constant 5 : i32
          %broadcast_in_dim3A_398 = vector.broadcast %broadcast_in_dim3A_397 : i32 to vector<16xi32>
          %gather3A_399 = tpu.vector_load_idx %arg8[%broadcast_in_dim3A_398, %sub3A_383] masked %lt3A_381 : memref<8x4096xf32, #tpu.memory_space<vmem>>[vector<16xi32>, vector<16xi32>], vector<16xf32>, vector<16xi1>
          tpu.vector_store_idx %arg19[%and3A_378], %gather3A_399 masked %lt3A_381 : memref<4096xf32, #tpu.memory_space<vmem>>[vector<16xi32>], vector<16xf32>, vector<16xi1>
          %broadcast_in_dim3A_400 = arith.constant 6 : i32
          %broadcast_in_dim3A_401 = vector.broadcast %broadcast_in_dim3A_400 : i32 to vector<16xi32>
          %gather3A_402 = tpu.vector_load_idx %arg8[%broadcast_in_dim3A_401, %sub3A_383] masked %lt3A_381 : memref<8x4096xf32, #tpu.memory_space<vmem>>[vector<16xi32>, vector<16xi32>], vector<16xf32>, vector<16xi1>
          tpu.vector_store_idx %arg20[%and3A_378], %gather3A_402 masked %lt3A_381 : memref<4096xf32, #tpu.memory_space<vmem>>[vector<16xi32>], vector<16xf32>, vector<16xi1>
          %broadcast_in_dim3A_403 = arith.constant 7 : i32
          %broadcast_in_dim3A_404 = vector.broadcast %broadcast_in_dim3A_403 : i32 to vector<16xi32>
          %gather3A_405 = tpu.vector_load_idx %arg8[%broadcast_in_dim3A_404, %sub3A_383] masked %lt3A_381 : memref<8x4096xf32, #tpu.memory_space<vmem>>[vector<16xi32>, vector<16xi32>], vector<16xf32>, vector<16xi1>
          tpu.vector_store_idx %arg21[%and3A_378], %gather3A_405 masked %lt3A_381 : memref<4096xf32, #tpu.memory_space<vmem>>[vector<16xi32>], vector<16xf32>, vector<16xi1>
        }
        %while3A_309 = arith.constant 1 : i32
        scf.for %while3A_369 = %while3A_307 to %while3A_303 step %while3A_309  : i32 {
          %mul3A_370 = arith.constant 16 : i32
          %mul3A_371 = arith.muli %while3A_369, %mul3A_370 : i32
          %add3A_372 = arith.addi %squeeze3A_292, %mul3A_371 : i32
          %get3A_373 = arith.index_cast %add3A_372 : i32 to index
          %get3A_374 = tpu.vector_load %arg10[%get3A_373] {strides = array<i32>} : memref<4128xi32, #tpu.memory_space<vmem>>, vector<16xi32>,
          %shift_right_logical3A = arith.constant 12 : i32
          %shift_right_logical3A_375 = vector.broadcast %shift_right_logical3A : i32 to vector<16xi32>
          %shift_right_logical3A_376 = arith.shrui %get3A_374, %shift_right_logical3A_375 : vector<16xi32>
          %and3A = arith.constant 4095 : i32
          %and3A_377 = vector.broadcast %and3A : i32 to vector<16xi32>
          %and3A_378 = arith.andi %get3A_374, %and3A_377 : vector<16xi32>
          %iota3A = tpu.iota {dimensions = array<i32: 0>} : vector<16xi32>
          %add3A_379 = vector.broadcast %add3A_372 : i32 to vector<16xi32>
          %add3A_380 = arith.addi %add3A_379, %iota3A : vector<16xi32>
          %lt3A = vector.broadcast %squeeze3A_294 : i32 to vector<16xi32>
          %lt3A_381 = arith.cmpi slt, %add3A_380, %lt3A : vector<16xi32>
          %sub3A_382 = vector.broadcast %mul3A_288 : i32 to vector<16xi32>
          %sub3A_383 = arith.subi %shift_right_logical3A_376, %sub3A_382 : vector<16xi32>
          %broadcast_in_dim3A = arith.constant 0 : i32
          %broadcast_in_dim3A_384 = vector.broadcast %broadcast_in_dim3A : i32 to vector<16xi32>
          %gather3A = tpu.vector_load_idx %arg8[%broadcast_in_dim3A_384, %sub3A_383] masked %lt3A_381 : memref<8x4096xf32, #tpu.memory_space<vmem>>[vector<16xi32>, vector<16xi32>], vector<16xf32>, vector<16xi1>
          tpu.vector_store_idx %arg14[%and3A_378], %gather3A masked %lt3A_381 : memref<4096xf32, #tpu.memory_space<vmem>>[vector<16xi32>], vector<16xf32>, vector<16xi1>
          %broadcast_in_dim3A_385 = arith.constant 1 : i32
          %broadcast_in_dim3A_386 = vector.broadcast %broadcast_in_dim3A_385 : i32 to vector<16xi32>
          %gather3A_387 = tpu.vector_load_idx %arg8[%broadcast_in_dim3A_386, %sub3A_383] masked %lt3A_381 : memref<8x4096xf32, #tpu.memory_space<vmem>>[vector<16xi32>, vector<16xi32>], vector<16xf32>, vector<16xi1>
          tpu.vector_store_idx %arg15[%and3A_378], %gather3A_387 masked %lt3A_381 : memref<4096xf32, #tpu.memory_space<vmem>>[vector<16xi32>], vector<16xf32>, vector<16xi1>
          %broadcast_in_dim3A_388 = arith.constant 2 : i32
          %broadcast_in_dim3A_389 = vector.broadcast %broadcast_in_dim3A_388 : i32 to vector<16xi32>
          %gather3A_390 = tpu.vector_load_idx %arg8[%broadcast_in_dim3A_389, %sub3A_383] masked %lt3A_381 : memref<8x4096xf32, #tpu.memory_space<vmem>>[vector<16xi32>, vector<16xi32>], vector<16xf32>, vector<16xi1>
          tpu.vector_store_idx %arg16[%and3A_378], %gather3A_390 masked %lt3A_381 : memref<4096xf32, #tpu.memory_space<vmem>>[vector<16xi32>], vector<16xf32>, vector<16xi1>
          %broadcast_in_dim3A_391 = arith.constant 3 : i32
          %broadcast_in_dim3A_392 = vector.broadcast %broadcast_in_dim3A_391 : i32 to vector<16xi32>
          %gather3A_393 = tpu.vector_load_idx %arg8[%broadcast_in_dim3A_392, %sub3A_383] masked %lt3A_381 : memref<8x4096xf32, #tpu.memory_space<vmem>>[vector<16xi32>, vector<16xi32>], vector<16xf32>, vector<16xi1>
          tpu.vector_store_idx %arg17[%and3A_378], %gather3A_393 masked %lt3A_381 : memref<4096xf32, #tpu.memory_space<vmem>>[vector<16xi32>], vector<16xf32>, vector<16xi1>
          %broadcast_in_dim3A_394 = arith.constant 4 : i32
          %broadcast_in_dim3A_395 = vector.broadcast %broadcast_in_dim3A_394 : i32 to vector<16xi32>
          %gather3A_396 = tpu.vector_load_idx %arg8[%broadcast_in_dim3A_395, %sub3A_383] masked %lt3A_381 : memref<8x4096xf32, #tpu.memory_space<vmem>>[vector<16xi32>, vector<16xi32>], vector<16xf32>, vector<16xi1>
          tpu.vector_store_idx %arg18[%and3A_378], %gather3A_396 masked %lt3A_381 : memref<4096xf32, #tpu.memory_space<vmem>>[vector<16xi32>], vector<16xf32>, vector<16xi1>
          %broadcast_in_dim3A_397 = arith.constant 5 : i32
          %broadcast_in_dim3A_398 = vector.broadcast %broadcast_in_dim3A_397 : i32 to vector<16xi32>
          %gather3A_399 = tpu.vector_load_idx %arg8[%broadcast_in_dim3A_398, %sub3A_383] masked %lt3A_381 : memref<8x4096xf32, #tpu.memory_space<vmem>>[vector<16xi32>, vector<16xi32>], vector<16xf32>, vector<16xi1>
          tpu.vector_store_idx %arg19[%and3A_378], %gather3A_399 masked %lt3A_381 : memref<4096xf32, #tpu.memory_space<vmem>>[vector<16xi32>], vector<16xf32>, vector<16xi1>
          %broadcast_in_dim3A_400 = arith.constant 6 : i32
          %broadcast_in_dim3A_401 = vector.broadcast %broadcast_in_dim3A_400 : i32 to vector<16xi32>
          %gather3A_402 = tpu.vector_load_idx %arg8[%broadcast_in_dim3A_401, %sub3A_383] masked %lt3A_381 : memref<8x4096xf32, #tpu.memory_space<vmem>>[vector<16xi32>, vector<16xi32>], vector<16xf32>, vector<16xi1>
          tpu.vector_store_idx %arg20[%and3A_378], %gather3A_402 masked %lt3A_381 : memref<4096xf32, #tpu.memory_space<vmem>>[vector<16xi32>], vector<16xf32>, vector<16xi1>
          %broadcast_in_dim3A_403 = arith.constant 7 : i32
          %broadcast_in_dim3A_404 = vector.broadcast %broadcast_in_dim3A_403 : i32 to vector<16xi32>
          %gather3A_405 = tpu.vector_load_idx %arg8[%broadcast_in_dim3A_404, %sub3A_383] masked %lt3A_381 : memref<8x4096xf32, #tpu.memory_space<vmem>>[vector<16xi32>, vector<16xi32>], vector<16xf32>, vector<16xi1>
          tpu.vector_store_idx %arg21[%and3A_378], %gather3A_405 masked %lt3A_381 : memref<4096xf32, #tpu.memory_space<vmem>>[vector<16xi32>], vector<16xf32>, vector<16xi1>
        }
        %add3A_310 = arith.constant 2 : i32
        %add3A_311 = arith.addi %mul3A_256, %add3A_310 : i32
        %mul3A_312 = arith.constant 8 : i32
        %mul3A_313 = arith.muli %div3A_15, %mul3A_312 : i32
        %mul3A_314 = arith.constant 3840 : i32
        %mul3A_315 = arith.muli %add3A_311, %mul3A_314 : i32
        %dma_start3A_316 = arith.constant 0 : i32
        %dma_start3A_317 = arith.constant 0 : i32
        %dma_start3A_318 = tpu.memref_slice %arg8[%dma_start3A_316, %dma_start3A_317] : memref<8x4096xf32, #tpu.memory_space<vmem>> -> memref<8x3840xf32, #tpu.memory_space<vmem>>
        %dma_start3A_319 = tpu.memref_slice %arg2[%rem3A_13, %mul3A_313, %mul3A_315] : memref<26x32x100000xf32, #tpu.memory_space<hbm>> -> memref<1x8x3840xf32, #tpu.memory_space<hbm>>
        %dma_start3A_320 = tpu.memref_squeeze %dma_start3A_319 : memref<1x8x3840xf32, #tpu.memory_space<hbm>> -> memref<8x3840xf32, #tpu.memory_space<hbm>>
        %dma_start3A_321 = arith.constant 0 : i32
        %dma_start3A_322 = arith.constant 0 : i32
        %dma_start3A_323 = tpu.memref_slice %arg8[%dma_start3A_321, %dma_start3A_322] : memref<8x4096xf32, #tpu.memory_space<vmem>> -> memref<8x3840xf32, #tpu.memory_space<vmem>>
        %dma_start3A_324 = tpu.memref_slice %arg2[%rem3A_13, %mul3A_313, %mul3A_315] : memref<26x32x100000xf32, #tpu.memory_space<hbm>> -> memref<1x8x3840xf32, #tpu.memory_space<hbm>>
        %dma_start3A_325 = tpu.memref_squeeze %dma_start3A_324 : memref<1x8x3840xf32, #tpu.memory_space<hbm>> -> memref<8x3840xf32, #tpu.memory_space<hbm>>
        tpu.enqueue_dma source(%dma_start3A_325 : memref<8x3840xf32, #tpu.memory_space<hbm>>) target(%dma_start3A_323 : memref<8x3840xf32, #tpu.memory_space<vmem>>) target_semaphore(%arg12 : memref<!tpu.dma_semaphore, #tpu.memory_space<semaphore_mem>>)
        %add3A_326 = arith.constant 1 : i32
        %add3A_327 = arith.addi %mul3A_256, %add3A_326 : i32
        %mul3A_328 = arith.constant 8 : i32
        %mul3A_329 = arith.muli %div3A_15, %mul3A_328 : i32
        %mul3A_330 = arith.constant 3840 : i32
        %mul3A_331 = arith.muli %add3A_327, %mul3A_330 : i32
        %dma_wait3A_332 = arith.constant 0 : i32
        %dma_wait3A_333 = arith.constant 0 : i32
        %dma_wait3A_334 = tpu.memref_slice %arg9[%dma_wait3A_332, %dma_wait3A_333] : memref<8x4096xf32, #tpu.memory_space<vmem>> -> memref<8x3840xf32, #tpu.memory_space<vmem>>
        %dma_wait3A_335 = tpu.memref_slice %arg2[%rem3A_13, %mul3A_329, %mul3A_331] : memref<26x32x100000xf32, #tpu.memory_space<hbm>> -> memref<1x8x3840xf32, #tpu.memory_space<hbm>>
        %dma_wait3A_336 = tpu.memref_squeeze %dma_wait3A_335 : memref<1x8x3840xf32, #tpu.memory_space<hbm>> -> memref<8x3840xf32, #tpu.memory_space<hbm>>
        %dma_wait3A_337 = arith.constant 0 : i32
        %dma_wait3A_338 = arith.constant 0 : i32
        %dma_wait3A_339 = tpu.memref_slice %arg9[%dma_wait3A_337, %dma_wait3A_338] : memref<8x4096xf32, #tpu.memory_space<vmem>> -> memref<8x3840xf32, #tpu.memory_space<vmem>>
        %dma_wait3A_340 = tpu.memref_slice %arg2[%rem3A_13, %mul3A_329, %mul3A_331] : memref<26x32x100000xf32, #tpu.memory_space<hbm>> -> memref<1x8x3840xf32, #tpu.memory_space<hbm>>
        %dma_wait3A_341 = tpu.memref_squeeze %dma_wait3A_340 : memref<1x8x3840xf32, #tpu.memory_space<hbm>> -> memref<8x3840xf32, #tpu.memory_space<hbm>>
        tpu.wait_dma2 semaphore(%arg13 : memref<!tpu.dma_semaphore, #tpu.memory_space<semaphore_mem>>) src(%dma_wait3A_341 : memref<8x3840xf32, #tpu.memory_space<hbm>>) dst(%dma_wait3A_339 : memref<8x3840xf32, #tpu.memory_space<vmem>>)
        %add3A_342 = arith.constant 1 : i32
        %add3A_343 = arith.addi %mul3A_256, %add3A_342 : i32
        %add3A_344 = arith.constant 1 : i32
        %add3A_345 = arith.addi %mul3A_256, %add3A_344 : i32
        %mul3A_346 = arith.constant 3840 : i32
        %mul3A_347 = arith.muli %add3A_345, %mul3A_346 : i32
        %get3A_348 = arith.index_cast %add3A_343 : i32 to index
        %get3A_349 = tpu.vector_load %arg11[%get3A_348] {strides = array<i32>} : memref<64xi32, #tpu.memory_space<vmem>>, vector<16xi32>,
        %slice3A_350 = vector.extract_strided_slice %get3A_349 {offsets = [0], sizes = [1], strides = [1]} : vector<16xi32> to vector<1xi32>
        %squeeze3A_351 = vector.extract %slice3A_350[0] : i32 from vector<1xi32>
        %slice3A_352 = vector.extract_strided_slice %get3A_349 {offsets = [1], sizes = [1], strides = [1]} : vector<16xi32> to vector<1xi32>
        %squeeze3A_353 = vector.extract %slice3A_352[0] : i32 from vector<1xi32>
        %sub3A_354 = arith.subi %squeeze3A_353, %squeeze3A_351 : i32
        %add3A_355 = arith.constant 15 : i32
        %add3A_356 = arith.addi %sub3A_354, %add3A_355 : i32
        %div3A_357 = arith.constant 16 : i32
        %div3A_358 = arith.divsi %add3A_356, %div3A_357 : i32
        %while3A_359 = arith.constant 0 : i32
        %while3A_360 = arith.constant 0 : i32
        %while3A_361 = arith.subi %div3A_358, %while3A_360 : i32
        %while3A_362 = arith.addi %while3A_360, %while3A_361 : i32
        %while3A_363 = arith.constant 1 : i32
        %while3A_364 = arith.divsi %while3A_361, %while3A_363 : i32
        %while3A_365 = arith.muli %while3A_364, %while3A_363 : i32
        %while3A_366 = arith.addi %while3A_360, %while3A_365 : i32
        %while3A_367 = arith.constant 1 : i32
        scf.for %while3A_369 = %while3A_360 to %while3A_366 step %while3A_367  : i32 {
          %mul3A_370 = arith.constant 16 : i32
          %mul3A_371 = arith.muli %while3A_369, %mul3A_370 : i32
          %add3A_372 = arith.addi %squeeze3A_351, %mul3A_371 : i32
          %get3A_373 = arith.index_cast %add3A_372 : i32 to index
          %get3A_374 = tpu.vector_load %arg10[%get3A_373] {strides = array<i32>} : memref<4128xi32, #tpu.memory_space<vmem>>, vector<16xi32>,
          %shift_right_logical3A = arith.constant 12 : i32
          %shift_right_logical3A_375 = vector.broadcast %shift_right_logical3A : i32 to vector<16xi32>
          %shift_right_logical3A_376 = arith.shrui %get3A_374, %shift_right_logical3A_375 : vector<16xi32>
          %and3A = arith.constant 4095 : i32
          %and3A_377 = vector.broadcast %and3A : i32 to vector<16xi32>
          %and3A_378 = arith.andi %get3A_374, %and3A_377 : vector<16xi32>
          %iota3A = tpu.iota {dimensions = array<i32: 0>} : vector<16xi32>
          %add3A_379 = vector.broadcast %add3A_372 : i32 to vector<16xi32>
          %add3A_380 = arith.addi %add3A_379, %iota3A : vector<16xi32>
          %lt3A = vector.broadcast %squeeze3A_353 : i32 to vector<16xi32>
          %lt3A_381 = arith.cmpi slt, %add3A_380, %lt3A : vector<16xi32>
          %sub3A_382 = vector.broadcast %mul3A_347 : i32 to vector<16xi32>
          %sub3A_383 = arith.subi %shift_right_logical3A_376, %sub3A_382 : vector<16xi32>
          %broadcast_in_dim3A = arith.constant 0 : i32
          %broadcast_in_dim3A_384 = vector.broadcast %broadcast_in_dim3A : i32 to vector<16xi32>
          %gather3A = tpu.vector_load_idx %arg9[%broadcast_in_dim3A_384, %sub3A_383] masked %lt3A_381 : memref<8x4096xf32, #tpu.memory_space<vmem>>[vector<16xi32>, vector<16xi32>], vector<16xf32>, vector<16xi1>
          tpu.vector_store_idx %arg14[%and3A_378], %gather3A masked %lt3A_381 : memref<4096xf32, #tpu.memory_space<vmem>>[vector<16xi32>], vector<16xf32>, vector<16xi1>
          %broadcast_in_dim3A_385 = arith.constant 1 : i32
          %broadcast_in_dim3A_386 = vector.broadcast %broadcast_in_dim3A_385 : i32 to vector<16xi32>
          %gather3A_387 = tpu.vector_load_idx %arg9[%broadcast_in_dim3A_386, %sub3A_383] masked %lt3A_381 : memref<8x4096xf32, #tpu.memory_space<vmem>>[vector<16xi32>, vector<16xi32>], vector<16xf32>, vector<16xi1>
          tpu.vector_store_idx %arg15[%and3A_378], %gather3A_387 masked %lt3A_381 : memref<4096xf32, #tpu.memory_space<vmem>>[vector<16xi32>], vector<16xf32>, vector<16xi1>
          %broadcast_in_dim3A_388 = arith.constant 2 : i32
          %broadcast_in_dim3A_389 = vector.broadcast %broadcast_in_dim3A_388 : i32 to vector<16xi32>
          %gather3A_390 = tpu.vector_load_idx %arg9[%broadcast_in_dim3A_389, %sub3A_383] masked %lt3A_381 : memref<8x4096xf32, #tpu.memory_space<vmem>>[vector<16xi32>, vector<16xi32>], vector<16xf32>, vector<16xi1>
          tpu.vector_store_idx %arg16[%and3A_378], %gather3A_390 masked %lt3A_381 : memref<4096xf32, #tpu.memory_space<vmem>>[vector<16xi32>], vector<16xf32>, vector<16xi1>
          %broadcast_in_dim3A_391 = arith.constant 3 : i32
          %broadcast_in_dim3A_392 = vector.broadcast %broadcast_in_dim3A_391 : i32 to vector<16xi32>
          %gather3A_393 = tpu.vector_load_idx %arg9[%broadcast_in_dim3A_392, %sub3A_383] masked %lt3A_381 : memref<8x4096xf32, #tpu.memory_space<vmem>>[vector<16xi32>, vector<16xi32>], vector<16xf32>, vector<16xi1>
          tpu.vector_store_idx %arg17[%and3A_378], %gather3A_393 masked %lt3A_381 : memref<4096xf32, #tpu.memory_space<vmem>>[vector<16xi32>], vector<16xf32>, vector<16xi1>
          %broadcast_in_dim3A_394 = arith.constant 4 : i32
          %broadcast_in_dim3A_395 = vector.broadcast %broadcast_in_dim3A_394 : i32 to vector<16xi32>
          %gather3A_396 = tpu.vector_load_idx %arg9[%broadcast_in_dim3A_395, %sub3A_383] masked %lt3A_381 : memref<8x4096xf32, #tpu.memory_space<vmem>>[vector<16xi32>, vector<16xi32>], vector<16xf32>, vector<16xi1>
          tpu.vector_store_idx %arg18[%and3A_378], %gather3A_396 masked %lt3A_381 : memref<4096xf32, #tpu.memory_space<vmem>>[vector<16xi32>], vector<16xf32>, vector<16xi1>
          %broadcast_in_dim3A_397 = arith.constant 5 : i32
          %broadcast_in_dim3A_398 = vector.broadcast %broadcast_in_dim3A_397 : i32 to vector<16xi32>
          %gather3A_399 = tpu.vector_load_idx %arg9[%broadcast_in_dim3A_398, %sub3A_383] masked %lt3A_381 : memref<8x4096xf32, #tpu.memory_space<vmem>>[vector<16xi32>, vector<16xi32>], vector<16xf32>, vector<16xi1>
          tpu.vector_store_idx %arg19[%and3A_378], %gather3A_399 masked %lt3A_381 : memref<4096xf32, #tpu.memory_space<vmem>>[vector<16xi32>], vector<16xf32>, vector<16xi1>
          %broadcast_in_dim3A_400 = arith.constant 6 : i32
          %broadcast_in_dim3A_401 = vector.broadcast %broadcast_in_dim3A_400 : i32 to vector<16xi32>
          %gather3A_402 = tpu.vector_load_idx %arg9[%broadcast_in_dim3A_401, %sub3A_383] masked %lt3A_381 : memref<8x4096xf32, #tpu.memory_space<vmem>>[vector<16xi32>, vector<16xi32>], vector<16xf32>, vector<16xi1>
          tpu.vector_store_idx %arg20[%and3A_378], %gather3A_402 masked %lt3A_381 : memref<4096xf32, #tpu.memory_space<vmem>>[vector<16xi32>], vector<16xf32>, vector<16xi1>
          %broadcast_in_dim3A_403 = arith.constant 7 : i32
          %broadcast_in_dim3A_404 = vector.broadcast %broadcast_in_dim3A_403 : i32 to vector<16xi32>
          %gather3A_405 = tpu.vector_load_idx %arg9[%broadcast_in_dim3A_404, %sub3A_383] masked %lt3A_381 : memref<8x4096xf32, #tpu.memory_space<vmem>>[vector<16xi32>, vector<16xi32>], vector<16xf32>, vector<16xi1>
          tpu.vector_store_idx %arg21[%and3A_378], %gather3A_405 masked %lt3A_381 : memref<4096xf32, #tpu.memory_space<vmem>>[vector<16xi32>], vector<16xf32>, vector<16xi1>
        }
        %while3A_368 = arith.constant 1 : i32
        scf.for %while3A_369 = %while3A_366 to %while3A_362 step %while3A_368  : i32 {
          %mul3A_370 = arith.constant 16 : i32
          %mul3A_371 = arith.muli %while3A_369, %mul3A_370 : i32
          %add3A_372 = arith.addi %squeeze3A_351, %mul3A_371 : i32
          %get3A_373 = arith.index_cast %add3A_372 : i32 to index
          %get3A_374 = tpu.vector_load %arg10[%get3A_373] {strides = array<i32>} : memref<4128xi32, #tpu.memory_space<vmem>>, vector<16xi32>,
          %shift_right_logical3A = arith.constant 12 : i32
          %shift_right_logical3A_375 = vector.broadcast %shift_right_logical3A : i32 to vector<16xi32>
          %shift_right_logical3A_376 = arith.shrui %get3A_374, %shift_right_logical3A_375 : vector<16xi32>
          %and3A = arith.constant 4095 : i32
          %and3A_377 = vector.broadcast %and3A : i32 to vector<16xi32>
          %and3A_378 = arith.andi %get3A_374, %and3A_377 : vector<16xi32>
          %iota3A = tpu.iota {dimensions = array<i32: 0>} : vector<16xi32>
          %add3A_379 = vector.broadcast %add3A_372 : i32 to vector<16xi32>
          %add3A_380 = arith.addi %add3A_379, %iota3A : vector<16xi32>
          %lt3A = vector.broadcast %squeeze3A_353 : i32 to vector<16xi32>
          %lt3A_381 = arith.cmpi slt, %add3A_380, %lt3A : vector<16xi32>
          %sub3A_382 = vector.broadcast %mul3A_347 : i32 to vector<16xi32>
          %sub3A_383 = arith.subi %shift_right_logical3A_376, %sub3A_382 : vector<16xi32>
          %broadcast_in_dim3A = arith.constant 0 : i32
          %broadcast_in_dim3A_384 = vector.broadcast %broadcast_in_dim3A : i32 to vector<16xi32>
          %gather3A = tpu.vector_load_idx %arg9[%broadcast_in_dim3A_384, %sub3A_383] masked %lt3A_381 : memref<8x4096xf32, #tpu.memory_space<vmem>>[vector<16xi32>, vector<16xi32>], vector<16xf32>, vector<16xi1>
          tpu.vector_store_idx %arg14[%and3A_378], %gather3A masked %lt3A_381 : memref<4096xf32, #tpu.memory_space<vmem>>[vector<16xi32>], vector<16xf32>, vector<16xi1>
          %broadcast_in_dim3A_385 = arith.constant 1 : i32
          %broadcast_in_dim3A_386 = vector.broadcast %broadcast_in_dim3A_385 : i32 to vector<16xi32>
          %gather3A_387 = tpu.vector_load_idx %arg9[%broadcast_in_dim3A_386, %sub3A_383] masked %lt3A_381 : memref<8x4096xf32, #tpu.memory_space<vmem>>[vector<16xi32>, vector<16xi32>], vector<16xf32>, vector<16xi1>
          tpu.vector_store_idx %arg15[%and3A_378], %gather3A_387 masked %lt3A_381 : memref<4096xf32, #tpu.memory_space<vmem>>[vector<16xi32>], vector<16xf32>, vector<16xi1>
          %broadcast_in_dim3A_388 = arith.constant 2 : i32
          %broadcast_in_dim3A_389 = vector.broadcast %broadcast_in_dim3A_388 : i32 to vector<16xi32>
          %gather3A_390 = tpu.vector_load_idx %arg9[%broadcast_in_dim3A_389, %sub3A_383] masked %lt3A_381 : memref<8x4096xf32, #tpu.memory_space<vmem>>[vector<16xi32>, vector<16xi32>], vector<16xf32>, vector<16xi1>
          tpu.vector_store_idx %arg16[%and3A_378], %gather3A_390 masked %lt3A_381 : memref<4096xf32, #tpu.memory_space<vmem>>[vector<16xi32>], vector<16xf32>, vector<16xi1>
          %broadcast_in_dim3A_391 = arith.constant 3 : i32
          %broadcast_in_dim3A_392 = vector.broadcast %broadcast_in_dim3A_391 : i32 to vector<16xi32>
          %gather3A_393 = tpu.vector_load_idx %arg9[%broadcast_in_dim3A_392, %sub3A_383] masked %lt3A_381 : memref<8x4096xf32, #tpu.memory_space<vmem>>[vector<16xi32>, vector<16xi32>], vector<16xf32>, vector<16xi1>
          tpu.vector_store_idx %arg17[%and3A_378], %gather3A_393 masked %lt3A_381 : memref<4096xf32, #tpu.memory_space<vmem>>[vector<16xi32>], vector<16xf32>, vector<16xi1>
          %broadcast_in_dim3A_394 = arith.constant 4 : i32
          %broadcast_in_dim3A_395 = vector.broadcast %broadcast_in_dim3A_394 : i32 to vector<16xi32>
          %gather3A_396 = tpu.vector_load_idx %arg9[%broadcast_in_dim3A_395, %sub3A_383] masked %lt3A_381 : memref<8x4096xf32, #tpu.memory_space<vmem>>[vector<16xi32>, vector<16xi32>], vector<16xf32>, vector<16xi1>
          tpu.vector_store_idx %arg18[%and3A_378], %gather3A_396 masked %lt3A_381 : memref<4096xf32, #tpu.memory_space<vmem>>[vector<16xi32>], vector<16xf32>, vector<16xi1>
          %broadcast_in_dim3A_397 = arith.constant 5 : i32
          %broadcast_in_dim3A_398 = vector.broadcast %broadcast_in_dim3A_397 : i32 to vector<16xi32>
          %gather3A_399 = tpu.vector_load_idx %arg9[%broadcast_in_dim3A_398, %sub3A_383] masked %lt3A_381 : memref<8x4096xf32, #tpu.memory_space<vmem>>[vector<16xi32>, vector<16xi32>], vector<16xf32>, vector<16xi1>
          tpu.vector_store_idx %arg19[%and3A_378], %gather3A_399 masked %lt3A_381 : memref<4096xf32, #tpu.memory_space<vmem>>[vector<16xi32>], vector<16xf32>, vector<16xi1>
          %broadcast_in_dim3A_400 = arith.constant 6 : i32
          %broadcast_in_dim3A_401 = vector.broadcast %broadcast_in_dim3A_400 : i32 to vector<16xi32>
          %gather3A_402 = tpu.vector_load_idx %arg9[%broadcast_in_dim3A_401, %sub3A_383] masked %lt3A_381 : memref<8x4096xf32, #tpu.memory_space<vmem>>[vector<16xi32>, vector<16xi32>], vector<16xf32>, vector<16xi1>
          tpu.vector_store_idx %arg20[%and3A_378], %gather3A_402 masked %lt3A_381 : memref<4096xf32, #tpu.memory_space<vmem>>[vector<16xi32>], vector<16xf32>, vector<16xi1>
          %broadcast_in_dim3A_403 = arith.constant 7 : i32
          %broadcast_in_dim3A_404 = vector.broadcast %broadcast_in_dim3A_403 : i32 to vector<16xi32>
          %gather3A_405 = tpu.vector_load_idx %arg9[%broadcast_in_dim3A_404, %sub3A_383] masked %lt3A_381 : memref<8x4096xf32, #tpu.memory_space<vmem>>[vector<16xi32>, vector<16xi32>], vector<16xf32>, vector<16xi1>
          tpu.vector_store_idx %arg21[%and3A_378], %gather3A_405 masked %lt3A_381 : memref<4096xf32, #tpu.memory_space<vmem>>[vector<16xi32>], vector<16xf32>, vector<16xi1>
        }
      }
      %scan3A_38 = arith.constant 12 : i32
      %mul3A_39 = arith.constant 8 : i32
      %mul3A_40 = arith.muli %div3A_15, %mul3A_39 : i32
      %dma_start3A_41 = arith.constant 0 : i32
      %dma_start3A_42 = arith.constant 0 : i32
      %dma_start3A_43 = tpu.memref_slice %arg9[%dma_start3A_41, %dma_start3A_42] : memref<8x4096xf32, #tpu.memory_space<vmem>> -> memref<8x3968xf32, #tpu.memory_space<vmem>>
      %dma_start3A_44 = arith.constant 96000 : i32
      %dma_start3A_45 = tpu.memref_slice %arg2[%rem3A_13, %mul3A_40, %dma_start3A_44] : memref<26x32x100000xf32, #tpu.memory_space<hbm>> -> memref<1x8x3968xf32, #tpu.memory_space<hbm>>
      %dma_start3A_46 = tpu.memref_squeeze %dma_start3A_45 : memref<1x8x3968xf32, #tpu.memory_space<hbm>> -> memref<8x3968xf32, #tpu.memory_space<hbm>>
      %dma_start3A_47 = arith.constant 0 : i32
      %dma_start3A_48 = arith.constant 0 : i32
      %dma_start3A_49 = tpu.memref_slice %arg9[%dma_start3A_47, %dma_start3A_48] : memref<8x4096xf32, #tpu.memory_space<vmem>> -> memref<8x3968xf32, #tpu.memory_space<vmem>>
      %dma_start3A_50 = arith.constant 96000 : i32
      %dma_start3A_51 = tpu.memref_slice %arg2[%rem3A_13, %mul3A_40, %dma_start3A_50] : memref<26x32x100000xf32, #tpu.memory_space<hbm>> -> memref<1x8x3968xf32, #tpu.memory_space<hbm>>
      %dma_start3A_52 = tpu.memref_squeeze %dma_start3A_51 : memref<1x8x3968xf32, #tpu.memory_space<hbm>> -> memref<8x3968xf32, #tpu.memory_space<hbm>>
      tpu.enqueue_dma source(%dma_start3A_52 : memref<8x3968xf32, #tpu.memory_space<hbm>>) target(%dma_start3A_49 : memref<8x3968xf32, #tpu.memory_space<vmem>>) target_semaphore(%arg13 : memref<!tpu.dma_semaphore, #tpu.memory_space<semaphore_mem>>)
      %mul3A_53 = arith.constant 8 : i32
      %mul3A_54 = arith.muli %div3A_15, %mul3A_53 : i32
      %dma_wait3A = arith.constant 0 : i32
      %dma_wait3A_55 = arith.constant 0 : i32
      %dma_wait3A_56 = tpu.memref_slice %arg8[%dma_wait3A, %dma_wait3A_55] : memref<8x4096xf32, #tpu.memory_space<vmem>> -> memref<8x3840xf32, #tpu.memory_space<vmem>>
      %dma_wait3A_57 = arith.constant 92160 : i32
      %dma_wait3A_58 = tpu.memref_slice %arg2[%rem3A_13, %mul3A_54, %dma_wait3A_57] : memref<26x32x100000xf32, #tpu.memory_space<hbm>> -> memref<1x8x3840xf32, #tpu.memory_space<hbm>>
      %dma_wait3A_59 = tpu.memref_squeeze %dma_wait3A_58 : memref<1x8x3840xf32, #tpu.memory_space<hbm>> -> memref<8x3840xf32, #tpu.memory_space<hbm>>
      %dma_wait3A_60 = arith.constant 0 : i32
      %dma_wait3A_61 = arith.constant 0 : i32
      %dma_wait3A_62 = tpu.memref_slice %arg8[%dma_wait3A_60, %dma_wait3A_61] : memref<8x4096xf32, #tpu.memory_space<vmem>> -> memref<8x3840xf32, #tpu.memory_space<vmem>>
      %dma_wait3A_63 = arith.constant 92160 : i32
      %dma_wait3A_64 = tpu.memref_slice %arg2[%rem3A_13, %mul3A_54, %dma_wait3A_63] : memref<26x32x100000xf32, #tpu.memory_space<hbm>> -> memref<1x8x3840xf32, #tpu.memory_space<hbm>>
      %dma_wait3A_65 = tpu.memref_squeeze %dma_wait3A_64 : memref<1x8x3840xf32, #tpu.memory_space<hbm>> -> memref<8x3840xf32, #tpu.memory_space<hbm>>
      tpu.wait_dma2 semaphore(%arg12 : memref<!tpu.dma_semaphore, #tpu.memory_space<semaphore_mem>>) src(%dma_wait3A_65 : memref<8x3840xf32, #tpu.memory_space<hbm>>) dst(%dma_wait3A_62 : memref<8x3840xf32, #tpu.memory_space<vmem>>)
      %get3A = arith.constant 24 : index
      %get3A_66 = tpu.vector_load %arg11[%get3A] {strides = array<i32>} : memref<64xi32, #tpu.memory_space<vmem>>, vector<16xi32>,
      %slice3A = vector.extract_strided_slice %get3A_66 {offsets = [0], sizes = [1], strides = [1]} : vector<16xi32> to vector<1xi32>
      %squeeze3A = vector.extract %slice3A[0] : i32 from vector<1xi32>
      %slice3A_67 = vector.extract_strided_slice %get3A_66 {offsets = [1], sizes = [1], strides = [1]} : vector<16xi32> to vector<1xi32>
      %squeeze3A_68 = vector.extract %slice3A_67[0] : i32 from vector<1xi32>
      %sub3A = arith.subi %squeeze3A_68, %squeeze3A : i32
      %add3A_69 = arith.constant 15 : i32
      %add3A_70 = arith.addi %sub3A, %add3A_69 : i32
      %div3A_71 = arith.constant 16 : i32
      %div3A_72 = arith.divsi %add3A_70, %div3A_71 : i32
      %while3A = arith.constant 0 : i32
      %while3A_73 = arith.constant 0 : i32
      %while3A_74 = arith.subi %div3A_72, %while3A_73 : i32
      %while3A_75 = arith.addi %while3A_73, %while3A_74 : i32
      %while3A_76 = arith.constant 1 : i32
      %while3A_77 = arith.divsi %while3A_74, %while3A_76 : i32
      %while3A_78 = arith.muli %while3A_77, %while3A_76 : i32
      %while3A_79 = arith.addi %while3A_73, %while3A_78 : i32
      %while3A_80 = arith.constant 1 : i32
      scf.for %while3A_254 = %while3A_73 to %while3A_79 step %while3A_80  : i32 {
        %mul3A_255 = arith.constant 16 : i32
        %mul3A_256 = arith.muli %while3A_254, %mul3A_255 : i32
        %add3A_257 = arith.addi %squeeze3A, %mul3A_256 : i32
        %get3A_258 = arith.index_cast %add3A_257 : i32 to index
        %get3A_259 = tpu.vector_load %arg10[%get3A_258] {strides = array<i32>} : memref<4128xi32, #tpu.memory_space<vmem>>, vector<16xi32>,
        %shift_right_logical3A = arith.constant 12 : i32
        %shift_right_logical3A_260 = vector.broadcast %shift_right_logical3A : i32 to vector<16xi32>
        %shift_right_logical3A_261 = arith.shrui %get3A_259, %shift_right_logical3A_260 : vector<16xi32>
        %and3A = arith.constant 4095 : i32
        %and3A_262 = vector.broadcast %and3A : i32 to vector<16xi32>
        %and3A_263 = arith.andi %get3A_259, %and3A_262 : vector<16xi32>
        %iota3A = tpu.iota {dimensions = array<i32: 0>} : vector<16xi32>
        %add3A_264 = vector.broadcast %add3A_257 : i32 to vector<16xi32>
        %add3A_265 = arith.addi %add3A_264, %iota3A : vector<16xi32>
        %lt3A = vector.broadcast %squeeze3A_68 : i32 to vector<16xi32>
        %lt3A_266 = arith.cmpi slt, %add3A_265, %lt3A : vector<16xi32>
        %sub3A_267 = arith.constant 92160 : i32
        %sub3A_268 = vector.broadcast %sub3A_267 : i32 to vector<16xi32>
        %sub3A_269 = arith.subi %shift_right_logical3A_261, %sub3A_268 : vector<16xi32>
        %broadcast_in_dim3A = arith.constant 0 : i32
        %broadcast_in_dim3A_270 = vector.broadcast %broadcast_in_dim3A : i32 to vector<16xi32>
        %gather3A = tpu.vector_load_idx %arg8[%broadcast_in_dim3A_270, %sub3A_269] masked %lt3A_266 : memref<8x4096xf32, #tpu.memory_space<vmem>>[vector<16xi32>, vector<16xi32>], vector<16xf32>, vector<16xi1>
        tpu.vector_store_idx %arg14[%and3A_263], %gather3A masked %lt3A_266 : memref<4096xf32, #tpu.memory_space<vmem>>[vector<16xi32>], vector<16xf32>, vector<16xi1>
        %broadcast_in_dim3A_271 = arith.constant 1 : i32
        %broadcast_in_dim3A_272 = vector.broadcast %broadcast_in_dim3A_271 : i32 to vector<16xi32>
        %gather3A_273 = tpu.vector_load_idx %arg8[%broadcast_in_dim3A_272, %sub3A_269] masked %lt3A_266 : memref<8x4096xf32, #tpu.memory_space<vmem>>[vector<16xi32>, vector<16xi32>], vector<16xf32>, vector<16xi1>
        tpu.vector_store_idx %arg15[%and3A_263], %gather3A_273 masked %lt3A_266 : memref<4096xf32, #tpu.memory_space<vmem>>[vector<16xi32>], vector<16xf32>, vector<16xi1>
        %broadcast_in_dim3A_274 = arith.constant 2 : i32
        %broadcast_in_dim3A_275 = vector.broadcast %broadcast_in_dim3A_274 : i32 to vector<16xi32>
        %gather3A_276 = tpu.vector_load_idx %arg8[%broadcast_in_dim3A_275, %sub3A_269] masked %lt3A_266 : memref<8x4096xf32, #tpu.memory_space<vmem>>[vector<16xi32>, vector<16xi32>], vector<16xf32>, vector<16xi1>
        tpu.vector_store_idx %arg16[%and3A_263], %gather3A_276 masked %lt3A_266 : memref<4096xf32, #tpu.memory_space<vmem>>[vector<16xi32>], vector<16xf32>, vector<16xi1>
        %broadcast_in_dim3A_277 = arith.constant 3 : i32
        %broadcast_in_dim3A_278 = vector.broadcast %broadcast_in_dim3A_277 : i32 to vector<16xi32>
        %gather3A_279 = tpu.vector_load_idx %arg8[%broadcast_in_dim3A_278, %sub3A_269] masked %lt3A_266 : memref<8x4096xf32, #tpu.memory_space<vmem>>[vector<16xi32>, vector<16xi32>], vector<16xf32>, vector<16xi1>
        tpu.vector_store_idx %arg17[%and3A_263], %gather3A_279 masked %lt3A_266 : memref<4096xf32, #tpu.memory_space<vmem>>[vector<16xi32>], vector<16xf32>, vector<16xi1>
        %broadcast_in_dim3A_280 = arith.constant 4 : i32
        %broadcast_in_dim3A_281 = vector.broadcast %broadcast_in_dim3A_280 : i32 to vector<16xi32>
        %gather3A_282 = tpu.vector_load_idx %arg8[%broadcast_in_dim3A_281, %sub3A_269] masked %lt3A_266 : memref<8x4096xf32, #tpu.memory_space<vmem>>[vector<16xi32>, vector<16xi32>], vector<16xf32>, vector<16xi1>
        tpu.vector_store_idx %arg18[%and3A_263], %gather3A_282 masked %lt3A_266 : memref<4096xf32, #tpu.memory_space<vmem>>[vector<16xi32>], vector<16xf32>, vector<16xi1>
        %broadcast_in_dim3A_283 = arith.constant 5 : i32
        %broadcast_in_dim3A_284 = vector.broadcast %broadcast_in_dim3A_283 : i32 to vector<16xi32>
        %gather3A_285 = tpu.vector_load_idx %arg8[%broadcast_in_dim3A_284, %sub3A_269] masked %lt3A_266 : memref<8x4096xf32, #tpu.memory_space<vmem>>[vector<16xi32>, vector<16xi32>], vector<16xf32>, vector<16xi1>
        tpu.vector_store_idx %arg19[%and3A_263], %gather3A_285 masked %lt3A_266 : memref<4096xf32, #tpu.memory_space<vmem>>[vector<16xi32>], vector<16xf32>, vector<16xi1>
        %broadcast_in_dim3A_286 = arith.constant 6 : i32
        %broadcast_in_dim3A_287 = vector.broadcast %broadcast_in_dim3A_286 : i32 to vector<16xi32>
        %gather3A_288 = tpu.vector_load_idx %arg8[%broadcast_in_dim3A_287, %sub3A_269] masked %lt3A_266 : memref<8x4096xf32, #tpu.memory_space<vmem>>[vector<16xi32>, vector<16xi32>], vector<16xf32>, vector<16xi1>
        tpu.vector_store_idx %arg20[%and3A_263], %gather3A_288 masked %lt3A_266 : memref<4096xf32, #tpu.memory_space<vmem>>[vector<16xi32>], vector<16xf32>, vector<16xi1>
        %broadcast_in_dim3A_289 = arith.constant 7 : i32
        %broadcast_in_dim3A_290 = vector.broadcast %broadcast_in_dim3A_289 : i32 to vector<16xi32>
        %gather3A_291 = tpu.vector_load_idx %arg8[%broadcast_in_dim3A_290, %sub3A_269] masked %lt3A_266 : memref<8x4096xf32, #tpu.memory_space<vmem>>[vector<16xi32>, vector<16xi32>], vector<16xf32>, vector<16xi1>
        tpu.vector_store_idx %arg21[%and3A_263], %gather3A_291 masked %lt3A_266 : memref<4096xf32, #tpu.memory_space<vmem>>[vector<16xi32>], vector<16xf32>, vector<16xi1>
      }
      %while3A_81 = arith.constant 1 : i32
      scf.for %while3A_254 = %while3A_79 to %while3A_75 step %while3A_81  : i32 {
        %mul3A_255 = arith.constant 16 : i32
        %mul3A_256 = arith.muli %while3A_254, %mul3A_255 : i32
        %add3A_257 = arith.addi %squeeze3A, %mul3A_256 : i32
        %get3A_258 = arith.index_cast %add3A_257 : i32 to index
        %get3A_259 = tpu.vector_load %arg10[%get3A_258] {strides = array<i32>} : memref<4128xi32, #tpu.memory_space<vmem>>, vector<16xi32>,
        %shift_right_logical3A = arith.constant 12 : i32
        %shift_right_logical3A_260 = vector.broadcast %shift_right_logical3A : i32 to vector<16xi32>
        %shift_right_logical3A_261 = arith.shrui %get3A_259, %shift_right_logical3A_260 : vector<16xi32>
        %and3A = arith.constant 4095 : i32
        %and3A_262 = vector.broadcast %and3A : i32 to vector<16xi32>
        %and3A_263 = arith.andi %get3A_259, %and3A_262 : vector<16xi32>
        %iota3A = tpu.iota {dimensions = array<i32: 0>} : vector<16xi32>
        %add3A_264 = vector.broadcast %add3A_257 : i32 to vector<16xi32>
        %add3A_265 = arith.addi %add3A_264, %iota3A : vector<16xi32>
        %lt3A = vector.broadcast %squeeze3A_68 : i32 to vector<16xi32>
        %lt3A_266 = arith.cmpi slt, %add3A_265, %lt3A : vector<16xi32>
        %sub3A_267 = arith.constant 92160 : i32
        %sub3A_268 = vector.broadcast %sub3A_267 : i32 to vector<16xi32>
        %sub3A_269 = arith.subi %shift_right_logical3A_261, %sub3A_268 : vector<16xi32>
        %broadcast_in_dim3A = arith.constant 0 : i32
        %broadcast_in_dim3A_270 = vector.broadcast %broadcast_in_dim3A : i32 to vector<16xi32>
        %gather3A = tpu.vector_load_idx %arg8[%broadcast_in_dim3A_270, %sub3A_269] masked %lt3A_266 : memref<8x4096xf32, #tpu.memory_space<vmem>>[vector<16xi32>, vector<16xi32>], vector<16xf32>, vector<16xi1>
        tpu.vector_store_idx %arg14[%and3A_263], %gather3A masked %lt3A_266 : memref<4096xf32, #tpu.memory_space<vmem>>[vector<16xi32>], vector<16xf32>, vector<16xi1>
        %broadcast_in_dim3A_271 = arith.constant 1 : i32
        %broadcast_in_dim3A_272 = vector.broadcast %broadcast_in_dim3A_271 : i32 to vector<16xi32>
        %gather3A_273 = tpu.vector_load_idx %arg8[%broadcast_in_dim3A_272, %sub3A_269] masked %lt3A_266 : memref<8x4096xf32, #tpu.memory_space<vmem>>[vector<16xi32>, vector<16xi32>], vector<16xf32>, vector<16xi1>
        tpu.vector_store_idx %arg15[%and3A_263], %gather3A_273 masked %lt3A_266 : memref<4096xf32, #tpu.memory_space<vmem>>[vector<16xi32>], vector<16xf32>, vector<16xi1>
        %broadcast_in_dim3A_274 = arith.constant 2 : i32
        %broadcast_in_dim3A_275 = vector.broadcast %broadcast_in_dim3A_274 : i32 to vector<16xi32>
        %gather3A_276 = tpu.vector_load_idx %arg8[%broadcast_in_dim3A_275, %sub3A_269] masked %lt3A_266 : memref<8x4096xf32, #tpu.memory_space<vmem>>[vector<16xi32>, vector<16xi32>], vector<16xf32>, vector<16xi1>
        tpu.vector_store_idx %arg16[%and3A_263], %gather3A_276 masked %lt3A_266 : memref<4096xf32, #tpu.memory_space<vmem>>[vector<16xi32>], vector<16xf32>, vector<16xi1>
        %broadcast_in_dim3A_277 = arith.constant 3 : i32
        %broadcast_in_dim3A_278 = vector.broadcast %broadcast_in_dim3A_277 : i32 to vector<16xi32>
        %gather3A_279 = tpu.vector_load_idx %arg8[%broadcast_in_dim3A_278, %sub3A_269] masked %lt3A_266 : memref<8x4096xf32, #tpu.memory_space<vmem>>[vector<16xi32>, vector<16xi32>], vector<16xf32>, vector<16xi1>
        tpu.vector_store_idx %arg17[%and3A_263], %gather3A_279 masked %lt3A_266 : memref<4096xf32, #tpu.memory_space<vmem>>[vector<16xi32>], vector<16xf32>, vector<16xi1>
        %broadcast_in_dim3A_280 = arith.constant 4 : i32
        %broadcast_in_dim3A_281 = vector.broadcast %broadcast_in_dim3A_280 : i32 to vector<16xi32>
        %gather3A_282 = tpu.vector_load_idx %arg8[%broadcast_in_dim3A_281, %sub3A_269] masked %lt3A_266 : memref<8x4096xf32, #tpu.memory_space<vmem>>[vector<16xi32>, vector<16xi32>], vector<16xf32>, vector<16xi1>
        tpu.vector_store_idx %arg18[%and3A_263], %gather3A_282 masked %lt3A_266 : memref<4096xf32, #tpu.memory_space<vmem>>[vector<16xi32>], vector<16xf32>, vector<16xi1>
        %broadcast_in_dim3A_283 = arith.constant 5 : i32
        %broadcast_in_dim3A_284 = vector.broadcast %broadcast_in_dim3A_283 : i32 to vector<16xi32>
        %gather3A_285 = tpu.vector_load_idx %arg8[%broadcast_in_dim3A_284, %sub3A_269] masked %lt3A_266 : memref<8x4096xf32, #tpu.memory_space<vmem>>[vector<16xi32>, vector<16xi32>], vector<16xf32>, vector<16xi1>
        tpu.vector_store_idx %arg19[%and3A_263], %gather3A_285 masked %lt3A_266 : memref<4096xf32, #tpu.memory_space<vmem>>[vector<16xi32>], vector<16xf32>, vector<16xi1>
        %broadcast_in_dim3A_286 = arith.constant 6 : i32
        %broadcast_in_dim3A_287 = vector.broadcast %broadcast_in_dim3A_286 : i32 to vector<16xi32>
        %gather3A_288 = tpu.vector_load_idx %arg8[%broadcast_in_dim3A_287, %sub3A_269] masked %lt3A_266 : memref<8x4096xf32, #tpu.memory_space<vmem>>[vector<16xi32>, vector<16xi32>], vector<16xf32>, vector<16xi1>
        tpu.vector_store_idx %arg20[%and3A_263], %gather3A_288 masked %lt3A_266 : memref<4096xf32, #tpu.memory_space<vmem>>[vector<16xi32>], vector<16xf32>, vector<16xi1>
        %broadcast_in_dim3A_289 = arith.constant 7 : i32
        %broadcast_in_dim3A_290 = vector.broadcast %broadcast_in_dim3A_289 : i32 to vector<16xi32>
        %gather3A_291 = tpu.vector_load_idx %arg8[%broadcast_in_dim3A_290, %sub3A_269] masked %lt3A_266 : memref<8x4096xf32, #tpu.memory_space<vmem>>[vector<16xi32>, vector<16xi32>], vector<16xf32>, vector<16xi1>
        tpu.vector_store_idx %arg21[%and3A_263], %gather3A_291 masked %lt3A_266 : memref<4096xf32, #tpu.memory_space<vmem>>[vector<16xi32>], vector<16xf32>, vector<16xi1>
      }
      %mul3A_82 = arith.constant 8 : i32
      %mul3A_83 = arith.muli %div3A_15, %mul3A_82 : i32
      %dma_start3A_84 = arith.constant 0 : i32
      %dma_start3A_85 = arith.constant 0 : i32
      %dma_start3A_86 = tpu.memref_slice %arg8[%dma_start3A_84, %dma_start3A_85] : memref<8x4096xf32, #tpu.memory_space<vmem>> -> memref<8x128xf32, #tpu.memory_space<vmem>>
      %dma_start3A_87 = arith.constant 0 : i32
      %dma_start3A_88 = tpu.memref_slice %arg3[%rem3A_13, %mul3A_83, %dma_start3A_87] : memref<26x32x128xf32, #tpu.memory_space<hbm>> -> memref<1x8x128xf32, #tpu.memory_space<hbm>>
      %dma_start3A_89 = tpu.memref_squeeze %dma_start3A_88 : memref<1x8x128xf32, #tpu.memory_space<hbm>> -> memref<8x128xf32, #tpu.memory_space<hbm>>
      %dma_start3A_90 = arith.constant 0 : i32
      %dma_start3A_91 = arith.constant 0 : i32
      %dma_start3A_92 = tpu.memref_slice %arg8[%dma_start3A_90, %dma_start3A_91] : memref<8x4096xf32, #tpu.memory_space<vmem>> -> memref<8x128xf32, #tpu.memory_space<vmem>>
      %dma_start3A_93 = arith.constant 0 : i32
      %dma_start3A_94 = tpu.memref_slice %arg3[%rem3A_13, %mul3A_83, %dma_start3A_93] : memref<26x32x128xf32, #tpu.memory_space<hbm>> -> memref<1x8x128xf32, #tpu.memory_space<hbm>>
      %dma_start3A_95 = tpu.memref_squeeze %dma_start3A_94 : memref<1x8x128xf32, #tpu.memory_space<hbm>> -> memref<8x128xf32, #tpu.memory_space<hbm>>
      tpu.enqueue_dma source(%dma_start3A_95 : memref<8x128xf32, #tpu.memory_space<hbm>>) target(%dma_start3A_92 : memref<8x128xf32, #tpu.memory_space<vmem>>) target_semaphore(%arg12 : memref<!tpu.dma_semaphore, #tpu.memory_space<semaphore_mem>>)
      %mul3A_96 = arith.constant 8 : i32
      %mul3A_97 = arith.muli %div3A_15, %mul3A_96 : i32
      %dma_wait3A_98 = arith.constant 0 : i32
      %dma_wait3A_99 = arith.constant 0 : i32
      %dma_wait3A_100 = tpu.memref_slice %arg9[%dma_wait3A_98, %dma_wait3A_99] : memref<8x4096xf32, #tpu.memory_space<vmem>> -> memref<8x3968xf32, #tpu.memory_space<vmem>>
      %dma_wait3A_101 = arith.constant 96000 : i32
      %dma_wait3A_102 = tpu.memref_slice %arg2[%rem3A_13, %mul3A_97, %dma_wait3A_101] : memref<26x32x100000xf32, #tpu.memory_space<hbm>> -> memref<1x8x3968xf32, #tpu.memory_space<hbm>>
      %dma_wait3A_103 = tpu.memref_squeeze %dma_wait3A_102 : memref<1x8x3968xf32, #tpu.memory_space<hbm>> -> memref<8x3968xf32, #tpu.memory_space<hbm>>
      %dma_wait3A_104 = arith.constant 0 : i32
      %dma_wait3A_105 = arith.constant 0 : i32
      %dma_wait3A_106 = tpu.memref_slice %arg9[%dma_wait3A_104, %dma_wait3A_105] : memref<8x4096xf32, #tpu.memory_space<vmem>> -> memref<8x3968xf32, #tpu.memory_space<vmem>>
      %dma_wait3A_107 = arith.constant 96000 : i32
      %dma_wait3A_108 = tpu.memref_slice %arg2[%rem3A_13, %mul3A_97, %dma_wait3A_107] : memref<26x32x100000xf32, #tpu.memory_space<hbm>> -> memref<1x8x3968xf32, #tpu.memory_space<hbm>>
      %dma_wait3A_109 = tpu.memref_squeeze %dma_wait3A_108 : memref<1x8x3968xf32, #tpu.memory_space<hbm>> -> memref<8x3968xf32, #tpu.memory_space<hbm>>
      tpu.wait_dma2 semaphore(%arg13 : memref<!tpu.dma_semaphore, #tpu.memory_space<semaphore_mem>>) src(%dma_wait3A_109 : memref<8x3968xf32, #tpu.memory_space<hbm>>) dst(%dma_wait3A_106 : memref<8x3968xf32, #tpu.memory_space<vmem>>)
      %get3A_110 = arith.constant 25 : index
      %get3A_111 = tpu.vector_load %arg11[%get3A_110] {strides = array<i32>} : memref<64xi32, #tpu.memory_space<vmem>>, vector<16xi32>,
      %slice3A_112 = vector.extract_strided_slice %get3A_111 {offsets = [0], sizes = [1], strides = [1]} : vector<16xi32> to vector<1xi32>
      %squeeze3A_113 = vector.extract %slice3A_112[0] : i32 from vector<1xi32>
      %slice3A_114 = vector.extract_strided_slice %get3A_111 {offsets = [1], sizes = [1], strides = [1]} : vector<16xi32> to vector<1xi32>
      %squeeze3A_115 = vector.extract %slice3A_114[0] : i32 from vector<1xi32>
      %sub3A_116 = arith.subi %squeeze3A_115, %squeeze3A_113 : i32
      %add3A_117 = arith.constant 15 : i32
      %add3A_118 = arith.addi %sub3A_116, %add3A_117 : i32
      %div3A_119 = arith.constant 16 : i32
      %div3A_120 = arith.divsi %add3A_118, %div3A_119 : i32
      %while3A_121 = arith.constant 0 : i32
      %while3A_122 = arith.constant 0 : i32
      %while3A_123 = arith.subi %div3A_120, %while3A_122 : i32
      %while3A_124 = arith.addi %while3A_122, %while3A_123 : i32
      %while3A_125 = arith.constant 1 : i32
      %while3A_126 = arith.divsi %while3A_123, %while3A_125 : i32
      %while3A_127 = arith.muli %while3A_126, %while3A_125 : i32
      %while3A_128 = arith.addi %while3A_122, %while3A_127 : i32
      %while3A_129 = arith.constant 1 : i32
      scf.for %while3A_254 = %while3A_122 to %while3A_128 step %while3A_129  : i32 {
        %mul3A_255 = arith.constant 16 : i32
        %mul3A_256 = arith.muli %while3A_254, %mul3A_255 : i32
        %add3A_257 = arith.addi %squeeze3A_113, %mul3A_256 : i32
        %get3A_258 = arith.index_cast %add3A_257 : i32 to index
        %get3A_259 = tpu.vector_load %arg10[%get3A_258] {strides = array<i32>} : memref<4128xi32, #tpu.memory_space<vmem>>, vector<16xi32>,
        %shift_right_logical3A = arith.constant 12 : i32
        %shift_right_logical3A_260 = vector.broadcast %shift_right_logical3A : i32 to vector<16xi32>
        %shift_right_logical3A_261 = arith.shrui %get3A_259, %shift_right_logical3A_260 : vector<16xi32>
        %and3A = arith.constant 4095 : i32
        %and3A_262 = vector.broadcast %and3A : i32 to vector<16xi32>
        %and3A_263 = arith.andi %get3A_259, %and3A_262 : vector<16xi32>
        %iota3A = tpu.iota {dimensions = array<i32: 0>} : vector<16xi32>
        %add3A_264 = vector.broadcast %add3A_257 : i32 to vector<16xi32>
        %add3A_265 = arith.addi %add3A_264, %iota3A : vector<16xi32>
        %lt3A = vector.broadcast %squeeze3A_115 : i32 to vector<16xi32>
        %lt3A_266 = arith.cmpi slt, %add3A_265, %lt3A : vector<16xi32>
        %sub3A_267 = arith.constant 96000 : i32
        %sub3A_268 = vector.broadcast %sub3A_267 : i32 to vector<16xi32>
        %sub3A_269 = arith.subi %shift_right_logical3A_261, %sub3A_268 : vector<16xi32>
        %broadcast_in_dim3A = arith.constant 0 : i32
        %broadcast_in_dim3A_270 = vector.broadcast %broadcast_in_dim3A : i32 to vector<16xi32>
        %gather3A = tpu.vector_load_idx %arg9[%broadcast_in_dim3A_270, %sub3A_269] masked %lt3A_266 : memref<8x4096xf32, #tpu.memory_space<vmem>>[vector<16xi32>, vector<16xi32>], vector<16xf32>, vector<16xi1>
        tpu.vector_store_idx %arg14[%and3A_263], %gather3A masked %lt3A_266 : memref<4096xf32, #tpu.memory_space<vmem>>[vector<16xi32>], vector<16xf32>, vector<16xi1>
        %broadcast_in_dim3A_271 = arith.constant 1 : i32
        %broadcast_in_dim3A_272 = vector.broadcast %broadcast_in_dim3A_271 : i32 to vector<16xi32>
        %gather3A_273 = tpu.vector_load_idx %arg9[%broadcast_in_dim3A_272, %sub3A_269] masked %lt3A_266 : memref<8x4096xf32, #tpu.memory_space<vmem>>[vector<16xi32>, vector<16xi32>], vector<16xf32>, vector<16xi1>
        tpu.vector_store_idx %arg15[%and3A_263], %gather3A_273 masked %lt3A_266 : memref<4096xf32, #tpu.memory_space<vmem>>[vector<16xi32>], vector<16xf32>, vector<16xi1>
        %broadcast_in_dim3A_274 = arith.constant 2 : i32
        %broadcast_in_dim3A_275 = vector.broadcast %broadcast_in_dim3A_274 : i32 to vector<16xi32>
        %gather3A_276 = tpu.vector_load_idx %arg9[%broadcast_in_dim3A_275, %sub3A_269] masked %lt3A_266 : memref<8x4096xf32, #tpu.memory_space<vmem>>[vector<16xi32>, vector<16xi32>], vector<16xf32>, vector<16xi1>
        tpu.vector_store_idx %arg16[%and3A_263], %gather3A_276 masked %lt3A_266 : memref<4096xf32, #tpu.memory_space<vmem>>[vector<16xi32>], vector<16xf32>, vector<16xi1>
        %broadcast_in_dim3A_277 = arith.constant 3 : i32
        %broadcast_in_dim3A_278 = vector.broadcast %broadcast_in_dim3A_277 : i32 to vector<16xi32>
        %gather3A_279 = tpu.vector_load_idx %arg9[%broadcast_in_dim3A_278, %sub3A_269] masked %lt3A_266 : memref<8x4096xf32, #tpu.memory_space<vmem>>[vector<16xi32>, vector<16xi32>], vector<16xf32>, vector<16xi1>
        tpu.vector_store_idx %arg17[%and3A_263], %gather3A_279 masked %lt3A_266 : memref<4096xf32, #tpu.memory_space<vmem>>[vector<16xi32>], vector<16xf32>, vector<16xi1>
        %broadcast_in_dim3A_280 = arith.constant 4 : i32
        %broadcast_in_dim3A_281 = vector.broadcast %broadcast_in_dim3A_280 : i32 to vector<16xi32>
        %gather3A_282 = tpu.vector_load_idx %arg9[%broadcast_in_dim3A_281, %sub3A_269] masked %lt3A_266 : memref<8x4096xf32, #tpu.memory_space<vmem>>[vector<16xi32>, vector<16xi32>], vector<16xf32>, vector<16xi1>
        tpu.vector_store_idx %arg18[%and3A_263], %gather3A_282 masked %lt3A_266 : memref<4096xf32, #tpu.memory_space<vmem>>[vector<16xi32>], vector<16xf32>, vector<16xi1>
        %broadcast_in_dim3A_283 = arith.constant 5 : i32
        %broadcast_in_dim3A_284 = vector.broadcast %broadcast_in_dim3A_283 : i32 to vector<16xi32>
        %gather3A_285 = tpu.vector_load_idx %arg9[%broadcast_in_dim3A_284, %sub3A_269] masked %lt3A_266 : memref<8x4096xf32, #tpu.memory_space<vmem>>[vector<16xi32>, vector<16xi32>], vector<16xf32>, vector<16xi1>
        tpu.vector_store_idx %arg19[%and3A_263], %gather3A_285 masked %lt3A_266 : memref<4096xf32, #tpu.memory_space<vmem>>[vector<16xi32>], vector<16xf32>, vector<16xi1>
        %broadcast_in_dim3A_286 = arith.constant 6 : i32
        %broadcast_in_dim3A_287 = vector.broadcast %broadcast_in_dim3A_286 : i32 to vector<16xi32>
        %gather3A_288 = tpu.vector_load_idx %arg9[%broadcast_in_dim3A_287, %sub3A_269] masked %lt3A_266 : memref<8x4096xf32, #tpu.memory_space<vmem>>[vector<16xi32>, vector<16xi32>], vector<16xf32>, vector<16xi1>
        tpu.vector_store_idx %arg20[%and3A_263], %gather3A_288 masked %lt3A_266 : memref<4096xf32, #tpu.memory_space<vmem>>[vector<16xi32>], vector<16xf32>, vector<16xi1>
        %broadcast_in_dim3A_289 = arith.constant 7 : i32
        %broadcast_in_dim3A_290 = vector.broadcast %broadcast_in_dim3A_289 : i32 to vector<16xi32>
        %gather3A_291 = tpu.vector_load_idx %arg9[%broadcast_in_dim3A_290, %sub3A_269] masked %lt3A_266 : memref<8x4096xf32, #tpu.memory_space<vmem>>[vector<16xi32>, vector<16xi32>], vector<16xf32>, vector<16xi1>
        tpu.vector_store_idx %arg21[%and3A_263], %gather3A_291 masked %lt3A_266 : memref<4096xf32, #tpu.memory_space<vmem>>[vector<16xi32>], vector<16xf32>, vector<16xi1>
      }
      %while3A_130 = arith.constant 1 : i32
      scf.for %while3A_254 = %while3A_128 to %while3A_124 step %while3A_130  : i32 {
        %mul3A_255 = arith.constant 16 : i32
        %mul3A_256 = arith.muli %while3A_254, %mul3A_255 : i32
        %add3A_257 = arith.addi %squeeze3A_113, %mul3A_256 : i32
        %get3A_258 = arith.index_cast %add3A_257 : i32 to index
        %get3A_259 = tpu.vector_load %arg10[%get3A_258] {strides = array<i32>} : memref<4128xi32, #tpu.memory_space<vmem>>, vector<16xi32>,
        %shift_right_logical3A = arith.constant 12 : i32
        %shift_right_logical3A_260 = vector.broadcast %shift_right_logical3A : i32 to vector<16xi32>
        %shift_right_logical3A_261 = arith.shrui %get3A_259, %shift_right_logical3A_260 : vector<16xi32>
        %and3A = arith.constant 4095 : i32
        %and3A_262 = vector.broadcast %and3A : i32 to vector<16xi32>
        %and3A_263 = arith.andi %get3A_259, %and3A_262 : vector<16xi32>
        %iota3A = tpu.iota {dimensions = array<i32: 0>} : vector<16xi32>
        %add3A_264 = vector.broadcast %add3A_257 : i32 to vector<16xi32>
        %add3A_265 = arith.addi %add3A_264, %iota3A : vector<16xi32>
        %lt3A = vector.broadcast %squeeze3A_115 : i32 to vector<16xi32>
        %lt3A_266 = arith.cmpi slt, %add3A_265, %lt3A : vector<16xi32>
        %sub3A_267 = arith.constant 96000 : i32
        %sub3A_268 = vector.broadcast %sub3A_267 : i32 to vector<16xi32>
        %sub3A_269 = arith.subi %shift_right_logical3A_261, %sub3A_268 : vector<16xi32>
        %broadcast_in_dim3A = arith.constant 0 : i32
        %broadcast_in_dim3A_270 = vector.broadcast %broadcast_in_dim3A : i32 to vector<16xi32>
        %gather3A = tpu.vector_load_idx %arg9[%broadcast_in_dim3A_270, %sub3A_269] masked %lt3A_266 : memref<8x4096xf32, #tpu.memory_space<vmem>>[vector<16xi32>, vector<16xi32>], vector<16xf32>, vector<16xi1>
        tpu.vector_store_idx %arg14[%and3A_263], %gather3A masked %lt3A_266 : memref<4096xf32, #tpu.memory_space<vmem>>[vector<16xi32>], vector<16xf32>, vector<16xi1>
        %broadcast_in_dim3A_271 = arith.constant 1 : i32
        %broadcast_in_dim3A_272 = vector.broadcast %broadcast_in_dim3A_271 : i32 to vector<16xi32>
        %gather3A_273 = tpu.vector_load_idx %arg9[%broadcast_in_dim3A_272, %sub3A_269] masked %lt3A_266 : memref<8x4096xf32, #tpu.memory_space<vmem>>[vector<16xi32>, vector<16xi32>], vector<16xf32>, vector<16xi1>
        tpu.vector_store_idx %arg15[%and3A_263], %gather3A_273 masked %lt3A_266 : memref<4096xf32, #tpu.memory_space<vmem>>[vector<16xi32>], vector<16xf32>, vector<16xi1>
        %broadcast_in_dim3A_274 = arith.constant 2 : i32
        %broadcast_in_dim3A_275 = vector.broadcast %broadcast_in_dim3A_274 : i32 to vector<16xi32>
        %gather3A_276 = tpu.vector_load_idx %arg9[%broadcast_in_dim3A_275, %sub3A_269] masked %lt3A_266 : memref<8x4096xf32, #tpu.memory_space<vmem>>[vector<16xi32>, vector<16xi32>], vector<16xf32>, vector<16xi1>
        tpu.vector_store_idx %arg16[%and3A_263], %gather3A_276 masked %lt3A_266 : memref<4096xf32, #tpu.memory_space<vmem>>[vector<16xi32>], vector<16xf32>, vector<16xi1>
        %broadcast_in_dim3A_277 = arith.constant 3 : i32
        %broadcast_in_dim3A_278 = vector.broadcast %broadcast_in_dim3A_277 : i32 to vector<16xi32>
        %gather3A_279 = tpu.vector_load_idx %arg9[%broadcast_in_dim3A_278, %sub3A_269] masked %lt3A_266 : memref<8x4096xf32, #tpu.memory_space<vmem>>[vector<16xi32>, vector<16xi32>], vector<16xf32>, vector<16xi1>
        tpu.vector_store_idx %arg17[%and3A_263], %gather3A_279 masked %lt3A_266 : memref<4096xf32, #tpu.memory_space<vmem>>[vector<16xi32>], vector<16xf32>, vector<16xi1>
        %broadcast_in_dim3A_280 = arith.constant 4 : i32
        %broadcast_in_dim3A_281 = vector.broadcast %broadcast_in_dim3A_280 : i32 to vector<16xi32>
        %gather3A_282 = tpu.vector_load_idx %arg9[%broadcast_in_dim3A_281, %sub3A_269] masked %lt3A_266 : memref<8x4096xf32, #tpu.memory_space<vmem>>[vector<16xi32>, vector<16xi32>], vector<16xf32>, vector<16xi1>
        tpu.vector_store_idx %arg18[%and3A_263], %gather3A_282 masked %lt3A_266 : memref<4096xf32, #tpu.memory_space<vmem>>[vector<16xi32>], vector<16xf32>, vector<16xi1>
        %broadcast_in_dim3A_283 = arith.constant 5 : i32
        %broadcast_in_dim3A_284 = vector.broadcast %broadcast_in_dim3A_283 : i32 to vector<16xi32>
        %gather3A_285 = tpu.vector_load_idx %arg9[%broadcast_in_dim3A_284, %sub3A_269] masked %lt3A_266 : memref<8x4096xf32, #tpu.memory_space<vmem>>[vector<16xi32>, vector<16xi32>], vector<16xf32>, vector<16xi1>
        tpu.vector_store_idx %arg19[%and3A_263], %gather3A_285 masked %lt3A_266 : memref<4096xf32, #tpu.memory_space<vmem>>[vector<16xi32>], vector<16xf32>, vector<16xi1>
        %broadcast_in_dim3A_286 = arith.constant 6 : i32
        %broadcast_in_dim3A_287 = vector.broadcast %broadcast_in_dim3A_286 : i32 to vector<16xi32>
        %gather3A_288 = tpu.vector_load_idx %arg9[%broadcast_in_dim3A_287, %sub3A_269] masked %lt3A_266 : memref<8x4096xf32, #tpu.memory_space<vmem>>[vector<16xi32>, vector<16xi32>], vector<16xf32>, vector<16xi1>
        tpu.vector_store_idx %arg20[%and3A_263], %gather3A_288 masked %lt3A_266 : memref<4096xf32, #tpu.memory_space<vmem>>[vector<16xi32>], vector<16xf32>, vector<16xi1>
        %broadcast_in_dim3A_289 = arith.constant 7 : i32
        %broadcast_in_dim3A_290 = vector.broadcast %broadcast_in_dim3A_289 : i32 to vector<16xi32>
        %gather3A_291 = tpu.vector_load_idx %arg9[%broadcast_in_dim3A_290, %sub3A_269] masked %lt3A_266 : memref<8x4096xf32, #tpu.memory_space<vmem>>[vector<16xi32>, vector<16xi32>], vector<16xf32>, vector<16xi1>
        tpu.vector_store_idx %arg21[%and3A_263], %gather3A_291 masked %lt3A_266 : memref<4096xf32, #tpu.memory_space<vmem>>[vector<16xi32>], vector<16xf32>, vector<16xi1>
      }
      %mul3A_131 = arith.constant 8 : i32
      %mul3A_132 = arith.muli %div3A_15, %mul3A_131 : i32
      %dma_wait3A_133 = arith.constant 0 : i32
      %dma_wait3A_134 = arith.constant 0 : i32
      %dma_wait3A_135 = tpu.memref_slice %arg8[%dma_wait3A_133, %dma_wait3A_134] : memref<8x4096xf32, #tpu.memory_space<vmem>> -> memref<8x128xf32, #tpu.memory_space<vmem>>
      %dma_wait3A_136 = arith.constant 0 : i32
      %dma_wait3A_137 = tpu.memref_slice %arg3[%rem3A_13, %mul3A_132, %dma_wait3A_136] : memref<26x32x128xf32, #tpu.memory_space<hbm>> -> memref<1x8x128xf32, #tpu.memory_space<hbm>>
      %dma_wait3A_138 = tpu.memref_squeeze %dma_wait3A_137 : memref<1x8x128xf32, #tpu.memory_space<hbm>> -> memref<8x128xf32, #tpu.memory_space<hbm>>
      %dma_wait3A_139 = arith.constant 0 : i32
      %dma_wait3A_140 = arith.constant 0 : i32
      %dma_wait3A_141 = tpu.memref_slice %arg8[%dma_wait3A_139, %dma_wait3A_140] : memref<8x4096xf32, #tpu.memory_space<vmem>> -> memref<8x128xf32, #tpu.memory_space<vmem>>
      %dma_wait3A_142 = arith.constant 0 : i32
      %dma_wait3A_143 = tpu.memref_slice %arg3[%rem3A_13, %mul3A_132, %dma_wait3A_142] : memref<26x32x128xf32, #tpu.memory_space<hbm>> -> memref<1x8x128xf32, #tpu.memory_space<hbm>>
      %dma_wait3A_144 = tpu.memref_squeeze %dma_wait3A_143 : memref<1x8x128xf32, #tpu.memory_space<hbm>> -> memref<8x128xf32, #tpu.memory_space<hbm>>
      tpu.wait_dma2 semaphore(%arg12 : memref<!tpu.dma_semaphore, #tpu.memory_space<semaphore_mem>>) src(%dma_wait3A_144 : memref<8x128xf32, #tpu.memory_space<hbm>>) dst(%dma_wait3A_141 : memref<8x128xf32, #tpu.memory_space<vmem>>)
      %get3A_145 = arith.constant 26 : index
      %get3A_146 = tpu.vector_load %arg11[%get3A_145] {strides = array<i32>} : memref<64xi32, #tpu.memory_space<vmem>>, vector<16xi32>,
      %slice3A_147 = vector.extract_strided_slice %get3A_146 {offsets = [0], sizes = [1], strides = [1]} : vector<16xi32> to vector<1xi32>
      %squeeze3A_148 = vector.extract %slice3A_147[0] : i32 from vector<1xi32>
      %slice3A_149 = vector.extract_strided_slice %get3A_146 {offsets = [1], sizes = [1], strides = [1]} : vector<16xi32> to vector<1xi32>
      %squeeze3A_150 = vector.extract %slice3A_149[0] : i32 from vector<1xi32>
      %sub3A_151 = arith.subi %squeeze3A_150, %squeeze3A_148 : i32
      %add3A_152 = arith.constant 15 : i32
      %add3A_153 = arith.addi %sub3A_151, %add3A_152 : i32
      %div3A_154 = arith.constant 16 : i32
      %div3A_155 = arith.divsi %add3A_153, %div3A_154 : i32
      %while3A_156 = arith.constant 0 : i32
      %while3A_157 = arith.constant 0 : i32
      %while3A_158 = arith.subi %div3A_155, %while3A_157 : i32
      %while3A_159 = arith.addi %while3A_157, %while3A_158 : i32
      %while3A_160 = arith.constant 1 : i32
      %while3A_161 = arith.divsi %while3A_158, %while3A_160 : i32
      %while3A_162 = arith.muli %while3A_161, %while3A_160 : i32
      %while3A_163 = arith.addi %while3A_157, %while3A_162 : i32
      %while3A_164 = arith.constant 1 : i32
      scf.for %while3A_254 = %while3A_157 to %while3A_163 step %while3A_164  : i32 {
        %mul3A_255 = arith.constant 16 : i32
        %mul3A_256 = arith.muli %while3A_254, %mul3A_255 : i32
        %add3A_257 = arith.addi %squeeze3A_148, %mul3A_256 : i32
        %get3A_258 = arith.index_cast %add3A_257 : i32 to index
        %get3A_259 = tpu.vector_load %arg10[%get3A_258] {strides = array<i32>} : memref<4128xi32, #tpu.memory_space<vmem>>, vector<16xi32>,
        %shift_right_logical3A = arith.constant 12 : i32
        %shift_right_logical3A_260 = vector.broadcast %shift_right_logical3A : i32 to vector<16xi32>
        %shift_right_logical3A_261 = arith.shrui %get3A_259, %shift_right_logical3A_260 : vector<16xi32>
        %and3A = arith.constant 4095 : i32
        %and3A_262 = vector.broadcast %and3A : i32 to vector<16xi32>
        %and3A_263 = arith.andi %get3A_259, %and3A_262 : vector<16xi32>
        %iota3A = tpu.iota {dimensions = array<i32: 0>} : vector<16xi32>
        %add3A_264 = vector.broadcast %add3A_257 : i32 to vector<16xi32>
        %add3A_265 = arith.addi %add3A_264, %iota3A : vector<16xi32>
        %lt3A = vector.broadcast %squeeze3A_150 : i32 to vector<16xi32>
        %lt3A_266 = arith.cmpi slt, %add3A_265, %lt3A : vector<16xi32>
        %sub3A_267 = arith.constant 99968 : i32
        %sub3A_268 = vector.broadcast %sub3A_267 : i32 to vector<16xi32>
        %sub3A_269 = arith.subi %shift_right_logical3A_261, %sub3A_268 : vector<16xi32>
        %broadcast_in_dim3A = arith.constant 0 : i32
        %broadcast_in_dim3A_270 = vector.broadcast %broadcast_in_dim3A : i32 to vector<16xi32>
        %gather3A = tpu.vector_load_idx %arg8[%broadcast_in_dim3A_270, %sub3A_269] masked %lt3A_266 : memref<8x4096xf32, #tpu.memory_space<vmem>>[vector<16xi32>, vector<16xi32>], vector<16xf32>, vector<16xi1>
        tpu.vector_store_idx %arg14[%and3A_263], %gather3A masked %lt3A_266 : memref<4096xf32, #tpu.memory_space<vmem>>[vector<16xi32>], vector<16xf32>, vector<16xi1>
        %broadcast_in_dim3A_271 = arith.constant 1 : i32
        %broadcast_in_dim3A_272 = vector.broadcast %broadcast_in_dim3A_271 : i32 to vector<16xi32>
        %gather3A_273 = tpu.vector_load_idx %arg8[%broadcast_in_dim3A_272, %sub3A_269] masked %lt3A_266 : memref<8x4096xf32, #tpu.memory_space<vmem>>[vector<16xi32>, vector<16xi32>], vector<16xf32>, vector<16xi1>
        tpu.vector_store_idx %arg15[%and3A_263], %gather3A_273 masked %lt3A_266 : memref<4096xf32, #tpu.memory_space<vmem>>[vector<16xi32>], vector<16xf32>, vector<16xi1>
        %broadcast_in_dim3A_274 = arith.constant 2 : i32
        %broadcast_in_dim3A_275 = vector.broadcast %broadcast_in_dim3A_274 : i32 to vector<16xi32>
        %gather3A_276 = tpu.vector_load_idx %arg8[%broadcast_in_dim3A_275, %sub3A_269] masked %lt3A_266 : memref<8x4096xf32, #tpu.memory_space<vmem>>[vector<16xi32>, vector<16xi32>], vector<16xf32>, vector<16xi1>
        tpu.vector_store_idx %arg16[%and3A_263], %gather3A_276 masked %lt3A_266 : memref<4096xf32, #tpu.memory_space<vmem>>[vector<16xi32>], vector<16xf32>, vector<16xi1>
        %broadcast_in_dim3A_277 = arith.constant 3 : i32
        %broadcast_in_dim3A_278 = vector.broadcast %broadcast_in_dim3A_277 : i32 to vector<16xi32>
        %gather3A_279 = tpu.vector_load_idx %arg8[%broadcast_in_dim3A_278, %sub3A_269] masked %lt3A_266 : memref<8x4096xf32, #tpu.memory_space<vmem>>[vector<16xi32>, vector<16xi32>], vector<16xf32>, vector<16xi1>
        tpu.vector_store_idx %arg17[%and3A_263], %gather3A_279 masked %lt3A_266 : memref<4096xf32, #tpu.memory_space<vmem>>[vector<16xi32>], vector<16xf32>, vector<16xi1>
        %broadcast_in_dim3A_280 = arith.constant 4 : i32
        %broadcast_in_dim3A_281 = vector.broadcast %broadcast_in_dim3A_280 : i32 to vector<16xi32>
        %gather3A_282 = tpu.vector_load_idx %arg8[%broadcast_in_dim3A_281, %sub3A_269] masked %lt3A_266 : memref<8x4096xf32, #tpu.memory_space<vmem>>[vector<16xi32>, vector<16xi32>], vector<16xf32>, vector<16xi1>
        tpu.vector_store_idx %arg18[%and3A_263], %gather3A_282 masked %lt3A_266 : memref<4096xf32, #tpu.memory_space<vmem>>[vector<16xi32>], vector<16xf32>, vector<16xi1>
        %broadcast_in_dim3A_283 = arith.constant 5 : i32
        %broadcast_in_dim3A_284 = vector.broadcast %broadcast_in_dim3A_283 : i32 to vector<16xi32>
        %gather3A_285 = tpu.vector_load_idx %arg8[%broadcast_in_dim3A_284, %sub3A_269] masked %lt3A_266 : memref<8x4096xf32, #tpu.memory_space<vmem>>[vector<16xi32>, vector<16xi32>], vector<16xf32>, vector<16xi1>
        tpu.vector_store_idx %arg19[%and3A_263], %gather3A_285 masked %lt3A_266 : memref<4096xf32, #tpu.memory_space<vmem>>[vector<16xi32>], vector<16xf32>, vector<16xi1>
        %broadcast_in_dim3A_286 = arith.constant 6 : i32
        %broadcast_in_dim3A_287 = vector.broadcast %broadcast_in_dim3A_286 : i32 to vector<16xi32>
        %gather3A_288 = tpu.vector_load_idx %arg8[%broadcast_in_dim3A_287, %sub3A_269] masked %lt3A_266 : memref<8x4096xf32, #tpu.memory_space<vmem>>[vector<16xi32>, vector<16xi32>], vector<16xf32>, vector<16xi1>
        tpu.vector_store_idx %arg20[%and3A_263], %gather3A_288 masked %lt3A_266 : memref<4096xf32, #tpu.memory_space<vmem>>[vector<16xi32>], vector<16xf32>, vector<16xi1>
        %broadcast_in_dim3A_289 = arith.constant 7 : i32
        %broadcast_in_dim3A_290 = vector.broadcast %broadcast_in_dim3A_289 : i32 to vector<16xi32>
        %gather3A_291 = tpu.vector_load_idx %arg8[%broadcast_in_dim3A_290, %sub3A_269] masked %lt3A_266 : memref<8x4096xf32, #tpu.memory_space<vmem>>[vector<16xi32>, vector<16xi32>], vector<16xf32>, vector<16xi1>
        tpu.vector_store_idx %arg21[%and3A_263], %gather3A_291 masked %lt3A_266 : memref<4096xf32, #tpu.memory_space<vmem>>[vector<16xi32>], vector<16xf32>, vector<16xi1>
      }
      %while3A_165 = arith.constant 1 : i32
      scf.for %while3A_254 = %while3A_163 to %while3A_159 step %while3A_165  : i32 {
        %mul3A_255 = arith.constant 16 : i32
        %mul3A_256 = arith.muli %while3A_254, %mul3A_255 : i32
        %add3A_257 = arith.addi %squeeze3A_148, %mul3A_256 : i32
        %get3A_258 = arith.index_cast %add3A_257 : i32 to index
        %get3A_259 = tpu.vector_load %arg10[%get3A_258] {strides = array<i32>} : memref<4128xi32, #tpu.memory_space<vmem>>, vector<16xi32>,
        %shift_right_logical3A = arith.constant 12 : i32
        %shift_right_logical3A_260 = vector.broadcast %shift_right_logical3A : i32 to vector<16xi32>
        %shift_right_logical3A_261 = arith.shrui %get3A_259, %shift_right_logical3A_260 : vector<16xi32>
        %and3A = arith.constant 4095 : i32
        %and3A_262 = vector.broadcast %and3A : i32 to vector<16xi32>
        %and3A_263 = arith.andi %get3A_259, %and3A_262 : vector<16xi32>
        %iota3A = tpu.iota {dimensions = array<i32: 0>} : vector<16xi32>
        %add3A_264 = vector.broadcast %add3A_257 : i32 to vector<16xi32>
        %add3A_265 = arith.addi %add3A_264, %iota3A : vector<16xi32>
        %lt3A = vector.broadcast %squeeze3A_150 : i32 to vector<16xi32>
        %lt3A_266 = arith.cmpi slt, %add3A_265, %lt3A : vector<16xi32>
        %sub3A_267 = arith.constant 99968 : i32
        %sub3A_268 = vector.broadcast %sub3A_267 : i32 to vector<16xi32>
        %sub3A_269 = arith.subi %shift_right_logical3A_261, %sub3A_268 : vector<16xi32>
        %broadcast_in_dim3A = arith.constant 0 : i32
        %broadcast_in_dim3A_270 = vector.broadcast %broadcast_in_dim3A : i32 to vector<16xi32>
        %gather3A = tpu.vector_load_idx %arg8[%broadcast_in_dim3A_270, %sub3A_269] masked %lt3A_266 : memref<8x4096xf32, #tpu.memory_space<vmem>>[vector<16xi32>, vector<16xi32>], vector<16xf32>, vector<16xi1>
        tpu.vector_store_idx %arg14[%and3A_263], %gather3A masked %lt3A_266 : memref<4096xf32, #tpu.memory_space<vmem>>[vector<16xi32>], vector<16xf32>, vector<16xi1>
        %broadcast_in_dim3A_271 = arith.constant 1 : i32
        %broadcast_in_dim3A_272 = vector.broadcast %broadcast_in_dim3A_271 : i32 to vector<16xi32>
        %gather3A_273 = tpu.vector_load_idx %arg8[%broadcast_in_dim3A_272, %sub3A_269] masked %lt3A_266 : memref<8x4096xf32, #tpu.memory_space<vmem>>[vector<16xi32>, vector<16xi32>], vector<16xf32>, vector<16xi1>
        tpu.vector_store_idx %arg15[%and3A_263], %gather3A_273 masked %lt3A_266 : memref<4096xf32, #tpu.memory_space<vmem>>[vector<16xi32>], vector<16xf32>, vector<16xi1>
        %broadcast_in_dim3A_274 = arith.constant 2 : i32
        %broadcast_in_dim3A_275 = vector.broadcast %broadcast_in_dim3A_274 : i32 to vector<16xi32>
        %gather3A_276 = tpu.vector_load_idx %arg8[%broadcast_in_dim3A_275, %sub3A_269] masked %lt3A_266 : memref<8x4096xf32, #tpu.memory_space<vmem>>[vector<16xi32>, vector<16xi32>], vector<16xf32>, vector<16xi1>
        tpu.vector_store_idx %arg16[%and3A_263], %gather3A_276 masked %lt3A_266 : memref<4096xf32, #tpu.memory_space<vmem>>[vector<16xi32>], vector<16xf32>, vector<16xi1>
        %broadcast_in_dim3A_277 = arith.constant 3 : i32
        %broadcast_in_dim3A_278 = vector.broadcast %broadcast_in_dim3A_277 : i32 to vector<16xi32>
        %gather3A_279 = tpu.vector_load_idx %arg8[%broadcast_in_dim3A_278, %sub3A_269] masked %lt3A_266 : memref<8x4096xf32, #tpu.memory_space<vmem>>[vector<16xi32>, vector<16xi32>], vector<16xf32>, vector<16xi1>
        tpu.vector_store_idx %arg17[%and3A_263], %gather3A_279 masked %lt3A_266 : memref<4096xf32, #tpu.memory_space<vmem>>[vector<16xi32>], vector<16xf32>, vector<16xi1>
        %broadcast_in_dim3A_280 = arith.constant 4 : i32
        %broadcast_in_dim3A_281 = vector.broadcast %broadcast_in_dim3A_280 : i32 to vector<16xi32>
        %gather3A_282 = tpu.vector_load_idx %arg8[%broadcast_in_dim3A_281, %sub3A_269] masked %lt3A_266 : memref<8x4096xf32, #tpu.memory_space<vmem>>[vector<16xi32>, vector<16xi32>], vector<16xf32>, vector<16xi1>
        tpu.vector_store_idx %arg18[%and3A_263], %gather3A_282 masked %lt3A_266 : memref<4096xf32, #tpu.memory_space<vmem>>[vector<16xi32>], vector<16xf32>, vector<16xi1>
        %broadcast_in_dim3A_283 = arith.constant 5 : i32
        %broadcast_in_dim3A_284 = vector.broadcast %broadcast_in_dim3A_283 : i32 to vector<16xi32>
        %gather3A_285 = tpu.vector_load_idx %arg8[%broadcast_in_dim3A_284, %sub3A_269] masked %lt3A_266 : memref<8x4096xf32, #tpu.memory_space<vmem>>[vector<16xi32>, vector<16xi32>], vector<16xf32>, vector<16xi1>
        tpu.vector_store_idx %arg19[%and3A_263], %gather3A_285 masked %lt3A_266 : memref<4096xf32, #tpu.memory_space<vmem>>[vector<16xi32>], vector<16xf32>, vector<16xi1>
        %broadcast_in_dim3A_286 = arith.constant 6 : i32
        %broadcast_in_dim3A_287 = vector.broadcast %broadcast_in_dim3A_286 : i32 to vector<16xi32>
        %gather3A_288 = tpu.vector_load_idx %arg8[%broadcast_in_dim3A_287, %sub3A_269] masked %lt3A_266 : memref<8x4096xf32, #tpu.memory_space<vmem>>[vector<16xi32>, vector<16xi32>], vector<16xf32>, vector<16xi1>
        tpu.vector_store_idx %arg20[%and3A_263], %gather3A_288 masked %lt3A_266 : memref<4096xf32, #tpu.memory_space<vmem>>[vector<16xi32>], vector<16xf32>, vector<16xi1>
        %broadcast_in_dim3A_289 = arith.constant 7 : i32
        %broadcast_in_dim3A_290 = vector.broadcast %broadcast_in_dim3A_289 : i32 to vector<16xi32>
        %gather3A_291 = tpu.vector_load_idx %arg8[%broadcast_in_dim3A_290, %sub3A_269] masked %lt3A_266 : memref<8x4096xf32, #tpu.memory_space<vmem>>[vector<16xi32>, vector<16xi32>], vector<16xf32>, vector<16xi1>
        tpu.vector_store_idx %arg21[%and3A_263], %gather3A_291 masked %lt3A_266 : memref<4096xf32, #tpu.memory_space<vmem>>[vector<16xi32>], vector<16xf32>, vector<16xi1>
      }
      %mul3A_166 = arith.constant 32 : i32
      %mul3A_167 = arith.muli %rem3A_13, %mul3A_166 : i32
      %add3A_168 = arith.constant 13 : i32
      %add3A_169 = arith.addi %add3A_168, %mul3A_167 : i32
      %mul3A_170 = arith.constant 8 : i32
      %mul3A_171 = arith.muli %div3A_15, %mul3A_170 : i32
      %add3A_172 = arith.addi %add3A_169, %mul3A_171 : i32
      %add3A_173 = arith.constant 0 : i32
      %add3A_174 = arith.addi %add3A_172, %add3A_173 : i32
      %mul3A_175 = arith.constant 4096 : i32
      %mul3A_176 = arith.muli %add3A_174, %mul3A_175 : i32
      "tpu.region"() ({
        %run_scoped3A = tpu.sem_alloc : memref<!tpu.dma_semaphore, #tpu.memory_space<semaphore_mem>>
        %dma_start3A_254 = tpu.memref_slice %arg6[%mul3A_176] : memref<3592192xf32, #tpu.memory_space<hbm>> -> memref<4096xf32, #tpu.memory_space<hbm>>
        %dma_start3A_255 = tpu.memref_slice %arg6[%mul3A_176] : memref<3592192xf32, #tpu.memory_space<hbm>> -> memref<4096xf32, #tpu.memory_space<hbm>>
        tpu.enqueue_dma source(%arg14 : memref<4096xf32, #tpu.memory_space<vmem>>) target(%dma_start3A_255 : memref<4096xf32, #tpu.memory_space<hbm>>) target_semaphore(%run_scoped3A : memref<!tpu.dma_semaphore, #tpu.memory_space<semaphore_mem>>)
        %dma_wait3A_256 = tpu.memref_slice %arg6[%mul3A_176] : memref<3592192xf32, #tpu.memory_space<hbm>> -> memref<4096xf32, #tpu.memory_space<hbm>>
        %dma_wait3A_257 = tpu.memref_slice %arg6[%mul3A_176] : memref<3592192xf32, #tpu.memory_space<hbm>> -> memref<4096xf32, #tpu.memory_space<hbm>>
        tpu.wait_dma2 semaphore(%run_scoped3A : memref<!tpu.dma_semaphore, #tpu.memory_space<semaphore_mem>>) src(%arg14 : memref<4096xf32, #tpu.memory_space<vmem>>) dst(%dma_wait3A_257 : memref<4096xf32, #tpu.memory_space<hbm>>)
        tpu.yield
      }) : () -> ()
      %mul3A_177 = arith.constant 32 : i32
      %mul3A_178 = arith.muli %rem3A_13, %mul3A_177 : i32
      %add3A_179 = arith.constant 13 : i32
      %add3A_180 = arith.addi %add3A_179, %mul3A_178 : i32
      %mul3A_181 = arith.constant 8 : i32
      %mul3A_182 = arith.muli %div3A_15, %mul3A_181 : i32
      %add3A_183 = arith.addi %add3A_180, %mul3A_182 : i32
      %add3A_184 = arith.constant 1 : i32
      %add3A_185 = arith.addi %add3A_183, %add3A_184 : i32
      %mul3A_186 = arith.constant 4096 : i32
      %mul3A_187 = arith.muli %add3A_185, %mul3A_186 : i32
      "tpu.region"() ({
        %run_scoped3A = tpu.sem_alloc : memref<!tpu.dma_semaphore, #tpu.memory_space<semaphore_mem>>
        %dma_start3A_254 = tpu.memref_slice %arg6[%mul3A_187] : memref<3592192xf32, #tpu.memory_space<hbm>> -> memref<4096xf32, #tpu.memory_space<hbm>>
        %dma_start3A_255 = tpu.memref_slice %arg6[%mul3A_187] : memref<3592192xf32, #tpu.memory_space<hbm>> -> memref<4096xf32, #tpu.memory_space<hbm>>
        tpu.enqueue_dma source(%arg15 : memref<4096xf32, #tpu.memory_space<vmem>>) target(%dma_start3A_255 : memref<4096xf32, #tpu.memory_space<hbm>>) target_semaphore(%run_scoped3A : memref<!tpu.dma_semaphore, #tpu.memory_space<semaphore_mem>>)
        %dma_wait3A_256 = tpu.memref_slice %arg6[%mul3A_187] : memref<3592192xf32, #tpu.memory_space<hbm>> -> memref<4096xf32, #tpu.memory_space<hbm>>
        %dma_wait3A_257 = tpu.memref_slice %arg6[%mul3A_187] : memref<3592192xf32, #tpu.memory_space<hbm>> -> memref<4096xf32, #tpu.memory_space<hbm>>
        tpu.wait_dma2 semaphore(%run_scoped3A : memref<!tpu.dma_semaphore, #tpu.memory_space<semaphore_mem>>) src(%arg15 : memref<4096xf32, #tpu.memory_space<vmem>>) dst(%dma_wait3A_257 : memref<4096xf32, #tpu.memory_space<hbm>>)
        tpu.yield
      }) : () -> ()
      %mul3A_188 = arith.constant 32 : i32
      %mul3A_189 = arith.muli %rem3A_13, %mul3A_188 : i32
      %add3A_190 = arith.constant 13 : i32
      %add3A_191 = arith.addi %add3A_190, %mul3A_189 : i32
      %mul3A_192 = arith.constant 8 : i32
      %mul3A_193 = arith.muli %div3A_15, %mul3A_192 : i32
      %add3A_194 = arith.addi %add3A_191, %mul3A_193 : i32
      %add3A_195 = arith.constant 2 : i32
      %add3A_196 = arith.addi %add3A_194, %add3A_195 : i32
      %mul3A_197 = arith.constant 4096 : i32
      %mul3A_198 = arith.muli %add3A_196, %mul3A_197 : i32
      "tpu.region"() ({
        %run_scoped3A = tpu.sem_alloc : memref<!tpu.dma_semaphore, #tpu.memory_space<semaphore_mem>>
        %dma_start3A_254 = tpu.memref_slice %arg6[%mul3A_198] : memref<3592192xf32, #tpu.memory_space<hbm>> -> memref<4096xf32, #tpu.memory_space<hbm>>
        %dma_start3A_255 = tpu.memref_slice %arg6[%mul3A_198] : memref<3592192xf32, #tpu.memory_space<hbm>> -> memref<4096xf32, #tpu.memory_space<hbm>>
        tpu.enqueue_dma source(%arg16 : memref<4096xf32, #tpu.memory_space<vmem>>) target(%dma_start3A_255 : memref<4096xf32, #tpu.memory_space<hbm>>) target_semaphore(%run_scoped3A : memref<!tpu.dma_semaphore, #tpu.memory_space<semaphore_mem>>)
        %dma_wait3A_256 = tpu.memref_slice %arg6[%mul3A_198] : memref<3592192xf32, #tpu.memory_space<hbm>> -> memref<4096xf32, #tpu.memory_space<hbm>>
        %dma_wait3A_257 = tpu.memref_slice %arg6[%mul3A_198] : memref<3592192xf32, #tpu.memory_space<hbm>> -> memref<4096xf32, #tpu.memory_space<hbm>>
        tpu.wait_dma2 semaphore(%run_scoped3A : memref<!tpu.dma_semaphore, #tpu.memory_space<semaphore_mem>>) src(%arg16 : memref<4096xf32, #tpu.memory_space<vmem>>) dst(%dma_wait3A_257 : memref<4096xf32, #tpu.memory_space<hbm>>)
        tpu.yield
      }) : () -> ()
      %mul3A_199 = arith.constant 32 : i32
      %mul3A_200 = arith.muli %rem3A_13, %mul3A_199 : i32
      %add3A_201 = arith.constant 13 : i32
      %add3A_202 = arith.addi %add3A_201, %mul3A_200 : i32
      %mul3A_203 = arith.constant 8 : i32
      %mul3A_204 = arith.muli %div3A_15, %mul3A_203 : i32
      %add3A_205 = arith.addi %add3A_202, %mul3A_204 : i32
      %add3A_206 = arith.constant 3 : i32
      %add3A_207 = arith.addi %add3A_205, %add3A_206 : i32
      %mul3A_208 = arith.constant 4096 : i32
      %mul3A_209 = arith.muli %add3A_207, %mul3A_208 : i32
      "tpu.region"() ({
        %run_scoped3A = tpu.sem_alloc : memref<!tpu.dma_semaphore, #tpu.memory_space<semaphore_mem>>
        %dma_start3A_254 = tpu.memref_slice %arg6[%mul3A_209] : memref<3592192xf32, #tpu.memory_space<hbm>> -> memref<4096xf32, #tpu.memory_space<hbm>>
        %dma_start3A_255 = tpu.memref_slice %arg6[%mul3A_209] : memref<3592192xf32, #tpu.memory_space<hbm>> -> memref<4096xf32, #tpu.memory_space<hbm>>
        tpu.enqueue_dma source(%arg17 : memref<4096xf32, #tpu.memory_space<vmem>>) target(%dma_start3A_255 : memref<4096xf32, #tpu.memory_space<hbm>>) target_semaphore(%run_scoped3A : memref<!tpu.dma_semaphore, #tpu.memory_space<semaphore_mem>>)
        %dma_wait3A_256 = tpu.memref_slice %arg6[%mul3A_209] : memref<3592192xf32, #tpu.memory_space<hbm>> -> memref<4096xf32, #tpu.memory_space<hbm>>
        %dma_wait3A_257 = tpu.memref_slice %arg6[%mul3A_209] : memref<3592192xf32, #tpu.memory_space<hbm>> -> memref<4096xf32, #tpu.memory_space<hbm>>
        tpu.wait_dma2 semaphore(%run_scoped3A : memref<!tpu.dma_semaphore, #tpu.memory_space<semaphore_mem>>) src(%arg17 : memref<4096xf32, #tpu.memory_space<vmem>>) dst(%dma_wait3A_257 : memref<4096xf32, #tpu.memory_space<hbm>>)
        tpu.yield
      }) : () -> ()
      %mul3A_210 = arith.constant 32 : i32
      %mul3A_211 = arith.muli %rem3A_13, %mul3A_210 : i32
      %add3A_212 = arith.constant 13 : i32
      %add3A_213 = arith.addi %add3A_212, %mul3A_211 : i32
      %mul3A_214 = arith.constant 8 : i32
      %mul3A_215 = arith.muli %div3A_15, %mul3A_214 : i32
      %add3A_216 = arith.addi %add3A_213, %mul3A_215 : i32
      %add3A_217 = arith.constant 4 : i32
      %add3A_218 = arith.addi %add3A_216, %add3A_217 : i32
      %mul3A_219 = arith.constant 4096 : i32
      %mul3A_220 = arith.muli %add3A_218, %mul3A_219 : i32
      "tpu.region"() ({
        %run_scoped3A = tpu.sem_alloc : memref<!tpu.dma_semaphore, #tpu.memory_space<semaphore_mem>>
        %dma_start3A_254 = tpu.memref_slice %arg6[%mul3A_220] : memref<3592192xf32, #tpu.memory_space<hbm>> -> memref<4096xf32, #tpu.memory_space<hbm>>
        %dma_start3A_255 = tpu.memref_slice %arg6[%mul3A_220] : memref<3592192xf32, #tpu.memory_space<hbm>> -> memref<4096xf32, #tpu.memory_space<hbm>>
        tpu.enqueue_dma source(%arg18 : memref<4096xf32, #tpu.memory_space<vmem>>) target(%dma_start3A_255 : memref<4096xf32, #tpu.memory_space<hbm>>) target_semaphore(%run_scoped3A : memref<!tpu.dma_semaphore, #tpu.memory_space<semaphore_mem>>)
        %dma_wait3A_256 = tpu.memref_slice %arg6[%mul3A_220] : memref<3592192xf32, #tpu.memory_space<hbm>> -> memref<4096xf32, #tpu.memory_space<hbm>>
        %dma_wait3A_257 = tpu.memref_slice %arg6[%mul3A_220] : memref<3592192xf32, #tpu.memory_space<hbm>> -> memref<4096xf32, #tpu.memory_space<hbm>>
        tpu.wait_dma2 semaphore(%run_scoped3A : memref<!tpu.dma_semaphore, #tpu.memory_space<semaphore_mem>>) src(%arg18 : memref<4096xf32, #tpu.memory_space<vmem>>) dst(%dma_wait3A_257 : memref<4096xf32, #tpu.memory_space<hbm>>)
        tpu.yield
      }) : () -> ()
      %mul3A_221 = arith.constant 32 : i32
      %mul3A_222 = arith.muli %rem3A_13, %mul3A_221 : i32
      %add3A_223 = arith.constant 13 : i32
      %add3A_224 = arith.addi %add3A_223, %mul3A_222 : i32
      %mul3A_225 = arith.constant 8 : i32
      %mul3A_226 = arith.muli %div3A_15, %mul3A_225 : i32
      %add3A_227 = arith.addi %add3A_224, %mul3A_226 : i32
      %add3A_228 = arith.constant 5 : i32
      %add3A_229 = arith.addi %add3A_227, %add3A_228 : i32
      %mul3A_230 = arith.constant 4096 : i32
      %mul3A_231 = arith.muli %add3A_229, %mul3A_230 : i32
      "tpu.region"() ({
        %run_scoped3A = tpu.sem_alloc : memref<!tpu.dma_semaphore, #tpu.memory_space<semaphore_mem>>
        %dma_start3A_254 = tpu.memref_slice %arg6[%mul3A_231] : memref<3592192xf32, #tpu.memory_space<hbm>> -> memref<4096xf32, #tpu.memory_space<hbm>>
        %dma_start3A_255 = tpu.memref_slice %arg6[%mul3A_231] : memref<3592192xf32, #tpu.memory_space<hbm>> -> memref<4096xf32, #tpu.memory_space<hbm>>
        tpu.enqueue_dma source(%arg19 : memref<4096xf32, #tpu.memory_space<vmem>>) target(%dma_start3A_255 : memref<4096xf32, #tpu.memory_space<hbm>>) target_semaphore(%run_scoped3A : memref<!tpu.dma_semaphore, #tpu.memory_space<semaphore_mem>>)
        %dma_wait3A_256 = tpu.memref_slice %arg6[%mul3A_231] : memref<3592192xf32, #tpu.memory_space<hbm>> -> memref<4096xf32, #tpu.memory_space<hbm>>
        %dma_wait3A_257 = tpu.memref_slice %arg6[%mul3A_231] : memref<3592192xf32, #tpu.memory_space<hbm>> -> memref<4096xf32, #tpu.memory_space<hbm>>
        tpu.wait_dma2 semaphore(%run_scoped3A : memref<!tpu.dma_semaphore, #tpu.memory_space<semaphore_mem>>) src(%arg19 : memref<4096xf32, #tpu.memory_space<vmem>>) dst(%dma_wait3A_257 : memref<4096xf32, #tpu.memory_space<hbm>>)
        tpu.yield
      }) : () -> ()
      %mul3A_232 = arith.constant 32 : i32
      %mul3A_233 = arith.muli %rem3A_13, %mul3A_232 : i32
      %add3A_234 = arith.constant 13 : i32
      %add3A_235 = arith.addi %add3A_234, %mul3A_233 : i32
      %mul3A_236 = arith.constant 8 : i32
      %mul3A_237 = arith.muli %div3A_15, %mul3A_236 : i32
      %add3A_238 = arith.addi %add3A_235, %mul3A_237 : i32
      %add3A_239 = arith.constant 6 : i32
      %add3A_240 = arith.addi %add3A_238, %add3A_239 : i32
      %mul3A_241 = arith.constant 4096 : i32
      %mul3A_242 = arith.muli %add3A_240, %mul3A_241 : i32
      "tpu.region"() ({
        %run_scoped3A = tpu.sem_alloc : memref<!tpu.dma_semaphore, #tpu.memory_space<semaphore_mem>>
        %dma_start3A_254 = tpu.memref_slice %arg6[%mul3A_242] : memref<3592192xf32, #tpu.memory_space<hbm>> -> memref<4096xf32, #tpu.memory_space<hbm>>
        %dma_start3A_255 = tpu.memref_slice %arg6[%mul3A_242] : memref<3592192xf32, #tpu.memory_space<hbm>> -> memref<4096xf32, #tpu.memory_space<hbm>>
        tpu.enqueue_dma source(%arg20 : memref<4096xf32, #tpu.memory_space<vmem>>) target(%dma_start3A_255 : memref<4096xf32, #tpu.memory_space<hbm>>) target_semaphore(%run_scoped3A : memref<!tpu.dma_semaphore, #tpu.memory_space<semaphore_mem>>)
        %dma_wait3A_256 = tpu.memref_slice %arg6[%mul3A_242] : memref<3592192xf32, #tpu.memory_space<hbm>> -> memref<4096xf32, #tpu.memory_space<hbm>>
        %dma_wait3A_257 = tpu.memref_slice %arg6[%mul3A_242] : memref<3592192xf32, #tpu.memory_space<hbm>> -> memref<4096xf32, #tpu.memory_space<hbm>>
        tpu.wait_dma2 semaphore(%run_scoped3A : memref<!tpu.dma_semaphore, #tpu.memory_space<semaphore_mem>>) src(%arg20 : memref<4096xf32, #tpu.memory_space<vmem>>) dst(%dma_wait3A_257 : memref<4096xf32, #tpu.memory_space<hbm>>)
        tpu.yield
      }) : () -> ()
      %mul3A_243 = arith.constant 32 : i32
      %mul3A_244 = arith.muli %rem3A_13, %mul3A_243 : i32
      %add3A_245 = arith.constant 13 : i32
      %add3A_246 = arith.addi %add3A_245, %mul3A_244 : i32
      %mul3A_247 = arith.constant 8 : i32
      %mul3A_248 = arith.muli %div3A_15, %mul3A_247 : i32
      %add3A_249 = arith.addi %add3A_246, %mul3A_248 : i32
      %add3A_250 = arith.constant 7 : i32
      %add3A_251 = arith.addi %add3A_249, %add3A_250 : i32
      %mul3A_252 = arith.constant 4096 : i32
      %mul3A_253 = arith.muli %add3A_251, %mul3A_252 : i32
      "tpu.region"() ({
        %run_scoped3A = tpu.sem_alloc : memref<!tpu.dma_semaphore, #tpu.memory_space<semaphore_mem>>
        %dma_start3A_254 = tpu.memref_slice %arg6[%mul3A_253] : memref<3592192xf32, #tpu.memory_space<hbm>> -> memref<4096xf32, #tpu.memory_space<hbm>>
        %dma_start3A_255 = tpu.memref_slice %arg6[%mul3A_253] : memref<3592192xf32, #tpu.memory_space<hbm>> -> memref<4096xf32, #tpu.memory_space<hbm>>
        tpu.enqueue_dma source(%arg21 : memref<4096xf32, #tpu.memory_space<vmem>>) target(%dma_start3A_255 : memref<4096xf32, #tpu.memory_space<hbm>>) target_semaphore(%run_scoped3A : memref<!tpu.dma_semaphore, #tpu.memory_space<semaphore_mem>>)
        %dma_wait3A_256 = tpu.memref_slice %arg6[%mul3A_253] : memref<3592192xf32, #tpu.memory_space<hbm>> -> memref<4096xf32, #tpu.memory_space<hbm>>
        %dma_wait3A_257 = tpu.memref_slice %arg6[%mul3A_253] : memref<3592192xf32, #tpu.memory_space<hbm>> -> memref<4096xf32, #tpu.memory_space<hbm>>
        tpu.wait_dma2 semaphore(%run_scoped3A : memref<!tpu.dma_semaphore, #tpu.memory_space<semaphore_mem>>) src(%arg21 : memref<4096xf32, #tpu.memory_space<vmem>>) dst(%dma_wait3A_257 : memref<4096xf32, #tpu.memory_space<hbm>>)
        tpu.yield
      }) : () -> ()
    } else {
    }
    return
  }
}

</mosaic_0001>

<sc_bundles>
// kernel: kernel.4.cloned.1.call-start
scs
__scs_entry_jumppad:
0x0: {  	(pc) =	sbr.rel $0x88, $3  }
0x1: {  	(tag) =	ssettag $0x0;
	lr =	simm.s32 $0x1  }
0x2: {  	[smem:$0x3F9E] =	sst lr;
	_ =	strace $0xD0000000  }
0x3: {  	_ = 	snop  }
0x4: {  	_ = 	snop  }
0x5: {  	_ = 	snop  }
0x6: {  	_ = 	snop  }
0x7: {  	_ = 	snop  }
__scs_overlays_trampoline_lowered:
0x8: {  	[smem:$0x3FAD] =	sst s0  }
0x9: {  	[smem:$0x3FAE] =	sst s1  }
0xa: {  	[smem:$0x3FAF] =	sst s2  }
0xb: {  	[smem:$0x3FB0] =	sst s3  }
0xc: {  	[smem:$0x3FB1] =	sst s4  }
0xd: {  	[smem:$0x3FB2] =	sst s5  }
0xe: {  	[smem:$0x3FB3] =	sst s6  }
0xf: {  	[smem:$0x3FB4] =	sst s7  }
0x10: {  	[smem:$0x3FB5] =	sst s8  }
0x11: {  	[smem:$0x3FB6] =	sst s9;
	s0 =	simm.s32 @!p0 $0x0  }
0x12: {  	s1 =	sld [smem:$0x3F9C];
	s0 =	simm.s32 @p0 $0x1  }
0x13: {  	[smem:$0x3FB7] =	sst s0;
	s0 =	simm.s32 @!p1 $0x0  }
0x14: {  	s2 =	sld [smem:$0x3F9B];
	s0 =	simm.s32 @p1 $0x1  }
0x15: {  	[smem:$0x3FB8] =	sst s0;
	s0 =	simm.s32 @!p2 $0x0  }
0x16: {  	s3 =	sld [smem:$0x3FDB];
	s0 =	simm.s32 @p2 $0x1  }
0x17: {  	s4 =	simm.s32 $0x1BF5;
	[smem:$0x3FBA] =	sst s0  }
0x18: {  	s0 =	sld [smem:$0x3F9D];
	_ =	swait.ge [sflag:s4], $0x0  }
0x19: {  	s7 =	sld [smem:$0x3F9E]  }
0x1a: {  	s8 =	sadd.s32 $0xFFFFE003, lr  }
0x1b: {  	s9 =	sadd.s32 $0xFFFFFEF7, lr;
	s5 =	simm.s32 $0xFFFFFFFF;
	p2 =	slt.u32 s8, $0xFFFFF086  }
0x1c: {  	p1 =	slt.u32 s9, $0xF7A;
	s5 =	simm.s32 @!p2 $0x0  }
0x1d: {  	s5 =	simm.s32 @p1 $0x1;
	p0 =	seq.s32 s7, s2  }
0x1e: {  	s7 =	smul.u32 @!p0 $0xF7A, s2;
	p2 =	seq.s32 @!p0 s5, $0x0  }
0x1f: {  	s9 =	smul.u32 $0xF7A, s1;
	s8 =	simm.s32 @!p0 $0x1BF5;
	p2 =	por !p2, p0  }
0x20: {  	[sflag:s8] =	ssyncset.s32 @!p0 $0xFFFFF086;
	s6 =	sadd.s32 @!p0 s3, s7;
	s7 =	simm.s32 @!p0 $0x108  }
0x21: {  	s3 =	sadd.s32 s3, s9;
	s6 =	sadd.s32 @!p0 $0x88, s6;
	s7 =	simm.s32 @p2 $0x1082  }
0x22: {  	[simem:s7], [sflag:s8] =	dma.local @!p0 [hbm:s6], $0xF7A  }
0x23: {  	s9 =	sor.u32 $0xD0000000, s2;
	s6 =	simm.s32 $0x108;
	_ =	swait.ge @!p0 [sflag:s8], $0x0  }
0x24: {  	s3 =	sadd.s32 $0x88, s3;
	s6 =	simm.s32 @!p1 $0x1082;
	[sflag:s4] =	ssyncset.s32 $0xFFFFF086  }
0x25: {  	[simem:s6], [sflag:s4] =	dma.local [hbm:s3], $0xF7A  }
0x26: {  	[smem:$0x3F9E] =	sst s1;
	(tag) =	ssettag s2;
	_ =	strace s9  }
0x27: {  	s1 =	sld [smem:$0x3FAE]  }
0x28: {  	s2 =	sld [smem:$0x3FAF]  }
0x29: {  	s4 =	sld [smem:$0x3FB1]  }
0x2a: {  	p0 =	seq.s32 s5, $0x0;
	s5 =	sld [smem:$0x3FB2]  }
0x2b: {  	s6 =	sld [smem:$0x3FB3]  }
0x2c: {  	s7 =	sld [smem:$0x3FB4]  }
0x2d: {  	s3 =	simm.s32 $0x108;
	s8 =	sld [smem:$0x3FB5]  }
0x2e: {  	s3 =	simm.s32 @!p0 $0x1082;
	s9 =	sld [smem:$0x3FB6]  }
0x2f: {  	lr =	sadd.s32 s0, s3;
	s0 =	sld [smem:$0x3FAD]  }
0x30: {  	s3 =	sld [smem:$0x3FB0]  }
0x31: {  	[smem:$0x3FB9] =	sst s10  }
0x32: {  	s10 =	sld [smem:$0x3FB7];
	_ =	sdelay $0x3  }
0x33: {  	p0 =	seq.s32 s10, $0x1;
	s10 =	sld [smem:$0x3FB9];
	_ =	sdelay $0x3  }
0x34: {  	[smem:$0x3FB9] =	sst s10  }
0x35: {  	s10 =	sld [smem:$0x3FB8];
	_ =	sdelay $0x3  }
0x36: {  	p1 =	seq.s32 s10, $0x1;
	s10 =	sld [smem:$0x3FB9];
	_ =	sdelay $0x3  }
0x37: {  	[smem:$0x3FB9] =	sst s10  }
0x38: {  	s10 =	sld [smem:$0x3FBA]  }
0x39: {  	_ = 	snop;
	(pc) =	sbr.ind lr, $3  }
0x3a: {  	_ = 	snop  }
0x3b: {  	_ = 	snop  }
0x3c: {  	p2 =	seq.s32 s10, $0x1;
	s10 =	sld [smem:$0x3FB9]  }
0x3d: {  	_ =	shalt  }
0x3e: {  	_ =	shalt  }
0x3f: {  	_ =	shalt  }
0x40: {  	_ =	shalt  }
0x41: {  	_ =	shalt  }
0x42: {  	_ =	shalt  }
0x43: {  	_ =	shalt  }
0x44: {  	_ =	shalt  }
0x45: {  	_ =	shalt  }
0x46: {  	_ =	shalt  }
0x47: {  	_ =	shalt  }
0x48: {  	_ =	shalt  }
0x49: {  	_ =	shalt  }
0x4a: {  	_ =	shalt  }
0x4b: {  	_ =	shalt  }
0x4c: {  	_ =	shalt  }
0x4d: {  	_ =	shalt  }
0x4e: {  	_ =	shalt  }
0x4f: {  	_ =	shalt  }
0x50: {  	_ =	shalt  }
0x51: {  	_ =	shalt  }
0x52: {  	_ =	shalt  }
0x53: {  	_ =	shalt  }
0x54: {  	_ =	shalt  }
0x55: {  	_ =	shalt  }
0x56: {  	_ =	shalt  }
0x57: {  	_ =	shalt  }
0x58: {  	_ =	shalt  }
0x59: {  	_ =	shalt  }
0x5a: {  	_ =	shalt  }
0x5b: {  	_ =	shalt  }
0x5c: {  	_ =	shalt  }
0x5d: {  	_ =	shalt  }
0x5e: {  	_ =	shalt  }
0x5f: {  	_ =	shalt  }
0x60: {  	_ =	shalt  }
0x61: {  	_ =	shalt  }
0x62: {  	_ =	shalt  }
0x63: {  	_ =	shalt  }
0x64: {  	_ =	shalt  }
0x65: {  	_ =	shalt  }
0x66: {  	_ =	shalt  }
0x67: {  	_ =	shalt  }
0x68: {  	_ =	shalt  }
0x69: {  	_ =	shalt  }
0x6a: {  	_ =	shalt  }
0x6b: {  	_ =	shalt  }
0x6c: {  	_ =	shalt  }
0x6d: {  	_ =	shalt  }
0x6e: {  	_ =	shalt  }
0x6f: {  	_ =	shalt  }
0x70: {  	_ =	shalt  }
0x71: {  	_ =	shalt  }
0x72: {  	_ =	shalt  }
0x73: {  	_ =	shalt  }
0x74: {  	_ =	shalt  }
0x75: {  	_ =	shalt  }
0x76: {  	_ =	shalt  }
0x77: {  	_ =	shalt  }
0x78: {  	_ =	shalt  }
0x79: {  	_ =	shalt  }
0x7a: {  	_ =	shalt  }
0x7b: {  	_ =	shalt  }
0x7c: {  	_ =	shalt  }
0x7d: {  	_ =	shalt  }
0x7e: {  	_ =	shalt  }
0x7f: {  	_ =	shalt  }
0x80: {  	_ =	shalt  }
0x81: {  	_ =	shalt  }
0x82: {  	_ =	shalt  }
0x83: {  	_ =	shalt  }
0x84: {  	_ =	shalt  }
0x85: {  	_ =	shalt  }
0x86: {  	_ =	shalt  }
0x87: {  	_ =	shalt  }
.Lfunc_end0:
.L_simem_size_0:
called_computation_lowered:
.L_overlay_start_0:
0x88: {  	s2 =	sld [smem:$0x3FD9]  }
0x89: {  	s3 =	sld [smem:$0x3FFE];
	_ =	sdelay $0x1  }
0x8a: {  	s1 =	srdreg.scid  }
0x8b: {  	s0 =	sand.u32 $0x1, s1  }
0x8c: {  	s17 =	sshll.u32 s0, $0xA;
	s2 =	sadd.s32 s3, s2  }
0x8d: {  	s2 =	sadd.s32 s2, s17  }
0x8e: {  	[smem:$0x3FC5] =	sst s2  }
0x8f: {  	_ = 	snop  }
0x90: {  	s2 =	sld [smem:$0x3FD0];
	(tm) =	ssettm $0x1  }
0x91: {  	s18 =	sld [smem:$0x3FFB];
	_ =	sdelay $0x3  }
0x92: {  	_ =	strace s18  }
0x93: {  	s3 =	sld [smem:$0x3FFC];
	_ =	sdelay $0x3  }
0x94: {  	_ =	strace s3  }
0x95: {  	s3 =	sld [smem:$0x3FFD];
	_ =	sdelay $0x3  }
0x96: {  	_ =	strace s3  }
0x97: {  	_ =	strace $0x8FFFFFFF  }
0x98: {  	s19 =	sld [smem:$0x3FDB];
	_ =	sdelay $0x1  }
0x99: {  	s4 =	simm.s32 $_scs_section_size  }
0x9a: {  	s5 =	simm.s32 $_size__tile_overlayer_lowered;
	s6 =	simm.s32 $_tile_overlayer_lowered  }
0x9b: {  	s22 =	simm.s32 $0x1BFF;
	s21 =	sshll.u32 s6, $0x1;
	s3 =	sadd.s32 s4, s19  }
0x9c: {  	s7 =	simm.s32 $0x0;
	s20 =	sshll.u32 s5, $0x1;
	s5 =	sadd.s32 s21, s3  }
0x9d: {  	[timem:s7], [sflag:s22] =	dma.local [hbm:s5], s20  }
0x9e: {  	_ =	swait.ge [sflag:s22], s20  }
0x9f: {  	s4 =	ssub.s32 $0x0, s20;
	[sflag:s22] =	ssyncset.done $0x0  }
0xa0: {  	[sflag:s22] =	ssyncadd.s32 s4;
	_ =	sdelay $0x1  }
0xa1: {  	s23 =	simm.s32 $0x1B8B  }
0xa2: {  	_ =	swait.ge [sflag:s23], $0x1  }
0xa3: {  	[sflag:s23] =	ssyncset.done $0x0  }
0xa4: {  	s25 =	simm.s32 $0x1B8E;
	s24 =	sld [smem:$0x3FFE];
	[sflag:s23] =	ssyncadd.s32 $0xFFFFFFFF  }
0xa5: {  	s26 =	simm.s32 $execute0_lowered;
	[smem:$0x3FD2] =	sst s25  }
0xa6: {  	s5 =	sshll.u32 s26, $0x1;
	_ =	strace $0x80000046;
	[dreg:$0x1] =	wrdreg $0xFFFFFFFF  }
0xa7: {  	s28 =	simm.s32 $_size_execute0_lowered;
	s3 =	sadd.s32 s3, s5;
	[dreg:$0x0] =	wrdreg $0x0  }
0xa8: {  	s5 =	sshll.u32 s28, $0x1;
	[dreg:$0x2] =	wrdreg s3  }
0xa9: {  	[dreg:$0x3] =	wrdreg s5  }
0xaa: {  	[dreg:$0x4] =	wrdreg $0xC0  }
0xab: {  	_ =	task [dreg:s7], $0x5FFFF  }
0xac: {  	[dreg:$0x1] =	wrdreg $0xFFFFFFFF  }
0xad: {  	[dreg:$0x0] =	wrdreg $0x60  }
0xae: {  	[dreg:$0x2] =	wrdreg s24  }
0xaf: {  	[dreg:$0x3] =	wrdreg s2  }
0xb0: {  	[dreg:$0x4] =	wrdreg $0x9  }
0xb1: {  	_ =	task.clear_ibuf [dreg:s7], $0x5FFFF;
	_ =	strace $0x90000046  }
0xb2: {  	s29 =	simm.s32 $0x9;
	_ =	strace $0x80000048  }
0xb3: {  	_ =	swait.ge [sflag:s29], $0x1  }
0xb4: {  	[sflag:s29] =	ssyncadd.s32 $0xFFFFFFFF  }
0xb5: {  	_ =	strace $0x90000048  }
0xb6: {  	_ =	sfence  }
0xb7: {  	s30 =	sld [smem:$0x0];
	_ =	sdelay $0x2  }
0xb8: {  	s31 =	sshll.u32 s1, $0xD;
	s1 =	sshrl.u32 s1, $0x2  }
0xb9: {  	s3 =	sand.u32 $0x4000, s31;
	s1 =	sadd.s32 s1, s30  }
0xba: {  	s0 =	sor.u32 s3, s0;
	s1 =	sshll.u32 s1, $0x11  }
0xbb: {  	s0 =	sor.u32 s1, s0  }
0xbc: {  	s0 =	sadd.s32 $0x8F2B, s0  }
0xbd: {  	[sflag:s0] =	ssyncadd.remote.s32 $0x1  }
0xbe: {  	_ =	sfence.sel $0xFFFF  }
0xbf: {  	[dreg:$0x0] =	wrdreg $0xFFFFFFFF;
	(pc) =	sbr.abs _section_cstart, $3  }
0xc0: {  	[dreg:$0x1] =	wrdreg $0xFFFFFFFF  }
0xc1: {  	_ =	task.clear_ibuf [dreg:s7], $0x2FFFF;
	_ =	strace $0x9FFFFFFF  }
0xc2: {  	(tm) =	ssettm $0x7FFFFFFF  }
0xc3: {  	_ =	shalt  }
tec
execute0_lowered:
.L_overlay_start_1:
0x0: {  	(tag) =	ssettag $0x1  }
0x1: {  	s1 =	rddreg [dreg:$0x0]  }
0x2: {  	s6 =	rddreg [dreg:$0x1]  }
0x3: {  	s0 =	rddreg [dreg:$0x2];
	s3 =	simm.s32 $0x0;
	s4 =	srdreg.scid  }
0x4: {  	s2 =	stileid.u32;
	s12 =	simm.s32 $0x19000;
	s13 =	simm.s32 $0x1C800  }
0x5: {  	s14 =	simm.s32 $0x0;
	[smem:$0x7FF] =	sst s3;
	s4 =	sand.u32 $0x1, s4  }
0x6: {  	s5 =	sshll.u32 s2, $0x9;
	s30 =	sadd.s32 $0x8A00, s1;
	_ =	strace $0x80000047  }
0x7: {  	s7 =	sshll.u32 s4, $0x4;
	s8 =	sadd.s32 s5, s1;
	s4 =	ssub.s32 $0x2, s4  }
0x8: {  	s5 =	sadd.s32 s30, s5;
	s9 =	sor.u32 s2, s7;
	s10 =	sshrl.u32 s4, $0x1  }
0x9: {  	s11 =	smul.u32 $0x3200, s9;
	s10 =	ssub.s32 s4, s10;
	s4 =	sadd.s32 $0x7000, s8  }
0xa: {  	s31 =	sshll.u32 s9, $0x9;
	p0 =	sgt.u32 s9, $0xC;
	s9 =	simm.s32 $0x1  }
0xb: {  	s7 =	sadd.s32 s31, s30;
	s8 =	smax.u32 s10, $0x1;
	s10 =	simm.s32 $0x800  }
0xc: {  	v0 =	vlaneseq.u32;
	s6 =	sadd.s32 s6, s11;
	s7 =	sadd.s32 $0x69A00, s7;
	s11 =	simm.s32 $0x8000  }
.LBB2_1:
0xd: {  	s15 =	simm.s32 @!p0 $0x0;
	s16 =	simm.s32 @!p0 $0x1C800;
	s17 =	simm.s32 @!p0 $0x1  }
0xe: {  	[tilespmem:s16], [sflag:$0x1] =	stream.linear.gather @!p0 [hbm4b:s4+s15], $0x1000, $0x38;
	[tilespmem:$0x1D800] =	vst v63  }
0xf: {  	_ =	swait.ge @!p0 [sflag:s17], $0x1000  }
0x10: {  	[sflag:s17] =	ssyncset.done @!p0 $0x0  }
0x11: {  	[sflag:s17] =	ssyncadd.s32 @!p0 $0xFFFFF000  }
0x12: {  	[hbm4b:s5+s15] =	stream.linear.scatter @!p0 [tilespmem:s16], [sflag:$0x1], $0x1000, $0x38;
	[tilespmem:$0x1D800] =	vst v63  }
0x13: {  	_ =	swait.ge @!p0 [sflag:s17], $0x1000  }
0x14: {  	[sflag:s17] =	ssyncset.done @!p0 $0x0  }
0x15: {  	[sflag:s17] =	ssyncadd.s32 @!p0 $0xFFFFF000  }
0x16: {  	[tilespmem:s3], [sflag:$0x1] =	stream.linear.gather [hbm4b:s6+s3], $0x19000, $0x38;
	[tilespmem:$0x1D800] =	vst v63  }
0x17: {  	_ =	swait.ge [sflag:s9], $0x19000  }
0x18: {  	[sflag:s9] =	ssyncset.done $0x0  }
0x19: {  	s15 =	simm.s32 $0x0;
	[sflag:s9] =	ssyncadd.s32 $0xFFFE7000  }
.LBB2_2:
0x1a: {  	s16 =	sshll.u32 s15, $0x8  }
0x1b: {  	s17 =	sadd.s32 s1, s16  }
0x1c: {  	[tilespmem:s12], [sflag:$0x1] =	stream.strided.gather [hbm4b:s17+s10], $0x3800, s11, s10, $0x38;
	[tilespmem:$0x1D800] =	vst v63  }
0x1d: {  	_ =	swait.ge [sflag:s9], $0x3800  }
0x1e: {  	s18 =	simm.s32 $0x0;
	s16 =	sand.u32 $0x3FFFFF00, s16;
	[sflag:s9] =	ssyncset.done $0x0  }
0x1f: {  	s16 =	sadd.s32 $0x1C800, s16;
	s17 =	simm.s32 $0x0;
	[sflag:s9] =	ssyncadd.s32 $0xFFFFC800  }
.LBB2_3:
0x20: {  	s19 =	sshll.u32 s18, $0x4  }
0x21: {  	s20 =	simm.s32 $0x4;
	s21 =	simm.s32 $0x1;
	v1 =	vmov s19;
	v2 =	vor.u32 s19, v0  }
0x22: {  	s31 =	simm.s32 $0x2;
	v3 =	vmov s20;
	v4 =	vmov s21;
	v1 =	vshll.u32 v1, $0x3  }
0x23: {  	v6 =	vmov s31;
	v2 =	vand.u32 $0x7F, v2;
	v1 =	vand.u32 $0x400, v1  }
0x24: {  	v7 =	vshll.u32 v4, $0x8;
	v1 =	vor.u32 v2, v1;
	v2 =	vmov s17  }
0x25: {  	v4 =	vshll.u32 v4, $0x7;
	v5 =	vshll.u32 v2, $0x8;
	v2 =	vshll.u32 v2, $0x7  }
0x26: {  	v8 =	vshll.u32 v3, $0x8;
	v5 =	vand.u32 $0x3800, v5;
	v2 =	vand.u32 $0x380, v2  }
0x27: {  	s22 =	simm.s32 $0x3;
	v3 =	vshll.u32 v3, $0x7;
	v4 =	vand.u32 $0x380, v4;
	v2 =	vor.u32 v5, v2  }
0x28: {  	v5 =	vand.u32 $0x7800, v7;
	v7 =	vmov s22;
	v2 =	vor.u32 v1, v2  }
0x29: {  	v4 =	vor.u32 v5, v4;
	v5 =	vshll.u32 v6, $0x8;
	v6 =	vshll.u32 v6, $0x7  }
0x2a: {  	v4 =	vor.u32 v1, v4;
	v5 =	vand.u32 $0x7800, v5;
	v6 =	vand.u32 $0x380, v6  }
0x2b: {  	v5 =	vor.u32 v5, v6;
	v6 =	vshll.u32 v7, $0x8;
	v7 =	vshll.u32 v7, $0x7  }
0x2c: {  	v5 =	vor.u32 v1, v5;
	v6 =	vand.u32 $0x7800, v6;
	v7 =	vand.u32 $0x380, v7  }
0x2d: {  	v8 =	vand.u32 $0x7800, v8;
	v3 =	vand.u32 $0x380, v3;
	v6 =	vor.u32 v6, v7;
	v2 =	vld.idx.msk [tilespmem:v2+s12+$0x0], $0xffff  }
0x2e: {  	s25 =	simm.s32 $0x6;
	v3 =	vor.u32 v8, v3;
	v6 =	vor.u32 v1, v6  }
0x2f: {  	s24 =	simm.s32 $0x8;
	v11 =	vmov s25;
	v3 =	vor.u32 v1, v3;
	v4 =	vld.idx.msk [tilespmem:v4+s12+$0x0], $0xffff  }
0x30: {  	s23 =	simm.s32 $0x5;
	v9 =	vmov s24;
	v14 =	vshll.u32 v11, $0x8;
	v11 =	vshll.u32 v11, $0x7  }
0x31: {  	v15 =	vshll.u32 v9, $0x8;
	v9 =	vshll.u32 v9, $0x7;
	v8 =	vmov s23;
	v5 =	vld.idx.msk [tilespmem:v5+s12+$0x0], $0xffff  }
0x32: {  	v11 =	vand.u32 $0x380, v11;
	s23 =	simm.s32 $0x7;
	v13 =	vshll.u32 v8, $0x8;
	v8 =	vshll.u32 v8, $0x7  }
0x33: {  	v12 =	vmov s23;
	v13 =	vand.u32 $0x3800, v13;
	v8 =	vand.u32 $0x380, v8;
	s22 =	simm.s32 $0x9;
	v6 =	vld.idx.msk [tilespmem:v6+s12+$0x0], $0xffff  }
0x34: {  	v8 =	vor.u32 v13, v8;
	v13 =	vand.u32 $0x7800, v14;
	v10 =	vmov s22;
	v14 =	vld.idx.msk [tilespmem:v3+s12+$0x0], $0xffff  }
0x35: {  	v8 =	vor.u32 v1, v8;
	v11 =	vor.u32 v13, v11;
	v13 =	vshll.u32 v10, $0x8;
	v2 =	vld.idx.msk [tilespmem:v2+s3+$0x0], $0xffff  }
0x36: {  	v3 =	vshll.u32 v10, $0x7;
	v10 =	vshll.u32 v12, $0x8;
	v12 =	vshll.u32 v12, $0x7  }
0x37: {  	v11 =	vor.u32 v1, v11;
	v10 =	vand.u32 $0x7800, v10;
	v12 =	vand.u32 $0x380, v12;
	v4 =	vld.idx.msk [tilespmem:v4+s3+$0x0], $0xffff  }
0x38: {  	v9 =	vand.u32 $0x380, v9;
	v7 =	vimm.f32 $0.0e+00;
	v10 =	vor.u32 v10, v12  }
0x39: {  	v12 =	vand.u32 $0x7800, v13;
	v16 =	vor.u32 v1, v10;
	v13 =	vld.idx.msk [tilespmem:v5+s3+$0x0], $0xffff;
	v5 =	vand.u32 $0x7800, v15  }
0x3a: {  	v3 =	vand.u32 $0x380, v3;
	v5 =	vor.u32 v5, v9;
	v10 =	vadd.f32 v2, v7;
	v2 =	vld.idx.msk [tilespmem:v8+s12+$0x0], $0xffff  }
0x3b: {  	s26 =	simm.s32 $0xA;
	v3 =	vor.u32 v12, v3;
	v9 =	vld.idx.msk [tilespmem:v6+s3+$0x0], $0xffff;
	v8 =	vor.u32 v1, v5  }
0x3c: {  	s30 =	simm.s32 $0xB;
	v17 =	vmov s26;
	v7 =	vor.u32 v1, v3;
	v3 =	vld.idx.msk [tilespmem:v11+s12+$0x0], $0xffff;
	v4 =	vadd.f32 v4, v10  }
0x3d: {  	s28 =	simm.s32 $0xD;
	s31 =	simm.s32 $0xC;
	v12 =	vmov s30;
	v15 =	vshll.u32 v17, $0x8;
	v6 =	vld.idx.msk [tilespmem:v14+s3+$0x0], $0xffff  }
0x3e: {  	s29 =	simm.s32 $0xE;
	v5 =	vmov s28;
	v11 =	vmov s31;
	v13 =	vadd.f32 v13, v4;
	v4 =	vld.idx.msk [tilespmem:v16+s12+$0x0], $0xffff  }
0x3f: {  	s20 =	simm.s32 $0xF;
	v14 =	vshll.u32 v12, $0x8;
	v10 =	vmov s29;
	v16 =	vshll.u32 v17, $0x7  }
.LBB2_4:
0x40: {  	p1 =	slt.u32 s20, $0x2D;
	v15 =	vand.u32 $0x3800, v15;
	v16 =	vand.u32 $0x380, v16;
	v8 =	vld.idx.msk [tilespmem:v8+s12+$0x0], $0xffff;
	v9 =	vadd.f32 v9, v13  }
0x41: {  	v14 =	vand.u32 $0x7800, v14;
	v12 =	vshll.u32 v12, $0x7;
	v13 =	vor.u32 v15, v16;
	v15 =	vld.idx.msk [tilespmem:v7+s12+$0x0], $0xffff  }
0x42: {  	v12 =	vand.u32 $0x380, v12;
	v7 =	vor.u32 v1, v13;
	v13 =	vld.idx.msk [tilespmem:v2+s3+$0x0], $0xffff;
	v6 =	vadd.f32 v6, v9  }
0x43: {  	v2 =	vor.u32 v14, v12;
	v9 =	vshll.u32 v10, $0x8;
	v10 =	vshll.u32 v10, $0x7  }
0x44: {  	v12 =	vor.u32 v1, v2;
	v2 =	vshll.u32 v11, $0x8;
	v11 =	vshll.u32 v11, $0x7;
	v14 =	vld.idx.msk [tilespmem:v3+s3+$0x0], $0xffff  }
0x45: {  	v2 =	vand.u32 $0x7800, v2;
	v3 =	vand.u32 $0x380, v11;
	v11 =	vshll.u32 v5, $0x8  }
0x46: {  	v16 =	vand.u32 $0x7800, v9;
	v5 =	vshll.u32 v5, $0x7;
	v3 =	vor.u32 v2, v3;
	v17 =	vld.idx.msk [tilespmem:v4+s3+$0x0], $0xffff  }
0x47: {  	v5 =	vand.u32 $0x380, v5;
	v4 =	vor.u32 v1, v3;
	v3 =	vand.u32 $0x7800, v11;
	v2 =	vld.idx.msk [tilespmem:v7+s12+$0x0], $0xffff  }
0x48: {  	v5 =	vor.u32 v3, v5;
	v7 =	vand.u32 $0x380, v10;
	v6 =	vadd.f32 v13, v6;
	v9 =	vld.idx.msk [tilespmem:v8+s3+$0x0], $0xffff  }
.Ltmp0:
0x49: {  	v8 =	vor.u32 v1, v5;
	v5 =	vor.u32 v16, v7;
	v3 =	vld.idx.msk [tilespmem:v12+s12+$0x0], $0xffff;
	(pc) =	sbr.rel @p1 .LBB2_4-.Ltmp0, $4  }
0x4a: {  	s21 =	sadd.s32 $0x3, s20;
	s22 =	sadd.s32 $0x4, s20;
	v7 =	vor.u32 v1, v5;
	v13 =	vadd.f32 v14, v6;
	v6 =	vld.idx.msk [tilespmem:v15+s3+$0x0], $0xffff  }
0x4b: {  	s23 =	sadd.s32 $0x1, s20;
	s24 =	sadd.s32 $0x2, s20;
	v10 =	vmov s22;
	v14 =	vmov s20;
	v5 =	vmov s21  }
0x4c: {  	v11 =	vmov s24;
	v12 =	vmov s23;
	v13 =	vadd.f32 v17, v13;
	v4 =	vld.idx.msk [tilespmem:v4+s12+$0x0], $0xffff  }
0x4d: {  	s20 =	sadd.s32 $0x5, s20;
	v15 =	vshll.u32 v14, $0x8;
	v16 =	vshll.u32 v14, $0x7;
	v14 =	vshll.u32 v12, $0x8  }
0x4e: {  	_ = 	snop  }
0x4f: {  	v15 =	vand.u32 $0x3800, v15  }
0x50: {  	v16 =	vand.u32 $0x380, v16;
	v9 =	vadd.f32 v9, v13;
	v12 =	vshll.u32 v12, $0x7  }
0x51: {  	v14 =	vand.u32 $0x7800, v14;
	v50 =	vshll.u32 v10, $0x8;
	v49 =	vor.u32 v15, v16  }
0x52: {  	v8 =	vld.idx.msk [tilespmem:v8+s12+$0x0], $0xffff;
	v51 =	vshll.u32 v10, $0x7;
	v12 =	vand.u32 $0x380, v12;
	v13 =	vor.u32 v1, v49  }
0x53: {  	v52 =	vshll.u32 v11, $0x8;
	v53 =	vshll.u32 v11, $0x7;
	v12 =	vor.u32 v14, v12  }
0x54: {  	v7 =	vld.idx.msk [tilespmem:v7+s12+$0x0], $0xffff;
	v15 =	vand.u32 $0x7800, v52;
	v11 =	vand.u32 $0x380, v53;
	v12 =	vor.u32 v1, v12  }
0x55: {  	v2 =	vld.idx.msk [tilespmem:v2+s3+$0x0], $0xffff;
	v54 =	vshll.u32 v5, $0x8;
	v55 =	vshll.u32 v5, $0x7;
	v11 =	vor.u32 v15, v11  }
0x56: {  	v3 =	vld.idx.msk [tilespmem:v3+s3+$0x0], $0xffff;
	v56 =	vand.u32 $0x7800, v54;
	v5 =	vand.u32 $0x380, v55;
	v11 =	vor.u32 v1, v11  }
0x57: {  	v10 =	vand.u32 $0x380, v51;
	v14 =	vand.u32 $0x7800, v50;
	v5 =	vor.u32 v56, v5;
	v13 =	vld.idx.msk [tilespmem:v13+s12+$0x0], $0xffff  }
0x58: {  	v6 =	vadd.f32 v6, v9;
	v4 =	vld.idx.msk [tilespmem:v4+s3+$0x0], $0xffff;
	v5 =	vor.u32 v1, v5;
	v57 =	vor.u32 v14, v10  }
0x59: {  	v1 =	vor.u32 v1, v57;
	v58 =	vld.idx.msk [tilespmem:v12+s12+$0x0], $0xffff  }
0x5a: {  	v2 =	vadd.f32 v2, v6;
	v59 =	vld.idx.msk [tilespmem:v8+s3+$0x0], $0xffff  }
0x5b: {  	v60 =	vld.idx.msk [tilespmem:v11+s12+$0x0], $0xffff  }
0x5c: {  	v2 =	vadd.f32 v3, v2;
	v3 =	vld.idx.msk [tilespmem:v7+s3+$0x0], $0xffff  }
0x5d: {  	v5 =	vld.idx.msk [tilespmem:v5+s12+$0x0], $0xffff  }
0x5e: {  	v2 =	vadd.f32 v4, v2;
	v1 =	vld.idx.msk [tilespmem:v1+s12+$0x0], $0xffff  }
0x5f: {  	v61 =	vld.idx.msk [tilespmem:v13+s3+$0x0], $0xffff  }
0x60: {  	v2 =	vadd.f32 v59, v2  }
0x61: {  	v62 =	vld.idx.msk [tilespmem:v58+s3+$0x0], $0xffff  }
0x62: {  	v2 =	vadd.f32 v3, v2  }
0x63: {  	v3 =	vld.idx.msk [tilespmem:v60+s3+$0x0], $0xffff  }
0x64: {  	v2 =	vadd.f32 v61, v2  }
0x65: {  	v63 =	vld.idx.msk [tilespmem:v5+s3+$0x0], $0xffff  }
0x66: {  	v2 =	vadd.f32 v62, v2  }
0x67: {  	v1 =	vld.idx.msk [tilespmem:v1+s3+$0x0], $0xffff  }
0x68: {  	v2 =	vadd.f32 v3, v2;
	_ =	sdelay $0x1  }
0x69: {  	s18 =	sadd.s32 $0x1, s18;
	v2 =	vadd.f32 v63, v2  }
0x6a: {  	p1 =	sne.s32 s18, $0x10  }
.Ltmp1:
0x6b: {  	v1 =	vadd.f32 v1, v2;
	(pc) =	sbr.rel @p1 .LBB2_3-.Ltmp1, $4  }
0x6c: {  	s20 =	sand.u32 $0x80, s19  }
0x6d: {  	s31 =	sand.u32 $0x70, s19;
	s20 =	sadd.s32 s20, s16;
	v1 =	vmul.f32 $1.999999960e-02, v1  }
0x6e: {  	s19 =	sadd.s32 s31, s20  }
0x6f: {  	[tilespmem:s19+$0x0] =	vst v1  }
0x70: {  	s15 =	sadd.s32 $0x1, s15  }
0x71: {  	p1 =	sne.s32 s15, $0x10  }
.Ltmp2:
0x72: {  	_ = 	snop;
	(pc) =	sbr.rel @p1 .LBB2_2-.Ltmp2, $1  }
0x73: {  	_ =	sdelay $0x3  }
0x74: {  	s14 =	sadd.s32 $0x1, s14  }
0x75: {  	p1 =	sne.s32 s14, s8  }
.Ltmp3:
0x76: {  	_ = 	snop;
	(pc) =	sbr.rel @p1 .LBB2_1-.Ltmp3, $4  }
0x77: {  	[hbm4b:s7+s3] =	stream.linear.scatter [tilespmem:s13], [sflag:$0x1], $0x1000, $0x38;
	[tilespmem:$0x1D800] =	vst v63  }
0x78: {  	_ =	swait.ge [sflag:s9], $0x1000  }
0x79: {  	[sflag:s9] =	ssyncset.done $0x0  }
0x7a: {  	[sflag:s9] =	ssyncadd.s32 $0xFFFFF000  }
0x7b: {  	_ =	sfence.sel $0x180000  }
0x7c: {  	[bflag:$0x0] =	sbarrier.arrive $0xFFFF  }
0x7d: {  	p0 =	sne.s32 s2, $0x0;
	_ =	strace $0x90000047  }
0x7e: {  	s0 =	sadd.s32 @!p0 $0x100000, s0;
	[bflag:$0x2] =	sbarrier.arrive $0xFFFF  }
0x7f: {  	[sflag:s0] =	ssyncadd.tile.s32 @!p0 $0x1;
	_ =	shalt  }
.Lfunc_end2:
_tile_overlayer_lowered:
.L_overlay_start_2:
0x80: {  	(tag) =	ssettag $0x2  }
0x81: {  	s0 =	rddreg [dreg:$0x0];
	s2 =	stileid.u32  }
0x82: {  	s1 =	rddreg [dreg:$0x1];
	p0 =	sne.s32 s2, $0x0  }
0x83: {  	s3 =	rddreg [dreg:$0x2];
	[bflag:$0x3] =	sbarrier.arrive $0xFFFF;
	s2 =	simm.s32 @!p0 $0x1C01  }
0x84: {  	[timem:s3], [sflag:s2] =	dma.local @!p0 [hbm:s0], s1  }
0x85: {  	s0 =	simm.s32 @!p0 $0x1  }
0x86: {  	_ =	swait.ge @!p0 [sflag:s0], s1  }
0x87: {  	s1 =	ssub.s32 @!p0 $0x0, s1;
	[sflag:s0] =	ssyncset.done @!p0 $0x0  }
0x88: {  	[sflag:s0] =	ssyncadd.s32 @!p0 s1  }
0x89: {  	[bflag:$0x3] =	sbarrier.arrive $0xFFFF  }
0x8a: {  	_ =	shalt  }

// kernel: kernel.7.cloned.1.call-start
scs
__scs_entry_jumppad:
0x0: {  	(pc) =	sbr.rel $0x88, $3  }
0x1: {  	(tag) =	ssettag $0x0;
	lr =	simm.s32 $0x1  }
0x2: {  	[smem:$0x3F9E] =	sst lr;
	_ =	strace $0xD0000000  }
0x3: {  	_ = 	snop  }
0x4: {  	_ = 	snop  }
0x5: {  	_ = 	snop  }
0x6: {  	_ = 	snop  }
0x7: {  	_ = 	snop  }
__scs_overlays_trampoline_lowered:
0x8: {  	[smem:$0x3FAD] =	sst s0  }
0x9: {  	[smem:$0x3FAE] =	sst s1  }
0xa: {  	[smem:$0x3FAF] =	sst s2  }
0xb: {  	[smem:$0x3FB0] =	sst s3  }
0xc: {  	[smem:$0x3FB1] =	sst s4  }
0xd: {  	[smem:$0x3FB2] =	sst s5  }
0xe: {  	[smem:$0x3FB3] =	sst s6  }
0xf: {  	[smem:$0x3FB4] =	sst s7  }
0x10: {  	[smem:$0x3FB5] =	sst s8  }
0x11: {  	[smem:$0x3FB6] =	sst s9;
	s0 =	simm.s32 @!p0 $0x0  }
0x12: {  	s1 =	sld [smem:$0x3F9C];
	s0 =	simm.s32 @p0 $0x1  }
0x13: {  	[smem:$0x3FB7] =	sst s0;
	s0 =	simm.s32 @!p1 $0x0  }
0x14: {  	s2 =	sld [smem:$0x3F9B];
	s0 =	simm.s32 @p1 $0x1  }
0x15: {  	[smem:$0x3FB8] =	sst s0;
	s0 =	simm.s32 @!p2 $0x0  }
0x16: {  	s3 =	sld [smem:$0x3FDB];
	s0 =	simm.s32 @p2 $0x1  }
0x17: {  	s4 =	simm.s32 $0x1BF5;
	[smem:$0x3FBA] =	sst s0  }
0x18: {  	s0 =	sld [smem:$0x3F9D];
	_ =	swait.ge [sflag:s4], $0x0  }
0x19: {  	s7 =	sld [smem:$0x3F9E]  }
0x1a: {  	s8 =	sadd.s32 $0xFFFFE003, lr  }
0x1b: {  	s9 =	sadd.s32 $0xFFFFFEF7, lr;
	s5 =	simm.s32 $0xFFFFFFFF;
	p2 =	slt.u32 s8, $0xFFFFF086  }
0x1c: {  	p1 =	slt.u32 s9, $0xF7A;
	s5 =	simm.s32 @!p2 $0x0  }
0x1d: {  	s5 =	simm.s32 @p1 $0x1;
	p0 =	seq.s32 s7, s2  }
0x1e: {  	s7 =	smul.u32 @!p0 $0xF7A, s2;
	p2 =	seq.s32 @!p0 s5, $0x0  }
0x1f: {  	s9 =	smul.u32 $0xF7A, s1;
	s8 =	simm.s32 @!p0 $0x1BF5;
	p2 =	por !p2, p0  }
0x20: {  	[sflag:s8] =	ssyncset.s32 @!p0 $0xFFFFF086;
	s6 =	sadd.s32 @!p0 s3, s7;
	s7 =	simm.s32 @!p0 $0x108  }
0x21: {  	s3 =	sadd.s32 s3, s9;
	s6 =	sadd.s32 @!p0 $0x88, s6;
	s7 =	simm.s32 @p2 $0x1082  }
0x22: {  	[simem:s7], [sflag:s8] =	dma.local @!p0 [hbm:s6], $0xF7A  }
0x23: {  	s9 =	sor.u32 $0xD0000000, s2;
	s6 =	simm.s32 $0x108;
	_ =	swait.ge @!p0 [sflag:s8], $0x0  }
0x24: {  	s3 =	sadd.s32 $0x88, s3;
	s6 =	simm.s32 @!p1 $0x1082;
	[sflag:s4] =	ssyncset.s32 $0xFFFFF086  }
0x25: {  	[simem:s6], [sflag:s4] =	dma.local [hbm:s3], $0xF7A  }
0x26: {  	[smem:$0x3F9E] =	sst s1;
	(tag) =	ssettag s2;
	_ =	strace s9  }
0x27: {  	s1 =	sld [smem:$0x3FAE]  }
0x28: {  	s2 =	sld [smem:$0x3FAF]  }
0x29: {  	s4 =	sld [smem:$0x3FB1]  }
0x2a: {  	p0 =	seq.s32 s5, $0x0;
	s5 =	sld [smem:$0x3FB2]  }
0x2b: {  	s6 =	sld [smem:$0x3FB3]  }
0x2c: {  	s7 =	sld [smem:$0x3FB4]  }
0x2d: {  	s3 =	simm.s32 $0x108;
	s8 =	sld [smem:$0x3FB5]  }
0x2e: {  	s3 =	simm.s32 @!p0 $0x1082;
	s9 =	sld [smem:$0x3FB6]  }
0x2f: {  	lr =	sadd.s32 s0, s3;
	s0 =	sld [smem:$0x3FAD]  }
0x30: {  	s3 =	sld [smem:$0x3FB0]  }
0x31: {  	[smem:$0x3FB9] =	sst s10  }
0x32: {  	s10 =	sld [smem:$0x3FB7];
	_ =	sdelay $0x3  }
0x33: {  	p0 =	seq.s32 s10, $0x1;
	s10 =	sld [smem:$0x3FB9];
	_ =	sdelay $0x3  }
0x34: {  	[smem:$0x3FB9] =	sst s10  }
0x35: {  	s10 =	sld [smem:$0x3FB8];
	_ =	sdelay $0x3  }
0x36: {  	p1 =	seq.s32 s10, $0x1;
	s10 =	sld [smem:$0x3FB9];
	_ =	sdelay $0x3  }
0x37: {  	[smem:$0x3FB9] =	sst s10  }
0x38: {  	s10 =	sld [smem:$0x3FBA]  }
0x39: {  	_ = 	snop;
	(pc) =	sbr.ind lr, $3  }
0x3a: {  	_ = 	snop  }
0x3b: {  	_ = 	snop  }
0x3c: {  	p2 =	seq.s32 s10, $0x1;
	s10 =	sld [smem:$0x3FB9]  }
0x3d: {  	_ =	shalt  }
0x3e: {  	_ =	shalt  }
0x3f: {  	_ =	shalt  }
0x40: {  	_ =	shalt  }
0x41: {  	_ =	shalt  }
0x42: {  	_ =	shalt  }
0x43: {  	_ =	shalt  }
0x44: {  	_ =	shalt  }
0x45: {  	_ =	shalt  }
0x46: {  	_ =	shalt  }
0x47: {  	_ =	shalt  }
0x48: {  	_ =	shalt  }
0x49: {  	_ =	shalt  }
0x4a: {  	_ =	shalt  }
0x4b: {  	_ =	shalt  }
0x4c: {  	_ =	shalt  }
0x4d: {  	_ =	shalt  }
0x4e: {  	_ =	shalt  }
0x4f: {  	_ =	shalt  }
0x50: {  	_ =	shalt  }
0x51: {  	_ =	shalt  }
0x52: {  	_ =	shalt  }
0x53: {  	_ =	shalt  }
0x54: {  	_ =	shalt  }
0x55: {  	_ =	shalt  }
0x56: {  	_ =	shalt  }
0x57: {  	_ =	shalt  }
0x58: {  	_ =	shalt  }
0x59: {  	_ =	shalt  }
0x5a: {  	_ =	shalt  }
0x5b: {  	_ =	shalt  }
0x5c: {  	_ =	shalt  }
0x5d: {  	_ =	shalt  }
0x5e: {  	_ =	shalt  }
0x5f: {  	_ =	shalt  }
0x60: {  	_ =	shalt  }
0x61: {  	_ =	shalt  }
0x62: {  	_ =	shalt  }
0x63: {  	_ =	shalt  }
0x64: {  	_ =	shalt  }
0x65: {  	_ =	shalt  }
0x66: {  	_ =	shalt  }
0x67: {  	_ =	shalt  }
0x68: {  	_ =	shalt  }
0x69: {  	_ =	shalt  }
0x6a: {  	_ =	shalt  }
0x6b: {  	_ =	shalt  }
0x6c: {  	_ =	shalt  }
0x6d: {  	_ =	shalt  }
0x6e: {  	_ =	shalt  }
0x6f: {  	_ =	shalt  }
0x70: {  	_ =	shalt  }
0x71: {  	_ =	shalt  }
0x72: {  	_ =	shalt  }
0x73: {  	_ =	shalt  }
0x74: {  	_ =	shalt  }
0x75: {  	_ =	shalt  }
0x76: {  	_ =	shalt  }
0x77: {  	_ =	shalt  }
0x78: {  	_ =	shalt  }
0x79: {  	_ =	shalt  }
0x7a: {  	_ =	shalt  }
0x7b: {  	_ =	shalt  }
0x7c: {  	_ =	shalt  }
0x7d: {  	_ =	shalt  }
0x7e: {  	_ =	shalt  }
0x7f: {  	_ =	shalt  }
0x80: {  	_ =	shalt  }
0x81: {  	_ =	shalt  }
0x82: {  	_ =	shalt  }
0x83: {  	_ =	shalt  }
0x84: {  	_ =	shalt  }
0x85: {  	_ =	shalt  }
0x86: {  	_ =	shalt  }
0x87: {  	_ =	shalt  }
.Lfunc_end0:
.L_simem_size_0:
called_computation.1_lowered:
.L_overlay_start_0:
0x88: {  	s2 =	sld [smem:$0x3FD9]  }
0x89: {  	s3 =	sld [smem:$0x3FFE];
	_ =	sdelay $0x1  }
0x8a: {  	s1 =	srdreg.scid  }
0x8b: {  	s0 =	sand.u32 $0x1, s1  }
0x8c: {  	s17 =	sshll.u32 s0, $0xA;
	s2 =	sadd.s32 s3, s2  }
0x8d: {  	s2 =	sadd.s32 s2, s17  }
0x8e: {  	[smem:$0x3FC5] =	sst s2  }
0x8f: {  	_ = 	snop  }
0x90: {  	s2 =	sld [smem:$0x3FC8];
	(tm) =	ssettm $0x1  }
0x91: {  	s18 =	sld [smem:$0x3FFB];
	_ =	sdelay $0x3  }
0x92: {  	_ =	strace s18  }
0x93: {  	s3 =	sld [smem:$0x3FFC];
	_ =	sdelay $0x3  }
0x94: {  	_ =	strace s3  }
0x95: {  	s3 =	sld [smem:$0x3FFD];
	_ =	sdelay $0x3  }
0x96: {  	_ =	strace s3  }
0x97: {  	_ =	strace $0x8FFFFFFF  }
0x98: {  	s19 =	sld [smem:$0x3FDB];
	_ =	sdelay $0x1  }
0x99: {  	s4 =	simm.s32 $_scs_section_size  }
0x9a: {  	s5 =	simm.s32 $_size__tile_overlayer_lowered;
	s6 =	simm.s32 $_tile_overlayer_lowered  }
0x9b: {  	s22 =	simm.s32 $0x1BFF;
	s21 =	sshll.u32 s6, $0x1;
	s3 =	sadd.s32 s4, s19  }
0x9c: {  	s7 =	simm.s32 $0x0;
	s20 =	sshll.u32 s5, $0x1;
	s5 =	sadd.s32 s21, s3  }
0x9d: {  	[timem:s7], [sflag:s22] =	dma.local [hbm:s5], s20  }
0x9e: {  	_ =	swait.ge [sflag:s22], s20  }
0x9f: {  	s4 =	ssub.s32 $0x0, s20;
	[sflag:s22] =	ssyncset.done $0x0  }
0xa0: {  	[sflag:s22] =	ssyncadd.s32 s4;
	_ =	sdelay $0x1  }
0xa1: {  	s23 =	simm.s32 $0x1B8B  }
0xa2: {  	_ =	swait.ge [sflag:s23], $0x1  }
0xa3: {  	[sflag:s23] =	ssyncset.done $0x0  }
0xa4: {  	s25 =	simm.s32 $0x1B8E;
	s24 =	sld [smem:$0x3FFE];
	[sflag:s23] =	ssyncadd.s32 $0xFFFFFFFF  }
0xa5: {  	s26 =	simm.s32 $execute0_lowered;
	[smem:$0x3FD2] =	sst s25  }
0xa6: {  	s5 =	sshll.u32 s26, $0x1;
	_ =	strace $0x80000049;
	[dreg:$0x1] =	wrdreg $0xFFFFFFFF  }
0xa7: {  	s28 =	simm.s32 $_size_execute0_lowered;
	s3 =	sadd.s32 s3, s5;
	[dreg:$0x0] =	wrdreg $0x0  }
0xa8: {  	s5 =	sshll.u32 s28, $0x1;
	[dreg:$0x2] =	wrdreg s3  }
0xa9: {  	[dreg:$0x3] =	wrdreg s5  }
0xaa: {  	[dreg:$0x4] =	wrdreg $0xC0  }
0xab: {  	_ =	task [dreg:s7], $0x5FFFF  }
0xac: {  	[dreg:$0x1] =	wrdreg $0xFFFFFFFF  }
0xad: {  	[dreg:$0x0] =	wrdreg $0x60  }
0xae: {  	[dreg:$0x2] =	wrdreg s2  }
0xaf: {  	[dreg:$0x3] =	wrdreg s24  }
0xb0: {  	[dreg:$0x4] =	wrdreg $0x9  }
0xb1: {  	_ =	task.clear_ibuf [dreg:s7], $0x5FFFF;
	_ =	strace $0x90000049  }
0xb2: {  	s29 =	simm.s32 $0x9;
	_ =	strace $0x8000004B  }
0xb3: {  	_ =	swait.ge [sflag:s29], $0x1  }
0xb4: {  	[sflag:s29] =	ssyncadd.s32 $0xFFFFFFFF  }
0xb5: {  	_ =	strace $0x9000004B  }
0xb6: {  	_ =	sfence  }
0xb7: {  	s30 =	sld [smem:$0x0];
	_ =	sdelay $0x2  }
0xb8: {  	s31 =	sshll.u32 s1, $0xD;
	s1 =	sshrl.u32 s1, $0x2  }
0xb9: {  	s3 =	sand.u32 $0x4000, s31;
	s1 =	sadd.s32 s1, s30  }
0xba: {  	s0 =	sor.u32 s3, s0;
	s1 =	sshll.u32 s1, $0x11  }
0xbb: {  	s0 =	sor.u32 s1, s0  }
0xbc: {  	s0 =	sadd.s32 $0x8F2B, s0  }
0xbd: {  	[sflag:s0] =	ssyncadd.remote.s32 $0x1  }
0xbe: {  	_ =	sfence.sel $0xFFFF  }
0xbf: {  	[dreg:$0x0] =	wrdreg $0xFFFFFFFF;
	(pc) =	sbr.abs _section_cstart, $3  }
0xc0: {  	[dreg:$0x1] =	wrdreg $0xFFFFFFFF  }
0xc1: {  	_ =	task.clear_ibuf [dreg:s7], $0x2FFFF;
	_ =	strace $0x9FFFFFFF  }
0xc2: {  	(tm) =	ssettm $0x7FFFFFFF  }
0xc3: {  	_ =	shalt  }
tec
execute0_lowered:
.L_overlay_start_1:
0x0: {  	(tag) =	ssettag $0x1  }
0x1: {  	s0 =	srdreg.scid  }
0x2: {  	s0 =	sand.u32 $0x1, s0  }
0x3: {  	s6 =	stileid.u32;
	s3 =	rddreg [dreg:$0x0];
	s1 =	sshll.u32 s0, $0x4  }
0x4: {  	s5 =	rddreg [dreg:$0x1];
	s1 =	sor.u32 s6, s1  }
0x5: {  	s4 =	simm.s32 $0x0;
	[dreg:$0x3] =	wrdreg s1;
	s1 =	sshrl.u32 s1, $0x2  }
0x6: {  	s28 =	simm.s32 $0x3;
	s30 =	simm.s32 $0x8000;
	s1 =	sor.u32 $0x60, s1  }
0x7: {  	s31 =	simm.s32 $0x1;
	[smem:$0x7FF] =	sst s4;
	s2 =	smul.u32 $0x4F, s1  }
0x8: {  	s13 =	sadd.s32 $0x79A00, s5;
	s7 =	sadd.s32 $0x79800, s5;
	s9 =	sadd.s32 $0x76400, s5  }
0x9: {  	s8 =	sadd.s32 $0x8A00, s5;
	s0 =	ssub.s32 $0x2, s0;
	s2 =	sshrl.u32 s2, $0xB  }
0xa: {  	s11 =	sand.u32 $0x3, s6;
	s25 =	sshrl.u32 s0, $0x1;
	s2 =	smul.u32 $0x1A, s2  }
0xb: {  	s14 =	sadd.s32 $0x8E00, s5;
	p0 =	sne.s32 s11, $0x0;
	s0 =	ssub.s32 s0, s25  }
0xc: {  	_ =	strace $0x8000004A;
	[dreg:$0x4] =	wrdreg s9;
	s1 =	ssub.s32 s1, s2  }
0xd: {  	[dreg:$0x5] =	wrdreg s7;
	s0 =	smax.u32 s0, $0x1;
	s1 =	sand.u32 $0xFF, s1  }
0xe: {  	s11 =	simm.s32 $0x13100;
	[dreg:$0x15] =	wrdreg s0;
	s10 =	smul.u32 $0x30E000, s1  }
0xf: {  	s0 =	simm.s32 $0x12100;
	s26 =	sshll.u32 s1, $0x9;
	s29 =	smul.u32 $0x6, s1  }
0x10: {  	s1 =	sshll.u32 s1, $0xE;
	s15 =	sadd.s32 s9, s26;
	s2 =	sadd.s32 s26, s13  }
0x11: {  	s18 =	sadd.s32 $0x4A00, s1;
	[dreg:$0x7] =	wrdreg s15;
	s5 =	sadd.s32 s7, s29  }
0x12: {  	s1 =	sadd.s32 s1, s8;
	s2 =	sadd.s32 $0x180, s2;
	[dreg:$0x8] =	wrdreg s5  }
0x13: {  	s9 =	smov.u32 s14;
	s19 =	sadd.s32 s8, s18;
	[dreg:$0xc] =	wrdreg s2  }
0x14: {  	s21 =	sadd.s32 $0x24A800, s10;
	s20 =	sadd.s32 $0x4C00, s1;
	[dreg:$0xd] =	wrdreg s19  }
0x15: {  	s17 =	sshrl.u32 s10, $0x3;
	s23 =	sadd.s32 s18, s14;
	[dreg:$0xe] =	wrdreg s20  }
0x16: {  	s22 =	sadd.s32 $0x259800, s10;
	s24 =	sadd.s32 $0x5000, s1;
	[dreg:$0xf] =	wrdreg s23  }
0x17: {  	s7 =	smov.u32 s13;
	s25 =	sadd.s32 $0x5200, s1;
	[dreg:$0x10] =	wrdreg s24  }
0x18: {  	s26 =	sadd.s32 $0x5400, s1;
	s29 =	sadd.s32 $0x5600, s1;
	[dreg:$0x11] =	wrdreg s25  }
0x19: {  	s1 =	sadd.s32 $0x5800, s1;
	s13 =	simm.s32 $0x15100;
	[dreg:$0x12] =	wrdreg s26  }
0x1a: {  	s15 =	simm.s32 $0x16100;
	s18 =	simm.s32 $0x2;
	[dreg:$0x13] =	wrdreg s29  }
.Ltmp0:
0x1b: {  	s12 =	sshrl.u32 s21, $0x3;
	[dreg:$0x14] =	wrdreg s1;
	(pc) =	sbr.rel .LBB2_1-.Ltmp0, $4  }
0x1c: {  	s5 =	sadd.s32 s3, s17;
	s2 =	simm.s32 $0x11100;
	[dreg:$0x6] =	wrdreg s21  }
0x1d: {  	s17 =	simm.s32 $0x18100;
	[dreg:$0xa] =	wrdreg s22;
	s16 =	sadd.s32 s3, s12  }
0x1e: {  	s5 =	sadd.s32 $0x60C00, s5;
	s12 =	simm.s32 $0x14100;
	[dreg:$0x9] =	wrdreg s16  }
0x1f: {  	v0 =	vlaneseq.u32;
	[dreg:$0xb] =	wrdreg s5;
	s16 =	simm.s32 $0x17100;
	s5 =	simm.s32 $0x0  }
.LBB2_47:
0x20: {  	_ =	sdelay $0x4  }
0x21: {  	[tilespmem:v2+s17+$0x0] =	vst.idx.msk vm0, v3  }
.LBB2_48:
0x22: {  	s1 =	rddreg [dreg:$0xd]  }
0x23: {  	[hbm4b:s1+s4] =	stream.linear.scatter [tilespmem:s2], [sflag:$0x3], $0x1000, $0x38;
	[tilespmem:$0x19100] =	vst v63  }
0x24: {  	_ =	swait.ge [sflag:s28], $0x1000  }
0x25: {  	[sflag:s28] =	ssyncset.done $0x0  }
0x26: {  	s21 =	rddreg [dreg:$0xe];
	[sflag:s28] =	ssyncadd.s32 $0xFFFFF000  }
0x27: {  	[hbm4b:s21+s4] =	stream.linear.scatter [tilespmem:s0], [sflag:$0x3], $0x1000, $0x38;
	[tilespmem:$0x19100] =	vst v63  }
0x28: {  	_ =	swait.ge [sflag:s28], $0x1000  }
0x29: {  	[sflag:s28] =	ssyncset.done $0x0  }
0x2a: {  	s22 =	rddreg [dreg:$0xf];
	[sflag:s28] =	ssyncadd.s32 $0xFFFFF000  }
0x2b: {  	[hbm4b:s22+s4] =	stream.linear.scatter [tilespmem:s11], [sflag:$0x3], $0x1000, $0x38;
	[tilespmem:$0x19100] =	vst v63  }
0x2c: {  	_ =	swait.ge [sflag:s28], $0x1000  }
0x2d: {  	[sflag:s28] =	ssyncset.done $0x0  }
0x2e: {  	s23 =	rddreg [dreg:$0x10];
	[sflag:s28] =	ssyncadd.s32 $0xFFFFF000  }
0x2f: {  	[hbm4b:s23+s4] =	stream.linear.scatter [tilespmem:s12], [sflag:$0x3], $0x1000, $0x38;
	[tilespmem:$0x19100] =	vst v63  }
0x30: {  	_ =	swait.ge [sflag:s28], $0x1000  }
0x31: {  	[sflag:s28] =	ssyncset.done $0x0  }
0x32: {  	s24 =	rddreg [dreg:$0x11];
	[sflag:s28] =	ssyncadd.s32 $0xFFFFF000  }
0x33: {  	[hbm4b:s24+s4] =	stream.linear.scatter [tilespmem:s13], [sflag:$0x3], $0x1000, $0x38;
	[tilespmem:$0x19100] =	vst v63  }
0x34: {  	_ =	swait.ge [sflag:s28], $0x1000  }
0x35: {  	[sflag:s28] =	ssyncset.done $0x0  }
0x36: {  	s25 =	rddreg [dreg:$0x12];
	[sflag:s28] =	ssyncadd.s32 $0xFFFFF000  }
0x37: {  	[hbm4b:s25+s4] =	stream.linear.scatter [tilespmem:s15], [sflag:$0x3], $0x1000, $0x38;
	[tilespmem:$0x19100] =	vst v63  }
0x38: {  	_ =	swait.ge [sflag:s28], $0x1000  }
0x39: {  	[sflag:s28] =	ssyncset.done $0x0  }
0x3a: {  	s26 =	rddreg [dreg:$0x13];
	[sflag:s28] =	ssyncadd.s32 $0xFFFFF000  }
0x3b: {  	[hbm4b:s26+s4] =	stream.linear.scatter [tilespmem:s16], [sflag:$0x3], $0x1000, $0x38;
	[tilespmem:$0x19100] =	vst v63  }
0x3c: {  	_ =	swait.ge [sflag:s28], $0x1000  }
0x3d: {  	[sflag:s28] =	ssyncset.done $0x0  }
0x3e: {  	s29 =	rddreg [dreg:$0x14];
	[sflag:s28] =	ssyncadd.s32 $0xFFFFF000  }
0x3f: {  	[hbm4b:s29+s4] =	stream.linear.scatter [tilespmem:s17], [sflag:$0x3], $0x1000, $0x38;
	[tilespmem:$0x19100] =	vst v63  }
0x40: {  	_ =	swait.ge [sflag:s28], $0x1000  }
0x41: {  	[sflag:s28] =	ssyncset.done $0x0  }
0x42: {  	s5 =	rddreg [dreg:$0x16];
	[sflag:s28] =	ssyncadd.s32 $0xFFFFF000  }
.LBB2_49:
0x43: {  	s5 =	sadd.s32 $0x1, s5;
	s1 =	rddreg [dreg:$0x15]  }
0x44: {  	p1 =	sne.s32 s5, s1  }
.Ltmp1:
0x45: {  	_ = 	snop;
	(pc) =	sbr.rel @!p1 .LBB2_50-.Ltmp1, $1  }
0x46: {  	_ =	sdelay $0x3  }
.LBB2_1:
.Ltmp2:
0x47: {  	(pc) =	sbr.rel .LBB2_2-.Ltmp2, $2  }
0x48: {  	_ =	sdelay $0x2  }
0x49: {  	[dreg:$0x16] =	wrdreg s5;
	s20 =	simm.s32 $0x0  }
.LBB2_23:
0x4a: {  	_ =	sdelay $0x4  }
0x4b: {  	[tilespmem:v2+s17+$0x0] =	vst.idx.msk vm0, v3  }
.LBB2_24:
0x4c: {  	s1 =	sshll.u32 s21, $0x3;
	s5 =	sshll.u32 s22, $0x5  }
0x4d: {  	s1 =	sadd.s32 s5, s1  }
0x4e: {  	s1 =	sshll.u32 s1, $0x9  }
0x4f: {  	s1 =	sadd.s32 $0x1A00, s1  }
0x50: {  	s22 =	sand.u32 $0x1FFFFA00, s1  }
0x51: {  	s6 =	sadd.s32 s8, s22  }
0x52: {  	[hbm4b:s6+s4] =	stream.linear.scatter [tilespmem:s2], [sflag:$0x3], $0x1000, $0x38;
	[tilespmem:$0x19100] =	vst v63  }
0x53: {  	s1 =	sand.u32 $0x1FFFFE00, s1;
	_ =	swait.ge [sflag:s28], $0x1000  }
0x54: {  	s1 =	sadd.s32 s8, s1;
	[sflag:s28] =	ssyncset.done $0x0  }
0x55: {  	s23 =	sadd.s32 $0x200, s1;
	[sflag:s28] =	ssyncadd.s32 $0xFFFFF000  }
0x56: {  	[hbm4b:s23+s4] =	stream.linear.scatter [tilespmem:s0], [sflag:$0x3], $0x1000, $0x38;
	[tilespmem:$0x19100] =	vst v63  }
0x57: {  	_ =	swait.ge [sflag:s28], $0x1000  }
0x58: {  	[sflag:s28] =	ssyncset.done $0x0  }
0x59: {  	s5 =	sadd.s32 s22, s9;
	[sflag:s28] =	ssyncadd.s32 $0xFFFFF000  }
0x5a: {  	[hbm4b:s5+s4] =	stream.linear.scatter [tilespmem:s11], [sflag:$0x3], $0x1000, $0x38;
	[tilespmem:$0x19100] =	vst v63  }
0x5b: {  	_ =	swait.ge [sflag:s28], $0x1000  }
0x5c: {  	[sflag:s28] =	ssyncset.done $0x0  }
0x5d: {  	s24 =	sadd.s32 $0x600, s1;
	[sflag:s28] =	ssyncadd.s32 $0xFFFFF000  }
0x5e: {  	[hbm4b:s24+s4] =	stream.linear.scatter [tilespmem:s12], [sflag:$0x3], $0x1000, $0x38;
	[tilespmem:$0x19100] =	vst v63  }
0x5f: {  	_ =	swait.ge [sflag:s28], $0x1000  }
0x60: {  	[sflag:s28] =	ssyncset.done $0x0  }
0x61: {  	s25 =	sadd.s32 $0x800, s1;
	[sflag:s28] =	ssyncadd.s32 $0xFFFFF000  }
0x62: {  	[hbm4b:s25+s4] =	stream.linear.scatter [tilespmem:s13], [sflag:$0x3], $0x1000, $0x38;
	[tilespmem:$0x19100] =	vst v63  }
0x63: {  	_ =	swait.ge [sflag:s28], $0x1000  }
0x64: {  	[sflag:s28] =	ssyncset.done $0x0  }
0x65: {  	s26 =	sadd.s32 $0xA00, s1;
	[sflag:s28] =	ssyncadd.s32 $0xFFFFF000  }
0x66: {  	[hbm4b:s26+s4] =	stream.linear.scatter [tilespmem:s15], [sflag:$0x3], $0x1000, $0x38;
	[tilespmem:$0x19100] =	vst v63  }
0x67: {  	_ =	swait.ge [sflag:s28], $0x1000  }
0x68: {  	[sflag:s28] =	ssyncset.done $0x0  }
0x69: {  	s29 =	sadd.s32 $0xC00, s1;
	[sflag:s28] =	ssyncadd.s32 $0xFFFFF000  }
0x6a: {  	[hbm4b:s29+s4] =	stream.linear.scatter [tilespmem:s16], [sflag:$0x3], $0x1000, $0x38;
	[tilespmem:$0x19100] =	vst v63  }
0x6b: {  	s20 =	sadd.s32 $0x1, s20;
	_ =	swait.ge [sflag:s28], $0x1000  }
0x6c: {  	p1 =	sne.s32 s20, $0x3;
	[sflag:s28] =	ssyncset.done $0x0  }
.Ltmp3:
0x6d: {  	s1 =	sadd.s32 $0xE00, s1;
	[sflag:s28] =	ssyncadd.s32 $0xFFFFF000;
	(pc) =	sbr.rel @!p1 .LBB2_25-.Ltmp3, $4  }
0x6e: {  	[hbm4b:s1+s4] =	stream.linear.scatter [tilespmem:s17], [sflag:$0x3], $0x1000, $0x38;
	[tilespmem:$0x19100] =	vst v63  }
0x6f: {  	_ =	swait.ge [sflag:s28], $0x1000  }
0x70: {  	[sflag:s28] =	ssyncset.done $0x0  }
0x71: {  	[sflag:s28] =	ssyncadd.s32 $0xFFFFF000  }
.LBB2_2:
0x72: {  	s1 =	sshll.u32 s20, $0x5;
	s5 =	rddreg [dreg:$0x3]  }
0x73: {  	s1 =	sor.u32 s5, s1  }
0x74: {  	s5 =	smulhi.u32 $0x4EC4EC4F, s1;
	_ =	sdelay $0x1  }
0x75: {  	s21 =	sshrl.u32 s5, $0x3  }
0x76: {  	s5 =	smul.u32 $0x1A, s21;
	_ =	sdelay $0x1  }
0x77: {  	s22 =	ssub.s32 s1, s5  }
0x78: {  	s10 =	rddreg [dreg:$0x4];
	s23 =	sshll.u32 s22, $0x9  }
0x79: {  	s24 =	simm.s32 $0x0;
	s14 =	simm.s32 $0x10000;
	s1 =	sadd.s32 s10, s23  }
0x7a: {  	[tilespmem:s14], [sflag:$0x3] =	stream.linear.gather [hbm4b:s1+s24], $0x1000, $0x38;
	[tilespmem:$0x19100] =	vst v63  }
0x7b: {  	s26 =	simm.s32 $0x11080;
	s19 =	smul.u32 $0x6, s22;
	_ =	swait.ge [sflag:s28], $0x1000  }
0x7c: {  	s25 =	smul.u32 $0x30E000, s22;
	[sflag:s28] =	ssyncset.done $0x0;
	s6 =	rddreg [dreg:$0x5]  }
0x7d: {  	s10 =	smul.u32 $0xC3800, s21;
	[sflag:s28] =	ssyncadd.s32 $0xFFFFF000;
	s1 =	sadd.s32 s6, s19  }
0x7e: {  	[tilespmem:s26], [sflag:$0x3] =	stream.linear.gather [hbm4b:s1+s24], $0x30, $0x38;
	[tilespmem:$0x19100] =	vst v63  }
.Ltmp4:
0x7f: {  	_ = 	snop;
	(pc) =	sbr.rel .LBB2_3-.Ltmp4, $4  }
0x80: {  	s25 =	sadd.s32 s10, s25;
	_ =	swait.ge [sflag:s28], $0x30  }
0x81: {  	s29 =	sshrl.u32 s25, $0x3;
	[sflag:s28] =	ssyncset.done $0x0  }
0x82: {  	s10 =	sadd.s32 $0xF000, s25;
	s19 =	sadd.s32 s3, s29;
	[sflag:s28] =	ssyncadd.s32 $0xFFFFFFD0  }
0x83: {  	[tilespmem:s24], [sflag:$0x1] =	stream.linear.gather [hbm4b:s19+s24], $0x7800, $0x38;
	[tilespmem:$0x19100] =	vst v63  }
.LBB2_10:
0x84: {  	_ =	sdelay $0x4  }
0x85: {  	[tilespmem:v3+s17+$0x0] =	vst.idx.msk vm0, v4  }
.LBB2_11:
0x86: {  	s24 =	sadd.s32 $0x1, s24  }
0x87: {  	p1 =	sne.s32 s24, $0xC  }
.Ltmp5:
0x88: {  	_ = 	snop;
	(pc) =	sbr.rel @!p1 .LBB2_12-.Ltmp5, $1  }
0x89: {  	_ =	sdelay $0x3  }
.LBB2_3:
0x8a: {  	s14 =	sshllo.u32 s24, $0x1  }
0x8b: {  	s1 =	smul.u32 $0x7800, s14;
	_ =	sdelay $0x1  }
0x8c: {  	s1 =	sadd.s32 s25, s1  }
0x8d: {  	s1 =	sshrl.u32 s1, $0x3  }
0x8e: {  	s1 =	sadd.s32 s3, s1  }
0x8f: {  	[tilespmem:s30], [sflag:$0x2] =	stream.linear.gather [hbm4b:s1+s4], $0x7800, $0x38;
	[tilespmem:$0x19100] =	vst v63  }
0x90: {  	_ =	swait.ge [sflag:s31], $0x7800  }
0x91: {  	[sflag:s31] =	ssyncset.done $0x0  }
0x92: {  	s26 =	sshll.u32 s24, $0x1;
	[sflag:s31] =	ssyncadd.s32 $0xFFFF8800  }
0x93: {  	v2 =	vld [tilespmem:s26+$0x11080];
	_ =	sdelay $0x4  }
0x94: {  	(v2sf) =	vpush v2, $0x0  }
0x95: {  	(v2sf) =	vpush v2, $0x1;
	_ =	sdelay $0xd  }
0x96: {  	s29 =	spop (v2sf)  }
0x97: {  	s6 =	spop (v2sf)  }
0x98: {  	s1 =	ssub.s32 s6, s29  }
0x99: {  	s5 =	sadd.s32 $0xF, s1  }
0x9a: {  	p1 =	slt.s32 s5, $0x10  }
.Ltmp6:
0x9b: {  	_ = 	snop;
	(pc) =	sbr.rel @p1 .LBB2_7-.Ltmp6, $1  }
0x9c: {  	_ =	sdelay $0x3  }
0x9d: {  	s1 =	sshll.u32 s29, $0x2  }
0x9e: {  	s1 =	sshra.s32 s1, $0x2  }
0x9f: {  	s1 =	sadd.s32 $0x10000, s1  }
0xa0: {  	v3 =	vld [tilespmem:s1+$0x0];
	_ =	sdelay $0x2  }
0xa1: {  	s6 =	smul.u32 $0xFFFFE200, s24;
	_ =	sdelay $0x1  }
0xa2: {  	v1 =	vmov s6;
	v4 =	vshrl.u32 v3, $0xC  }
0xa3: {  	v2 =	vbroadcast v2, $0x1;
	v5 =	vadd.s32 v1, v4  }
0xa4: {  	v6 =	vadd.s32 s29, v0;
	v5 =	vshll.u32 v5, $0x3  }
0xa5: {  	vm0 =	vlt.s32 v6, v2;
	v4 =	vand.u32 $0x7F, v4;
	v5 =	vand.u32 $0xFFFFFC00, v5  }
0xa6: {  	v4 =	vor.u32 v4, v5;
	_ =	sdelay $0x4  }
0xa7: {  	v3 =	vand.u32 $0xFFF, v3;
	v5 =	vld.idx.msk [tilespmem:v4+s4+$0x0], vm0  }
0xa8: {  	v6 =	vor.u32 $0x80, v4;
	_ =	sdelay $0x3  }
0xa9: {  	[tilespmem:v3+s2+$0x0] =	vst.idx.msk vm0, v5  }
0xaa: {  	v5 =	vld.idx.msk [tilespmem:v6+s4+$0x0], vm0  }
0xab: {  	v6 =	vor.u32 $0x100, v4;
	_ =	sdelay $0x3  }
0xac: {  	[tilespmem:v3+s0+$0x0] =	vst.idx.msk vm0, v5  }
0xad: {  	v5 =	vld.idx.msk [tilespmem:v6+s4+$0x0], vm0  }
0xae: {  	v6 =	vor.u32 $0x180, v4;
	_ =	sdelay $0x3  }
0xaf: {  	[tilespmem:v3+s11+$0x0] =	vst.idx.msk vm0, v5  }
0xb0: {  	v5 =	vld.idx.msk [tilespmem:v6+s4+$0x0], vm0  }
0xb1: {  	v6 =	vor.u32 $0x200, v4;
	_ =	sdelay $0x3  }
0xb2: {  	[tilespmem:v3+s12+$0x0] =	vst.idx.msk vm0, v5  }
0xb3: {  	v5 =	vld.idx.msk [tilespmem:v6+s4+$0x0], vm0  }
0xb4: {  	v6 =	vor.u32 $0x280, v4;
	_ =	sdelay $0x3  }
0xb5: {  	[tilespmem:v3+s13+$0x0] =	vst.idx.msk vm0, v5  }
0xb6: {  	v5 =	vld.idx.msk [tilespmem:v6+s4+$0x0], vm0  }
0xb7: {  	v6 =	vor.u32 $0x300, v4;
	_ =	sdelay $0x1  }
0xb8: {  	s6 =	sshra.s32 s5, $0x1F  }
0xb9: {  	s6 =	sshrl.u32 s6, $0x1C  }
0xba: {  	s6 =	sadd.s32 s6, s5;
	[tilespmem:v3+s15+$0x0] =	vst.idx.msk vm0, v5  }
0xbb: {  	s5 =	sshra.s32 s6, $0x4;
	v5 =	vld.idx.msk [tilespmem:v6+s4+$0x0], vm0  }
0xbc: {  	p1 =	sne.s32 s5, $0x1;
	v4 =	vor.u32 $0x380, v4  }
.Ltmp7:
0xbd: {  	_ = 	snop;
	(pc) =	sbr.rel @!p1 .LBB2_6-.Ltmp7, $3  }
0xbe: {  	_ =	sdelay $0x1  }
0xbf: {  	[tilespmem:v3+s16+$0x0] =	vst.idx.msk vm0, v5  }
0xc0: {  	s5 =	sadd.s32 $0xFFFFFFFF, s5;
	v4 =	vld.idx.msk [tilespmem:v4+s4+$0x0], vm0  }
.LBB2_5:
0xc1: {  	_ =	sdelay $0x3  }
0xc2: {  	p1 =	sne.s32 s5, $0x1;
	s1 =	sadd.s32 $0x10, s1;
	s29 =	sadd.s32 $0x10, s29;
	[tilespmem:v3+s17+$0x0] =	vst.idx.msk vm0, v4  }
0xc3: {  	s5 =	sadd.s32 $0xFFFFFFFF, s5;
	v3 =	vld [tilespmem:s1+$0x0];
	_ =	sdelay $0x4  }
0xc4: {  	v4 =	vshrl.u32 v3, $0xC  }
0xc5: {  	v5 =	vadd.s32 v1, v4  }
0xc6: {  	v6 =	vadd.s32 s29, v0;
	v5 =	vshll.u32 v5, $0x3  }
0xc7: {  	vm0 =	vlt.s32 v6, v2;
	v4 =	vand.u32 $0x7F, v4;
	v5 =	vand.u32 $0xFFFFFC00, v5  }
0xc8: {  	v4 =	vor.u32 v4, v5;
	_ =	sdelay $0x4  }
0xc9: {  	v5 =	vld.idx.msk [tilespmem:v4+s4+$0x0], vm0  }
0xca: {  	v3 =	vand.u32 $0xFFF, v3  }
0xcb: {  	v6 =	vor.u32 $0x80, v4;
	_ =	sdelay $0x3  }
0xcc: {  	[tilespmem:v3+s2+$0x0] =	vst.idx.msk vm0, v5  }
0xcd: {  	v5 =	vld.idx.msk [tilespmem:v6+s4+$0x0], vm0;
	_ =	sdelay $0x1  }
0xce: {  	v6 =	vor.u32 $0x100, v4;
	_ =	sdelay $0x3  }
0xcf: {  	[tilespmem:v3+s0+$0x0] =	vst.idx.msk vm0, v5  }
0xd0: {  	v5 =	vld.idx.msk [tilespmem:v6+s4+$0x0], vm0;
	_ =	sdelay $0x1  }
0xd1: {  	v6 =	vor.u32 $0x180, v4;
	_ =	sdelay $0x3  }
0xd2: {  	[tilespmem:v3+s11+$0x0] =	vst.idx.msk vm0, v5  }
0xd3: {  	v5 =	vld.idx.msk [tilespmem:v6+s4+$0x0], vm0;
	_ =	sdelay $0x1  }
0xd4: {  	v6 =	vor.u32 $0x200, v4;
	_ =	sdelay $0x3  }
0xd5: {  	[tilespmem:v3+s12+$0x0] =	vst.idx.msk vm0, v5  }
0xd6: {  	v5 =	vld.idx.msk [tilespmem:v6+s4+$0x0], vm0;
	_ =	sdelay $0x1  }
0xd7: {  	v6 =	vor.u32 $0x280, v4;
	_ =	sdelay $0x3  }
0xd8: {  	[tilespmem:v3+s13+$0x0] =	vst.idx.msk vm0, v5  }
0xd9: {  	v5 =	vld.idx.msk [tilespmem:v6+s4+$0x0], vm0;
	_ =	sdelay $0x1  }
0xda: {  	v6 =	vor.u32 $0x300, v4;
	_ =	sdelay $0x3  }
0xdb: {  	[tilespmem:v3+s15+$0x0] =	vst.idx.msk vm0, v5  }
0xdc: {  	v5 =	vld.idx.msk [tilespmem:v6+s4+$0x0], vm0;
	_ =	sdelay $0x1  }
0xdd: {  	v4 =	vor.u32 $0x380, v4  }
.Ltmp8:
0xde: {  	(pc) =	sbr.rel @p1 .LBB2_5-.Ltmp8, $3  }
0xdf: {  	_ =	sdelay $0x1  }
0xe0: {  	[tilespmem:v3+s16+$0x0] =	vst.idx.msk vm0, v5  }
0xe1: {  	v4 =	vld.idx.msk [tilespmem:v4+s4+$0x0], vm0  }
.LBB2_6:
0xe2: {  	_ =	sdelay $0x4  }
0xe3: {  	[tilespmem:v3+s17+$0x0] =	vst.idx.msk vm0, v4  }
.LBB2_7:
0xe4: {  	s1 =	smul.u32 $0xF000, s24;
	_ =	sdelay $0x1  }
0xe5: {  	s1 =	sadd.s32 s1, s10  }
0xe6: {  	s1 =	sshrl.u32 s1, $0x3  }
0xe7: {  	s1 =	sadd.s32 s3, s1  }
0xe8: {  	[tilespmem:s4], [sflag:$0x1] =	stream.linear.gather [hbm4b:s1+s4], $0x7800, $0x38;
	[tilespmem:$0x19100] =	vst v63  }
0xe9: {  	_ =	swait.ge [sflag:s18], $0x7800  }
0xea: {  	[sflag:s18] =	ssyncset.done $0x0  }
0xeb: {  	[sflag:s18] =	ssyncadd.s32 $0xFFFF8800  }
0xec: {  	v2 =	vld [tilespmem:s26+$0x11081];
	_ =	sdelay $0x4  }
0xed: {  	(v2sf) =	vpush v2, $0x0  }
0xee: {  	(v2sf) =	vpush v2, $0x1;
	_ =	sdelay $0xd  }
0xef: {  	s26 =	spop (v2sf)  }
0xf0: {  	s29 =	spop (v2sf)  }
0xf1: {  	s1 =	ssub.s32 s29, s26  }
0xf2: {  	s5 =	sadd.s32 $0xF, s1  }
0xf3: {  	p1 =	slt.s32 s5, $0x10  }
.Ltmp9:
0xf4: {  	_ = 	snop;
	(pc) =	sbr.rel @p1 .LBB2_11-.Ltmp9, $1  }
0xf5: {  	_ =	sdelay $0x3  }
0xf6: {  	s1 =	sshll.u32 s26, $0x2  }
0xf7: {  	s1 =	sshra.s32 s1, $0x2  }
0xf8: {  	s1 =	sadd.s32 $0x10000, s1  }
0xf9: {  	v3 =	vld [tilespmem:s1+$0x0];
	_ =	sdelay $0x2  }
0xfa: {  	s6 =	smul.u32 $0xFFFFF100, s14;
	_ =	sdelay $0x1  }
0xfb: {  	v1 =	vmov s6;
	v4 =	vshrl.u32 v3, $0xC  }
0xfc: {  	v2 =	vbroadcast v2, $0x1;
	v5 =	vadd.s32 v1, v4  }
0xfd: {  	v6 =	vadd.s32 s26, v0;
	v5 =	vshll.u32 v5, $0x3  }
0xfe: {  	vm0 =	vlt.s32 v6, v2;
	v4 =	vand.u32 $0x7F, v4;
	v5 =	vand.u32 $0xFFFFFC00, v5  }
0xff: {  	v4 =	vor.u32 v4, v5;
	_ =	sdelay $0x4  }
0x100: {  	v3 =	vand.u32 $0xFFF, v3;
	v5 =	vld.idx.msk [tilespmem:v4+s30+$0x0], vm0  }
0x101: {  	v6 =	vor.u32 $0x80, v4;
	_ =	sdelay $0x3  }
0x102: {  	[tilespmem:v3+s2+$0x0] =	vst.idx.msk vm0, v5  }
0x103: {  	v5 =	vld.idx.msk [tilespmem:v6+s30+$0x0], vm0  }
0x104: {  	v6 =	vor.u32 $0x100, v4;
	_ =	sdelay $0x3  }
0x105: {  	[tilespmem:v3+s0+$0x0] =	vst.idx.msk vm0, v5  }
0x106: {  	v5 =	vld.idx.msk [tilespmem:v6+s30+$0x0], vm0  }
0x107: {  	v6 =	vor.u32 $0x180, v4;
	_ =	sdelay $0x3  }
0x108: {  	[tilespmem:v3+s11+$0x0] =	vst.idx.msk vm0, v5  }
0x109: {  	v5 =	vld.idx.msk [tilespmem:v6+s30+$0x0], vm0  }
0x10a: {  	v6 =	vor.u32 $0x200, v4;
	_ =	sdelay $0x3  }
0x10b: {  	[tilespmem:v3+s12+$0x0] =	vst.idx.msk vm0, v5  }
0x10c: {  	v5 =	vld.idx.msk [tilespmem:v6+s30+$0x0], vm0  }
0x10d: {  	v6 =	vor.u32 $0x280, v4;
	_ =	sdelay $0x3  }
0x10e: {  	[tilespmem:v3+s13+$0x0] =	vst.idx.msk vm0, v5  }
0x10f: {  	v5 =	vld.idx.msk [tilespmem:v6+s30+$0x0], vm0  }
0x110: {  	v6 =	vor.u32 $0x300, v4;
	_ =	sdelay $0x3  }
0x111: {  	[tilespmem:v3+s15+$0x0] =	vst.idx.msk vm0, v5  }
0x112: {  	v5 =	vld.idx.msk [tilespmem:v6+s30+$0x0], vm0  }
0x113: {  	s14 =	sshra.s32 s5, $0x1F;
	v4 =	vor.u32 $0x380, v4  }
0x114: {  	s6 =	sshrl.u32 s14, $0x1C  }
0x115: {  	s29 =	sadd.s32 s6, s5  }
0x116: {  	s5 =	sshra.s32 s29, $0x4  }
0x117: {  	p1 =	sne.s32 s5, $0x1;
	[tilespmem:v3+s16+$0x0] =	vst.idx.msk vm0, v5  }
.Ltmp10:
0x118: {  	v4 =	vld.idx.msk [tilespmem:v4+s30+$0x0], vm0;
	(pc) =	sbr.rel @!p1 .LBB2_10-.Ltmp10, $2  }
0x119: {  	_ =	sdelay $0x2  }
0x11a: {  	s5 =	sadd.s32 $0xFFFFFFFF, s5  }
.LBB2_9:
0x11b: {  	p1 =	sne.s32 s5, $0x1;
	[tilespmem:v3+s17+$0x0] =	vst.idx.msk vm0, v4;
	s1 =	sadd.s32 $0x10, s1;
	s26 =	sadd.s32 $0x10, s26  }
0x11c: {  	s5 =	sadd.s32 $0xFFFFFFFF, s5;
	v3 =	vld [tilespmem:s1+$0x0];
	_ =	sdelay $0x4  }
0x11d: {  	v4 =	vshrl.u32 v3, $0xC  }
0x11e: {  	v5 =	vadd.s32 v1, v4  }
0x11f: {  	v6 =	vadd.s32 s26, v0;
	v5 =	vshll.u32 v5, $0x3  }
0x120: {  	vm0 =	vlt.s32 v6, v2;
	v4 =	vand.u32 $0x7F, v4;
	v5 =	vand.u32 $0xFFFFFC00, v5  }
0x121: {  	v4 =	vor.u32 v4, v5;
	_ =	sdelay $0x4  }
0x122: {  	v5 =	vld.idx.msk [tilespmem:v4+s30+$0x0], vm0  }
0x123: {  	v3 =	vand.u32 $0xFFF, v3  }
0x124: {  	v6 =	vor.u32 $0x80, v4;
	_ =	sdelay $0x3  }
0x125: {  	[tilespmem:v3+s2+$0x0] =	vst.idx.msk vm0, v5  }
0x126: {  	v5 =	vld.idx.msk [tilespmem:v6+s30+$0x0], vm0;
	_ =	sdelay $0x1  }
0x127: {  	v6 =	vor.u32 $0x100, v4;
	_ =	sdelay $0x3  }
0x128: {  	[tilespmem:v3+s0+$0x0] =	vst.idx.msk vm0, v5  }
0x129: {  	v5 =	vld.idx.msk [tilespmem:v6+s30+$0x0], vm0;
	_ =	sdelay $0x1  }
0x12a: {  	v6 =	vor.u32 $0x180, v4;
	_ =	sdelay $0x3  }
0x12b: {  	[tilespmem:v3+s11+$0x0] =	vst.idx.msk vm0, v5  }
0x12c: {  	v5 =	vld.idx.msk [tilespmem:v6+s30+$0x0], vm0;
	_ =	sdelay $0x1  }
0x12d: {  	v6 =	vor.u32 $0x200, v4;
	_ =	sdelay $0x3  }
0x12e: {  	[tilespmem:v3+s12+$0x0] =	vst.idx.msk vm0, v5  }
0x12f: {  	v5 =	vld.idx.msk [tilespmem:v6+s30+$0x0], vm0;
	_ =	sdelay $0x1  }
0x130: {  	v6 =	vor.u32 $0x280, v4;
	_ =	sdelay $0x3  }
0x131: {  	[tilespmem:v3+s13+$0x0] =	vst.idx.msk vm0, v5  }
0x132: {  	v5 =	vld.idx.msk [tilespmem:v6+s30+$0x0], vm0;
	_ =	sdelay $0x1  }
0x133: {  	v6 =	vor.u32 $0x300, v4;
	_ =	sdelay $0x3  }
0x134: {  	[tilespmem:v3+s15+$0x0] =	vst.idx.msk vm0, v5  }
0x135: {  	v5 =	vld.idx.msk [tilespmem:v6+s30+$0x0], vm0;
	_ =	sdelay $0x1  }
0x136: {  	v4 =	vor.u32 $0x380, v4  }
.Ltmp11:
0x137: {  	(pc) =	sbr.rel @p1 .LBB2_9-.Ltmp11, $3  }
0x138: {  	_ =	sdelay $0x1  }
0x139: {  	[tilespmem:v3+s16+$0x0] =	vst.idx.msk vm0, v5  }
0x13a: {  	v4 =	vld.idx.msk [tilespmem:v4+s30+$0x0], vm0  }
.Ltmp12:
0x13b: {  	_ = 	snop;
	(pc) =	sbr.rel .LBB2_10-.Ltmp12, $1  }
0x13c: {  	_ =	sdelay $0x3  }
.LBB2_12:
0x13d: {  	s1 =	sadd.s32 $0x17700, s19  }
0x13e: {  	[tilespmem:s30], [sflag:$0x2] =	stream.linear.gather [hbm4b:s1+s4], $0x7C00, $0x38;
	[tilespmem:$0x19100] =	vst v63  }
0x13f: {  	_ =	swait.ge [sflag:s31], $0x7800  }
0x140: {  	[sflag:s31] =	ssyncset.done $0x0  }
0x141: {  	[sflag:s31] =	ssyncadd.s32 $0xFFFF8800  }
0x142: {  	v1 =	vld [tilespmem:$0x11098];
	_ =	sdelay $0x4  }
0x143: {  	(v2sf) =	vpush v1, $0x0  }
0x144: {  	(v2sf) =	vpush v1, $0x1;
	_ =	sdelay $0xd  }
0x145: {  	s10 =	spop (v2sf)  }
0x146: {  	s29 =	spop (v2sf)  }
0x147: {  	s1 =	ssub.s32 s29, s10  }
0x148: {  	s5 =	sadd.s32 $0xF, s1  }
0x149: {  	p1 =	slt.s32 s5, $0x10  }
.Ltmp13:
0x14a: {  	_ = 	snop;
	(pc) =	sbr.rel @p1 .LBB2_16-.Ltmp13, $1  }
0x14b: {  	_ =	sdelay $0x3  }
0x14c: {  	s1 =	sshll.u32 s10, $0x2  }
0x14d: {  	s1 =	sshra.s32 s1, $0x2  }
0x14e: {  	s1 =	sadd.s32 $0x10000, s1  }
0x14f: {  	v2 =	vld [tilespmem:s1+$0x0];
	_ =	sdelay $0x4  }
0x150: {  	v1 =	vbroadcast v1, $0x1;
	v3 =	vshrl.u32 v2, $0xC;
	v4 =	vshrl.u32 v2, $0x9  }
0x151: {  	v5 =	vadd.s32 s10, v0;
	v3 =	vand.u32 $0x7F, v3;
	v4 =	vand.u32 $0x7FFC00, v4  }
0x152: {  	vm0 =	vlt.s32 v5, v1;
	v3 =	vor.u32 v3, v4  }
0x153: {  	v4 =	vadd.s32 $0xFFF4C000, v3;
	_ =	sdelay $0x4  }
0x154: {  	v2 =	vand.u32 $0xFFF, v2;
	v4 =	vld.idx.msk [tilespmem:v4+s4+$0x0], vm0  }
0x155: {  	v5 =	vadd.s32 $0xFFF4C080, v3;
	_ =	sdelay $0x3  }
0x156: {  	[tilespmem:v2+s2+$0x0] =	vst.idx.msk vm0, v4  }
0x157: {  	v4 =	vld.idx.msk [tilespmem:v5+s4+$0x0], vm0  }
0x158: {  	v5 =	vadd.s32 $0xFFF4C100, v3;
	_ =	sdelay $0x3  }
0x159: {  	[tilespmem:v2+s0+$0x0] =	vst.idx.msk vm0, v4  }
0x15a: {  	v4 =	vld.idx.msk [tilespmem:v5+s4+$0x0], vm0  }
0x15b: {  	v5 =	vadd.s32 $0xFFF4C180, v3;
	_ =	sdelay $0x3  }
0x15c: {  	[tilespmem:v2+s11+$0x0] =	vst.idx.msk vm0, v4  }
0x15d: {  	v4 =	vld.idx.msk [tilespmem:v5+s4+$0x0], vm0  }
0x15e: {  	v5 =	vadd.s32 $0xFFF4C200, v3;
	_ =	sdelay $0x3  }
0x15f: {  	[tilespmem:v2+s12+$0x0] =	vst.idx.msk vm0, v4  }
0x160: {  	v4 =	vld.idx.msk [tilespmem:v5+s4+$0x0], vm0  }
0x161: {  	v5 =	vadd.s32 $0xFFF4C280, v3;
	_ =	sdelay $0x3  }
0x162: {  	[tilespmem:v2+s13+$0x0] =	vst.idx.msk vm0, v4  }
0x163: {  	v4 =	vld.idx.msk [tilespmem:v5+s4+$0x0], vm0  }
0x164: {  	v5 =	vadd.s32 $0xFFF4C300, v3;
	_ =	sdelay $0x1  }
0x165: {  	s6 =	sshra.s32 s5, $0x1F  }
0x166: {  	s6 =	sshrl.u32 s6, $0x1C  }
0x167: {  	s29 =	sadd.s32 s6, s5;
	[tilespmem:v2+s15+$0x0] =	vst.idx.msk vm0, v4  }
0x168: {  	s5 =	sshra.s32 s29, $0x4;
	v4 =	vld.idx.msk [tilespmem:v5+s4+$0x0], vm0  }
0x169: {  	p1 =	sne.s32 s5, $0x1;
	v3 =	vadd.s32 $0xFFF4C380, v3  }
.Ltmp14:
0x16a: {  	_ = 	snop;
	(pc) =	sbr.rel @!p1 .LBB2_15-.Ltmp14, $3  }
0x16b: {  	_ =	sdelay $0x1  }
0x16c: {  	[tilespmem:v2+s16+$0x0] =	vst.idx.msk vm0, v4  }
0x16d: {  	s5 =	sadd.s32 $0xFFFFFFFF, s5;
	v3 =	vld.idx.msk [tilespmem:v3+s4+$0x0], vm0  }
.LBB2_14:
0x16e: {  	_ =	sdelay $0x3  }
0x16f: {  	p1 =	sne.s32 s5, $0x1;
	s1 =	sadd.s32 $0x10, s1;
	s10 =	sadd.s32 $0x10, s10;
	[tilespmem:v2+s17+$0x0] =	vst.idx.msk vm0, v3  }
0x170: {  	s5 =	sadd.s32 $0xFFFFFFFF, s5;
	v2 =	vld [tilespmem:s1+$0x0];
	_ =	sdelay $0x4  }
0x171: {  	v3 =	vshrl.u32 v2, $0xC;
	v4 =	vshrl.u32 v2, $0x9  }
0x172: {  	v5 =	vadd.s32 s10, v0;
	v3 =	vand.u32 $0x7F, v3;
	v4 =	vand.u32 $0x7FFC00, v4  }
0x173: {  	vm0 =	vlt.s32 v5, v1;
	v3 =	vor.u32 v3, v4  }
0x174: {  	v4 =	vadd.s32 $0xFFF4C000, v3;
	_ =	sdelay $0x4  }
0x175: {  	v4 =	vld.idx.msk [tilespmem:v4+s4+$0x0], vm0  }
0x176: {  	v2 =	vand.u32 $0xFFF, v2  }
0x177: {  	v5 =	vadd.s32 $0xFFF4C080, v3;
	_ =	sdelay $0x3  }
0x178: {  	[tilespmem:v2+s2+$0x0] =	vst.idx.msk vm0, v4  }
0x179: {  	v4 =	vld.idx.msk [tilespmem:v5+s4+$0x0], vm0;
	_ =	sdelay $0x1  }
0x17a: {  	v5 =	vadd.s32 $0xFFF4C100, v3;
	_ =	sdelay $0x3  }
0x17b: {  	[tilespmem:v2+s0+$0x0] =	vst.idx.msk vm0, v4  }
0x17c: {  	v4 =	vld.idx.msk [tilespmem:v5+s4+$0x0], vm0;
	_ =	sdelay $0x1  }
0x17d: {  	v5 =	vadd.s32 $0xFFF4C180, v3;
	_ =	sdelay $0x3  }
0x17e: {  	[tilespmem:v2+s11+$0x0] =	vst.idx.msk vm0, v4  }
0x17f: {  	v4 =	vld.idx.msk [tilespmem:v5+s4+$0x0], vm0;
	_ =	sdelay $0x1  }
0x180: {  	v5 =	vadd.s32 $0xFFF4C200, v3;
	_ =	sdelay $0x3  }
0x181: {  	[tilespmem:v2+s12+$0x0] =	vst.idx.msk vm0, v4  }
0x182: {  	v4 =	vld.idx.msk [tilespmem:v5+s4+$0x0], vm0;
	_ =	sdelay $0x1  }
0x183: {  	v5 =	vadd.s32 $0xFFF4C280, v3;
	_ =	sdelay $0x3  }
0x184: {  	[tilespmem:v2+s13+$0x0] =	vst.idx.msk vm0, v4  }
0x185: {  	v4 =	vld.idx.msk [tilespmem:v5+s4+$0x0], vm0;
	_ =	sdelay $0x1  }
0x186: {  	v5 =	vadd.s32 $0xFFF4C300, v3;
	_ =	sdelay $0x3  }
0x187: {  	[tilespmem:v2+s15+$0x0] =	vst.idx.msk vm0, v4  }
0x188: {  	v4 =	vld.idx.msk [tilespmem:v5+s4+$0x0], vm0;
	_ =	sdelay $0x1  }
0x189: {  	v3 =	vadd.s32 $0xFFF4C380, v3  }
.Ltmp15:
0x18a: {  	(pc) =	sbr.rel @p1 .LBB2_14-.Ltmp15, $3  }
0x18b: {  	_ =	sdelay $0x1  }
0x18c: {  	[tilespmem:v2+s16+$0x0] =	vst.idx.msk vm0, v4  }
0x18d: {  	v3 =	vld.idx.msk [tilespmem:v3+s4+$0x0], vm0  }
.LBB2_15:
0x18e: {  	_ =	sdelay $0x4  }
0x18f: {  	[tilespmem:v2+s17+$0x0] =	vst.idx.msk vm0, v3  }
.LBB2_16:
0x190: {  	s1 =	sshll.u32 s21, $0x7  }
0x191: {  	s1 =	sadd.s32 s7, s1  }
0x192: {  	s1 =	sadd.s32 s23, s1  }
0x193: {  	[tilespmem:s4], [sflag:$0x1] =	stream.linear.gather [hbm4b:s1+s4], $0x400, $0x38;
	[tilespmem:$0x19100] =	vst v63  }
0x194: {  	_ =	swait.ge [sflag:s18], $0x7C00  }
0x195: {  	[sflag:s18] =	ssyncset.done $0x0  }
0x196: {  	[sflag:s18] =	ssyncadd.s32 $0xFFFF8400  }
0x197: {  	v1 =	vld [tilespmem:$0x11099];
	_ =	sdelay $0x4  }
0x198: {  	(v2sf) =	vpush v1, $0x0  }
0x199: {  	(v2sf) =	vpush v1, $0x1;
	_ =	sdelay $0xd  }
0x19a: {  	s10 =	spop (v2sf)  }
0x19b: {  	s29 =	spop (v2sf)  }
0x19c: {  	s1 =	ssub.s32 s29, s10  }
0x19d: {  	s5 =	sadd.s32 $0xF, s1  }
0x19e: {  	p1 =	slt.s32 s5, $0x10  }
.Ltmp16:
0x19f: {  	_ = 	snop;
	(pc) =	sbr.rel @p1 .LBB2_20-.Ltmp16, $1  }
0x1a0: {  	_ =	sdelay $0x3  }
0x1a1: {  	s1 =	sshll.u32 s10, $0x2  }
0x1a2: {  	s1 =	sshra.s32 s1, $0x2  }
0x1a3: {  	s1 =	sadd.s32 $0x10000, s1  }
0x1a4: {  	v2 =	vld [tilespmem:s1+$0x0];
	_ =	sdelay $0x4  }
0x1a5: {  	v1 =	vbroadcast v1, $0x1;
	v3 =	vshrl.u32 v2, $0xC;
	v4 =	vshrl.u32 v2, $0x9  }
0x1a6: {  	v5 =	vadd.s32 s10, v0;
	v3 =	vand.u32 $0x7F, v3;
	v4 =	vand.u32 $0x7FFC00, v4  }
0x1a7: {  	vm0 =	vlt.s32 v5, v1;
	v3 =	vor.u32 v3, v4  }
0x1a8: {  	v4 =	vadd.s32 $0xFFF44800, v3;
	_ =	sdelay $0x4  }
0x1a9: {  	v2 =	vand.u32 $0xFFF, v2;
	v4 =	vld.idx.msk [tilespmem:v4+s30+$0x0], vm0  }
0x1aa: {  	v5 =	vadd.s32 $0xFFF44880, v3;
	_ =	sdelay $0x3  }
0x1ab: {  	[tilespmem:v2+s2+$0x0] =	vst.idx.msk vm0, v4  }
0x1ac: {  	v4 =	vld.idx.msk [tilespmem:v5+s30+$0x0], vm0  }
0x1ad: {  	v5 =	vadd.s32 $0xFFF44900, v3;
	_ =	sdelay $0x3  }
0x1ae: {  	[tilespmem:v2+s0+$0x0] =	vst.idx.msk vm0, v4  }
0x1af: {  	v4 =	vld.idx.msk [tilespmem:v5+s30+$0x0], vm0  }
0x1b0: {  	v5 =	vadd.s32 $0xFFF44980, v3;
	_ =	sdelay $0x3  }
0x1b1: {  	[tilespmem:v2+s11+$0x0] =	vst.idx.msk vm0, v4  }
0x1b2: {  	v4 =	vld.idx.msk [tilespmem:v5+s30+$0x0], vm0  }
0x1b3: {  	v5 =	vadd.s32 $0xFFF44A00, v3;
	_ =	sdelay $0x3  }
0x1b4: {  	[tilespmem:v2+s12+$0x0] =	vst.idx.msk vm0, v4  }
0x1b5: {  	v4 =	vld.idx.msk [tilespmem:v5+s30+$0x0], vm0  }
0x1b6: {  	v5 =	vadd.s32 $0xFFF44A80, v3;
	_ =	sdelay $0x3  }
0x1b7: {  	[tilespmem:v2+s13+$0x0] =	vst.idx.msk vm0, v4  }
0x1b8: {  	v4 =	vld.idx.msk [tilespmem:v5+s30+$0x0], vm0  }
0x1b9: {  	v5 =	vadd.s32 $0xFFF44B00, v3;
	_ =	sdelay $0x1  }
0x1ba: {  	s6 =	sshra.s32 s5, $0x1F  }
0x1bb: {  	s6 =	sshrl.u32 s6, $0x1C  }
0x1bc: {  	s29 =	sadd.s32 s6, s5;
	[tilespmem:v2+s15+$0x0] =	vst.idx.msk vm0, v4  }
0x1bd: {  	s5 =	sshra.s32 s29, $0x4;
	v4 =	vld.idx.msk [tilespmem:v5+s30+$0x0], vm0  }
0x1be: {  	p1 =	sne.s32 s5, $0x1;
	v3 =	vadd.s32 $0xFFF44B80, v3  }
.Ltmp17:
0x1bf: {  	_ = 	snop;
	(pc) =	sbr.rel @!p1 .LBB2_19-.Ltmp17, $3  }
0x1c0: {  	_ =	sdelay $0x1  }
0x1c1: {  	[tilespmem:v2+s16+$0x0] =	vst.idx.msk vm0, v4  }
0x1c2: {  	s5 =	sadd.s32 $0xFFFFFFFF, s5;
	v3 =	vld.idx.msk [tilespmem:v3+s30+$0x0], vm0  }
.LBB2_18:
0x1c3: {  	_ =	sdelay $0x3  }
0x1c4: {  	p1 =	sne.s32 s5, $0x1;
	s1 =	sadd.s32 $0x10, s1;
	s10 =	sadd.s32 $0x10, s10;
	[tilespmem:v2+s17+$0x0] =	vst.idx.msk vm0, v3  }
0x1c5: {  	s5 =	sadd.s32 $0xFFFFFFFF, s5;
	v2 =	vld [tilespmem:s1+$0x0];
	_ =	sdelay $0x4  }
0x1c6: {  	v3 =	vshrl.u32 v2, $0xC;
	v4 =	vshrl.u32 v2, $0x9  }
0x1c7: {  	v5 =	vadd.s32 s10, v0;
	v3 =	vand.u32 $0x7F, v3;
	v4 =	vand.u32 $0x7FFC00, v4  }
0x1c8: {  	vm0 =	vlt.s32 v5, v1;
	v3 =	vor.u32 v3, v4  }
0x1c9: {  	v4 =	vadd.s32 $0xFFF44800, v3;
	_ =	sdelay $0x4  }
0x1ca: {  	v4 =	vld.idx.msk [tilespmem:v4+s30+$0x0], vm0  }
0x1cb: {  	v2 =	vand.u32 $0xFFF, v2  }
0x1cc: {  	v5 =	vadd.s32 $0xFFF44880, v3;
	_ =	sdelay $0x3  }
0x1cd: {  	[tilespmem:v2+s2+$0x0] =	vst.idx.msk vm0, v4  }
0x1ce: {  	v4 =	vld.idx.msk [tilespmem:v5+s30+$0x0], vm0;
	_ =	sdelay $0x1  }
0x1cf: {  	v5 =	vadd.s32 $0xFFF44900, v3;
	_ =	sdelay $0x3  }
0x1d0: {  	[tilespmem:v2+s0+$0x0] =	vst.idx.msk vm0, v4  }
0x1d1: {  	v4 =	vld.idx.msk [tilespmem:v5+s30+$0x0], vm0;
	_ =	sdelay $0x1  }
0x1d2: {  	v5 =	vadd.s32 $0xFFF44980, v3;
	_ =	sdelay $0x3  }
0x1d3: {  	[tilespmem:v2+s11+$0x0] =	vst.idx.msk vm0, v4  }
0x1d4: {  	v4 =	vld.idx.msk [tilespmem:v5+s30+$0x0], vm0;
	_ =	sdelay $0x1  }
0x1d5: {  	v5 =	vadd.s32 $0xFFF44A00, v3;
	_ =	sdelay $0x3  }
0x1d6: {  	[tilespmem:v2+s12+$0x0] =	vst.idx.msk vm0, v4  }
0x1d7: {  	v4 =	vld.idx.msk [tilespmem:v5+s30+$0x0], vm0;
	_ =	sdelay $0x1  }
0x1d8: {  	v5 =	vadd.s32 $0xFFF44A80, v3;
	_ =	sdelay $0x3  }
0x1d9: {  	[tilespmem:v2+s13+$0x0] =	vst.idx.msk vm0, v4  }
0x1da: {  	v4 =	vld.idx.msk [tilespmem:v5+s30+$0x0], vm0;
	_ =	sdelay $0x1  }
0x1db: {  	v5 =	vadd.s32 $0xFFF44B00, v3;
	_ =	sdelay $0x3  }
0x1dc: {  	[tilespmem:v2+s15+$0x0] =	vst.idx.msk vm0, v4  }
0x1dd: {  	v4 =	vld.idx.msk [tilespmem:v5+s30+$0x0], vm0;
	_ =	sdelay $0x1  }
0x1de: {  	v3 =	vadd.s32 $0xFFF44B80, v3  }
.Ltmp18:
0x1df: {  	(pc) =	sbr.rel @p1 .LBB2_18-.Ltmp18, $3  }
0x1e0: {  	_ =	sdelay $0x1  }
0x1e1: {  	[tilespmem:v2+s16+$0x0] =	vst.idx.msk vm0, v4  }
0x1e2: {  	v3 =	vld.idx.msk [tilespmem:v3+s30+$0x0], vm0  }
.LBB2_19:
0x1e3: {  	_ =	sdelay $0x4  }
0x1e4: {  	[tilespmem:v2+s17+$0x0] =	vst.idx.msk vm0, v3  }
.LBB2_20:
0x1e5: {  	_ =	swait.ge [sflag:s31], $0x400  }
0x1e6: {  	[sflag:s31] =	ssyncset.done $0x0  }
0x1e7: {  	[sflag:s31] =	ssyncadd.s32 $0xFFFFFC00  }
0x1e8: {  	v1 =	vld [tilespmem:$0x1109A];
	_ =	sdelay $0x4  }
0x1e9: {  	(v2sf) =	vpush v1, $0x0  }
0x1ea: {  	(v2sf) =	vpush v1, $0x1;
	_ =	sdelay $0xd  }
0x1eb: {  	s10 =	spop (v2sf)  }
0x1ec: {  	s1 =	spop (v2sf)  }
0x1ed: {  	s1 =	ssub.s32 s1, s10  }
0x1ee: {  	s5 =	sadd.s32 $0xF, s1  }
0x1ef: {  	p1 =	slt.s32 s5, $0x10  }
.Ltmp19:
0x1f0: {  	_ = 	snop;
	(pc) =	sbr.rel @p1 .LBB2_24-.Ltmp19, $1  }
0x1f1: {  	_ =	sdelay $0x3  }
0x1f2: {  	s1 =	sshll.u32 s10, $0x2  }
0x1f3: {  	s1 =	sshra.s32 s1, $0x2  }
0x1f4: {  	s1 =	sadd.s32 $0x10000, s1  }
0x1f5: {  	v2 =	vld [tilespmem:s1+$0x0];
	_ =	sdelay $0x4  }
0x1f6: {  	v1 =	vbroadcast v1, $0x1;
	v3 =	vshrl.u32 v2, $0xC;
	v4 =	vshrl.u32 v2, $0x9  }
0x1f7: {  	v5 =	vadd.s32 s10, v0;
	v3 =	vand.u32 $0x7F, v3;
	v4 =	vand.u32 $0x7FFC00, v4  }
0x1f8: {  	vm0 =	vlt.s32 v5, v1;
	v3 =	vor.u32 v3, v4  }
0x1f9: {  	v4 =	vadd.s32 $0xFFF3CC00, v3;
	_ =	sdelay $0x4  }
0x1fa: {  	v2 =	vand.u32 $0xFFF, v2;
	v4 =	vld.idx.msk [tilespmem:v4+s4+$0x0], vm0  }
0x1fb: {  	v5 =	vadd.s32 $0xFFF3CC80, v3;
	_ =	sdelay $0x3  }
0x1fc: {  	[tilespmem:v2+s2+$0x0] =	vst.idx.msk vm0, v4  }
0x1fd: {  	v4 =	vld.idx.msk [tilespmem:v5+s4+$0x0], vm0  }
0x1fe: {  	v5 =	vadd.s32 $0xFFF3CD00, v3;
	_ =	sdelay $0x3  }
0x1ff: {  	[tilespmem:v2+s0+$0x0] =	vst.idx.msk vm0, v4  }
0x200: {  	v4 =	vld.idx.msk [tilespmem:v5+s4+$0x0], vm0  }
0x201: {  	v5 =	vadd.s32 $0xFFF3CD80, v3;
	_ =	sdelay $0x3  }
0x202: {  	[tilespmem:v2+s11+$0x0] =	vst.idx.msk vm0, v4  }
0x203: {  	v4 =	vld.idx.msk [tilespmem:v5+s4+$0x0], vm0  }
0x204: {  	v5 =	vadd.s32 $0xFFF3CE00, v3;
	_ =	sdelay $0x3  }
0x205: {  	[tilespmem:v2+s12+$0x0] =	vst.idx.msk vm0, v4  }
0x206: {  	v4 =	vld.idx.msk [tilespmem:v5+s4+$0x0], vm0  }
0x207: {  	v5 =	vadd.s32 $0xFFF3CE80, v3;
	_ =	sdelay $0x3  }
0x208: {  	[tilespmem:v2+s13+$0x0] =	vst.idx.msk vm0, v4  }
0x209: {  	v4 =	vld.idx.msk [tilespmem:v5+s4+$0x0], vm0  }
0x20a: {  	v5 =	vadd.s32 $0xFFF3CF00, v3;
	_ =	sdelay $0x3  }
0x20b: {  	[tilespmem:v2+s15+$0x0] =	vst.idx.msk vm0, v4  }
0x20c: {  	v4 =	vld.idx.msk [tilespmem:v5+s4+$0x0], vm0  }
0x20d: {  	s6 =	sshra.s32 s5, $0x1F;
	v3 =	vadd.s32 $0xFFF3CF80, v3  }
0x20e: {  	s6 =	sshrl.u32 s6, $0x1C  }
0x20f: {  	s29 =	sadd.s32 s6, s5  }
0x210: {  	s5 =	sshra.s32 s29, $0x4  }
0x211: {  	p1 =	sne.s32 s5, $0x1;
	[tilespmem:v2+s16+$0x0] =	vst.idx.msk vm0, v4  }
.Ltmp20:
0x212: {  	v3 =	vld.idx.msk [tilespmem:v3+s4+$0x0], vm0;
	(pc) =	sbr.rel @!p1 .LBB2_23-.Ltmp20, $2  }
0x213: {  	_ =	sdelay $0x2  }
0x214: {  	s5 =	sadd.s32 $0xFFFFFFFF, s5  }
.LBB2_22:
0x215: {  	p1 =	sne.s32 s5, $0x1;
	[tilespmem:v2+s17+$0x0] =	vst.idx.msk vm0, v3;
	s1 =	sadd.s32 $0x10, s1;
	s10 =	sadd.s32 $0x10, s10  }
0x216: {  	s5 =	sadd.s32 $0xFFFFFFFF, s5;
	v2 =	vld [tilespmem:s1+$0x0];
	_ =	sdelay $0x4  }
0x217: {  	v3 =	vshrl.u32 v2, $0xC;
	v4 =	vshrl.u32 v2, $0x9  }
0x218: {  	v5 =	vadd.s32 s10, v0;
	v3 =	vand.u32 $0x7F, v3;
	v4 =	vand.u32 $0x7FFC00, v4  }
0x219: {  	vm0 =	vlt.s32 v5, v1;
	v3 =	vor.u32 v3, v4  }
0x21a: {  	v4 =	vadd.s32 $0xFFF3CC00, v3;
	_ =	sdelay $0x4  }
0x21b: {  	v4 =	vld.idx.msk [tilespmem:v4+s4+$0x0], vm0  }
0x21c: {  	v2 =	vand.u32 $0xFFF, v2  }
0x21d: {  	v5 =	vadd.s32 $0xFFF3CC80, v3;
	_ =	sdelay $0x3  }
0x21e: {  	[tilespmem:v2+s2+$0x0] =	vst.idx.msk vm0, v4  }
0x21f: {  	v4 =	vld.idx.msk [tilespmem:v5+s4+$0x0], vm0;
	_ =	sdelay $0x1  }
0x220: {  	v5 =	vadd.s32 $0xFFF3CD00, v3;
	_ =	sdelay $0x3  }
0x221: {  	[tilespmem:v2+s0+$0x0] =	vst.idx.msk vm0, v4  }
0x222: {  	v4 =	vld.idx.msk [tilespmem:v5+s4+$0x0], vm0;
	_ =	sdelay $0x1  }
0x223: {  	v5 =	vadd.s32 $0xFFF3CD80, v3;
	_ =	sdelay $0x3  }
0x224: {  	[tilespmem:v2+s11+$0x0] =	vst.idx.msk vm0, v4  }
0x225: {  	v4 =	vld.idx.msk [tilespmem:v5+s4+$0x0], vm0;
	_ =	sdelay $0x1  }
0x226: {  	v5 =	vadd.s32 $0xFFF3CE00, v3;
	_ =	sdelay $0x3  }
0x227: {  	[tilespmem:v2+s12+$0x0] =	vst.idx.msk vm0, v4  }
0x228: {  	v4 =	vld.idx.msk [tilespmem:v5+s4+$0x0], vm0;
	_ =	sdelay $0x1  }
0x229: {  	v5 =	vadd.s32 $0xFFF3CE80, v3;
	_ =	sdelay $0x3  }
0x22a: {  	[tilespmem:v2+s13+$0x0] =	vst.idx.msk vm0, v4  }
0x22b: {  	v4 =	vld.idx.msk [tilespmem:v5+s4+$0x0], vm0;
	_ =	sdelay $0x1  }
0x22c: {  	v5 =	vadd.s32 $0xFFF3CF00, v3;
	_ =	sdelay $0x3  }
0x22d: {  	[tilespmem:v2+s15+$0x0] =	vst.idx.msk vm0, v4  }
0x22e: {  	v4 =	vld.idx.msk [tilespmem:v5+s4+$0x0], vm0;
	_ =	sdelay $0x1  }
0x22f: {  	v3 =	vadd.s32 $0xFFF3CF80, v3  }
.Ltmp21:
0x230: {  	(pc) =	sbr.rel @p1 .LBB2_22-.Ltmp21, $3  }
0x231: {  	_ =	sdelay $0x1  }
0x232: {  	[tilespmem:v2+s16+$0x0] =	vst.idx.msk vm0, v4  }
0x233: {  	v3 =	vld.idx.msk [tilespmem:v3+s4+$0x0], vm0  }
.Ltmp22:
0x234: {  	_ = 	snop;
	(pc) =	sbr.rel .LBB2_23-.Ltmp22, $1  }
0x235: {  	_ =	sdelay $0x3  }
.LBB2_25:
.Ltmp23:
0x236: {  	(pc) =	sbr.rel @p0 .LBB2_49-.Ltmp23, $4  }
0x237: {  	_ = 	snop  }
0x238: {  	s21 =	rddreg [dreg:$0x6]  }
0x239: {  	s22 =	rddreg [dreg:$0xa]  }
0x23a: {  	s5 =	rddreg [dreg:$0x16]  }
0x23b: {  	s20 =	simm.s32 $0x0;
	s1 =	rddreg [dreg:$0x7];
	s5 =	simm.s32 $0x10000  }
0x23c: {  	[tilespmem:s5], [sflag:$0x3] =	stream.linear.gather [hbm4b:s1+s20], $0x1000, $0x38;
	[tilespmem:$0x19100] =	vst v63  }
0x23d: {  	_ =	swait.ge [sflag:s28], $0x1000  }
0x23e: {  	[sflag:s28] =	ssyncset.done $0x0  }
0x23f: {  	s26 =	simm.s32 $0x11080;
	s25 =	rddreg [dreg:$0x8];
	[sflag:s28] =	ssyncadd.s32 $0xFFFFF000  }
0x240: {  	[tilespmem:s26], [sflag:$0x3] =	stream.linear.gather [hbm4b:s25+s20], $0x30, $0x38;
	[tilespmem:$0x19100] =	vst v63  }
.Ltmp24:
0x241: {  	_ = 	snop;
	(pc) =	sbr.rel .LBB2_27-.Ltmp24, $4  }
0x242: {  	_ =	swait.ge [sflag:s28], $0x30  }
0x243: {  	[sflag:s28] =	ssyncset.done $0x0  }
0x244: {  	s29 =	rddreg [dreg:$0x9];
	[sflag:s28] =	ssyncadd.s32 $0xFFFFFFD0  }
0x245: {  	[tilespmem:s20], [sflag:$0x1] =	stream.linear.gather [hbm4b:s29+s20], $0x7800, $0x38;
	[tilespmem:$0x19100] =	vst v63  }
.LBB2_34:
0x246: {  	_ =	sdelay $0x4  }
0x247: {  	[tilespmem:v3+s17+$0x0] =	vst.idx.msk vm0, v4  }
.LBB2_35:
0x248: {  	s20 =	sadd.s32 $0x1, s20  }
0x249: {  	p1 =	sne.s32 s20, $0xC  }
.Ltmp25:
0x24a: {  	_ = 	snop;
	(pc) =	sbr.rel @!p1 .LBB2_36-.Ltmp25, $1  }
0x24b: {  	_ =	sdelay $0x3  }
.LBB2_27:
0x24c: {  	s10 =	sshllo.u32 s20, $0x1  }
0x24d: {  	s1 =	smul.u32 $0x7800, s10;
	_ =	sdelay $0x1  }
0x24e: {  	s1 =	sadd.s32 s21, s1  }
0x24f: {  	s1 =	sshrl.u32 s1, $0x3  }
0x250: {  	s1 =	sadd.s32 s3, s1  }
0x251: {  	[tilespmem:s30], [sflag:$0x2] =	stream.linear.gather [hbm4b:s1+s4], $0x7800, $0x38;
	[tilespmem:$0x19100] =	vst v63  }
0x252: {  	_ =	swait.ge [sflag:s31], $0x7800  }
0x253: {  	[sflag:s31] =	ssyncset.done $0x0  }
0x254: {  	s14 =	sshll.u32 s20, $0x1;
	[sflag:s31] =	ssyncadd.s32 $0xFFFF8800  }
0x255: {  	v2 =	vld [tilespmem:s14+$0x11080];
	_ =	sdelay $0x4  }
0x256: {  	(v2sf) =	vpush v2, $0x0  }
0x257: {  	(v2sf) =	vpush v2, $0x1;
	_ =	sdelay $0xd  }
0x258: {  	s19 =	spop (v2sf)  }
0x259: {  	s29 =	spop (v2sf)  }
0x25a: {  	s1 =	ssub.s32 s29, s19  }
0x25b: {  	s5 =	sadd.s32 $0xF, s1  }
0x25c: {  	p1 =	slt.s32 s5, $0x10  }
.Ltmp26:
0x25d: {  	_ = 	snop;
	(pc) =	sbr.rel @p1 .LBB2_31-.Ltmp26, $1  }
0x25e: {  	_ =	sdelay $0x3  }
0x25f: {  	s1 =	sshll.u32 s19, $0x2  }
0x260: {  	s1 =	sshra.s32 s1, $0x2  }
0x261: {  	s1 =	sadd.s32 $0x10000, s1  }
0x262: {  	v3 =	vld [tilespmem:s1+$0x0];
	_ =	sdelay $0x2  }
0x263: {  	s6 =	smul.u32 $0xFFFFE200, s20;
	_ =	sdelay $0x1  }
0x264: {  	v1 =	vmov s6;
	v4 =	vshrl.u32 v3, $0xC  }
0x265: {  	v2 =	vbroadcast v2, $0x1;
	v5 =	vadd.s32 v1, v4  }
0x266: {  	v6 =	vadd.s32 s19, v0;
	v5 =	vshll.u32 v5, $0x3  }
0x267: {  	vm0 =	vlt.s32 v6, v2;
	v4 =	vand.u32 $0x7F, v4;
	v5 =	vand.u32 $0xFFFFFC00, v5  }
0x268: {  	v4 =	vor.u32 v4, v5;
	_ =	sdelay $0x4  }
0x269: {  	v3 =	vand.u32 $0xFFF, v3;
	v5 =	vld.idx.msk [tilespmem:v4+s4+$0x0], vm0  }
0x26a: {  	v6 =	vor.u32 $0x80, v4;
	_ =	sdelay $0x3  }
0x26b: {  	[tilespmem:v3+s2+$0x0] =	vst.idx.msk vm0, v5  }
0x26c: {  	v5 =	vld.idx.msk [tilespmem:v6+s4+$0x0], vm0  }
0x26d: {  	v6 =	vor.u32 $0x100, v4;
	_ =	sdelay $0x3  }
0x26e: {  	[tilespmem:v3+s0+$0x0] =	vst.idx.msk vm0, v5  }
0x26f: {  	v5 =	vld.idx.msk [tilespmem:v6+s4+$0x0], vm0  }
0x270: {  	v6 =	vor.u32 $0x180, v4;
	_ =	sdelay $0x3  }
0x271: {  	[tilespmem:v3+s11+$0x0] =	vst.idx.msk vm0, v5  }
0x272: {  	v5 =	vld.idx.msk [tilespmem:v6+s4+$0x0], vm0  }
0x273: {  	v6 =	vor.u32 $0x200, v4;
	_ =	sdelay $0x3  }
0x274: {  	[tilespmem:v3+s12+$0x0] =	vst.idx.msk vm0, v5  }
0x275: {  	v5 =	vld.idx.msk [tilespmem:v6+s4+$0x0], vm0  }
0x276: {  	v6 =	vor.u32 $0x280, v4;
	_ =	sdelay $0x3  }
0x277: {  	[tilespmem:v3+s13+$0x0] =	vst.idx.msk vm0, v5  }
0x278: {  	v5 =	vld.idx.msk [tilespmem:v6+s4+$0x0], vm0  }
0x279: {  	v6 =	vor.u32 $0x300, v4;
	_ =	sdelay $0x1  }
0x27a: {  	s26 =	sshra.s32 s5, $0x1F  }
0x27b: {  	s6 =	sshrl.u32 s26, $0x1C  }
0x27c: {  	s29 =	sadd.s32 s6, s5;
	[tilespmem:v3+s15+$0x0] =	vst.idx.msk vm0, v5  }
0x27d: {  	s5 =	sshra.s32 s29, $0x4;
	v5 =	vld.idx.msk [tilespmem:v6+s4+$0x0], vm0  }
0x27e: {  	p1 =	sne.s32 s5, $0x1;
	v4 =	vor.u32 $0x380, v4  }
.Ltmp27:
0x27f: {  	_ = 	snop;
	(pc) =	sbr.rel @!p1 .LBB2_30-.Ltmp27, $3  }
0x280: {  	_ =	sdelay $0x1  }
0x281: {  	[tilespmem:v3+s16+$0x0] =	vst.idx.msk vm0, v5  }
0x282: {  	s5 =	sadd.s32 $0xFFFFFFFF, s5;
	v4 =	vld.idx.msk [tilespmem:v4+s4+$0x0], vm0  }
.LBB2_29:
0x283: {  	_ =	sdelay $0x3  }
0x284: {  	p1 =	sne.s32 s5, $0x1;
	s1 =	sadd.s32 $0x10, s1;
	s19 =	sadd.s32 $0x10, s19;
	[tilespmem:v3+s17+$0x0] =	vst.idx.msk vm0, v4  }
0x285: {  	s5 =	sadd.s32 $0xFFFFFFFF, s5;
	v3 =	vld [tilespmem:s1+$0x0];
	_ =	sdelay $0x4  }
0x286: {  	v4 =	vshrl.u32 v3, $0xC  }
0x287: {  	v5 =	vadd.s32 v1, v4  }
0x288: {  	v6 =	vadd.s32 s19, v0;
	v5 =	vshll.u32 v5, $0x3  }
0x289: {  	vm0 =	vlt.s32 v6, v2;
	v4 =	vand.u32 $0x7F, v4;
	v5 =	vand.u32 $0xFFFFFC00, v5  }
0x28a: {  	v4 =	vor.u32 v4, v5;
	_ =	sdelay $0x4  }
0x28b: {  	v5 =	vld.idx.msk [tilespmem:v4+s4+$0x0], vm0  }
0x28c: {  	v3 =	vand.u32 $0xFFF, v3  }
0x28d: {  	v6 =	vor.u32 $0x80, v4;
	_ =	sdelay $0x3  }
0x28e: {  	[tilespmem:v3+s2+$0x0] =	vst.idx.msk vm0, v5  }
0x28f: {  	v5 =	vld.idx.msk [tilespmem:v6+s4+$0x0], vm0;
	_ =	sdelay $0x1  }
0x290: {  	v6 =	vor.u32 $0x100, v4;
	_ =	sdelay $0x3  }
0x291: {  	[tilespmem:v3+s0+$0x0] =	vst.idx.msk vm0, v5  }
0x292: {  	v5 =	vld.idx.msk [tilespmem:v6+s4+$0x0], vm0;
	_ =	sdelay $0x1  }
0x293: {  	v6 =	vor.u32 $0x180, v4;
	_ =	sdelay $0x3  }
0x294: {  	[tilespmem:v3+s11+$0x0] =	vst.idx.msk vm0, v5  }
0x295: {  	v5 =	vld.idx.msk [tilespmem:v6+s4+$0x0], vm0;
	_ =	sdelay $0x1  }
0x296: {  	v6 =	vor.u32 $0x200, v4;
	_ =	sdelay $0x3  }
0x297: {  	[tilespmem:v3+s12+$0x0] =	vst.idx.msk vm0, v5  }
0x298: {  	v5 =	vld.idx.msk [tilespmem:v6+s4+$0x0], vm0;
	_ =	sdelay $0x1  }
0x299: {  	v6 =	vor.u32 $0x280, v4;
	_ =	sdelay $0x3  }
0x29a: {  	[tilespmem:v3+s13+$0x0] =	vst.idx.msk vm0, v5  }
0x29b: {  	v5 =	vld.idx.msk [tilespmem:v6+s4+$0x0], vm0;
	_ =	sdelay $0x1  }
0x29c: {  	v6 =	vor.u32 $0x300, v4;
	_ =	sdelay $0x3  }
0x29d: {  	[tilespmem:v3+s15+$0x0] =	vst.idx.msk vm0, v5  }
0x29e: {  	v5 =	vld.idx.msk [tilespmem:v6+s4+$0x0], vm0;
	_ =	sdelay $0x1  }
0x29f: {  	v4 =	vor.u32 $0x380, v4  }
.Ltmp28:
0x2a0: {  	(pc) =	sbr.rel @p1 .LBB2_29-.Ltmp28, $3  }
0x2a1: {  	_ =	sdelay $0x1  }
0x2a2: {  	[tilespmem:v3+s16+$0x0] =	vst.idx.msk vm0, v5  }
0x2a3: {  	v4 =	vld.idx.msk [tilespmem:v4+s4+$0x0], vm0  }
.LBB2_30:
0x2a4: {  	_ =	sdelay $0x4  }
0x2a5: {  	[tilespmem:v3+s17+$0x0] =	vst.idx.msk vm0, v4  }
.LBB2_31:
0x2a6: {  	s1 =	smul.u32 $0xF000, s20;
	_ =	sdelay $0x1  }
0x2a7: {  	s1 =	sadd.s32 s1, s22  }
0x2a8: {  	s1 =	sshrl.u32 s1, $0x3  }
0x2a9: {  	s1 =	sadd.s32 s3, s1  }
0x2aa: {  	[tilespmem:s4], [sflag:$0x1] =	stream.linear.gather [hbm4b:s1+s4], $0x7800, $0x38;
	[tilespmem:$0x19100] =	vst v63  }
0x2ab: {  	_ =	swait.ge [sflag:s18], $0x7800  }
0x2ac: {  	[sflag:s18] =	ssyncset.done $0x0  }
0x2ad: {  	[sflag:s18] =	ssyncadd.s32 $0xFFFF8800  }
0x2ae: {  	v2 =	vld [tilespmem:s14+$0x11081];
	_ =	sdelay $0x4  }
0x2af: {  	(v2sf) =	vpush v2, $0x0  }
0x2b0: {  	(v2sf) =	vpush v2, $0x1;
	_ =	sdelay $0xd  }
0x2b1: {  	s14 =	spop (v2sf)  }
0x2b2: {  	s29 =	spop (v2sf)  }
0x2b3: {  	s1 =	ssub.s32 s29, s14  }
0x2b4: {  	s5 =	sadd.s32 $0xF, s1  }
0x2b5: {  	p1 =	slt.s32 s5, $0x10  }
.Ltmp29:
0x2b6: {  	_ = 	snop;
	(pc) =	sbr.rel @p1 .LBB2_35-.Ltmp29, $1  }
0x2b7: {  	_ =	sdelay $0x3  }
0x2b8: {  	s1 =	sshll.u32 s14, $0x2  }
0x2b9: {  	s1 =	sshra.s32 s1, $0x2  }
0x2ba: {  	s1 =	sadd.s32 $0x10000, s1  }
0x2bb: {  	v3 =	vld [tilespmem:s1+$0x0];
	_ =	sdelay $0x2  }
0x2bc: {  	s6 =	smul.u32 $0xFFFFF100, s10;
	_ =	sdelay $0x1  }
0x2bd: {  	v1 =	vmov s6;
	v4 =	vshrl.u32 v3, $0xC  }
0x2be: {  	v2 =	vbroadcast v2, $0x1;
	v5 =	vadd.s32 v1, v4  }
0x2bf: {  	v6 =	vadd.s32 s14, v0;
	v5 =	vshll.u32 v5, $0x3  }
0x2c0: {  	vm0 =	vlt.s32 v6, v2;
	v4 =	vand.u32 $0x7F, v4;
	v5 =	vand.u32 $0xFFFFFC00, v5  }
0x2c1: {  	v4 =	vor.u32 v4, v5;
	_ =	sdelay $0x4  }
0x2c2: {  	v3 =	vand.u32 $0xFFF, v3;
	v5 =	vld.idx.msk [tilespmem:v4+s30+$0x0], vm0  }
0x2c3: {  	v6 =	vor.u32 $0x80, v4;
	_ =	sdelay $0x3  }
0x2c4: {  	[tilespmem:v3+s2+$0x0] =	vst.idx.msk vm0, v5  }
0x2c5: {  	v5 =	vld.idx.msk [tilespmem:v6+s30+$0x0], vm0  }
0x2c6: {  	v6 =	vor.u32 $0x100, v4;
	_ =	sdelay $0x3  }
0x2c7: {  	[tilespmem:v3+s0+$0x0] =	vst.idx.msk vm0, v5  }
0x2c8: {  	v5 =	vld.idx.msk [tilespmem:v6+s30+$0x0], vm0  }
0x2c9: {  	v6 =	vor.u32 $0x180, v4;
	_ =	sdelay $0x3  }
0x2ca: {  	[tilespmem:v3+s11+$0x0] =	vst.idx.msk vm0, v5  }
0x2cb: {  	v5 =	vld.idx.msk [tilespmem:v6+s30+$0x0], vm0  }
0x2cc: {  	v6 =	vor.u32 $0x200, v4;
	_ =	sdelay $0x3  }
0x2cd: {  	[tilespmem:v3+s12+$0x0] =	vst.idx.msk vm0, v5  }
0x2ce: {  	v5 =	vld.idx.msk [tilespmem:v6+s30+$0x0], vm0  }
0x2cf: {  	v6 =	vor.u32 $0x280, v4;
	_ =	sdelay $0x3  }
0x2d0: {  	[tilespmem:v3+s13+$0x0] =	vst.idx.msk vm0, v5  }
0x2d1: {  	v5 =	vld.idx.msk [tilespmem:v6+s30+$0x0], vm0  }
0x2d2: {  	v6 =	vor.u32 $0x300, v4;
	_ =	sdelay $0x3  }
0x2d3: {  	[tilespmem:v3+s15+$0x0] =	vst.idx.msk vm0, v5  }
0x2d4: {  	v5 =	vld.idx.msk [tilespmem:v6+s30+$0x0], vm0  }
0x2d5: {  	s26 =	sshra.s32 s5, $0x1F;
	v4 =	vor.u32 $0x380, v4  }
0x2d6: {  	s6 =	sshrl.u32 s26, $0x1C  }
0x2d7: {  	s29 =	sadd.s32 s6, s5  }
0x2d8: {  	s5 =	sshra.s32 s29, $0x4  }
0x2d9: {  	p1 =	sne.s32 s5, $0x1;
	[tilespmem:v3+s16+$0x0] =	vst.idx.msk vm0, v5  }
.Ltmp30:
0x2da: {  	v4 =	vld.idx.msk [tilespmem:v4+s30+$0x0], vm0;
	(pc) =	sbr.rel @!p1 .LBB2_34-.Ltmp30, $2  }
0x2db: {  	_ =	sdelay $0x2  }
0x2dc: {  	s5 =	sadd.s32 $0xFFFFFFFF, s5  }
.LBB2_33:
0x2dd: {  	p1 =	sne.s32 s5, $0x1;
	[tilespmem:v3+s17+$0x0] =	vst.idx.msk vm0, v4;
	s1 =	sadd.s32 $0x10, s1;
	s14 =	sadd.s32 $0x10, s14  }
0x2de: {  	s5 =	sadd.s32 $0xFFFFFFFF, s5;
	v3 =	vld [tilespmem:s1+$0x0];
	_ =	sdelay $0x4  }
0x2df: {  	v4 =	vshrl.u32 v3, $0xC  }
0x2e0: {  	v5 =	vadd.s32 v1, v4  }
0x2e1: {  	v6 =	vadd.s32 s14, v0;
	v5 =	vshll.u32 v5, $0x3  }
0x2e2: {  	vm0 =	vlt.s32 v6, v2;
	v4 =	vand.u32 $0x7F, v4;
	v5 =	vand.u32 $0xFFFFFC00, v5  }
0x2e3: {  	v4 =	vor.u32 v4, v5;
	_ =	sdelay $0x4  }
0x2e4: {  	v5 =	vld.idx.msk [tilespmem:v4+s30+$0x0], vm0  }
0x2e5: {  	v3 =	vand.u32 $0xFFF, v3  }
0x2e6: {  	v6 =	vor.u32 $0x80, v4;
	_ =	sdelay $0x3  }
0x2e7: {  	[tilespmem:v3+s2+$0x0] =	vst.idx.msk vm0, v5  }
0x2e8: {  	v5 =	vld.idx.msk [tilespmem:v6+s30+$0x0], vm0;
	_ =	sdelay $0x1  }
0x2e9: {  	v6 =	vor.u32 $0x100, v4;
	_ =	sdelay $0x3  }
0x2ea: {  	[tilespmem:v3+s0+$0x0] =	vst.idx.msk vm0, v5  }
0x2eb: {  	v5 =	vld.idx.msk [tilespmem:v6+s30+$0x0], vm0;
	_ =	sdelay $0x1  }
0x2ec: {  	v6 =	vor.u32 $0x180, v4;
	_ =	sdelay $0x3  }
0x2ed: {  	[tilespmem:v3+s11+$0x0] =	vst.idx.msk vm0, v5  }
0x2ee: {  	v5 =	vld.idx.msk [tilespmem:v6+s30+$0x0], vm0;
	_ =	sdelay $0x1  }
0x2ef: {  	v6 =	vor.u32 $0x200, v4;
	_ =	sdelay $0x3  }
0x2f0: {  	[tilespmem:v3+s12+$0x0] =	vst.idx.msk vm0, v5  }
0x2f1: {  	v5 =	vld.idx.msk [tilespmem:v6+s30+$0x0], vm0;
	_ =	sdelay $0x1  }
0x2f2: {  	v6 =	vor.u32 $0x280, v4;
	_ =	sdelay $0x3  }
0x2f3: {  	[tilespmem:v3+s13+$0x0] =	vst.idx.msk vm0, v5  }
0x2f4: {  	v5 =	vld.idx.msk [tilespmem:v6+s30+$0x0], vm0;
	_ =	sdelay $0x1  }
0x2f5: {  	v6 =	vor.u32 $0x300, v4;
	_ =	sdelay $0x3  }
0x2f6: {  	[tilespmem:v3+s15+$0x0] =	vst.idx.msk vm0, v5  }
0x2f7: {  	v5 =	vld.idx.msk [tilespmem:v6+s30+$0x0], vm0;
	_ =	sdelay $0x1  }
0x2f8: {  	v4 =	vor.u32 $0x380, v4  }
.Ltmp31:
0x2f9: {  	(pc) =	sbr.rel @p1 .LBB2_33-.Ltmp31, $3  }
0x2fa: {  	_ =	sdelay $0x1  }
0x2fb: {  	[tilespmem:v3+s16+$0x0] =	vst.idx.msk vm0, v5  }
0x2fc: {  	v4 =	vld.idx.msk [tilespmem:v4+s30+$0x0], vm0  }
.Ltmp32:
0x2fd: {  	_ = 	snop;
	(pc) =	sbr.rel .LBB2_34-.Ltmp32, $1  }
0x2fe: {  	_ =	sdelay $0x3  }
.LBB2_36:
0x2ff: {  	s1 =	rddreg [dreg:$0xb]  }
0x300: {  	[tilespmem:s30], [sflag:$0x2] =	stream.linear.gather [hbm4b:s1+s4], $0x7C00, $0x38;
	[tilespmem:$0x19100] =	vst v63  }
0x301: {  	_ =	swait.ge [sflag:s31], $0x7800  }
0x302: {  	[sflag:s31] =	ssyncset.done $0x0  }
0x303: {  	[sflag:s31] =	ssyncadd.s32 $0xFFFF8800  }
0x304: {  	v1 =	vld [tilespmem:$0x11098];
	_ =	sdelay $0x4  }
0x305: {  	(v2sf) =	vpush v1, $0x0  }
0x306: {  	(v2sf) =	vpush v1, $0x1;
	_ =	sdelay $0xd  }
0x307: {  	s10 =	spop (v2sf)  }
0x308: {  	s29 =	spop (v2sf)  }
0x309: {  	s1 =	ssub.s32 s29, s10  }
0x30a: {  	s5 =	sadd.s32 $0xF, s1  }
0x30b: {  	p1 =	slt.s32 s5, $0x10  }
.Ltmp33:
0x30c: {  	_ = 	snop;
	(pc) =	sbr.rel @p1 .LBB2_40-.Ltmp33, $1  }
0x30d: {  	_ =	sdelay $0x3  }
0x30e: {  	s1 =	sshll.u32 s10, $0x2  }
0x30f: {  	s1 =	sshra.s32 s1, $0x2  }
0x310: {  	s1 =	sadd.s32 $0x10000, s1  }
0x311: {  	v2 =	vld [tilespmem:s1+$0x0];
	_ =	sdelay $0x4  }
0x312: {  	v1 =	vbroadcast v1, $0x1;
	v3 =	vshrl.u32 v2, $0xC;
	v4 =	vshrl.u32 v2, $0x9  }
0x313: {  	v5 =	vadd.s32 s10, v0;
	v3 =	vand.u32 $0x7F, v3;
	v4 =	vand.u32 $0x7FFC00, v4  }
0x314: {  	vm0 =	vlt.s32 v5, v1;
	v3 =	vor.u32 v3, v4  }
0x315: {  	v4 =	vadd.s32 $0xFFF4C000, v3;
	_ =	sdelay $0x4  }
0x316: {  	v2 =	vand.u32 $0xFFF, v2;
	v4 =	vld.idx.msk [tilespmem:v4+s4+$0x0], vm0  }
0x317: {  	v5 =	vadd.s32 $0xFFF4C080, v3;
	_ =	sdelay $0x3  }
0x318: {  	[tilespmem:v2+s2+$0x0] =	vst.idx.msk vm0, v4  }
0x319: {  	v4 =	vld.idx.msk [tilespmem:v5+s4+$0x0], vm0  }
0x31a: {  	v5 =	vadd.s32 $0xFFF4C100, v3;
	_ =	sdelay $0x3  }
0x31b: {  	[tilespmem:v2+s0+$0x0] =	vst.idx.msk vm0, v4  }
0x31c: {  	v4 =	vld.idx.msk [tilespmem:v5+s4+$0x0], vm0  }
0x31d: {  	v5 =	vadd.s32 $0xFFF4C180, v3;
	_ =	sdelay $0x3  }
0x31e: {  	[tilespmem:v2+s11+$0x0] =	vst.idx.msk vm0, v4  }
0x31f: {  	v4 =	vld.idx.msk [tilespmem:v5+s4+$0x0], vm0  }
0x320: {  	v5 =	vadd.s32 $0xFFF4C200, v3;
	_ =	sdelay $0x3  }
0x321: {  	[tilespmem:v2+s12+$0x0] =	vst.idx.msk vm0, v4  }
0x322: {  	v4 =	vld.idx.msk [tilespmem:v5+s4+$0x0], vm0  }
0x323: {  	v5 =	vadd.s32 $0xFFF4C280, v3;
	_ =	sdelay $0x3  }
0x324: {  	[tilespmem:v2+s13+$0x0] =	vst.idx.msk vm0, v4  }
0x325: {  	v4 =	vld.idx.msk [tilespmem:v5+s4+$0x0], vm0  }
0x326: {  	v5 =	vadd.s32 $0xFFF4C300, v3;
	_ =	sdelay $0x1  }
0x327: {  	s6 =	sshra.s32 s5, $0x1F  }
0x328: {  	s6 =	sshrl.u32 s6, $0x1C  }
0x329: {  	s29 =	sadd.s32 s6, s5;
	[tilespmem:v2+s15+$0x0] =	vst.idx.msk vm0, v4  }
0x32a: {  	s5 =	sshra.s32 s29, $0x4;
	v4 =	vld.idx.msk [tilespmem:v5+s4+$0x0], vm0  }
0x32b: {  	p1 =	sne.s32 s5, $0x1;
	v3 =	vadd.s32 $0xFFF4C380, v3  }
.Ltmp34:
0x32c: {  	_ = 	snop;
	(pc) =	sbr.rel @!p1 .LBB2_39-.Ltmp34, $3  }
0x32d: {  	_ =	sdelay $0x1  }
0x32e: {  	[tilespmem:v2+s16+$0x0] =	vst.idx.msk vm0, v4  }
0x32f: {  	s5 =	sadd.s32 $0xFFFFFFFF, s5;
	v3 =	vld.idx.msk [tilespmem:v3+s4+$0x0], vm0  }
.LBB2_38:
0x330: {  	_ =	sdelay $0x3  }
0x331: {  	p1 =	sne.s32 s5, $0x1;
	s1 =	sadd.s32 $0x10, s1;
	s10 =	sadd.s32 $0x10, s10;
	[tilespmem:v2+s17+$0x0] =	vst.idx.msk vm0, v3  }
0x332: {  	s5 =	sadd.s32 $0xFFFFFFFF, s5;
	v2 =	vld [tilespmem:s1+$0x0];
	_ =	sdelay $0x4  }
0x333: {  	v3 =	vshrl.u32 v2, $0xC;
	v4 =	vshrl.u32 v2, $0x9  }
0x334: {  	v5 =	vadd.s32 s10, v0;
	v3 =	vand.u32 $0x7F, v3;
	v4 =	vand.u32 $0x7FFC00, v4  }
0x335: {  	vm0 =	vlt.s32 v5, v1;
	v3 =	vor.u32 v3, v4  }
0x336: {  	v4 =	vadd.s32 $0xFFF4C000, v3;
	_ =	sdelay $0x4  }
0x337: {  	v4 =	vld.idx.msk [tilespmem:v4+s4+$0x0], vm0  }
0x338: {  	v2 =	vand.u32 $0xFFF, v2  }
0x339: {  	v5 =	vadd.s32 $0xFFF4C080, v3;
	_ =	sdelay $0x3  }
0x33a: {  	[tilespmem:v2+s2+$0x0] =	vst.idx.msk vm0, v4  }
0x33b: {  	v4 =	vld.idx.msk [tilespmem:v5+s4+$0x0], vm0;
	_ =	sdelay $0x1  }
0x33c: {  	v5 =	vadd.s32 $0xFFF4C100, v3;
	_ =	sdelay $0x3  }
0x33d: {  	[tilespmem:v2+s0+$0x0] =	vst.idx.msk vm0, v4  }
0x33e: {  	v4 =	vld.idx.msk [tilespmem:v5+s4+$0x0], vm0;
	_ =	sdelay $0x1  }
0x33f: {  	v5 =	vadd.s32 $0xFFF4C180, v3;
	_ =	sdelay $0x3  }
0x340: {  	[tilespmem:v2+s11+$0x0] =	vst.idx.msk vm0, v4  }
0x341: {  	v4 =	vld.idx.msk [tilespmem:v5+s4+$0x0], vm0;
	_ =	sdelay $0x1  }
0x342: {  	v5 =	vadd.s32 $0xFFF4C200, v3;
	_ =	sdelay $0x3  }
0x343: {  	[tilespmem:v2+s12+$0x0] =	vst.idx.msk vm0, v4  }
0x344: {  	v4 =	vld.idx.msk [tilespmem:v5+s4+$0x0], vm0;
	_ =	sdelay $0x1  }
0x345: {  	v5 =	vadd.s32 $0xFFF4C280, v3;
	_ =	sdelay $0x3  }
0x346: {  	[tilespmem:v2+s13+$0x0] =	vst.idx.msk vm0, v4  }
0x347: {  	v4 =	vld.idx.msk [tilespmem:v5+s4+$0x0], vm0;
	_ =	sdelay $0x1  }
0x348: {  	v5 =	vadd.s32 $0xFFF4C300, v3;
	_ =	sdelay $0x3  }
0x349: {  	[tilespmem:v2+s15+$0x0] =	vst.idx.msk vm0, v4  }
0x34a: {  	v4 =	vld.idx.msk [tilespmem:v5+s4+$0x0], vm0;
	_ =	sdelay $0x1  }
0x34b: {  	v3 =	vadd.s32 $0xFFF4C380, v3  }
.Ltmp35:
0x34c: {  	(pc) =	sbr.rel @p1 .LBB2_38-.Ltmp35, $3  }
0x34d: {  	_ =	sdelay $0x1  }
0x34e: {  	[tilespmem:v2+s16+$0x0] =	vst.idx.msk vm0, v4  }
0x34f: {  	v3 =	vld.idx.msk [tilespmem:v3+s4+$0x0], vm0  }
.LBB2_39:
0x350: {  	_ =	sdelay $0x4  }
0x351: {  	[tilespmem:v2+s17+$0x0] =	vst.idx.msk vm0, v3  }
.LBB2_40:
0x352: {  	s1 =	rddreg [dreg:$0xc]  }
0x353: {  	[tilespmem:s4], [sflag:$0x1] =	stream.linear.gather [hbm4b:s1+s4], $0x400, $0x38;
	[tilespmem:$0x19100] =	vst v63  }
0x354: {  	_ =	swait.ge [sflag:s18], $0x7C00  }
0x355: {  	[sflag:s18] =	ssyncset.done $0x0  }
0x356: {  	[sflag:s18] =	ssyncadd.s32 $0xFFFF8400  }
0x357: {  	v1 =	vld [tilespmem:$0x11099];
	_ =	sdelay $0x4  }
0x358: {  	(v2sf) =	vpush v1, $0x0  }
0x359: {  	(v2sf) =	vpush v1, $0x1;
	_ =	sdelay $0xd  }
0x35a: {  	s10 =	spop (v2sf)  }
0x35b: {  	s29 =	spop (v2sf)  }
0x35c: {  	s1 =	ssub.s32 s29, s10  }
0x35d: {  	s5 =	sadd.s32 $0xF, s1  }
0x35e: {  	p1 =	slt.s32 s5, $0x10  }
.Ltmp36:
0x35f: {  	_ = 	snop;
	(pc) =	sbr.rel @p1 .LBB2_44-.Ltmp36, $1  }
0x360: {  	_ =	sdelay $0x3  }
0x361: {  	s1 =	sshll.u32 s10, $0x2  }
0x362: {  	s1 =	sshra.s32 s1, $0x2  }
0x363: {  	s1 =	sadd.s32 $0x10000, s1  }
0x364: {  	v2 =	vld [tilespmem:s1+$0x0];
	_ =	sdelay $0x4  }
0x365: {  	v1 =	vbroadcast v1, $0x1;
	v3 =	vshrl.u32 v2, $0xC;
	v4 =	vshrl.u32 v2, $0x9  }
0x366: {  	v5 =	vadd.s32 s10, v0;
	v3 =	vand.u32 $0x7F, v3;
	v4 =	vand.u32 $0x7FFC00, v4  }
0x367: {  	vm0 =	vlt.s32 v5, v1;
	v3 =	vor.u32 v3, v4  }
0x368: {  	v4 =	vadd.s32 $0xFFF44800, v3;
	_ =	sdelay $0x4  }
0x369: {  	v2 =	vand.u32 $0xFFF, v2;
	v4 =	vld.idx.msk [tilespmem:v4+s30+$0x0], vm0  }
0x36a: {  	v5 =	vadd.s32 $0xFFF44880, v3;
	_ =	sdelay $0x3  }
0x36b: {  	[tilespmem:v2+s2+$0x0] =	vst.idx.msk vm0, v4  }
0x36c: {  	v4 =	vld.idx.msk [tilespmem:v5+s30+$0x0], vm0  }
0x36d: {  	v5 =	vadd.s32 $0xFFF44900, v3;
	_ =	sdelay $0x3  }
0x36e: {  	[tilespmem:v2+s0+$0x0] =	vst.idx.msk vm0, v4  }
0x36f: {  	v4 =	vld.idx.msk [tilespmem:v5+s30+$0x0], vm0  }
0x370: {  	v5 =	vadd.s32 $0xFFF44980, v3;
	_ =	sdelay $0x3  }
0x371: {  	[tilespmem:v2+s11+$0x0] =	vst.idx.msk vm0, v4  }
0x372: {  	v4 =	vld.idx.msk [tilespmem:v5+s30+$0x0], vm0  }
0x373: {  	v5 =	vadd.s32 $0xFFF44A00, v3;
	_ =	sdelay $0x3  }
0x374: {  	[tilespmem:v2+s12+$0x0] =	vst.idx.msk vm0, v4  }
0x375: {  	v4 =	vld.idx.msk [tilespmem:v5+s30+$0x0], vm0  }
0x376: {  	v5 =	vadd.s32 $0xFFF44A80, v3;
	_ =	sdelay $0x3  }
0x377: {  	[tilespmem:v2+s13+$0x0] =	vst.idx.msk vm0, v4  }
0x378: {  	v4 =	vld.idx.msk [tilespmem:v5+s30+$0x0], vm0  }
0x379: {  	v5 =	vadd.s32 $0xFFF44B00, v3;
	_ =	sdelay $0x1  }
0x37a: {  	s6 =	sshra.s32 s5, $0x1F  }
0x37b: {  	s6 =	sshrl.u32 s6, $0x1C  }
0x37c: {  	s29 =	sadd.s32 s6, s5;
	[tilespmem:v2+s15+$0x0] =	vst.idx.msk vm0, v4  }
0x37d: {  	s5 =	sshra.s32 s29, $0x4;
	v4 =	vld.idx.msk [tilespmem:v5+s30+$0x0], vm0  }
0x37e: {  	p1 =	sne.s32 s5, $0x1;
	v3 =	vadd.s32 $0xFFF44B80, v3  }
.Ltmp37:
0x37f: {  	_ = 	snop;
	(pc) =	sbr.rel @!p1 .LBB2_43-.Ltmp37, $3  }
0x380: {  	_ =	sdelay $0x1  }
0x381: {  	[tilespmem:v2+s16+$0x0] =	vst.idx.msk vm0, v4  }
0x382: {  	s5 =	sadd.s32 $0xFFFFFFFF, s5;
	v3 =	vld.idx.msk [tilespmem:v3+s30+$0x0], vm0  }
.LBB2_42:
0x383: {  	_ =	sdelay $0x3  }
0x384: {  	p1 =	sne.s32 s5, $0x1;
	s1 =	sadd.s32 $0x10, s1;
	s10 =	sadd.s32 $0x10, s10;
	[tilespmem:v2+s17+$0x0] =	vst.idx.msk vm0, v3  }
0x385: {  	s5 =	sadd.s32 $0xFFFFFFFF, s5;
	v2 =	vld [tilespmem:s1+$0x0];
	_ =	sdelay $0x4  }
0x386: {  	v3 =	vshrl.u32 v2, $0xC;
	v4 =	vshrl.u32 v2, $0x9  }
0x387: {  	v5 =	vadd.s32 s10, v0;
	v3 =	vand.u32 $0x7F, v3;
	v4 =	vand.u32 $0x7FFC00, v4  }
0x388: {  	vm0 =	vlt.s32 v5, v1;
	v3 =	vor.u32 v3, v4  }
0x389: {  	v4 =	vadd.s32 $0xFFF44800, v3;
	_ =	sdelay $0x4  }
0x38a: {  	v4 =	vld.idx.msk [tilespmem:v4+s30+$0x0], vm0  }
0x38b: {  	v2 =	vand.u32 $0xFFF, v2  }
0x38c: {  	v5 =	vadd.s32 $0xFFF44880, v3;
	_ =	sdelay $0x3  }
0x38d: {  	[tilespmem:v2+s2+$0x0] =	vst.idx.msk vm0, v4  }
0x38e: {  	v4 =	vld.idx.msk [tilespmem:v5+s30+$0x0], vm0;
	_ =	sdelay $0x1  }
0x38f: {  	v5 =	vadd.s32 $0xFFF44900, v3;
	_ =	sdelay $0x3  }
0x390: {  	[tilespmem:v2+s0+$0x0] =	vst.idx.msk vm0, v4  }
0x391: {  	v4 =	vld.idx.msk [tilespmem:v5+s30+$0x0], vm0;
	_ =	sdelay $0x1  }
0x392: {  	v5 =	vadd.s32 $0xFFF44980, v3;
	_ =	sdelay $0x3  }
0x393: {  	[tilespmem:v2+s11+$0x0] =	vst.idx.msk vm0, v4  }
0x394: {  	v4 =	vld.idx.msk [tilespmem:v5+s30+$0x0], vm0;
	_ =	sdelay $0x1  }
0x395: {  	v5 =	vadd.s32 $0xFFF44A00, v3;
	_ =	sdelay $0x3  }
0x396: {  	[tilespmem:v2+s12+$0x0] =	vst.idx.msk vm0, v4  }
0x397: {  	v4 =	vld.idx.msk [tilespmem:v5+s30+$0x0], vm0;
	_ =	sdelay $0x1  }
0x398: {  	v5 =	vadd.s32 $0xFFF44A80, v3;
	_ =	sdelay $0x3  }
0x399: {  	[tilespmem:v2+s13+$0x0] =	vst.idx.msk vm0, v4  }
0x39a: {  	v4 =	vld.idx.msk [tilespmem:v5+s30+$0x0], vm0;
	_ =	sdelay $0x1  }
0x39b: {  	v5 =	vadd.s32 $0xFFF44B00, v3;
	_ =	sdelay $0x3  }
0x39c: {  	[tilespmem:v2+s15+$0x0] =	vst.idx.msk vm0, v4  }
0x39d: {  	v4 =	vld.idx.msk [tilespmem:v5+s30+$0x0], vm0;
	_ =	sdelay $0x1  }
0x39e: {  	v3 =	vadd.s32 $0xFFF44B80, v3  }
.Ltmp38:
0x39f: {  	(pc) =	sbr.rel @p1 .LBB2_42-.Ltmp38, $3  }
0x3a0: {  	_ =	sdelay $0x1  }
0x3a1: {  	[tilespmem:v2+s16+$0x0] =	vst.idx.msk vm0, v4  }
0x3a2: {  	v3 =	vld.idx.msk [tilespmem:v3+s30+$0x0], vm0  }
.LBB2_43:
0x3a3: {  	_ =	sdelay $0x4  }
0x3a4: {  	[tilespmem:v2+s17+$0x0] =	vst.idx.msk vm0, v3  }
.LBB2_44:
0x3a5: {  	_ =	swait.ge [sflag:s31], $0x400  }
0x3a6: {  	[sflag:s31] =	ssyncset.done $0x0  }
0x3a7: {  	[sflag:s31] =	ssyncadd.s32 $0xFFFFFC00  }
0x3a8: {  	v1 =	vld [tilespmem:$0x1109A];
	_ =	sdelay $0x4  }
0x3a9: {  	(v2sf) =	vpush v1, $0x0  }
0x3aa: {  	(v2sf) =	vpush v1, $0x1;
	_ =	sdelay $0xd  }
0x3ab: {  	s10 =	spop (v2sf)  }
0x3ac: {  	s1 =	spop (v2sf)  }
0x3ad: {  	s1 =	ssub.s32 s1, s10  }
0x3ae: {  	s5 =	sadd.s32 $0xF, s1  }
0x3af: {  	p1 =	slt.s32 s5, $0x10  }
.Ltmp39:
0x3b0: {  	_ = 	snop;
	(pc) =	sbr.rel @p1 .LBB2_48-.Ltmp39, $1  }
0x3b1: {  	_ =	sdelay $0x3  }
0x3b2: {  	s1 =	sshll.u32 s10, $0x2  }
0x3b3: {  	s1 =	sshra.s32 s1, $0x2  }
0x3b4: {  	s1 =	sadd.s32 $0x10000, s1  }
0x3b5: {  	v2 =	vld [tilespmem:s1+$0x0];
	_ =	sdelay $0x4  }
0x3b6: {  	v1 =	vbroadcast v1, $0x1;
	v3 =	vshrl.u32 v2, $0xC;
	v4 =	vshrl.u32 v2, $0x9  }
0x3b7: {  	v5 =	vadd.s32 s10, v0;
	v3 =	vand.u32 $0x7F, v3;
	v4 =	vand.u32 $0x7FFC00, v4  }
0x3b8: {  	vm0 =	vlt.s32 v5, v1;
	v3 =	vor.u32 v3, v4  }
0x3b9: {  	v4 =	vadd.s32 $0xFFF3CC00, v3;
	_ =	sdelay $0x4  }
0x3ba: {  	v2 =	vand.u32 $0xFFF, v2;
	v4 =	vld.idx.msk [tilespmem:v4+s4+$0x0], vm0  }
0x3bb: {  	v5 =	vadd.s32 $0xFFF3CC80, v3;
	_ =	sdelay $0x3  }
0x3bc: {  	[tilespmem:v2+s2+$0x0] =	vst.idx.msk vm0, v4  }
0x3bd: {  	v4 =	vld.idx.msk [tilespmem:v5+s4+$0x0], vm0  }
0x3be: {  	v5 =	vadd.s32 $0xFFF3CD00, v3;
	_ =	sdelay $0x3  }
0x3bf: {  	[tilespmem:v2+s0+$0x0] =	vst.idx.msk vm0, v4  }
0x3c0: {  	v4 =	vld.idx.msk [tilespmem:v5+s4+$0x0], vm0  }
0x3c1: {  	v5 =	vadd.s32 $0xFFF3CD80, v3;
	_ =	sdelay $0x3  }
0x3c2: {  	[tilespmem:v2+s11+$0x0] =	vst.idx.msk vm0, v4  }
0x3c3: {  	v4 =	vld.idx.msk [tilespmem:v5+s4+$0x0], vm0  }
0x3c4: {  	v5 =	vadd.s32 $0xFFF3CE00, v3;
	_ =	sdelay $0x3  }
0x3c5: {  	[tilespmem:v2+s12+$0x0] =	vst.idx.msk vm0, v4  }
0x3c6: {  	v4 =	vld.idx.msk [tilespmem:v5+s4+$0x0], vm0  }
0x3c7: {  	v5 =	vadd.s32 $0xFFF3CE80, v3;
	_ =	sdelay $0x3  }
0x3c8: {  	[tilespmem:v2+s13+$0x0] =	vst.idx.msk vm0, v4  }
0x3c9: {  	v4 =	vld.idx.msk [tilespmem:v5+s4+$0x0], vm0  }
0x3ca: {  	v5 =	vadd.s32 $0xFFF3CF00, v3;
	_ =	sdelay $0x3  }
0x3cb: {  	[tilespmem:v2+s15+$0x0] =	vst.idx.msk vm0, v4  }
0x3cc: {  	v4 =	vld.idx.msk [tilespmem:v5+s4+$0x0], vm0  }
0x3cd: {  	s6 =	sshra.s32 s5, $0x1F;
	v3 =	vadd.s32 $0xFFF3CF80, v3  }
0x3ce: {  	s6 =	sshrl.u32 s6, $0x1C  }
0x3cf: {  	s29 =	sadd.s32 s6, s5  }
0x3d0: {  	s5 =	sshra.s32 s29, $0x4  }
0x3d1: {  	p1 =	sne.s32 s5, $0x1;
	[tilespmem:v2+s16+$0x0] =	vst.idx.msk vm0, v4  }
.Ltmp40:
0x3d2: {  	v3 =	vld.idx.msk [tilespmem:v3+s4+$0x0], vm0;
	(pc) =	sbr.rel @!p1 .LBB2_47-.Ltmp40, $2  }
0x3d3: {  	_ =	sdelay $0x2  }
0x3d4: {  	s5 =	sadd.s32 $0xFFFFFFFF, s5  }
.LBB2_46:
0x3d5: {  	p1 =	sne.s32 s5, $0x1;
	[tilespmem:v2+s17+$0x0] =	vst.idx.msk vm0, v3;
	s1 =	sadd.s32 $0x10, s1;
	s10 =	sadd.s32 $0x10, s10  }
0x3d6: {  	s5 =	sadd.s32 $0xFFFFFFFF, s5;
	v2 =	vld [tilespmem:s1+$0x0];
	_ =	sdelay $0x4  }
0x3d7: {  	v3 =	vshrl.u32 v2, $0xC;
	v4 =	vshrl.u32 v2, $0x9  }
0x3d8: {  	v5 =	vadd.s32 s10, v0;
	v3 =	vand.u32 $0x7F, v3;
	v4 =	vand.u32 $0x7FFC00, v4  }
0x3d9: {  	vm0 =	vlt.s32 v5, v1;
	v3 =	vor.u32 v3, v4  }
0x3da: {  	v4 =	vadd.s32 $0xFFF3CC00, v3;
	_ =	sdelay $0x4  }
0x3db: {  	v4 =	vld.idx.msk [tilespmem:v4+s4+$0x0], vm0  }
0x3dc: {  	v2 =	vand.u32 $0xFFF, v2  }
0x3dd: {  	v5 =	vadd.s32 $0xFFF3CC80, v3;
	_ =	sdelay $0x3  }
0x3de: {  	[tilespmem:v2+s2+$0x0] =	vst.idx.msk vm0, v4  }
0x3df: {  	v4 =	vld.idx.msk [tilespmem:v5+s4+$0x0], vm0;
	_ =	sdelay $0x1  }
0x3e0: {  	v5 =	vadd.s32 $0xFFF3CD00, v3;
	_ =	sdelay $0x3  }
0x3e1: {  	[tilespmem:v2+s0+$0x0] =	vst.idx.msk vm0, v4  }
0x3e2: {  	v4 =	vld.idx.msk [tilespmem:v5+s4+$0x0], vm0;
	_ =	sdelay $0x1  }
0x3e3: {  	v5 =	vadd.s32 $0xFFF3CD80, v3;
	_ =	sdelay $0x3  }
0x3e4: {  	[tilespmem:v2+s11+$0x0] =	vst.idx.msk vm0, v4  }
0x3e5: {  	v4 =	vld.idx.msk [tilespmem:v5+s4+$0x0], vm0;
	_ =	sdelay $0x1  }
0x3e6: {  	v5 =	vadd.s32 $0xFFF3CE00, v3;
	_ =	sdelay $0x3  }
0x3e7: {  	[tilespmem:v2+s12+$0x0] =	vst.idx.msk vm0, v4  }
0x3e8: {  	v4 =	vld.idx.msk [tilespmem:v5+s4+$0x0], vm0;
	_ =	sdelay $0x1  }
0x3e9: {  	v5 =	vadd.s32 $0xFFF3CE80, v3;
	_ =	sdelay $0x3  }
0x3ea: {  	[tilespmem:v2+s13+$0x0] =	vst.idx.msk vm0, v4  }
0x3eb: {  	v4 =	vld.idx.msk [tilespmem:v5+s4+$0x0], vm0;
	_ =	sdelay $0x1  }
0x3ec: {  	v5 =	vadd.s32 $0xFFF3CF00, v3;
	_ =	sdelay $0x3  }
0x3ed: {  	[tilespmem:v2+s15+$0x0] =	vst.idx.msk vm0, v4  }
0x3ee: {  	v4 =	vld.idx.msk [tilespmem:v5+s4+$0x0], vm0;
	_ =	sdelay $0x1  }
0x3ef: {  	v3 =	vadd.s32 $0xFFF3CF80, v3  }
.Ltmp41:
0x3f0: {  	(pc) =	sbr.rel @p1 .LBB2_46-.Ltmp41, $3  }
0x3f1: {  	_ =	sdelay $0x1  }
0x3f2: {  	[tilespmem:v2+s16+$0x0] =	vst.idx.msk vm0, v4  }
0x3f3: {  	v3 =	vld.idx.msk [tilespmem:v3+s4+$0x0], vm0  }
.Ltmp42:
0x3f4: {  	_ = 	snop;
	(pc) =	sbr.rel .LBB2_47-.Ltmp42, $1  }
0x3f5: {  	_ =	sdelay $0x3  }
.LBB2_50:
0x3f6: {  	_ =	sfence.sel $0x180000  }
0x3f7: {  	[bflag:$0x0] =	sbarrier.arrive $0xFFFF  }
0x3f8: {  	_ =	strace $0x9000004A  }
0x3f9: {  	s0 =	stileid.u32;
	[bflag:$0x2] =	sbarrier.arrive $0xFFFF  }
0x3fa: {  	p0 =	sne.s32 s0, $0x0;
	s0 =	rddreg [dreg:$0x2]  }
0x3fb: {  	s0 =	sadd.s32 @!p0 $0x100000, s0  }
0x3fc: {  	[sflag:s0] =	ssyncadd.tile.s32 @!p0 $0x1;
	_ =	shalt  }
.Lfunc_end2:
_tile_overlayer_lowered:
.L_overlay_start_2:
0x3fd: {  	(tag) =	ssettag $0x2  }
0x3fe: {  	s0 =	rddreg [dreg:$0x0];
	s2 =	stileid.u32  }
0x3ff: {  	s1 =	rddreg [dreg:$0x1];
	p0 =	sne.s32 s2, $0x0  }
0x400: {  	s3 =	rddreg [dreg:$0x2];
	[bflag:$0x3] =	sbarrier.arrive $0xFFFF;
	s2 =	simm.s32 @!p0 $0x1C03  }
0x401: {  	[timem:s3], [sflag:s2] =	dma.local @!p0 [hbm:s0], s1  }
0x402: {  	s0 =	simm.s32 @!p0 $0x3  }
0x403: {  	_ =	swait.ge @!p0 [sflag:s0], s1  }
0x404: {  	s1 =	ssub.s32 @!p0 $0x0, s1;
	[sflag:s0] =	ssyncset.done @!p0 $0x0  }
0x405: {  	[sflag:s0] =	ssyncadd.s32 @!p0 s1  }
0x406: {  	[bflag:$0x3] =	sbarrier.arrive $0xFFFF  }
0x407: {  	_ =	shalt  }

</sc_bundles>
